<compile_context>
chip_gen: v7x
topology: tpu7x:2x2x1
jax: 0.10.2.dev20260603
libtpu: 0.0.44.dev20260713+nightly
codegen_flags: <defaults>
</compile_context>

<pallas_src>
import jax
import jax.numpy as jnp
from jax import lax
from jax.experimental import pallas as pl
from jax.experimental.pallas import tpu as pltpu
from jax.experimental.pallas import tpu_sc as plsc

N = 10000
E = 320000
D = 128
H = 128
C = 40

NC = 2
NS = 16
NW = NC * NS
FW = H // NC
NPAD = 10112
STRIPE = NPAD // NS
ZR = 79
DW = 16

EPT = E // NS
KS = 125
NCHS = EPT // KS
NBUF = 4

EPW = E // NW
KD = 125
NCHD = EPW // KD


def _zero_rows(ref, rows, cols):
    def body(i, carry):
        for j in range(cols // 16):
            ref[i, pl.ds(j * 16, 16)] = jnp.zeros((16,), jnp.float32)
        return carry
    lax.fori_loop(0, rows, body, 0)


def _deg_body(dst_hbm, out_hbm, dstv, onesv, zbuf, acc_sh, ssem):
    c = lax.axis_index("c")
    s = lax.axis_index("s")
    wid = c * NS + s

    pltpu.sync_copy(dst_hbm.at[wid], dstv)

    def fill_ones(i, carry):
        onesv[i, pl.ds(0, 16)] = jnp.ones((16,), jnp.float32)
        return carry
    lax.fori_loop(0, KD, fill_ones, 0)
    _zero_rows(zbuf, ZR, DW)
    base = s * STRIPE
    for t in range(STRIPE // ZR):
        pltpu.sync_copy(zbuf, acc_sh.at[pl.ds(base + t * ZR, ZR)])
    plsc.subcore_barrier()

    def chunk(j, carry):
        pltpu.async_copy(onesv, acc_sh.at[dstv.at[j]], ssem, add=True)
        return carry
    lax.fori_loop(0, NCHD, chunk, 0)

    def drain(j, carry):
        pltpu.make_async_copy(onesv, acc_sh.at[dstv.at[j]], ssem).wait()
        return carry
    lax.fori_loop(0, NCHD, drain, 0)
    plsc.subcore_barrier()
    pltpu.sync_copy(acc_sh.at[pl.ds(base, STRIPE)],
                    out_hbm.at[pl.ds(base, STRIPE), pl.ds(c * FW, DW)])


def _seg_body(zs_hbm, src_hbm, dst_hbm, out_hbm,
              srcv, dstv, rows, gsems, ssem, zbuf, acc_sh):
    c = lax.axis_index("c")
    s = lax.axis_index("s")

    pltpu.sync_copy(src_hbm.at[c * NS + s], srcv)
    pltpu.sync_copy(dst_hbm.at[s], dstv)

    def wait_gather(j, b):
        pltpu.make_async_copy(zs_hbm.at[srcv.at[j]], rows.at[b],
                              gsems.at[b]).wait()

    def fire_gather(j, b):
        pltpu.async_copy(zs_hbm.at[srcv.at[j]], rows.at[b], gsems.at[b])

    def fire_scatter(j, b):
        pltpu.async_copy(rows.at[b], acc_sh.at[dstv.at[j]], ssem, add=True)

    def wait_scatter(j, b):
        pltpu.make_async_copy(rows.at[b], acc_sh.at[dstv.at[j]], ssem).wait()

    fire_gather(0, 0)
    fire_gather(1, 1)
    fire_gather(2, 2)
    _zero_rows(zbuf, ZR, FW)
    base = s * STRIPE
    for t in range(STRIPE // ZR):
        pltpu.sync_copy(zbuf, acc_sh.at[pl.ds(base + t * ZR, ZR)])
    plsc.subcore_barrier()
    fire_gather(3, 3)
    wait_gather(0, 0)
    fire_scatter(0, 0)

    def block(blk, carry):
        j0 = 1 + blk * NBUF
        for u in range(NBUF):
            j = j0 + u
            b = (1 + u) % NBUF
            wait_scatter(j - 1, u % NBUF)
            fire_gather(j + 3, u % NBUF)
            wait_gather(j, b)
            fire_scatter(j, b)
        return carry
    lax.fori_loop(0, (NCHS - 4) // NBUF, block, 0)

    for u in range(3):
        j = NCHS - 3 + u
        b = j % NBUF
        wait_scatter(j - 1, (j - 1) % NBUF)
        wait_gather(j, b)
        fire_scatter(j, b)
    wait_scatter(NCHS - 1, (NCHS - 1) % NBUF)

    plsc.subcore_barrier()
    pltpu.sync_copy(acc_sh.at[pl.ds(base, STRIPE)],
                    out_hbm.at[pl.ds(base, STRIPE), pl.ds(c * FW, FW)])


def _sc_mesh():
    return plsc.VectorSubcoreMesh(core_axis_name="c", subcore_axis_name="s",
                                  num_cores=NC, num_subcores=NS)


def _deg_call(dst3):
    fn = pl.kernel(
        _deg_body,
        out_type=jax.ShapeDtypeStruct((NPAD, H), jnp.float32),
        mesh=_sc_mesh(),
        scratch_types=[
            pltpu.VMEM((NCHD, KD), jnp.int32),
            pltpu.VMEM((KD, DW), jnp.float32),
            pltpu.VMEM((ZR, DW), jnp.float32),
            pltpu.VMEM_SHARED((NPAD, DW), jnp.float32),
            pltpu.SemaphoreType.DMA,
        ],
        compiler_params=pltpu.CompilerParams(use_tc_tiling_on_sc=False),
        name="sc_degree",
    )
    return fn(dst3)


def _seg_call(zs2n, src4, dst3):
    fn = pl.kernel(
        _seg_body,
        out_type=jax.ShapeDtypeStruct((NPAD, H), jnp.float32),
        mesh=_sc_mesh(),
        scratch_types=[
            pltpu.VMEM((NCHS, KS), jnp.int32),
            pltpu.VMEM((NCHS, KS), jnp.int32),
            pltpu.VMEM((NBUF, KS, FW), jnp.float32),
            pltpu.SemaphoreType.DMA((NBUF,)),
            pltpu.SemaphoreType.DMA,
            pltpu.VMEM((ZR, FW), jnp.float32),
            pltpu.VMEM_SHARED((NPAD, FW), jnp.float32),
        ],
        compiler_params=pltpu.CompilerParams(use_tc_tiling_on_sc=False),
        name="sc_segsum",
    )
    return fn(zs2n, src4, dst3)


B = 5000
GRID = N // B
_MM = (((1,), (1,)), ((), ()))


def _row_spec(cols):
    return pl.BlockSpec((B, cols), lambda i: (i, 0))


def _full_spec(r, cols):
    return pl.BlockSpec((r, cols), lambda i: (0, 0))


def _a_body(degp, x, w, dis_o, zs_o):
    d = degp[...]
    deg = d[:, 0:1] + d[:, FW:FW + 1] + 1.0
    dis = lax.rsqrt(deg)
    z = lax.dot_general(x[...], w[...], _MM, preferred_element_type=jnp.float32)
    dis_o[...] = jnp.broadcast_to(dis, (B, H))
    zs_o[...] = dis * z


def _b_body(u, zs, dis, b, w, h_o, zs1_o):
    h = jnp.maximum(dis[...] * (u[...] + zs[...]) + b[...], 0.0)
    h_o[...] = h
    z1 = lax.dot_general(h, w[...], _MM, preferred_element_type=jnp.float32)
    zs1_o[...] = dis[...] * z1


def _c_body(u, zs, dis, b, h0, w, zs2_o):
    h1 = jnp.maximum(dis[...] * (u[...] + zs[...]) + b[...], 0.0) + h0[...]
    z2 = lax.dot_general(h1, w[...], _MM, preferred_element_type=jnp.float32)
    zs2_o[...] = dis[...] * z2


def _d_body(u, zs, dis, b, wm, bm, out_o):
    h2 = dis[...] * (u[...] + zs[...]) + b[...]
    out_o[...] = (
        lax.dot_general(h2, wm[...], _MM, preferred_element_type=jnp.float32)
        + bm[...]
    )


def _stage_a(degp, x, w0):
    return pl.pallas_call(
        _a_body,
        grid=(GRID,),
        in_specs=[_row_spec(H), _row_spec(D), _full_spec(H, D)],
        out_specs=[_row_spec(H), _row_spec(H)],
        out_shape=[jax.ShapeDtypeStruct((N, H), jnp.float32),
                   jax.ShapeDtypeStruct((N, H), jnp.float32)],
    )(degp, x, w0)


def _stage_b(u, zs, dis, b0, w1):
    return pl.pallas_call(
        _b_body,
        grid=(GRID,),
        in_specs=[_row_spec(H), _row_spec(H), _row_spec(H),
                  _full_spec(1, H), _full_spec(H, H)],
        out_specs=[_row_spec(H), _row_spec(H)],
        out_shape=[jax.ShapeDtypeStruct((N, H), jnp.float32),
                   jax.ShapeDtypeStruct((N, H), jnp.float32)],
    )(u, zs, dis, b0, w1)


def _stage_c(u, zs, dis, b1, h0, w2):
    return pl.pallas_call(
        _c_body,
        grid=(GRID,),
        in_specs=[_row_spec(H), _row_spec(H), _row_spec(H),
                  _full_spec(1, H), _row_spec(H), _full_spec(H, H)],
        out_specs=_row_spec(H),
        out_shape=jax.ShapeDtypeStruct((N, H), jnp.float32),
    )(u, zs, dis, b1, h0, w2)


def _stage_d(u, zs, dis, b2, wm, bm):
    return pl.pallas_call(
        _d_body,
        grid=(GRID,),
        in_specs=[_row_spec(H), _row_spec(H), _row_spec(H),
                  _full_spec(1, H), _full_spec(C, H), _full_spec(1, C)],
        out_specs=pl.BlockSpec((B, C), lambda i: (i, 0)),
        out_shape=jax.ShapeDtypeStruct((N, C), jnp.float32),
    )(u, zs, dis, b2, wm, bm)


def kernel(X, A, W0, b0, W1, b1, W2, b2, Wm, bm):
    src, dst = A[0], A[1]
    src_t = (2 * src).reshape(NS, NCHS, KS)
    src4 = jnp.concatenate([src_t, src_t + 1], axis=0)
    dst3s = dst.reshape(NS, NCHS, KS)
    dst3d = dst.reshape(NW, NCHD, KD)

    degp = _deg_call(dst3d)
    dis_b, zs0 = _stage_a(degp, X, W0)

    u0 = _seg_call(zs0.reshape(2 * N, FW), src4, dst3s)
    h0, zs1 = _stage_b(u0, zs0, dis_b, b0.reshape(1, H), W1)

    u1 = _seg_call(zs1.reshape(2 * N, FW), src4, dst3s)
    zs2 = _stage_c(u1, zs1, dis_b, b1.reshape(1, H), h0, W2)

    u2 = _seg_call(zs2.reshape(2 * N, FW), src4, dst3s)
    return _stage_d(u2, zs2, dis_b, b2.reshape(1, H), Wm, bm.reshape(1, C))

# --- scband reference (transcript-rebuilt; emitter-appended) ---
"""Pipeline reference for scband-skip-gnn-33019708572412 (READ-ONLY COPY).

The authoritative reference and input builder live on the scoring server;
editing this copy changes nothing except your own understanding.
"""

import jax, jax.numpy as jnp
import numpy as np

N = 10000
E = 320000
D = 128
H = 128
C = 40


def _xavier(key, shape):
    fan_out, fan_in = shape
    a = float(np.sqrt(6.0 / (fan_in + fan_out)))
    return jax.random.uniform(key, shape, minval=-a, maxval=a, dtype=jnp.float32)


def setup_inputs(seed: int = 0) -> dict:
    key = jax.random.key(seed)
    ks = jax.random.split(key, 8)
    X = jax.random.normal(ks[0], (N, D), dtype=jnp.float32)
    A = jax.random.randint(ks[1], (2, E), 0, N, dtype=jnp.int32)
    W0 = _xavier(ks[2], (H, D))
    b0 = jnp.zeros((H,), dtype=jnp.float32)
    W1 = _xavier(ks[3], (H, H))
    b1 = jnp.zeros((H,), dtype=jnp.float32)
    W2 = _xavier(ks[4], (H, H))
    b2 = jnp.zeros((H,), dtype=jnp.float32)
    Wm = _xavier(ks[5], (C, H))
    bm = jnp.zeros((C,), dtype=jnp.float32)
    return {"X": X, "A": A, "W0": W0, "b0": b0, "W1": W1, "b1": b1, "W2": W2, "b2": b2, "Wm": Wm, "bm": bm}


def _gcn_conv(x, src, dst, W, b):
    # x' = D^{-1/2} (A + I) D^{-1/2} (x W^T) + b  (GCNConv with add_self_loops)
    x = x @ W.T
    loop = jnp.arange(N, dtype=src.dtype)
    s = jnp.concatenate([src, loop])
    d = jnp.concatenate([dst, loop])
    deg = jax.ops.segment_sum(jnp.ones_like(d, dtype=x.dtype), d, num_segments=N)
    deg_inv_sqrt = jnp.where(deg > 0, 1.0 / jnp.sqrt(deg), 0.0)
    norm = deg_inv_sqrt[s] * deg_inv_sqrt[d]
    msgs = x[s] * norm[:, None]
    out = jax.ops.segment_sum(msgs, d, num_segments=N)
    return out + b


def reference(X, A, W0, b0, W1, b1, W2, b2, Wm, bm):
    src, dst = A[0], A[1]
    h = jax.nn.relu(_gcn_conv(X, src, dst, W0, b0))
    residual = h
    h = jax.nn.relu(_gcn_conv(h, src, dst, W1, b1))
    h = h + residual
    h = _gcn_conv(h, src, dst, W2, b2)
    return h @ Wm.T + bm

if __name__ == "__main__":
    import jax
    _d = setup_inputs()
    print(jax.jit(kernel)(*tuple(_d.values())))

</pallas_src>

<mosaic_0001>
#map = affine_map<(d0, d1) -> (0, 0, 0)>
#map1 = affine_map<(d0, d1) -> (0, 0)>
module attributes {stable_mosaic.version = 14 : i64} {
  func.func @sc_degree(%arg0: i32, %arg1: i32, %arg2: memref<32x80x125xi32, #tpu.memory_space<hbm>>, %arg3: memref<10112x128xf32, #tpu.memory_space<hbm>>, %arg4: memref<80x125xi32, #tpu.memory_space<vmem>>, %arg5: memref<125x16xf32, #tpu.memory_space<vmem>>, %arg6: memref<79x16xf32, #tpu.memory_space<vmem>>, %arg7: memref<10112x16xf32, #tpu.memory_space<vmem_shared>>, %arg8: memref<!tpu.dma_semaphore, #tpu.memory_space<semaphore_mem>>) attributes {dimension_semantics = [#tpu.dimension_semantics<core_parallel>, #tpu.dimension_semantics<subcore_parallel>], iteration_bounds = array<i64: 2, 16>, scalar_prefetch = 0 : i64, scratch_operands = 5 : i64, tpu.core_type = #tpu.core_type<sc_vector_subcore>, window_params = [{transform_indices = #map}, {transform_indices = #map1}]} {
    %mul3A = arith.constant 16 : i32
    %mul3A_0 = arith.muli %arg0, %mul3A : i32
    %add3A = arith.addi %mul3A_0, %arg1 : i32
    "tpu.region"() ({
      %run_scoped3A = tpu.sem_alloc : memref<!tpu.dma_semaphore, #tpu.memory_space<semaphore_mem>>
      %dma_start3A = arith.constant 0 : i32
      %dma_start3A_45 = arith.constant 0 : i32
      %dma_start3A_46 = tpu.memref_slice %arg2[%add3A, %dma_start3A, %dma_start3A_45] : memref<32x80x125xi32, #tpu.memory_space<hbm>> -> memref<1x80x125xi32, #tpu.memory_space<hbm>>
      %dma_start3A_47 = tpu.memref_squeeze %dma_start3A_46 : memref<1x80x125xi32, #tpu.memory_space<hbm>> -> memref<80x125xi32, #tpu.memory_space<hbm>>
      %dma_start3A_48 = arith.constant 0 : i32
      %dma_start3A_49 = arith.constant 0 : i32
      %dma_start3A_50 = tpu.memref_slice %arg2[%add3A, %dma_start3A_48, %dma_start3A_49] : memref<32x80x125xi32, #tpu.memory_space<hbm>> -> memref<1x80x125xi32, #tpu.memory_space<hbm>>
      %dma_start3A_51 = tpu.memref_squeeze %dma_start3A_50 : memref<1x80x125xi32, #tpu.memory_space<hbm>> -> memref<80x125xi32, #tpu.memory_space<hbm>>
      tpu.enqueue_dma source(%dma_start3A_51 : memref<80x125xi32, #tpu.memory_space<hbm>>) target(%arg4 : memref<80x125xi32, #tpu.memory_space<vmem>>) target_semaphore(%run_scoped3A : memref<!tpu.dma_semaphore, #tpu.memory_space<semaphore_mem>>)
      %dma_wait3A = arith.constant 0 : i32
      %dma_wait3A_52 = arith.constant 0 : i32
      %dma_wait3A_53 = tpu.memref_slice %arg2[%add3A, %dma_wait3A, %dma_wait3A_52] : memref<32x80x125xi32, #tpu.memory_space<hbm>> -> memref<1x80x125xi32, #tpu.memory_space<hbm>>
      %dma_wait3A_54 = tpu.memref_squeeze %dma_wait3A_53 : memref<1x80x125xi32, #tpu.memory_space<hbm>> -> memref<80x125xi32, #tpu.memory_space<hbm>>
      %dma_wait3A_55 = arith.constant 0 : i32
      %dma_wait3A_56 = arith.constant 0 : i32
      %dma_wait3A_57 = tpu.memref_slice %arg2[%add3A, %dma_wait3A_55, %dma_wait3A_56] : memref<32x80x125xi32, #tpu.memory_space<hbm>> -> memref<1x80x125xi32, #tpu.memory_space<hbm>>
      %dma_wait3A_58 = tpu.memref_squeeze %dma_wait3A_57 : memref<1x80x125xi32, #tpu.memory_space<hbm>> -> memref<80x125xi32, #tpu.memory_space<hbm>>
      tpu.wait_dma2 semaphore(%run_scoped3A : memref<!tpu.dma_semaphore, #tpu.memory_space<semaphore_mem>>) src(%dma_wait3A_58 : memref<80x125xi32, #tpu.memory_space<hbm>>) dst(%arg4 : memref<80x125xi32, #tpu.memory_space<vmem>>)
      tpu.yield
    }) : () -> ()
    %scan3A = arith.constant 0 : i32
    %scan3A_1 = arith.constant 0 : i32
    %scan3A_2 = arith.constant 125 : i32
    %scan3A_3 = arith.addi %scan3A_1, %scan3A_2 : i32
    %scan3A_4 = arith.constant 1 : i32
    scf.for %scan3A_45 = %scan3A_1 to %scan3A_3 step %scan3A_4  : i32 {
      %broadcast_in_dim3A = arith.constant 1.000000e+00 : f32
      %broadcast_in_dim3A_46 = vector.broadcast %broadcast_in_dim3A : f32 to vector<16xf32>
      %swap3A = arith.index_cast %scan3A_45 : i32 to index
      %swap3A_47 = arith.constant 0 : index
      %swap3A_48 = tpu.vector_load %arg5[%swap3A, %swap3A_47] {strides = array<i32>} : memref<125x16xf32, #tpu.memory_space<vmem>>, vector<1x16xf32>,
      %swap3A_49 = vector.shape_cast %swap3A_48 : vector<1x16xf32> to vector<16xf32>
      %swap3A_50 = vector.shape_cast %broadcast_in_dim3A_46 : vector<16xf32> to vector<1x16xf32>
      tpu.vector_store %arg5[%swap3A, %swap3A_47], %swap3A_50 {strides = array<i32>} : memref<125x16xf32, #tpu.memory_space<vmem>>, vector<1x16xf32>,
    }
    %scan3A_5 = arith.constant 125 : i32
    %scan3A_6 = arith.constant 0 : i32
    %scan3A_7 = arith.constant 0 : i32
    %scan3A_8 = arith.constant 79 : i32
    %scan3A_9 = arith.addi %scan3A_7, %scan3A_8 : i32
    %scan3A_10 = arith.constant 1 : i32
    scf.for %scan3A_45 = %scan3A_7 to %scan3A_9 step %scan3A_10  : i32 {
      %broadcast_in_dim3A = arith.constant 0.000000e+00 : f32
      %broadcast_in_dim3A_46 = vector.broadcast %broadcast_in_dim3A : f32 to vector<16xf32>
      %swap3A = arith.index_cast %scan3A_45 : i32 to index
      %swap3A_47 = arith.constant 0 : index
      %swap3A_48 = tpu.vector_load %arg6[%swap3A, %swap3A_47] {strides = array<i32>} : memref<79x16xf32, #tpu.memory_space<vmem>>, vector<1x16xf32>,
      %swap3A_49 = vector.shape_cast %swap3A_48 : vector<1x16xf32> to vector<16xf32>
      %swap3A_50 = vector.shape_cast %broadcast_in_dim3A_46 : vector<16xf32> to vector<1x16xf32>
      tpu.vector_store %arg6[%swap3A, %swap3A_47], %swap3A_50 {strides = array<i32>} : memref<79x16xf32, #tpu.memory_space<vmem>>, vector<1x16xf32>,
    }
    %scan3A_11 = arith.constant 79 : i32
    %mul3A_12 = arith.constant 632 : i32
    %mul3A_13 = arith.muli %arg1, %mul3A_12 : i32
    %add3A_14 = arith.constant 0 : i32
    %add3A_15 = arith.addi %mul3A_13, %add3A_14 : i32
    "tpu.region"() ({
      %run_scoped3A = tpu.sem_alloc : memref<!tpu.dma_semaphore, #tpu.memory_space<semaphore_mem>>
      %dma_start3A = arith.constant 0 : i32
      %dma_start3A_45 = tpu.memref_slice %arg7[%add3A_15, %dma_start3A] : memref<10112x16xf32, #tpu.memory_space<vmem_shared>> -> memref<79x16xf32, #tpu.memory_space<vmem_shared>>
      %dma_start3A_46 = arith.constant 0 : i32
      %dma_start3A_47 = tpu.memref_slice %arg7[%add3A_15, %dma_start3A_46] : memref<10112x16xf32, #tpu.memory_space<vmem_shared>> -> memref<79x16xf32, #tpu.memory_space<vmem_shared>>
      tpu.enqueue_dma source(%arg6 : memref<79x16xf32, #tpu.memory_space<vmem>>) target(%dma_start3A_47 : memref<79x16xf32, #tpu.memory_space<vmem_shared>>) target_semaphore(%run_scoped3A : memref<!tpu.dma_semaphore, #tpu.memory_space<semaphore_mem>>)
      %dma_wait3A = arith.constant 0 : i32
      %dma_wait3A_48 = tpu.memref_slice %arg7[%add3A_15, %dma_wait3A] : memref<10112x16xf32, #tpu.memory_space<vmem_shared>> -> memref<79x16xf32, #tpu.memory_space<vmem_shared>>
      %dma_wait3A_49 = arith.constant 0 : i32
      %dma_wait3A_50 = tpu.memref_slice %arg7[%add3A_15, %dma_wait3A_49] : memref<10112x16xf32, #tpu.memory_space<vmem_shared>> -> memref<79x16xf32, #tpu.memory_space<vmem_shared>>
      tpu.wait_dma2 semaphore(%run_scoped3A : memref<!tpu.dma_semaphore, #tpu.memory_space<semaphore_mem>>) src(%arg6 : memref<79x16xf32, #tpu.memory_space<vmem>>) dst(%dma_wait3A_50 : memref<79x16xf32, #tpu.memory_space<vmem_shared>>)
      tpu.yield
    }) : () -> ()
    %add3A_16 = arith.constant 79 : i32
    %add3A_17 = arith.addi %mul3A_13, %add3A_16 : i32
    "tpu.region"() ({
      %run_scoped3A = tpu.sem_alloc : memref<!tpu.dma_semaphore, #tpu.memory_space<semaphore_mem>>
      %dma_start3A = arith.constant 0 : i32
      %dma_start3A_45 = tpu.memref_slice %arg7[%add3A_17, %dma_start3A] : memref<10112x16xf32, #tpu.memory_space<vmem_shared>> -> memref<79x16xf32, #tpu.memory_space<vmem_shared>>
      %dma_start3A_46 = arith.constant 0 : i32
      %dma_start3A_47 = tpu.memref_slice %arg7[%add3A_17, %dma_start3A_46] : memref<10112x16xf32, #tpu.memory_space<vmem_shared>> -> memref<79x16xf32, #tpu.memory_space<vmem_shared>>
      tpu.enqueue_dma source(%arg6 : memref<79x16xf32, #tpu.memory_space<vmem>>) target(%dma_start3A_47 : memref<79x16xf32, #tpu.memory_space<vmem_shared>>) target_semaphore(%run_scoped3A : memref<!tpu.dma_semaphore, #tpu.memory_space<semaphore_mem>>)
      %dma_wait3A = arith.constant 0 : i32
      %dma_wait3A_48 = tpu.memref_slice %arg7[%add3A_17, %dma_wait3A] : memref<10112x16xf32, #tpu.memory_space<vmem_shared>> -> memref<79x16xf32, #tpu.memory_space<vmem_shared>>
      %dma_wait3A_49 = arith.constant 0 : i32
      %dma_wait3A_50 = tpu.memref_slice %arg7[%add3A_17, %dma_wait3A_49] : memref<10112x16xf32, #tpu.memory_space<vmem_shared>> -> memref<79x16xf32, #tpu.memory_space<vmem_shared>>
      tpu.wait_dma2 semaphore(%run_scoped3A : memref<!tpu.dma_semaphore, #tpu.memory_space<semaphore_mem>>) src(%arg6 : memref<79x16xf32, #tpu.memory_space<vmem>>) dst(%dma_wait3A_50 : memref<79x16xf32, #tpu.memory_space<vmem_shared>>)
      tpu.yield
    }) : () -> ()
    %add3A_18 = arith.constant 158 : i32
    %add3A_19 = arith.addi %mul3A_13, %add3A_18 : i32
    "tpu.region"() ({
      %run_scoped3A = tpu.sem_alloc : memref<!tpu.dma_semaphore, #tpu.memory_space<semaphore_mem>>
      %dma_start3A = arith.constant 0 : i32
      %dma_start3A_45 = tpu.memref_slice %arg7[%add3A_19, %dma_start3A] : memref<10112x16xf32, #tpu.memory_space<vmem_shared>> -> memref<79x16xf32, #tpu.memory_space<vmem_shared>>
      %dma_start3A_46 = arith.constant 0 : i32
      %dma_start3A_47 = tpu.memref_slice %arg7[%add3A_19, %dma_start3A_46] : memref<10112x16xf32, #tpu.memory_space<vmem_shared>> -> memref<79x16xf32, #tpu.memory_space<vmem_shared>>
      tpu.enqueue_dma source(%arg6 : memref<79x16xf32, #tpu.memory_space<vmem>>) target(%dma_start3A_47 : memref<79x16xf32, #tpu.memory_space<vmem_shared>>) target_semaphore(%run_scoped3A : memref<!tpu.dma_semaphore, #tpu.memory_space<semaphore_mem>>)
      %dma_wait3A = arith.constant 0 : i32
      %dma_wait3A_48 = tpu.memref_slice %arg7[%add3A_19, %dma_wait3A] : memref<10112x16xf32, #tpu.memory_space<vmem_shared>> -> memref<79x16xf32, #tpu.memory_space<vmem_shared>>
      %dma_wait3A_49 = arith.constant 0 : i32
      %dma_wait3A_50 = tpu.memref_slice %arg7[%add3A_19, %dma_wait3A_49] : memref<10112x16xf32, #tpu.memory_space<vmem_shared>> -> memref<79x16xf32, #tpu.memory_space<vmem_shared>>
      tpu.wait_dma2 semaphore(%run_scoped3A : memref<!tpu.dma_semaphore, #tpu.memory_space<semaphore_mem>>) src(%arg6 : memref<79x16xf32, #tpu.memory_space<vmem>>) dst(%dma_wait3A_50 : memref<79x16xf32, #tpu.memory_space<vmem_shared>>)
      tpu.yield
    }) : () -> ()
    %add3A_20 = arith.constant 237 : i32
    %add3A_21 = arith.addi %mul3A_13, %add3A_20 : i32
    "tpu.region"() ({
      %run_scoped3A = tpu.sem_alloc : memref<!tpu.dma_semaphore, #tpu.memory_space<semaphore_mem>>
      %dma_start3A = arith.constant 0 : i32
      %dma_start3A_45 = tpu.memref_slice %arg7[%add3A_21, %dma_start3A] : memref<10112x16xf32, #tpu.memory_space<vmem_shared>> -> memref<79x16xf32, #tpu.memory_space<vmem_shared>>
      %dma_start3A_46 = arith.constant 0 : i32
      %dma_start3A_47 = tpu.memref_slice %arg7[%add3A_21, %dma_start3A_46] : memref<10112x16xf32, #tpu.memory_space<vmem_shared>> -> memref<79x16xf32, #tpu.memory_space<vmem_shared>>
      tpu.enqueue_dma source(%arg6 : memref<79x16xf32, #tpu.memory_space<vmem>>) target(%dma_start3A_47 : memref<79x16xf32, #tpu.memory_space<vmem_shared>>) target_semaphore(%run_scoped3A : memref<!tpu.dma_semaphore, #tpu.memory_space<semaphore_mem>>)
      %dma_wait3A = arith.constant 0 : i32
      %dma_wait3A_48 = tpu.memref_slice %arg7[%add3A_21, %dma_wait3A] : memref<10112x16xf32, #tpu.memory_space<vmem_shared>> -> memref<79x16xf32, #tpu.memory_space<vmem_shared>>
      %dma_wait3A_49 = arith.constant 0 : i32
      %dma_wait3A_50 = tpu.memref_slice %arg7[%add3A_21, %dma_wait3A_49] : memref<10112x16xf32, #tpu.memory_space<vmem_shared>> -> memref<79x16xf32, #tpu.memory_space<vmem_shared>>
      tpu.wait_dma2 semaphore(%run_scoped3A : memref<!tpu.dma_semaphore, #tpu.memory_space<semaphore_mem>>) src(%arg6 : memref<79x16xf32, #tpu.memory_space<vmem>>) dst(%dma_wait3A_50 : memref<79x16xf32, #tpu.memory_space<vmem_shared>>)
      tpu.yield
    }) : () -> ()
    %add3A_22 = arith.constant 316 : i32
    %add3A_23 = arith.addi %mul3A_13, %add3A_22 : i32
    "tpu.region"() ({
      %run_scoped3A = tpu.sem_alloc : memref<!tpu.dma_semaphore, #tpu.memory_space<semaphore_mem>>
      %dma_start3A = arith.constant 0 : i32
      %dma_start3A_45 = tpu.memref_slice %arg7[%add3A_23, %dma_start3A] : memref<10112x16xf32, #tpu.memory_space<vmem_shared>> -> memref<79x16xf32, #tpu.memory_space<vmem_shared>>
      %dma_start3A_46 = arith.constant 0 : i32
      %dma_start3A_47 = tpu.memref_slice %arg7[%add3A_23, %dma_start3A_46] : memref<10112x16xf32, #tpu.memory_space<vmem_shared>> -> memref<79x16xf32, #tpu.memory_space<vmem_shared>>
      tpu.enqueue_dma source(%arg6 : memref<79x16xf32, #tpu.memory_space<vmem>>) target(%dma_start3A_47 : memref<79x16xf32, #tpu.memory_space<vmem_shared>>) target_semaphore(%run_scoped3A : memref<!tpu.dma_semaphore, #tpu.memory_space<semaphore_mem>>)
      %dma_wait3A = arith.constant 0 : i32
      %dma_wait3A_48 = tpu.memref_slice %arg7[%add3A_23, %dma_wait3A] : memref<10112x16xf32, #tpu.memory_space<vmem_shared>> -> memref<79x16xf32, #tpu.memory_space<vmem_shared>>
      %dma_wait3A_49 = arith.constant 0 : i32
      %dma_wait3A_50 = tpu.memref_slice %arg7[%add3A_23, %dma_wait3A_49] : memref<10112x16xf32, #tpu.memory_space<vmem_shared>> -> memref<79x16xf32, #tpu.memory_space<vmem_shared>>
      tpu.wait_dma2 semaphore(%run_scoped3A : memref<!tpu.dma_semaphore, #tpu.memory_space<semaphore_mem>>) src(%arg6 : memref<79x16xf32, #tpu.memory_space<vmem>>) dst(%dma_wait3A_50 : memref<79x16xf32, #tpu.memory_space<vmem_shared>>)
      tpu.yield
    }) : () -> ()
    %add3A_24 = arith.constant 395 : i32
    %add3A_25 = arith.addi %mul3A_13, %add3A_24 : i32
    "tpu.region"() ({
      %run_scoped3A = tpu.sem_alloc : memref<!tpu.dma_semaphore, #tpu.memory_space<semaphore_mem>>
      %dma_start3A = arith.constant 0 : i32
      %dma_start3A_45 = tpu.memref_slice %arg7[%add3A_25, %dma_start3A] : memref<10112x16xf32, #tpu.memory_space<vmem_shared>> -> memref<79x16xf32, #tpu.memory_space<vmem_shared>>
      %dma_start3A_46 = arith.constant 0 : i32
      %dma_start3A_47 = tpu.memref_slice %arg7[%add3A_25, %dma_start3A_46] : memref<10112x16xf32, #tpu.memory_space<vmem_shared>> -> memref<79x16xf32, #tpu.memory_space<vmem_shared>>
      tpu.enqueue_dma source(%arg6 : memref<79x16xf32, #tpu.memory_space<vmem>>) target(%dma_start3A_47 : memref<79x16xf32, #tpu.memory_space<vmem_shared>>) target_semaphore(%run_scoped3A : memref<!tpu.dma_semaphore, #tpu.memory_space<semaphore_mem>>)
      %dma_wait3A = arith.constant 0 : i32
      %dma_wait3A_48 = tpu.memref_slice %arg7[%add3A_25, %dma_wait3A] : memref<10112x16xf32, #tpu.memory_space<vmem_shared>> -> memref<79x16xf32, #tpu.memory_space<vmem_shared>>
      %dma_wait3A_49 = arith.constant 0 : i32
      %dma_wait3A_50 = tpu.memref_slice %arg7[%add3A_25, %dma_wait3A_49] : memref<10112x16xf32, #tpu.memory_space<vmem_shared>> -> memref<79x16xf32, #tpu.memory_space<vmem_shared>>
      tpu.wait_dma2 semaphore(%run_scoped3A : memref<!tpu.dma_semaphore, #tpu.memory_space<semaphore_mem>>) src(%arg6 : memref<79x16xf32, #tpu.memory_space<vmem>>) dst(%dma_wait3A_50 : memref<79x16xf32, #tpu.memory_space<vmem_shared>>)
      tpu.yield
    }) : () -> ()
    %add3A_26 = arith.constant 474 : i32
    %add3A_27 = arith.addi %mul3A_13, %add3A_26 : i32
    "tpu.region"() ({
      %run_scoped3A = tpu.sem_alloc : memref<!tpu.dma_semaphore, #tpu.memory_space<semaphore_mem>>
      %dma_start3A = arith.constant 0 : i32
      %dma_start3A_45 = tpu.memref_slice %arg7[%add3A_27, %dma_start3A] : memref<10112x16xf32, #tpu.memory_space<vmem_shared>> -> memref<79x16xf32, #tpu.memory_space<vmem_shared>>
      %dma_start3A_46 = arith.constant 0 : i32
      %dma_start3A_47 = tpu.memref_slice %arg7[%add3A_27, %dma_start3A_46] : memref<10112x16xf32, #tpu.memory_space<vmem_shared>> -> memref<79x16xf32, #tpu.memory_space<vmem_shared>>
      tpu.enqueue_dma source(%arg6 : memref<79x16xf32, #tpu.memory_space<vmem>>) target(%dma_start3A_47 : memref<79x16xf32, #tpu.memory_space<vmem_shared>>) target_semaphore(%run_scoped3A : memref<!tpu.dma_semaphore, #tpu.memory_space<semaphore_mem>>)
      %dma_wait3A = arith.constant 0 : i32
      %dma_wait3A_48 = tpu.memref_slice %arg7[%add3A_27, %dma_wait3A] : memref<10112x16xf32, #tpu.memory_space<vmem_shared>> -> memref<79x16xf32, #tpu.memory_space<vmem_shared>>
      %dma_wait3A_49 = arith.constant 0 : i32
      %dma_wait3A_50 = tpu.memref_slice %arg7[%add3A_27, %dma_wait3A_49] : memref<10112x16xf32, #tpu.memory_space<vmem_shared>> -> memref<79x16xf32, #tpu.memory_space<vmem_shared>>
      tpu.wait_dma2 semaphore(%run_scoped3A : memref<!tpu.dma_semaphore, #tpu.memory_space<semaphore_mem>>) src(%arg6 : memref<79x16xf32, #tpu.memory_space<vmem>>) dst(%dma_wait3A_50 : memref<79x16xf32, #tpu.memory_space<vmem_shared>>)
      tpu.yield
    }) : () -> ()
    %add3A_28 = arith.constant 553 : i32
    %add3A_29 = arith.addi %mul3A_13, %add3A_28 : i32
    "tpu.region"() ({
      %run_scoped3A = tpu.sem_alloc : memref<!tpu.dma_semaphore, #tpu.memory_space<semaphore_mem>>
      %dma_start3A = arith.constant 0 : i32
      %dma_start3A_45 = tpu.memref_slice %arg7[%add3A_29, %dma_start3A] : memref<10112x16xf32, #tpu.memory_space<vmem_shared>> -> memref<79x16xf32, #tpu.memory_space<vmem_shared>>
      %dma_start3A_46 = arith.constant 0 : i32
      %dma_start3A_47 = tpu.memref_slice %arg7[%add3A_29, %dma_start3A_46] : memref<10112x16xf32, #tpu.memory_space<vmem_shared>> -> memref<79x16xf32, #tpu.memory_space<vmem_shared>>
      tpu.enqueue_dma source(%arg6 : memref<79x16xf32, #tpu.memory_space<vmem>>) target(%dma_start3A_47 : memref<79x16xf32, #tpu.memory_space<vmem_shared>>) target_semaphore(%run_scoped3A : memref<!tpu.dma_semaphore, #tpu.memory_space<semaphore_mem>>)
      %dma_wait3A = arith.constant 0 : i32
      %dma_wait3A_48 = tpu.memref_slice %arg7[%add3A_29, %dma_wait3A] : memref<10112x16xf32, #tpu.memory_space<vmem_shared>> -> memref<79x16xf32, #tpu.memory_space<vmem_shared>>
      %dma_wait3A_49 = arith.constant 0 : i32
      %dma_wait3A_50 = tpu.memref_slice %arg7[%add3A_29, %dma_wait3A_49] : memref<10112x16xf32, #tpu.memory_space<vmem_shared>> -> memref<79x16xf32, #tpu.memory_space<vmem_shared>>
      tpu.wait_dma2 semaphore(%run_scoped3A : memref<!tpu.dma_semaphore, #tpu.memory_space<semaphore_mem>>) src(%arg6 : memref<79x16xf32, #tpu.memory_space<vmem>>) dst(%dma_wait3A_50 : memref<79x16xf32, #tpu.memory_space<vmem_shared>>)
      tpu.yield
    }) : () -> ()
    %barrier3A = arith.constant 0 : index
    tpu.barrier barrier_id(%barrier3A)
    %scan3A_30 = arith.constant 0 : i32
    %scan3A_31 = arith.constant 0 : i32
    %scan3A_32 = arith.constant 80 : i32
    %scan3A_33 = arith.addi %scan3A_31, %scan3A_32 : i32
    %scan3A_34 = arith.constant 1 : i32
    scf.for %scan3A_45 = %scan3A_31 to %scan3A_33 step %scan3A_34  : i32 {
      %dma_start3A = arith.constant 0 : i32
      %dma_start3A_46 = tpu.memref_slice %arg4[%scan3A_45, %dma_start3A] : memref<80x125xi32, #tpu.memory_space<vmem>> -> memref<1x125xi32, #tpu.memory_space<vmem>>
      %dma_start3A_47 = tpu.memref_squeeze %dma_start3A_46 : memref<1x125xi32, #tpu.memory_space<vmem>> -> memref<125xi32, #tpu.memory_space<vmem>>
      %dma_start3A_48 = arith.constant 0 : i32
      %dma_start3A_49 = arith.constant 0 : i32
      %dma_start3A_50 = tpu.memref_slice %arg7[%dma_start3A_48, %dma_start3A_49] : memref<10112x16xf32, #tpu.memory_space<vmem_shared>> -> memref<10112x16xf32, #tpu.memory_space<vmem_shared>>
      tpu.enqueue_indirect_dma source(%arg5 : memref<125x16xf32, #tpu.memory_space<vmem>>) target(%dma_start3A_50 : memref<10112x16xf32, #tpu.memory_space<vmem_shared>>) offsets(%dma_start3A_47 : memref<125xi32, #tpu.memory_space<vmem>>) semaphore(%arg8 : memref<!tpu.dma_semaphore, #tpu.memory_space<semaphore_mem>>) {add = true}
    }
    %scan3A_35 = arith.constant 80 : i32
    %scan3A_36 = arith.constant 0 : i32
    %scan3A_37 = arith.constant 0 : i32
    %scan3A_38 = arith.constant 80 : i32
    %scan3A_39 = arith.addi %scan3A_37, %scan3A_38 : i32
    %scan3A_40 = arith.constant 1 : i32
    scf.for %scan3A_45 = %scan3A_37 to %scan3A_39 step %scan3A_40  : i32 {
      %dma_wait3A = arith.constant 0 : i32
      %dma_wait3A_46 = tpu.memref_slice %arg4[%scan3A_45, %dma_wait3A] : memref<80x125xi32, #tpu.memory_space<vmem>> -> memref<1x125xi32, #tpu.memory_space<vmem>>
      %dma_wait3A_47 = tpu.memref_squeeze %dma_wait3A_46 : memref<1x125xi32, #tpu.memory_space<vmem>> -> memref<125xi32, #tpu.memory_space<vmem>>
      %dma_wait3A_48 = arith.constant 0 : i32
      %dma_wait3A_49 = arith.constant 0 : i32
      %dma_wait3A_50 = tpu.memref_slice %arg7[%dma_wait3A_48, %dma_wait3A_49] : memref<10112x16xf32, #tpu.memory_space<vmem_shared>> -> memref<10112x16xf32, #tpu.memory_space<vmem_shared>>
      tpu.wait_indirect_dma semaphore(%arg8 : memref<!tpu.dma_semaphore, #tpu.memory_space<semaphore_mem>>) src(%arg5 : memref<125x16xf32, #tpu.memory_space<vmem>>) dst(%dma_wait3A_50 : memref<10112x16xf32, #tpu.memory_space<vmem_shared>>)
    }
    %scan3A_41 = arith.constant 80 : i32
    %barrier3A_42 = arith.constant 0 : index
    tpu.barrier barrier_id(%barrier3A_42)
    %mul3A_43 = arith.constant 64 : i32
    %mul3A_44 = arith.muli %arg0, %mul3A_43 : i32
    "tpu.region"() ({
      %run_scoped3A = tpu.sem_alloc : memref<!tpu.dma_semaphore, #tpu.memory_space<semaphore_mem>>
      %dma_start3A = tpu.memref_slice %arg3[%mul3A_13, %mul3A_44] : memref<10112x128xf32, #tpu.memory_space<hbm>> -> memref<632x16xf32, #tpu.memory_space<hbm>>
      %dma_start3A_45 = arith.constant 0 : i32
      %dma_start3A_46 = tpu.memref_slice %arg7[%mul3A_13, %dma_start3A_45] : memref<10112x16xf32, #tpu.memory_space<vmem_shared>> -> memref<632x16xf32, #tpu.memory_space<vmem_shared>>
      tpu.enqueue_dma source(%dma_start3A_46 : memref<632x16xf32, #tpu.memory_space<vmem_shared>>) target(%dma_start3A : memref<632x16xf32, #tpu.memory_space<hbm>>) target_semaphore(%run_scoped3A : memref<!tpu.dma_semaphore, #tpu.memory_space<semaphore_mem>>)
      %dma_wait3A = tpu.memref_slice %arg3[%mul3A_13, %mul3A_44] : memref<10112x128xf32, #tpu.memory_space<hbm>> -> memref<632x16xf32, #tpu.memory_space<hbm>>
      %dma_wait3A_47 = arith.constant 0 : i32
      %dma_wait3A_48 = tpu.memref_slice %arg7[%mul3A_13, %dma_wait3A_47] : memref<10112x16xf32, #tpu.memory_space<vmem_shared>> -> memref<632x16xf32, #tpu.memory_space<vmem_shared>>
      tpu.wait_dma2 semaphore(%run_scoped3A : memref<!tpu.dma_semaphore, #tpu.memory_space<semaphore_mem>>) src(%dma_wait3A_48 : memref<632x16xf32, #tpu.memory_space<vmem_shared>>) dst(%dma_wait3A : memref<632x16xf32, #tpu.memory_space<hbm>>)
      tpu.yield
    }) : () -> ()
    return
  }
}

#map = affine_map<(d0, d1) -> (0, 0)>
#map1 = affine_map<(d0, d1) -> (0, 0, 0)>
module attributes {stable_mosaic.version = 14 : i64} {
  func.func @sc_segsum(%arg0: i32, %arg1: i32, %arg2: memref<20000x64xf32, #tpu.memory_space<hbm>>, %arg3: memref<32x160x125xi32, #tpu.memory_space<hbm>>, %arg4: memref<16x160x125xi32, #tpu.memory_space<hbm>>, %arg5: memref<10112x128xf32, #tpu.memory_space<hbm>>, %arg6: memref<160x125xi32, #tpu.memory_space<vmem>>, %arg7: memref<160x125xi32, #tpu.memory_space<vmem>>, %arg8: memref<4x125x64xf32, #tpu.memory_space<vmem>>, %arg9: memref<4x!tpu.dma_semaphore, #tpu.memory_space<semaphore_mem>>, %arg10: memref<!tpu.dma_semaphore, #tpu.memory_space<semaphore_mem>>, %arg11: memref<79x64xf32, #tpu.memory_space<vmem>>, %arg12: memref<10112x64xf32, #tpu.memory_space<vmem_shared>>) attributes {dimension_semantics = [#tpu.dimension_semantics<core_parallel>, #tpu.dimension_semantics<subcore_parallel>], iteration_bounds = array<i64: 2, 16>, scalar_prefetch = 0 : i64, scratch_operands = 7 : i64, tpu.core_type = #tpu.core_type<sc_vector_subcore>, window_params = [{transform_indices = #map}, {transform_indices = #map1}, {transform_indices = #map1}, {transform_indices = #map}]} {
    %mul3A = arith.constant 16 : i32
    %mul3A_0 = arith.muli %arg0, %mul3A : i32
    %add3A = arith.addi %mul3A_0, %arg1 : i32
    "tpu.region"() ({
      %run_scoped3A = tpu.sem_alloc : memref<!tpu.dma_semaphore, #tpu.memory_space<semaphore_mem>>
      %dma_start3A_247 = arith.constant 0 : i32
      %dma_start3A_248 = arith.constant 0 : i32
      %dma_start3A_249 = tpu.memref_slice %arg3[%add3A, %dma_start3A_247, %dma_start3A_248] : memref<32x160x125xi32, #tpu.memory_space<hbm>> -> memref<1x160x125xi32, #tpu.memory_space<hbm>>
      %dma_start3A_250 = tpu.memref_squeeze %dma_start3A_249 : memref<1x160x125xi32, #tpu.memory_space<hbm>> -> memref<160x125xi32, #tpu.memory_space<hbm>>
      %dma_start3A_251 = arith.constant 0 : i32
      %dma_start3A_252 = arith.constant 0 : i32
      %dma_start3A_253 = tpu.memref_slice %arg3[%add3A, %dma_start3A_251, %dma_start3A_252] : memref<32x160x125xi32, #tpu.memory_space<hbm>> -> memref<1x160x125xi32, #tpu.memory_space<hbm>>
      %dma_start3A_254 = tpu.memref_squeeze %dma_start3A_253 : memref<1x160x125xi32, #tpu.memory_space<hbm>> -> memref<160x125xi32, #tpu.memory_space<hbm>>
      tpu.enqueue_dma source(%dma_start3A_254 : memref<160x125xi32, #tpu.memory_space<hbm>>) target(%arg6 : memref<160x125xi32, #tpu.memory_space<vmem>>) target_semaphore(%run_scoped3A : memref<!tpu.dma_semaphore, #tpu.memory_space<semaphore_mem>>)
      %dma_wait3A_255 = arith.constant 0 : i32
      %dma_wait3A_256 = arith.constant 0 : i32
      %dma_wait3A_257 = tpu.memref_slice %arg3[%add3A, %dma_wait3A_255, %dma_wait3A_256] : memref<32x160x125xi32, #tpu.memory_space<hbm>> -> memref<1x160x125xi32, #tpu.memory_space<hbm>>
      %dma_wait3A_258 = tpu.memref_squeeze %dma_wait3A_257 : memref<1x160x125xi32, #tpu.memory_space<hbm>> -> memref<160x125xi32, #tpu.memory_space<hbm>>
      %dma_wait3A_259 = arith.constant 0 : i32
      %dma_wait3A_260 = arith.constant 0 : i32
      %dma_wait3A_261 = tpu.memref_slice %arg3[%add3A, %dma_wait3A_259, %dma_wait3A_260] : memref<32x160x125xi32, #tpu.memory_space<hbm>> -> memref<1x160x125xi32, #tpu.memory_space<hbm>>
      %dma_wait3A_262 = tpu.memref_squeeze %dma_wait3A_261 : memref<1x160x125xi32, #tpu.memory_space<hbm>> -> memref<160x125xi32, #tpu.memory_space<hbm>>
      tpu.wait_dma2 semaphore(%run_scoped3A : memref<!tpu.dma_semaphore, #tpu.memory_space<semaphore_mem>>) src(%dma_wait3A_262 : memref<160x125xi32, #tpu.memory_space<hbm>>) dst(%arg6 : memref<160x125xi32, #tpu.memory_space<vmem>>)
      tpu.yield
    }) : () -> ()
    "tpu.region"() ({
      %run_scoped3A = tpu.sem_alloc : memref<!tpu.dma_semaphore, #tpu.memory_space<semaphore_mem>>
      %dma_start3A_247 = arith.constant 0 : i32
      %dma_start3A_248 = arith.constant 0 : i32
      %dma_start3A_249 = tpu.memref_slice %arg4[%arg1, %dma_start3A_247, %dma_start3A_248] : memref<16x160x125xi32, #tpu.memory_space<hbm>> -> memref<1x160x125xi32, #tpu.memory_space<hbm>>
      %dma_start3A_250 = tpu.memref_squeeze %dma_start3A_249 : memref<1x160x125xi32, #tpu.memory_space<hbm>> -> memref<160x125xi32, #tpu.memory_space<hbm>>
      %dma_start3A_251 = arith.constant 0 : i32
      %dma_start3A_252 = arith.constant 0 : i32
      %dma_start3A_253 = tpu.memref_slice %arg4[%arg1, %dma_start3A_251, %dma_start3A_252] : memref<16x160x125xi32, #tpu.memory_space<hbm>> -> memref<1x160x125xi32, #tpu.memory_space<hbm>>
      %dma_start3A_254 = tpu.memref_squeeze %dma_start3A_253 : memref<1x160x125xi32, #tpu.memory_space<hbm>> -> memref<160x125xi32, #tpu.memory_space<hbm>>
      tpu.enqueue_dma source(%dma_start3A_254 : memref<160x125xi32, #tpu.memory_space<hbm>>) target(%arg7 : memref<160x125xi32, #tpu.memory_space<vmem>>) target_semaphore(%run_scoped3A : memref<!tpu.dma_semaphore, #tpu.memory_space<semaphore_mem>>)
      %dma_wait3A_255 = arith.constant 0 : i32
      %dma_wait3A_256 = arith.constant 0 : i32
      %dma_wait3A_257 = tpu.memref_slice %arg4[%arg1, %dma_wait3A_255, %dma_wait3A_256] : memref<16x160x125xi32, #tpu.memory_space<hbm>> -> memref<1x160x125xi32, #tpu.memory_space<hbm>>
      %dma_wait3A_258 = tpu.memref_squeeze %dma_wait3A_257 : memref<1x160x125xi32, #tpu.memory_space<hbm>> -> memref<160x125xi32, #tpu.memory_space<hbm>>
      %dma_wait3A_259 = arith.constant 0 : i32
      %dma_wait3A_260 = arith.constant 0 : i32
      %dma_wait3A_261 = tpu.memref_slice %arg4[%arg1, %dma_wait3A_259, %dma_wait3A_260] : memref<16x160x125xi32, #tpu.memory_space<hbm>> -> memref<1x160x125xi32, #tpu.memory_space<hbm>>
      %dma_wait3A_262 = tpu.memref_squeeze %dma_wait3A_261 : memref<1x160x125xi32, #tpu.memory_space<hbm>> -> memref<160x125xi32, #tpu.memory_space<hbm>>
      tpu.wait_dma2 semaphore(%run_scoped3A : memref<!tpu.dma_semaphore, #tpu.memory_space<semaphore_mem>>) src(%dma_wait3A_262 : memref<160x125xi32, #tpu.memory_space<hbm>>) dst(%arg7 : memref<160x125xi32, #tpu.memory_space<vmem>>)
      tpu.yield
    }) : () -> ()
    %dma_start3A = arith.constant 0 : i32
    %dma_start3A_1 = arith.constant 0 : i32
    %dma_start3A_2 = arith.constant 0 : i32
    %dma_start3A_3 = arith.constant 0 : i32
    %dma_start3A_4 = arith.constant 0 : i32
    %dma_start3A_5 = tpu.memref_slice %arg8[%dma_start3A_1, %dma_start3A_3, %dma_start3A_4] : memref<4x125x64xf32, #tpu.memory_space<vmem>> -> memref<1x125x64xf32, #tpu.memory_space<vmem>>
    %dma_start3A_6 = tpu.memref_squeeze %dma_start3A_5 : memref<1x125x64xf32, #tpu.memory_space<vmem>> -> memref<125x64xf32, #tpu.memory_space<vmem>>
    %dma_start3A_7 = arith.constant 0 : i32
    %dma_start3A_8 = tpu.memref_slice %arg6[%dma_start3A, %dma_start3A_7] : memref<160x125xi32, #tpu.memory_space<vmem>> -> memref<1x125xi32, #tpu.memory_space<vmem>>
    %dma_start3A_9 = tpu.memref_squeeze %dma_start3A_8 : memref<1x125xi32, #tpu.memory_space<vmem>> -> memref<125xi32, #tpu.memory_space<vmem>>
    %dma_start3A_10 = arith.constant 0 : i32
    %dma_start3A_11 = arith.constant 0 : i32
    %dma_start3A_12 = tpu.memref_slice %arg2[%dma_start3A_10, %dma_start3A_11] : memref<20000x64xf32, #tpu.memory_space<hbm>> -> memref<20000x64xf32, #tpu.memory_space<hbm>>
    %dma_start3A_13 = tpu.memref_slice %arg9[%dma_start3A_2] : memref<4x!tpu.dma_semaphore, #tpu.memory_space<semaphore_mem>> -> memref<1x!tpu.dma_semaphore, #tpu.memory_space<semaphore_mem>>
    %dma_start3A_14 = tpu.memref_squeeze %dma_start3A_13 : memref<1x!tpu.dma_semaphore, #tpu.memory_space<semaphore_mem>> -> memref<!tpu.dma_semaphore, #tpu.memory_space<semaphore_mem>>
    tpu.enqueue_indirect_dma source(%dma_start3A_12 : memref<20000x64xf32, #tpu.memory_space<hbm>>) target(%dma_start3A_6 : memref<125x64xf32, #tpu.memory_space<vmem>>) offsets(%dma_start3A_9 : memref<125xi32, #tpu.memory_space<vmem>>) semaphore(%dma_start3A_14 : memref<!tpu.dma_semaphore, #tpu.memory_space<semaphore_mem>>)
    %dma_start3A_15 = arith.constant 1 : i32
    %dma_start3A_16 = arith.constant 1 : i32
    %dma_start3A_17 = arith.constant 1 : i32
    %dma_start3A_18 = arith.constant 0 : i32
    %dma_start3A_19 = arith.constant 0 : i32
    %dma_start3A_20 = tpu.memref_slice %arg8[%dma_start3A_16, %dma_start3A_18, %dma_start3A_19] : memref<4x125x64xf32, #tpu.memory_space<vmem>> -> memref<1x125x64xf32, #tpu.memory_space<vmem>>
    %dma_start3A_21 = tpu.memref_squeeze %dma_start3A_20 : memref<1x125x64xf32, #tpu.memory_space<vmem>> -> memref<125x64xf32, #tpu.memory_space<vmem>>
    %dma_start3A_22 = arith.constant 0 : i32
    %dma_start3A_23 = tpu.memref_slice %arg6[%dma_start3A_15, %dma_start3A_22] : memref<160x125xi32, #tpu.memory_space<vmem>> -> memref<1x125xi32, #tpu.memory_space<vmem>>
    %dma_start3A_24 = tpu.memref_squeeze %dma_start3A_23 : memref<1x125xi32, #tpu.memory_space<vmem>> -> memref<125xi32, #tpu.memory_space<vmem>>
    %dma_start3A_25 = arith.constant 0 : i32
    %dma_start3A_26 = arith.constant 0 : i32
    %dma_start3A_27 = tpu.memref_slice %arg2[%dma_start3A_25, %dma_start3A_26] : memref<20000x64xf32, #tpu.memory_space<hbm>> -> memref<20000x64xf32, #tpu.memory_space<hbm>>
    %dma_start3A_28 = tpu.memref_slice %arg9[%dma_start3A_17] : memref<4x!tpu.dma_semaphore, #tpu.memory_space<semaphore_mem>> -> memref<1x!tpu.dma_semaphore, #tpu.memory_space<semaphore_mem>>
    %dma_start3A_29 = tpu.memref_squeeze %dma_start3A_28 : memref<1x!tpu.dma_semaphore, #tpu.memory_space<semaphore_mem>> -> memref<!tpu.dma_semaphore, #tpu.memory_space<semaphore_mem>>
    tpu.enqueue_indirect_dma source(%dma_start3A_27 : memref<20000x64xf32, #tpu.memory_space<hbm>>) target(%dma_start3A_21 : memref<125x64xf32, #tpu.memory_space<vmem>>) offsets(%dma_start3A_24 : memref<125xi32, #tpu.memory_space<vmem>>) semaphore(%dma_start3A_29 : memref<!tpu.dma_semaphore, #tpu.memory_space<semaphore_mem>>)
    %dma_start3A_30 = arith.constant 2 : i32
    %dma_start3A_31 = arith.constant 2 : i32
    %dma_start3A_32 = arith.constant 2 : i32
    %dma_start3A_33 = arith.constant 0 : i32
    %dma_start3A_34 = arith.constant 0 : i32
    %dma_start3A_35 = tpu.memref_slice %arg8[%dma_start3A_31, %dma_start3A_33, %dma_start3A_34] : memref<4x125x64xf32, #tpu.memory_space<vmem>> -> memref<1x125x64xf32, #tpu.memory_space<vmem>>
    %dma_start3A_36 = tpu.memref_squeeze %dma_start3A_35 : memref<1x125x64xf32, #tpu.memory_space<vmem>> -> memref<125x64xf32, #tpu.memory_space<vmem>>
    %dma_start3A_37 = arith.constant 0 : i32
    %dma_start3A_38 = tpu.memref_slice %arg6[%dma_start3A_30, %dma_start3A_37] : memref<160x125xi32, #tpu.memory_space<vmem>> -> memref<1x125xi32, #tpu.memory_space<vmem>>
    %dma_start3A_39 = tpu.memref_squeeze %dma_start3A_38 : memref<1x125xi32, #tpu.memory_space<vmem>> -> memref<125xi32, #tpu.memory_space<vmem>>
    %dma_start3A_40 = arith.constant 0 : i32
    %dma_start3A_41 = arith.constant 0 : i32
    %dma_start3A_42 = tpu.memref_slice %arg2[%dma_start3A_40, %dma_start3A_41] : memref<20000x64xf32, #tpu.memory_space<hbm>> -> memref<20000x64xf32, #tpu.memory_space<hbm>>
    %dma_start3A_43 = tpu.memref_slice %arg9[%dma_start3A_32] : memref<4x!tpu.dma_semaphore, #tpu.memory_space<semaphore_mem>> -> memref<1x!tpu.dma_semaphore, #tpu.memory_space<semaphore_mem>>
    %dma_start3A_44 = tpu.memref_squeeze %dma_start3A_43 : memref<1x!tpu.dma_semaphore, #tpu.memory_space<semaphore_mem>> -> memref<!tpu.dma_semaphore, #tpu.memory_space<semaphore_mem>>
    tpu.enqueue_indirect_dma source(%dma_start3A_42 : memref<20000x64xf32, #tpu.memory_space<hbm>>) target(%dma_start3A_36 : memref<125x64xf32, #tpu.memory_space<vmem>>) offsets(%dma_start3A_39 : memref<125xi32, #tpu.memory_space<vmem>>) semaphore(%dma_start3A_44 : memref<!tpu.dma_semaphore, #tpu.memory_space<semaphore_mem>>)
    %scan3A = arith.constant 0 : i32
    %scan3A_45 = arith.constant 0 : i32
    %scan3A_46 = arith.constant 79 : i32
    %scan3A_47 = arith.addi %scan3A_45, %scan3A_46 : i32
    %scan3A_48 = arith.constant 1 : i32
    scf.for %scan3A_247 = %scan3A_45 to %scan3A_47 step %scan3A_48  : i32 {
      %broadcast_in_dim3A = arith.constant 0.000000e+00 : f32
      %broadcast_in_dim3A_248 = vector.broadcast %broadcast_in_dim3A : f32 to vector<16xf32>
      %swap3A = arith.index_cast %scan3A_247 : i32 to index
      %swap3A_249 = arith.constant 0 : index
      %swap3A_250 = tpu.vector_load %arg11[%swap3A, %swap3A_249] {strides = array<i32>} : memref<79x64xf32, #tpu.memory_space<vmem>>, vector<1x16xf32>,
      %swap3A_251 = vector.shape_cast %swap3A_250 : vector<1x16xf32> to vector<16xf32>
      %swap3A_252 = vector.shape_cast %broadcast_in_dim3A_248 : vector<16xf32> to vector<1x16xf32>
      tpu.vector_store %arg11[%swap3A, %swap3A_249], %swap3A_252 {strides = array<i32>} : memref<79x64xf32, #tpu.memory_space<vmem>>, vector<1x16xf32>,
      %broadcast_in_dim3A_253 = arith.constant 0.000000e+00 : f32
      %broadcast_in_dim3A_254 = vector.broadcast %broadcast_in_dim3A_253 : f32 to vector<16xf32>
      %swap3A_255 = arith.index_cast %scan3A_247 : i32 to index
      %swap3A_256 = arith.constant 16 : index
      %swap3A_257 = tpu.vector_load %arg11[%swap3A_255, %swap3A_256] {strides = array<i32>} : memref<79x64xf32, #tpu.memory_space<vmem>>, vector<1x16xf32>,
      %swap3A_258 = vector.shape_cast %swap3A_257 : vector<1x16xf32> to vector<16xf32>
      %swap3A_259 = vector.shape_cast %broadcast_in_dim3A_254 : vector<16xf32> to vector<1x16xf32>
      tpu.vector_store %arg11[%swap3A_255, %swap3A_256], %swap3A_259 {strides = array<i32>} : memref<79x64xf32, #tpu.memory_space<vmem>>, vector<1x16xf32>,
      %broadcast_in_dim3A_260 = arith.constant 0.000000e+00 : f32
      %broadcast_in_dim3A_261 = vector.broadcast %broadcast_in_dim3A_260 : f32 to vector<16xf32>
      %swap3A_262 = arith.index_cast %scan3A_247 : i32 to index
      %swap3A_263 = arith.constant 32 : index
      %swap3A_264 = tpu.vector_load %arg11[%swap3A_262, %swap3A_263] {strides = array<i32>} : memref<79x64xf32, #tpu.memory_space<vmem>>, vector<1x16xf32>,
      %swap3A_265 = vector.shape_cast %swap3A_264 : vector<1x16xf32> to vector<16xf32>
      %swap3A_266 = vector.shape_cast %broadcast_in_dim3A_261 : vector<16xf32> to vector<1x16xf32>
      tpu.vector_store %arg11[%swap3A_262, %swap3A_263], %swap3A_266 {strides = array<i32>} : memref<79x64xf32, #tpu.memory_space<vmem>>, vector<1x16xf32>,
      %broadcast_in_dim3A_267 = arith.constant 0.000000e+00 : f32
      %broadcast_in_dim3A_268 = vector.broadcast %broadcast_in_dim3A_267 : f32 to vector<16xf32>
      %swap3A_269 = arith.index_cast %scan3A_247 : i32 to index
      %swap3A_270 = arith.constant 48 : index
      %swap3A_271 = tpu.vector_load %arg11[%swap3A_269, %swap3A_270] {strides = array<i32>} : memref<79x64xf32, #tpu.memory_space<vmem>>, vector<1x16xf32>,
      %swap3A_272 = vector.shape_cast %swap3A_271 : vector<1x16xf32> to vector<16xf32>
      %swap3A_273 = vector.shape_cast %broadcast_in_dim3A_268 : vector<16xf32> to vector<1x16xf32>
      tpu.vector_store %arg11[%swap3A_269, %swap3A_270], %swap3A_273 {strides = array<i32>} : memref<79x64xf32, #tpu.memory_space<vmem>>, vector<1x16xf32>,
    }
    %scan3A_49 = arith.constant 79 : i32
    %mul3A_50 = arith.constant 632 : i32
    %mul3A_51 = arith.muli %arg1, %mul3A_50 : i32
    %add3A_52 = arith.constant 0 : i32
    %add3A_53 = arith.addi %mul3A_51, %add3A_52 : i32
    "tpu.region"() ({
      %run_scoped3A = tpu.sem_alloc : memref<!tpu.dma_semaphore, #tpu.memory_space<semaphore_mem>>
      %dma_start3A_247 = arith.constant 0 : i32
      %dma_start3A_248 = tpu.memref_slice %arg12[%add3A_53, %dma_start3A_247] : memref<10112x64xf32, #tpu.memory_space<vmem_shared>> -> memref<79x64xf32, #tpu.memory_space<vmem_shared>>
      %dma_start3A_249 = arith.constant 0 : i32
      %dma_start3A_250 = tpu.memref_slice %arg12[%add3A_53, %dma_start3A_249] : memref<10112x64xf32, #tpu.memory_space<vmem_shared>> -> memref<79x64xf32, #tpu.memory_space<vmem_shared>>
      tpu.enqueue_dma source(%arg11 : memref<79x64xf32, #tpu.memory_space<vmem>>) target(%dma_start3A_250 : memref<79x64xf32, #tpu.memory_space<vmem_shared>>) target_semaphore(%run_scoped3A : memref<!tpu.dma_semaphore, #tpu.memory_space<semaphore_mem>>)
      %dma_wait3A_251 = arith.constant 0 : i32
      %dma_wait3A_252 = tpu.memref_slice %arg12[%add3A_53, %dma_wait3A_251] : memref<10112x64xf32, #tpu.memory_space<vmem_shared>> -> memref<79x64xf32, #tpu.memory_space<vmem_shared>>
      %dma_wait3A_253 = arith.constant 0 : i32
      %dma_wait3A_254 = tpu.memref_slice %arg12[%add3A_53, %dma_wait3A_253] : memref<10112x64xf32, #tpu.memory_space<vmem_shared>> -> memref<79x64xf32, #tpu.memory_space<vmem_shared>>
      tpu.wait_dma2 semaphore(%run_scoped3A : memref<!tpu.dma_semaphore, #tpu.memory_space<semaphore_mem>>) src(%arg11 : memref<79x64xf32, #tpu.memory_space<vmem>>) dst(%dma_wait3A_254 : memref<79x64xf32, #tpu.memory_space<vmem_shared>>)
      tpu.yield
    }) : () -> ()
    %add3A_54 = arith.constant 79 : i32
    %add3A_55 = arith.addi %mul3A_51, %add3A_54 : i32
    "tpu.region"() ({
      %run_scoped3A = tpu.sem_alloc : memref<!tpu.dma_semaphore, #tpu.memory_space<semaphore_mem>>
      %dma_start3A_247 = arith.constant 0 : i32
      %dma_start3A_248 = tpu.memref_slice %arg12[%add3A_55, %dma_start3A_247] : memref<10112x64xf32, #tpu.memory_space<vmem_shared>> -> memref<79x64xf32, #tpu.memory_space<vmem_shared>>
      %dma_start3A_249 = arith.constant 0 : i32
      %dma_start3A_250 = tpu.memref_slice %arg12[%add3A_55, %dma_start3A_249] : memref<10112x64xf32, #tpu.memory_space<vmem_shared>> -> memref<79x64xf32, #tpu.memory_space<vmem_shared>>
      tpu.enqueue_dma source(%arg11 : memref<79x64xf32, #tpu.memory_space<vmem>>) target(%dma_start3A_250 : memref<79x64xf32, #tpu.memory_space<vmem_shared>>) target_semaphore(%run_scoped3A : memref<!tpu.dma_semaphore, #tpu.memory_space<semaphore_mem>>)
      %dma_wait3A_251 = arith.constant 0 : i32
      %dma_wait3A_252 = tpu.memref_slice %arg12[%add3A_55, %dma_wait3A_251] : memref<10112x64xf32, #tpu.memory_space<vmem_shared>> -> memref<79x64xf32, #tpu.memory_space<vmem_shared>>
      %dma_wait3A_253 = arith.constant 0 : i32
      %dma_wait3A_254 = tpu.memref_slice %arg12[%add3A_55, %dma_wait3A_253] : memref<10112x64xf32, #tpu.memory_space<vmem_shared>> -> memref<79x64xf32, #tpu.memory_space<vmem_shared>>
      tpu.wait_dma2 semaphore(%run_scoped3A : memref<!tpu.dma_semaphore, #tpu.memory_space<semaphore_mem>>) src(%arg11 : memref<79x64xf32, #tpu.memory_space<vmem>>) dst(%dma_wait3A_254 : memref<79x64xf32, #tpu.memory_space<vmem_shared>>)
      tpu.yield
    }) : () -> ()
    %add3A_56 = arith.constant 158 : i32
    %add3A_57 = arith.addi %mul3A_51, %add3A_56 : i32
    "tpu.region"() ({
      %run_scoped3A = tpu.sem_alloc : memref<!tpu.dma_semaphore, #tpu.memory_space<semaphore_mem>>
      %dma_start3A_247 = arith.constant 0 : i32
      %dma_start3A_248 = tpu.memref_slice %arg12[%add3A_57, %dma_start3A_247] : memref<10112x64xf32, #tpu.memory_space<vmem_shared>> -> memref<79x64xf32, #tpu.memory_space<vmem_shared>>
      %dma_start3A_249 = arith.constant 0 : i32
      %dma_start3A_250 = tpu.memref_slice %arg12[%add3A_57, %dma_start3A_249] : memref<10112x64xf32, #tpu.memory_space<vmem_shared>> -> memref<79x64xf32, #tpu.memory_space<vmem_shared>>
      tpu.enqueue_dma source(%arg11 : memref<79x64xf32, #tpu.memory_space<vmem>>) target(%dma_start3A_250 : memref<79x64xf32, #tpu.memory_space<vmem_shared>>) target_semaphore(%run_scoped3A : memref<!tpu.dma_semaphore, #tpu.memory_space<semaphore_mem>>)
      %dma_wait3A_251 = arith.constant 0 : i32
      %dma_wait3A_252 = tpu.memref_slice %arg12[%add3A_57, %dma_wait3A_251] : memref<10112x64xf32, #tpu.memory_space<vmem_shared>> -> memref<79x64xf32, #tpu.memory_space<vmem_shared>>
      %dma_wait3A_253 = arith.constant 0 : i32
      %dma_wait3A_254 = tpu.memref_slice %arg12[%add3A_57, %dma_wait3A_253] : memref<10112x64xf32, #tpu.memory_space<vmem_shared>> -> memref<79x64xf32, #tpu.memory_space<vmem_shared>>
      tpu.wait_dma2 semaphore(%run_scoped3A : memref<!tpu.dma_semaphore, #tpu.memory_space<semaphore_mem>>) src(%arg11 : memref<79x64xf32, #tpu.memory_space<vmem>>) dst(%dma_wait3A_254 : memref<79x64xf32, #tpu.memory_space<vmem_shared>>)
      tpu.yield
    }) : () -> ()
    %add3A_58 = arith.constant 237 : i32
    %add3A_59 = arith.addi %mul3A_51, %add3A_58 : i32
    "tpu.region"() ({
      %run_scoped3A = tpu.sem_alloc : memref<!tpu.dma_semaphore, #tpu.memory_space<semaphore_mem>>
      %dma_start3A_247 = arith.constant 0 : i32
      %dma_start3A_248 = tpu.memref_slice %arg12[%add3A_59, %dma_start3A_247] : memref<10112x64xf32, #tpu.memory_space<vmem_shared>> -> memref<79x64xf32, #tpu.memory_space<vmem_shared>>
      %dma_start3A_249 = arith.constant 0 : i32
      %dma_start3A_250 = tpu.memref_slice %arg12[%add3A_59, %dma_start3A_249] : memref<10112x64xf32, #tpu.memory_space<vmem_shared>> -> memref<79x64xf32, #tpu.memory_space<vmem_shared>>
      tpu.enqueue_dma source(%arg11 : memref<79x64xf32, #tpu.memory_space<vmem>>) target(%dma_start3A_250 : memref<79x64xf32, #tpu.memory_space<vmem_shared>>) target_semaphore(%run_scoped3A : memref<!tpu.dma_semaphore, #tpu.memory_space<semaphore_mem>>)
      %dma_wait3A_251 = arith.constant 0 : i32
      %dma_wait3A_252 = tpu.memref_slice %arg12[%add3A_59, %dma_wait3A_251] : memref<10112x64xf32, #tpu.memory_space<vmem_shared>> -> memref<79x64xf32, #tpu.memory_space<vmem_shared>>
      %dma_wait3A_253 = arith.constant 0 : i32
      %dma_wait3A_254 = tpu.memref_slice %arg12[%add3A_59, %dma_wait3A_253] : memref<10112x64xf32, #tpu.memory_space<vmem_shared>> -> memref<79x64xf32, #tpu.memory_space<vmem_shared>>
      tpu.wait_dma2 semaphore(%run_scoped3A : memref<!tpu.dma_semaphore, #tpu.memory_space<semaphore_mem>>) src(%arg11 : memref<79x64xf32, #tpu.memory_space<vmem>>) dst(%dma_wait3A_254 : memref<79x64xf32, #tpu.memory_space<vmem_shared>>)
      tpu.yield
    }) : () -> ()
    %add3A_60 = arith.constant 316 : i32
    %add3A_61 = arith.addi %mul3A_51, %add3A_60 : i32
    "tpu.region"() ({
      %run_scoped3A = tpu.sem_alloc : memref<!tpu.dma_semaphore, #tpu.memory_space<semaphore_mem>>
      %dma_start3A_247 = arith.constant 0 : i32
      %dma_start3A_248 = tpu.memref_slice %arg12[%add3A_61, %dma_start3A_247] : memref<10112x64xf32, #tpu.memory_space<vmem_shared>> -> memref<79x64xf32, #tpu.memory_space<vmem_shared>>
      %dma_start3A_249 = arith.constant 0 : i32
      %dma_start3A_250 = tpu.memref_slice %arg12[%add3A_61, %dma_start3A_249] : memref<10112x64xf32, #tpu.memory_space<vmem_shared>> -> memref<79x64xf32, #tpu.memory_space<vmem_shared>>
      tpu.enqueue_dma source(%arg11 : memref<79x64xf32, #tpu.memory_space<vmem>>) target(%dma_start3A_250 : memref<79x64xf32, #tpu.memory_space<vmem_shared>>) target_semaphore(%run_scoped3A : memref<!tpu.dma_semaphore, #tpu.memory_space<semaphore_mem>>)
      %dma_wait3A_251 = arith.constant 0 : i32
      %dma_wait3A_252 = tpu.memref_slice %arg12[%add3A_61, %dma_wait3A_251] : memref<10112x64xf32, #tpu.memory_space<vmem_shared>> -> memref<79x64xf32, #tpu.memory_space<vmem_shared>>
      %dma_wait3A_253 = arith.constant 0 : i32
      %dma_wait3A_254 = tpu.memref_slice %arg12[%add3A_61, %dma_wait3A_253] : memref<10112x64xf32, #tpu.memory_space<vmem_shared>> -> memref<79x64xf32, #tpu.memory_space<vmem_shared>>
      tpu.wait_dma2 semaphore(%run_scoped3A : memref<!tpu.dma_semaphore, #tpu.memory_space<semaphore_mem>>) src(%arg11 : memref<79x64xf32, #tpu.memory_space<vmem>>) dst(%dma_wait3A_254 : memref<79x64xf32, #tpu.memory_space<vmem_shared>>)
      tpu.yield
    }) : () -> ()
    %add3A_62 = arith.constant 395 : i32
    %add3A_63 = arith.addi %mul3A_51, %add3A_62 : i32
    "tpu.region"() ({
      %run_scoped3A = tpu.sem_alloc : memref<!tpu.dma_semaphore, #tpu.memory_space<semaphore_mem>>
      %dma_start3A_247 = arith.constant 0 : i32
      %dma_start3A_248 = tpu.memref_slice %arg12[%add3A_63, %dma_start3A_247] : memref<10112x64xf32, #tpu.memory_space<vmem_shared>> -> memref<79x64xf32, #tpu.memory_space<vmem_shared>>
      %dma_start3A_249 = arith.constant 0 : i32
      %dma_start3A_250 = tpu.memref_slice %arg12[%add3A_63, %dma_start3A_249] : memref<10112x64xf32, #tpu.memory_space<vmem_shared>> -> memref<79x64xf32, #tpu.memory_space<vmem_shared>>
      tpu.enqueue_dma source(%arg11 : memref<79x64xf32, #tpu.memory_space<vmem>>) target(%dma_start3A_250 : memref<79x64xf32, #tpu.memory_space<vmem_shared>>) target_semaphore(%run_scoped3A : memref<!tpu.dma_semaphore, #tpu.memory_space<semaphore_mem>>)
      %dma_wait3A_251 = arith.constant 0 : i32
      %dma_wait3A_252 = tpu.memref_slice %arg12[%add3A_63, %dma_wait3A_251] : memref<10112x64xf32, #tpu.memory_space<vmem_shared>> -> memref<79x64xf32, #tpu.memory_space<vmem_shared>>
      %dma_wait3A_253 = arith.constant 0 : i32
      %dma_wait3A_254 = tpu.memref_slice %arg12[%add3A_63, %dma_wait3A_253] : memref<10112x64xf32, #tpu.memory_space<vmem_shared>> -> memref<79x64xf32, #tpu.memory_space<vmem_shared>>
      tpu.wait_dma2 semaphore(%run_scoped3A : memref<!tpu.dma_semaphore, #tpu.memory_space<semaphore_mem>>) src(%arg11 : memref<79x64xf32, #tpu.memory_space<vmem>>) dst(%dma_wait3A_254 : memref<79x64xf32, #tpu.memory_space<vmem_shared>>)
      tpu.yield
    }) : () -> ()
    %add3A_64 = arith.constant 474 : i32
    %add3A_65 = arith.addi %mul3A_51, %add3A_64 : i32
    "tpu.region"() ({
      %run_scoped3A = tpu.sem_alloc : memref<!tpu.dma_semaphore, #tpu.memory_space<semaphore_mem>>
      %dma_start3A_247 = arith.constant 0 : i32
      %dma_start3A_248 = tpu.memref_slice %arg12[%add3A_65, %dma_start3A_247] : memref<10112x64xf32, #tpu.memory_space<vmem_shared>> -> memref<79x64xf32, #tpu.memory_space<vmem_shared>>
      %dma_start3A_249 = arith.constant 0 : i32
      %dma_start3A_250 = tpu.memref_slice %arg12[%add3A_65, %dma_start3A_249] : memref<10112x64xf32, #tpu.memory_space<vmem_shared>> -> memref<79x64xf32, #tpu.memory_space<vmem_shared>>
      tpu.enqueue_dma source(%arg11 : memref<79x64xf32, #tpu.memory_space<vmem>>) target(%dma_start3A_250 : memref<79x64xf32, #tpu.memory_space<vmem_shared>>) target_semaphore(%run_scoped3A : memref<!tpu.dma_semaphore, #tpu.memory_space<semaphore_mem>>)
      %dma_wait3A_251 = arith.constant 0 : i32
      %dma_wait3A_252 = tpu.memref_slice %arg12[%add3A_65, %dma_wait3A_251] : memref<10112x64xf32, #tpu.memory_space<vmem_shared>> -> memref<79x64xf32, #tpu.memory_space<vmem_shared>>
      %dma_wait3A_253 = arith.constant 0 : i32
      %dma_wait3A_254 = tpu.memref_slice %arg12[%add3A_65, %dma_wait3A_253] : memref<10112x64xf32, #tpu.memory_space<vmem_shared>> -> memref<79x64xf32, #tpu.memory_space<vmem_shared>>
      tpu.wait_dma2 semaphore(%run_scoped3A : memref<!tpu.dma_semaphore, #tpu.memory_space<semaphore_mem>>) src(%arg11 : memref<79x64xf32, #tpu.memory_space<vmem>>) dst(%dma_wait3A_254 : memref<79x64xf32, #tpu.memory_space<vmem_shared>>)
      tpu.yield
    }) : () -> ()
    %add3A_66 = arith.constant 553 : i32
    %add3A_67 = arith.addi %mul3A_51, %add3A_66 : i32
    "tpu.region"() ({
      %run_scoped3A = tpu.sem_alloc : memref<!tpu.dma_semaphore, #tpu.memory_space<semaphore_mem>>
      %dma_start3A_247 = arith.constant 0 : i32
      %dma_start3A_248 = tpu.memref_slice %arg12[%add3A_67, %dma_start3A_247] : memref<10112x64xf32, #tpu.memory_space<vmem_shared>> -> memref<79x64xf32, #tpu.memory_space<vmem_shared>>
      %dma_start3A_249 = arith.constant 0 : i32
      %dma_start3A_250 = tpu.memref_slice %arg12[%add3A_67, %dma_start3A_249] : memref<10112x64xf32, #tpu.memory_space<vmem_shared>> -> memref<79x64xf32, #tpu.memory_space<vmem_shared>>
      tpu.enqueue_dma source(%arg11 : memref<79x64xf32, #tpu.memory_space<vmem>>) target(%dma_start3A_250 : memref<79x64xf32, #tpu.memory_space<vmem_shared>>) target_semaphore(%run_scoped3A : memref<!tpu.dma_semaphore, #tpu.memory_space<semaphore_mem>>)
      %dma_wait3A_251 = arith.constant 0 : i32
      %dma_wait3A_252 = tpu.memref_slice %arg12[%add3A_67, %dma_wait3A_251] : memref<10112x64xf32, #tpu.memory_space<vmem_shared>> -> memref<79x64xf32, #tpu.memory_space<vmem_shared>>
      %dma_wait3A_253 = arith.constant 0 : i32
      %dma_wait3A_254 = tpu.memref_slice %arg12[%add3A_67, %dma_wait3A_253] : memref<10112x64xf32, #tpu.memory_space<vmem_shared>> -> memref<79x64xf32, #tpu.memory_space<vmem_shared>>
      tpu.wait_dma2 semaphore(%run_scoped3A : memref<!tpu.dma_semaphore, #tpu.memory_space<semaphore_mem>>) src(%arg11 : memref<79x64xf32, #tpu.memory_space<vmem>>) dst(%dma_wait3A_254 : memref<79x64xf32, #tpu.memory_space<vmem_shared>>)
      tpu.yield
    }) : () -> ()
    %barrier3A = arith.constant 0 : index
    tpu.barrier barrier_id(%barrier3A)
    %dma_start3A_68 = arith.constant 3 : i32
    %dma_start3A_69 = arith.constant 3 : i32
    %dma_start3A_70 = arith.constant 3 : i32
    %dma_start3A_71 = arith.constant 0 : i32
    %dma_start3A_72 = arith.constant 0 : i32
    %dma_start3A_73 = tpu.memref_slice %arg8[%dma_start3A_69, %dma_start3A_71, %dma_start3A_72] : memref<4x125x64xf32, #tpu.memory_space<vmem>> -> memref<1x125x64xf32, #tpu.memory_space<vmem>>
    %dma_start3A_74 = tpu.memref_squeeze %dma_start3A_73 : memref<1x125x64xf32, #tpu.memory_space<vmem>> -> memref<125x64xf32, #tpu.memory_space<vmem>>
    %dma_start3A_75 = arith.constant 0 : i32
    %dma_start3A_76 = tpu.memref_slice %arg6[%dma_start3A_68, %dma_start3A_75] : memref<160x125xi32, #tpu.memory_space<vmem>> -> memref<1x125xi32, #tpu.memory_space<vmem>>
    %dma_start3A_77 = tpu.memref_squeeze %dma_start3A_76 : memref<1x125xi32, #tpu.memory_space<vmem>> -> memref<125xi32, #tpu.memory_space<vmem>>
    %dma_start3A_78 = arith.constant 0 : i32
    %dma_start3A_79 = arith.constant 0 : i32
    %dma_start3A_80 = tpu.memref_slice %arg2[%dma_start3A_78, %dma_start3A_79] : memref<20000x64xf32, #tpu.memory_space<hbm>> -> memref<20000x64xf32, #tpu.memory_space<hbm>>
    %dma_start3A_81 = tpu.memref_slice %arg9[%dma_start3A_70] : memref<4x!tpu.dma_semaphore, #tpu.memory_space<semaphore_mem>> -> memref<1x!tpu.dma_semaphore, #tpu.memory_space<semaphore_mem>>
    %dma_start3A_82 = tpu.memref_squeeze %dma_start3A_81 : memref<1x!tpu.dma_semaphore, #tpu.memory_space<semaphore_mem>> -> memref<!tpu.dma_semaphore, #tpu.memory_space<semaphore_mem>>
    tpu.enqueue_indirect_dma source(%dma_start3A_80 : memref<20000x64xf32, #tpu.memory_space<hbm>>) target(%dma_start3A_74 : memref<125x64xf32, #tpu.memory_space<vmem>>) offsets(%dma_start3A_77 : memref<125xi32, #tpu.memory_space<vmem>>) semaphore(%dma_start3A_82 : memref<!tpu.dma_semaphore, #tpu.memory_space<semaphore_mem>>)
    %dma_wait3A = arith.constant 0 : i32
    %dma_wait3A_83 = arith.constant 0 : i32
    %dma_wait3A_84 = arith.constant 0 : i32
    %dma_wait3A_85 = arith.constant 0 : i32
    %dma_wait3A_86 = arith.constant 0 : i32
    %dma_wait3A_87 = tpu.memref_slice %arg8[%dma_wait3A_83, %dma_wait3A_85, %dma_wait3A_86] : memref<4x125x64xf32, #tpu.memory_space<vmem>> -> memref<1x125x64xf32, #tpu.memory_space<vmem>>
    %dma_wait3A_88 = tpu.memref_squeeze %dma_wait3A_87 : memref<1x125x64xf32, #tpu.memory_space<vmem>> -> memref<125x64xf32, #tpu.memory_space<vmem>>
    %dma_wait3A_89 = arith.constant 0 : i32
    %dma_wait3A_90 = tpu.memref_slice %arg6[%dma_wait3A, %dma_wait3A_89] : memref<160x125xi32, #tpu.memory_space<vmem>> -> memref<1x125xi32, #tpu.memory_space<vmem>>
    %dma_wait3A_91 = tpu.memref_squeeze %dma_wait3A_90 : memref<1x125xi32, #tpu.memory_space<vmem>> -> memref<125xi32, #tpu.memory_space<vmem>>
    %dma_wait3A_92 = arith.constant 0 : i32
    %dma_wait3A_93 = arith.constant 0 : i32
    %dma_wait3A_94 = tpu.memref_slice %arg2[%dma_wait3A_92, %dma_wait3A_93] : memref<20000x64xf32, #tpu.memory_space<hbm>> -> memref<20000x64xf32, #tpu.memory_space<hbm>>
    %dma_wait3A_95 = tpu.memref_slice %arg9[%dma_wait3A_84] : memref<4x!tpu.dma_semaphore, #tpu.memory_space<semaphore_mem>> -> memref<1x!tpu.dma_semaphore, #tpu.memory_space<semaphore_mem>>
    %dma_wait3A_96 = tpu.memref_squeeze %dma_wait3A_95 : memref<1x!tpu.dma_semaphore, #tpu.memory_space<semaphore_mem>> -> memref<!tpu.dma_semaphore, #tpu.memory_space<semaphore_mem>>
    tpu.wait_indirect_dma semaphore(%dma_wait3A_96 : memref<!tpu.dma_semaphore, #tpu.memory_space<semaphore_mem>>) src(%dma_wait3A_94 : memref<20000x64xf32, #tpu.memory_space<hbm>>) dst(%dma_wait3A_88 : memref<125x64xf32, #tpu.memory_space<vmem>>)
    %dma_start3A_97 = arith.constant 0 : i32
    %dma_start3A_98 = arith.constant 0 : i32
    %dma_start3A_99 = arith.constant 0 : i32
    %dma_start3A_100 = arith.constant 0 : i32
    %dma_start3A_101 = tpu.memref_slice %arg8[%dma_start3A_97, %dma_start3A_99, %dma_start3A_100] : memref<4x125x64xf32, #tpu.memory_space<vmem>> -> memref<1x125x64xf32, #tpu.memory_space<vmem>>
    %dma_start3A_102 = tpu.memref_squeeze %dma_start3A_101 : memref<1x125x64xf32, #tpu.memory_space<vmem>> -> memref<125x64xf32, #tpu.memory_space<vmem>>
    %dma_start3A_103 = arith.constant 0 : i32
    %dma_start3A_104 = tpu.memref_slice %arg7[%dma_start3A_98, %dma_start3A_103] : memref<160x125xi32, #tpu.memory_space<vmem>> -> memref<1x125xi32, #tpu.memory_space<vmem>>
    %dma_start3A_105 = tpu.memref_squeeze %dma_start3A_104 : memref<1x125xi32, #tpu.memory_space<vmem>> -> memref<125xi32, #tpu.memory_space<vmem>>
    %dma_start3A_106 = arith.constant 0 : i32
    %dma_start3A_107 = arith.constant 0 : i32
    %dma_start3A_108 = tpu.memref_slice %arg12[%dma_start3A_106, %dma_start3A_107] : memref<10112x64xf32, #tpu.memory_space<vmem_shared>> -> memref<10112x64xf32, #tpu.memory_space<vmem_shared>>
    tpu.enqueue_indirect_dma source(%dma_start3A_102 : memref<125x64xf32, #tpu.memory_space<vmem>>) target(%dma_start3A_108 : memref<10112x64xf32, #tpu.memory_space<vmem_shared>>) offsets(%dma_start3A_105 : memref<125xi32, #tpu.memory_space<vmem>>) semaphore(%arg10 : memref<!tpu.dma_semaphore, #tpu.memory_space<semaphore_mem>>) {add = true}
    %scan3A_109 = arith.constant 0 : i32
    %scan3A_110 = arith.constant 0 : i32
    %scan3A_111 = arith.constant 39 : i32
    %scan3A_112 = arith.addi %scan3A_110, %scan3A_111 : i32
    %scan3A_113 = arith.constant 1 : i32
    scf.for %scan3A_247 = %scan3A_110 to %scan3A_112 step %scan3A_113  : i32 {
      %mul3A_248 = arith.constant 4 : i32
      %mul3A_249 = arith.muli %scan3A_247, %mul3A_248 : i32
      %add3A_250 = arith.constant 1 : i32
      %add3A_251 = arith.addi %add3A_250, %mul3A_249 : i32
      %add3A_252 = arith.constant 0 : i32
      %add3A_253 = arith.addi %add3A_251, %add3A_252 : i32
      %sub3A = arith.constant 1 : i32
      %sub3A_254 = arith.subi %add3A_253, %sub3A : i32
      %dma_wait3A_255 = arith.constant 0 : i32
      %dma_wait3A_256 = arith.constant 0 : i32
      %dma_wait3A_257 = arith.constant 0 : i32
      %dma_wait3A_258 = tpu.memref_slice %arg8[%dma_wait3A_255, %dma_wait3A_256, %dma_wait3A_257] : memref<4x125x64xf32, #tpu.memory_space<vmem>> -> memref<1x125x64xf32, #tpu.memory_space<vmem>>
      %dma_wait3A_259 = tpu.memref_squeeze %dma_wait3A_258 : memref<1x125x64xf32, #tpu.memory_space<vmem>> -> memref<125x64xf32, #tpu.memory_space<vmem>>
      %dma_wait3A_260 = arith.constant 0 : i32
      %dma_wait3A_261 = tpu.memref_slice %arg7[%sub3A_254, %dma_wait3A_260] : memref<160x125xi32, #tpu.memory_space<vmem>> -> memref<1x125xi32, #tpu.memory_space<vmem>>
      %dma_wait3A_262 = tpu.memref_squeeze %dma_wait3A_261 : memref<1x125xi32, #tpu.memory_space<vmem>> -> memref<125xi32, #tpu.memory_space<vmem>>
      %dma_wait3A_263 = arith.constant 0 : i32
      %dma_wait3A_264 = arith.constant 0 : i32
      %dma_wait3A_265 = tpu.memref_slice %arg12[%dma_wait3A_263, %dma_wait3A_264] : memref<10112x64xf32, #tpu.memory_space<vmem_shared>> -> memref<10112x64xf32, #tpu.memory_space<vmem_shared>>
      tpu.wait_indirect_dma semaphore(%arg10 : memref<!tpu.dma_semaphore, #tpu.memory_space<semaphore_mem>>) src(%dma_wait3A_259 : memref<125x64xf32, #tpu.memory_space<vmem>>) dst(%dma_wait3A_265 : memref<10112x64xf32, #tpu.memory_space<vmem_shared>>)
      %add3A_266 = arith.constant 3 : i32
      %add3A_267 = arith.addi %add3A_253, %add3A_266 : i32
      %dma_start3A_268 = arith.constant 0 : i32
      %dma_start3A_269 = arith.constant 0 : i32
      %dma_start3A_270 = arith.constant 0 : i32
      %dma_start3A_271 = arith.constant 0 : i32
      %dma_start3A_272 = tpu.memref_slice %arg8[%dma_start3A_268, %dma_start3A_270, %dma_start3A_271] : memref<4x125x64xf32, #tpu.memory_space<vmem>> -> memref<1x125x64xf32, #tpu.memory_space<vmem>>
      %dma_start3A_273 = tpu.memref_squeeze %dma_start3A_272 : memref<1x125x64xf32, #tpu.memory_space<vmem>> -> memref<125x64xf32, #tpu.memory_space<vmem>>
      %dma_start3A_274 = arith.constant 0 : i32
      %dma_start3A_275 = tpu.memref_slice %arg6[%add3A_267, %dma_start3A_274] : memref<160x125xi32, #tpu.memory_space<vmem>> -> memref<1x125xi32, #tpu.memory_space<vmem>>
      %dma_start3A_276 = tpu.memref_squeeze %dma_start3A_275 : memref<1x125xi32, #tpu.memory_space<vmem>> -> memref<125xi32, #tpu.memory_space<vmem>>
      %dma_start3A_277 = arith.constant 0 : i32
      %dma_start3A_278 = arith.constant 0 : i32
      %dma_start3A_279 = tpu.memref_slice %arg2[%dma_start3A_277, %dma_start3A_278] : memref<20000x64xf32, #tpu.memory_space<hbm>> -> memref<20000x64xf32, #tpu.memory_space<hbm>>
      %dma_start3A_280 = tpu.memref_slice %arg9[%dma_start3A_269] : memref<4x!tpu.dma_semaphore, #tpu.memory_space<semaphore_mem>> -> memref<1x!tpu.dma_semaphore, #tpu.memory_space<semaphore_mem>>
      %dma_start3A_281 = tpu.memref_squeeze %dma_start3A_280 : memref<1x!tpu.dma_semaphore, #tpu.memory_space<semaphore_mem>> -> memref<!tpu.dma_semaphore, #tpu.memory_space<semaphore_mem>>
      tpu.enqueue_indirect_dma source(%dma_start3A_279 : memref<20000x64xf32, #tpu.memory_space<hbm>>) target(%dma_start3A_273 : memref<125x64xf32, #tpu.memory_space<vmem>>) offsets(%dma_start3A_276 : memref<125xi32, #tpu.memory_space<vmem>>) semaphore(%dma_start3A_281 : memref<!tpu.dma_semaphore, #tpu.memory_space<semaphore_mem>>)
      %dma_wait3A_282 = arith.constant 1 : i32
      %dma_wait3A_283 = arith.constant 1 : i32
      %dma_wait3A_284 = arith.constant 0 : i32
      %dma_wait3A_285 = arith.constant 0 : i32
      %dma_wait3A_286 = tpu.memref_slice %arg8[%dma_wait3A_282, %dma_wait3A_284, %dma_wait3A_285] : memref<4x125x64xf32, #tpu.memory_space<vmem>> -> memref<1x125x64xf32, #tpu.memory_space<vmem>>
      %dma_wait3A_287 = tpu.memref_squeeze %dma_wait3A_286 : memref<1x125x64xf32, #tpu.memory_space<vmem>> -> memref<125x64xf32, #tpu.memory_space<vmem>>
      %dma_wait3A_288 = arith.constant 0 : i32
      %dma_wait3A_289 = tpu.memref_slice %arg6[%add3A_253, %dma_wait3A_288] : memref<160x125xi32, #tpu.memory_space<vmem>> -> memref<1x125xi32, #tpu.memory_space<vmem>>
      %dma_wait3A_290 = tpu.memref_squeeze %dma_wait3A_289 : memref<1x125xi32, #tpu.memory_space<vmem>> -> memref<125xi32, #tpu.memory_space<vmem>>
      %dma_wait3A_291 = arith.constant 0 : i32
      %dma_wait3A_292 = arith.constant 0 : i32
      %dma_wait3A_293 = tpu.memref_slice %arg2[%dma_wait3A_291, %dma_wait3A_292] : memref<20000x64xf32, #tpu.memory_space<hbm>> -> memref<20000x64xf32, #tpu.memory_space<hbm>>
      %dma_wait3A_294 = tpu.memref_slice %arg9[%dma_wait3A_283] : memref<4x!tpu.dma_semaphore, #tpu.memory_space<semaphore_mem>> -> memref<1x!tpu.dma_semaphore, #tpu.memory_space<semaphore_mem>>
      %dma_wait3A_295 = tpu.memref_squeeze %dma_wait3A_294 : memref<1x!tpu.dma_semaphore, #tpu.memory_space<semaphore_mem>> -> memref<!tpu.dma_semaphore, #tpu.memory_space<semaphore_mem>>
      tpu.wait_indirect_dma semaphore(%dma_wait3A_295 : memref<!tpu.dma_semaphore, #tpu.memory_space<semaphore_mem>>) src(%dma_wait3A_293 : memref<20000x64xf32, #tpu.memory_space<hbm>>) dst(%dma_wait3A_287 : memref<125x64xf32, #tpu.memory_space<vmem>>)
      %dma_start3A_296 = arith.constant 1 : i32
      %dma_start3A_297 = arith.constant 0 : i32
      %dma_start3A_298 = arith.constant 0 : i32
      %dma_start3A_299 = tpu.memref_slice %arg8[%dma_start3A_296, %dma_start3A_297, %dma_start3A_298] : memref<4x125x64xf32, #tpu.memory_space<vmem>> -> memref<1x125x64xf32, #tpu.memory_space<vmem>>
      %dma_start3A_300 = tpu.memref_squeeze %dma_start3A_299 : memref<1x125x64xf32, #tpu.memory_space<vmem>> -> memref<125x64xf32, #tpu.memory_space<vmem>>
      %dma_start3A_301 = arith.constant 0 : i32
      %dma_start3A_302 = tpu.memref_slice %arg7[%add3A_253, %dma_start3A_301] : memref<160x125xi32, #tpu.memory_space<vmem>> -> memref<1x125xi32, #tpu.memory_space<vmem>>
      %dma_start3A_303 = tpu.memref_squeeze %dma_start3A_302 : memref<1x125xi32, #tpu.memory_space<vmem>> -> memref<125xi32, #tpu.memory_space<vmem>>
      %dma_start3A_304 = arith.constant 0 : i32
      %dma_start3A_305 = arith.constant 0 : i32
      %dma_start3A_306 = tpu.memref_slice %arg12[%dma_start3A_304, %dma_start3A_305] : memref<10112x64xf32, #tpu.memory_space<vmem_shared>> -> memref<10112x64xf32, #tpu.memory_space<vmem_shared>>
      tpu.enqueue_indirect_dma source(%dma_start3A_300 : memref<125x64xf32, #tpu.memory_space<vmem>>) target(%dma_start3A_306 : memref<10112x64xf32, #tpu.memory_space<vmem_shared>>) offsets(%dma_start3A_303 : memref<125xi32, #tpu.memory_space<vmem>>) semaphore(%arg10 : memref<!tpu.dma_semaphore, #tpu.memory_space<semaphore_mem>>) {add = true}
      %add3A_307 = arith.constant 1 : i32
      %add3A_308 = arith.addi %add3A_251, %add3A_307 : i32
      %sub3A_309 = arith.constant 1 : i32
      %sub3A_310 = arith.subi %add3A_308, %sub3A_309 : i32
      %dma_wait3A_311 = arith.constant 1 : i32
      %dma_wait3A_312 = arith.constant 0 : i32
      %dma_wait3A_313 = arith.constant 0 : i32
      %dma_wait3A_314 = tpu.memref_slice %arg8[%dma_wait3A_311, %dma_wait3A_312, %dma_wait3A_313] : memref<4x125x64xf32, #tpu.memory_space<vmem>> -> memref<1x125x64xf32, #tpu.memory_space<vmem>>
      %dma_wait3A_315 = tpu.memref_squeeze %dma_wait3A_314 : memref<1x125x64xf32, #tpu.memory_space<vmem>> -> memref<125x64xf32, #tpu.memory_space<vmem>>
      %dma_wait3A_316 = arith.constant 0 : i32
      %dma_wait3A_317 = tpu.memref_slice %arg7[%sub3A_310, %dma_wait3A_316] : memref<160x125xi32, #tpu.memory_space<vmem>> -> memref<1x125xi32, #tpu.memory_space<vmem>>
      %dma_wait3A_318 = tpu.memref_squeeze %dma_wait3A_317 : memref<1x125xi32, #tpu.memory_space<vmem>> -> memref<125xi32, #tpu.memory_space<vmem>>
      %dma_wait3A_319 = arith.constant 0 : i32
      %dma_wait3A_320 = arith.constant 0 : i32
      %dma_wait3A_321 = tpu.memref_slice %arg12[%dma_wait3A_319, %dma_wait3A_320] : memref<10112x64xf32, #tpu.memory_space<vmem_shared>> -> memref<10112x64xf32, #tpu.memory_space<vmem_shared>>
      tpu.wait_indirect_dma semaphore(%arg10 : memref<!tpu.dma_semaphore, #tpu.memory_space<semaphore_mem>>) src(%dma_wait3A_315 : memref<125x64xf32, #tpu.memory_space<vmem>>) dst(%dma_wait3A_321 : memref<10112x64xf32, #tpu.memory_space<vmem_shared>>)
      %add3A_322 = arith.constant 3 : i32
      %add3A_323 = arith.addi %add3A_308, %add3A_322 : i32
      %dma_start3A_324 = arith.constant 1 : i32
      %dma_start3A_325 = arith.constant 1 : i32
      %dma_start3A_326 = arith.constant 0 : i32
      %dma_start3A_327 = arith.constant 0 : i32
      %dma_start3A_328 = tpu.memref_slice %arg8[%dma_start3A_324, %dma_start3A_326, %dma_start3A_327] : memref<4x125x64xf32, #tpu.memory_space<vmem>> -> memref<1x125x64xf32, #tpu.memory_space<vmem>>
      %dma_start3A_329 = tpu.memref_squeeze %dma_start3A_328 : memref<1x125x64xf32, #tpu.memory_space<vmem>> -> memref<125x64xf32, #tpu.memory_space<vmem>>
      %dma_start3A_330 = arith.constant 0 : i32
      %dma_start3A_331 = tpu.memref_slice %arg6[%add3A_323, %dma_start3A_330] : memref<160x125xi32, #tpu.memory_space<vmem>> -> memref<1x125xi32, #tpu.memory_space<vmem>>
      %dma_start3A_332 = tpu.memref_squeeze %dma_start3A_331 : memref<1x125xi32, #tpu.memory_space<vmem>> -> memref<125xi32, #tpu.memory_space<vmem>>
      %dma_start3A_333 = arith.constant 0 : i32
      %dma_start3A_334 = arith.constant 0 : i32
      %dma_start3A_335 = tpu.memref_slice %arg2[%dma_start3A_333, %dma_start3A_334] : memref<20000x64xf32, #tpu.memory_space<hbm>> -> memref<20000x64xf32, #tpu.memory_space<hbm>>
      %dma_start3A_336 = tpu.memref_slice %arg9[%dma_start3A_325] : memref<4x!tpu.dma_semaphore, #tpu.memory_space<semaphore_mem>> -> memref<1x!tpu.dma_semaphore, #tpu.memory_space<semaphore_mem>>
      %dma_start3A_337 = tpu.memref_squeeze %dma_start3A_336 : memref<1x!tpu.dma_semaphore, #tpu.memory_space<semaphore_mem>> -> memref<!tpu.dma_semaphore, #tpu.memory_space<semaphore_mem>>
      tpu.enqueue_indirect_dma source(%dma_start3A_335 : memref<20000x64xf32, #tpu.memory_space<hbm>>) target(%dma_start3A_329 : memref<125x64xf32, #tpu.memory_space<vmem>>) offsets(%dma_start3A_332 : memref<125xi32, #tpu.memory_space<vmem>>) semaphore(%dma_start3A_337 : memref<!tpu.dma_semaphore, #tpu.memory_space<semaphore_mem>>)
      %dma_wait3A_338 = arith.constant 2 : i32
      %dma_wait3A_339 = arith.constant 2 : i32
      %dma_wait3A_340 = arith.constant 0 : i32
      %dma_wait3A_341 = arith.constant 0 : i32
      %dma_wait3A_342 = tpu.memref_slice %arg8[%dma_wait3A_338, %dma_wait3A_340, %dma_wait3A_341] : memref<4x125x64xf32, #tpu.memory_space<vmem>> -> memref<1x125x64xf32, #tpu.memory_space<vmem>>
      %dma_wait3A_343 = tpu.memref_squeeze %dma_wait3A_342 : memref<1x125x64xf32, #tpu.memory_space<vmem>> -> memref<125x64xf32, #tpu.memory_space<vmem>>
      %dma_wait3A_344 = arith.constant 0 : i32
      %dma_wait3A_345 = tpu.memref_slice %arg6[%add3A_308, %dma_wait3A_344] : memref<160x125xi32, #tpu.memory_space<vmem>> -> memref<1x125xi32, #tpu.memory_space<vmem>>
      %dma_wait3A_346 = tpu.memref_squeeze %dma_wait3A_345 : memref<1x125xi32, #tpu.memory_space<vmem>> -> memref<125xi32, #tpu.memory_space<vmem>>
      %dma_wait3A_347 = arith.constant 0 : i32
      %dma_wait3A_348 = arith.constant 0 : i32
      %dma_wait3A_349 = tpu.memref_slice %arg2[%dma_wait3A_347, %dma_wait3A_348] : memref<20000x64xf32, #tpu.memory_space<hbm>> -> memref<20000x64xf32, #tpu.memory_space<hbm>>
      %dma_wait3A_350 = tpu.memref_slice %arg9[%dma_wait3A_339] : memref<4x!tpu.dma_semaphore, #tpu.memory_space<semaphore_mem>> -> memref<1x!tpu.dma_semaphore, #tpu.memory_space<semaphore_mem>>
      %dma_wait3A_351 = tpu.memref_squeeze %dma_wait3A_350 : memref<1x!tpu.dma_semaphore, #tpu.memory_space<semaphore_mem>> -> memref<!tpu.dma_semaphore, #tpu.memory_space<semaphore_mem>>
      tpu.wait_indirect_dma semaphore(%dma_wait3A_351 : memref<!tpu.dma_semaphore, #tpu.memory_space<semaphore_mem>>) src(%dma_wait3A_349 : memref<20000x64xf32, #tpu.memory_space<hbm>>) dst(%dma_wait3A_343 : memref<125x64xf32, #tpu.memory_space<vmem>>)
      %dma_start3A_352 = arith.constant 2 : i32
      %dma_start3A_353 = arith.constant 0 : i32
      %dma_start3A_354 = arith.constant 0 : i32
      %dma_start3A_355 = tpu.memref_slice %arg8[%dma_start3A_352, %dma_start3A_353, %dma_start3A_354] : memref<4x125x64xf32, #tpu.memory_space<vmem>> -> memref<1x125x64xf32, #tpu.memory_space<vmem>>
      %dma_start3A_356 = tpu.memref_squeeze %dma_start3A_355 : memref<1x125x64xf32, #tpu.memory_space<vmem>> -> memref<125x64xf32, #tpu.memory_space<vmem>>
      %dma_start3A_357 = arith.constant 0 : i32
      %dma_start3A_358 = tpu.memref_slice %arg7[%add3A_308, %dma_start3A_357] : memref<160x125xi32, #tpu.memory_space<vmem>> -> memref<1x125xi32, #tpu.memory_space<vmem>>
      %dma_start3A_359 = tpu.memref_squeeze %dma_start3A_358 : memref<1x125xi32, #tpu.memory_space<vmem>> -> memref<125xi32, #tpu.memory_space<vmem>>
      %dma_start3A_360 = arith.constant 0 : i32
      %dma_start3A_361 = arith.constant 0 : i32
      %dma_start3A_362 = tpu.memref_slice %arg12[%dma_start3A_360, %dma_start3A_361] : memref<10112x64xf32, #tpu.memory_space<vmem_shared>> -> memref<10112x64xf32, #tpu.memory_space<vmem_shared>>
      tpu.enqueue_indirect_dma source(%dma_start3A_356 : memref<125x64xf32, #tpu.memory_space<vmem>>) target(%dma_start3A_362 : memref<10112x64xf32, #tpu.memory_space<vmem_shared>>) offsets(%dma_start3A_359 : memref<125xi32, #tpu.memory_space<vmem>>) semaphore(%arg10 : memref<!tpu.dma_semaphore, #tpu.memory_space<semaphore_mem>>) {add = true}
      %add3A_363 = arith.constant 2 : i32
      %add3A_364 = arith.addi %add3A_251, %add3A_363 : i32
      %sub3A_365 = arith.constant 1 : i32
      %sub3A_366 = arith.subi %add3A_364, %sub3A_365 : i32
      %dma_wait3A_367 = arith.constant 2 : i32
      %dma_wait3A_368 = arith.constant 0 : i32
      %dma_wait3A_369 = arith.constant 0 : i32
      %dma_wait3A_370 = tpu.memref_slice %arg8[%dma_wait3A_367, %dma_wait3A_368, %dma_wait3A_369] : memref<4x125x64xf32, #tpu.memory_space<vmem>> -> memref<1x125x64xf32, #tpu.memory_space<vmem>>
      %dma_wait3A_371 = tpu.memref_squeeze %dma_wait3A_370 : memref<1x125x64xf32, #tpu.memory_space<vmem>> -> memref<125x64xf32, #tpu.memory_space<vmem>>
      %dma_wait3A_372 = arith.constant 0 : i32
      %dma_wait3A_373 = tpu.memref_slice %arg7[%sub3A_366, %dma_wait3A_372] : memref<160x125xi32, #tpu.memory_space<vmem>> -> memref<1x125xi32, #tpu.memory_space<vmem>>
      %dma_wait3A_374 = tpu.memref_squeeze %dma_wait3A_373 : memref<1x125xi32, #tpu.memory_space<vmem>> -> memref<125xi32, #tpu.memory_space<vmem>>
      %dma_wait3A_375 = arith.constant 0 : i32
      %dma_wait3A_376 = arith.constant 0 : i32
      %dma_wait3A_377 = tpu.memref_slice %arg12[%dma_wait3A_375, %dma_wait3A_376] : memref<10112x64xf32, #tpu.memory_space<vmem_shared>> -> memref<10112x64xf32, #tpu.memory_space<vmem_shared>>
      tpu.wait_indirect_dma semaphore(%arg10 : memref<!tpu.dma_semaphore, #tpu.memory_space<semaphore_mem>>) src(%dma_wait3A_371 : memref<125x64xf32, #tpu.memory_space<vmem>>) dst(%dma_wait3A_377 : memref<10112x64xf32, #tpu.memory_space<vmem_shared>>)
      %add3A_378 = arith.constant 3 : i32
      %add3A_379 = arith.addi %add3A_364, %add3A_378 : i32
      %dma_start3A_380 = arith.constant 2 : i32
      %dma_start3A_381 = arith.constant 2 : i32
      %dma_start3A_382 = arith.constant 0 : i32
      %dma_start3A_383 = arith.constant 0 : i32
      %dma_start3A_384 = tpu.memref_slice %arg8[%dma_start3A_380, %dma_start3A_382, %dma_start3A_383] : memref<4x125x64xf32, #tpu.memory_space<vmem>> -> memref<1x125x64xf32, #tpu.memory_space<vmem>>
      %dma_start3A_385 = tpu.memref_squeeze %dma_start3A_384 : memref<1x125x64xf32, #tpu.memory_space<vmem>> -> memref<125x64xf32, #tpu.memory_space<vmem>>
      %dma_start3A_386 = arith.constant 0 : i32
      %dma_start3A_387 = tpu.memref_slice %arg6[%add3A_379, %dma_start3A_386] : memref<160x125xi32, #tpu.memory_space<vmem>> -> memref<1x125xi32, #tpu.memory_space<vmem>>
      %dma_start3A_388 = tpu.memref_squeeze %dma_start3A_387 : memref<1x125xi32, #tpu.memory_space<vmem>> -> memref<125xi32, #tpu.memory_space<vmem>>
      %dma_start3A_389 = arith.constant 0 : i32
      %dma_start3A_390 = arith.constant 0 : i32
      %dma_start3A_391 = tpu.memref_slice %arg2[%dma_start3A_389, %dma_start3A_390] : memref<20000x64xf32, #tpu.memory_space<hbm>> -> memref<20000x64xf32, #tpu.memory_space<hbm>>
      %dma_start3A_392 = tpu.memref_slice %arg9[%dma_start3A_381] : memref<4x!tpu.dma_semaphore, #tpu.memory_space<semaphore_mem>> -> memref<1x!tpu.dma_semaphore, #tpu.memory_space<semaphore_mem>>
      %dma_start3A_393 = tpu.memref_squeeze %dma_start3A_392 : memref<1x!tpu.dma_semaphore, #tpu.memory_space<semaphore_mem>> -> memref<!tpu.dma_semaphore, #tpu.memory_space<semaphore_mem>>
      tpu.enqueue_indirect_dma source(%dma_start3A_391 : memref<20000x64xf32, #tpu.memory_space<hbm>>) target(%dma_start3A_385 : memref<125x64xf32, #tpu.memory_space<vmem>>) offsets(%dma_start3A_388 : memref<125xi32, #tpu.memory_space<vmem>>) semaphore(%dma_start3A_393 : memref<!tpu.dma_semaphore, #tpu.memory_space<semaphore_mem>>)
      %dma_wait3A_394 = arith.constant 3 : i32
      %dma_wait3A_395 = arith.constant 3 : i32
      %dma_wait3A_396 = arith.constant 0 : i32
      %dma_wait3A_397 = arith.constant 0 : i32
      %dma_wait3A_398 = tpu.memref_slice %arg8[%dma_wait3A_394, %dma_wait3A_396, %dma_wait3A_397] : memref<4x125x64xf32, #tpu.memory_space<vmem>> -> memref<1x125x64xf32, #tpu.memory_space<vmem>>
      %dma_wait3A_399 = tpu.memref_squeeze %dma_wait3A_398 : memref<1x125x64xf32, #tpu.memory_space<vmem>> -> memref<125x64xf32, #tpu.memory_space<vmem>>
      %dma_wait3A_400 = arith.constant 0 : i32
      %dma_wait3A_401 = tpu.memref_slice %arg6[%add3A_364, %dma_wait3A_400] : memref<160x125xi32, #tpu.memory_space<vmem>> -> memref<1x125xi32, #tpu.memory_space<vmem>>
      %dma_wait3A_402 = tpu.memref_squeeze %dma_wait3A_401 : memref<1x125xi32, #tpu.memory_space<vmem>> -> memref<125xi32, #tpu.memory_space<vmem>>
      %dma_wait3A_403 = arith.constant 0 : i32
      %dma_wait3A_404 = arith.constant 0 : i32
      %dma_wait3A_405 = tpu.memref_slice %arg2[%dma_wait3A_403, %dma_wait3A_404] : memref<20000x64xf32, #tpu.memory_space<hbm>> -> memref<20000x64xf32, #tpu.memory_space<hbm>>
      %dma_wait3A_406 = tpu.memref_slice %arg9[%dma_wait3A_395] : memref<4x!tpu.dma_semaphore, #tpu.memory_space<semaphore_mem>> -> memref<1x!tpu.dma_semaphore, #tpu.memory_space<semaphore_mem>>
      %dma_wait3A_407 = tpu.memref_squeeze %dma_wait3A_406 : memref<1x!tpu.dma_semaphore, #tpu.memory_space<semaphore_mem>> -> memref<!tpu.dma_semaphore, #tpu.memory_space<semaphore_mem>>
      tpu.wait_indirect_dma semaphore(%dma_wait3A_407 : memref<!tpu.dma_semaphore, #tpu.memory_space<semaphore_mem>>) src(%dma_wait3A_405 : memref<20000x64xf32, #tpu.memory_space<hbm>>) dst(%dma_wait3A_399 : memref<125x64xf32, #tpu.memory_space<vmem>>)
      %dma_start3A_408 = arith.constant 3 : i32
      %dma_start3A_409 = arith.constant 0 : i32
      %dma_start3A_410 = arith.constant 0 : i32
      %dma_start3A_411 = tpu.memref_slice %arg8[%dma_start3A_408, %dma_start3A_409, %dma_start3A_410] : memref<4x125x64xf32, #tpu.memory_space<vmem>> -> memref<1x125x64xf32, #tpu.memory_space<vmem>>
      %dma_start3A_412 = tpu.memref_squeeze %dma_start3A_411 : memref<1x125x64xf32, #tpu.memory_space<vmem>> -> memref<125x64xf32, #tpu.memory_space<vmem>>
      %dma_start3A_413 = arith.constant 0 : i32
      %dma_start3A_414 = tpu.memref_slice %arg7[%add3A_364, %dma_start3A_413] : memref<160x125xi32, #tpu.memory_space<vmem>> -> memref<1x125xi32, #tpu.memory_space<vmem>>
      %dma_start3A_415 = tpu.memref_squeeze %dma_start3A_414 : memref<1x125xi32, #tpu.memory_space<vmem>> -> memref<125xi32, #tpu.memory_space<vmem>>
      %dma_start3A_416 = arith.constant 0 : i32
      %dma_start3A_417 = arith.constant 0 : i32
      %dma_start3A_418 = tpu.memref_slice %arg12[%dma_start3A_416, %dma_start3A_417] : memref<10112x64xf32, #tpu.memory_space<vmem_shared>> -> memref<10112x64xf32, #tpu.memory_space<vmem_shared>>
      tpu.enqueue_indirect_dma source(%dma_start3A_412 : memref<125x64xf32, #tpu.memory_space<vmem>>) target(%dma_start3A_418 : memref<10112x64xf32, #tpu.memory_space<vmem_shared>>) offsets(%dma_start3A_415 : memref<125xi32, #tpu.memory_space<vmem>>) semaphore(%arg10 : memref<!tpu.dma_semaphore, #tpu.memory_space<semaphore_mem>>) {add = true}
      %add3A_419 = arith.constant 3 : i32
      %add3A_420 = arith.addi %add3A_251, %add3A_419 : i32
      %sub3A_421 = arith.constant 1 : i32
      %sub3A_422 = arith.subi %add3A_420, %sub3A_421 : i32
      %dma_wait3A_423 = arith.constant 3 : i32
      %dma_wait3A_424 = arith.constant 0 : i32
      %dma_wait3A_425 = arith.constant 0 : i32
      %dma_wait3A_426 = tpu.memref_slice %arg8[%dma_wait3A_423, %dma_wait3A_424, %dma_wait3A_425] : memref<4x125x64xf32, #tpu.memory_space<vmem>> -> memref<1x125x64xf32, #tpu.memory_space<vmem>>
      %dma_wait3A_427 = tpu.memref_squeeze %dma_wait3A_426 : memref<1x125x64xf32, #tpu.memory_space<vmem>> -> memref<125x64xf32, #tpu.memory_space<vmem>>
      %dma_wait3A_428 = arith.constant 0 : i32
      %dma_wait3A_429 = tpu.memref_slice %arg7[%sub3A_422, %dma_wait3A_428] : memref<160x125xi32, #tpu.memory_space<vmem>> -> memref<1x125xi32, #tpu.memory_space<vmem>>
      %dma_wait3A_430 = tpu.memref_squeeze %dma_wait3A_429 : memref<1x125xi32, #tpu.memory_space<vmem>> -> memref<125xi32, #tpu.memory_space<vmem>>
      %dma_wait3A_431 = arith.constant 0 : i32
      %dma_wait3A_432 = arith.constant 0 : i32
      %dma_wait3A_433 = tpu.memref_slice %arg12[%dma_wait3A_431, %dma_wait3A_432] : memref<10112x64xf32, #tpu.memory_space<vmem_shared>> -> memref<10112x64xf32, #tpu.memory_space<vmem_shared>>
      tpu.wait_indirect_dma semaphore(%arg10 : memref<!tpu.dma_semaphore, #tpu.memory_space<semaphore_mem>>) src(%dma_wait3A_427 : memref<125x64xf32, #tpu.memory_space<vmem>>) dst(%dma_wait3A_433 : memref<10112x64xf32, #tpu.memory_space<vmem_shared>>)
      %add3A_434 = arith.constant 3 : i32
      %add3A_435 = arith.addi %add3A_420, %add3A_434 : i32
      %dma_start3A_436 = arith.constant 3 : i32
      %dma_start3A_437 = arith.constant 3 : i32
      %dma_start3A_438 = arith.constant 0 : i32
      %dma_start3A_439 = arith.constant 0 : i32
      %dma_start3A_440 = tpu.memref_slice %arg8[%dma_start3A_436, %dma_start3A_438, %dma_start3A_439] : memref<4x125x64xf32, #tpu.memory_space<vmem>> -> memref<1x125x64xf32, #tpu.memory_space<vmem>>
      %dma_start3A_441 = tpu.memref_squeeze %dma_start3A_440 : memref<1x125x64xf32, #tpu.memory_space<vmem>> -> memref<125x64xf32, #tpu.memory_space<vmem>>
      %dma_start3A_442 = arith.constant 0 : i32
      %dma_start3A_443 = tpu.memref_slice %arg6[%add3A_435, %dma_start3A_442] : memref<160x125xi32, #tpu.memory_space<vmem>> -> memref<1x125xi32, #tpu.memory_space<vmem>>
      %dma_start3A_444 = tpu.memref_squeeze %dma_start3A_443 : memref<1x125xi32, #tpu.memory_space<vmem>> -> memref<125xi32, #tpu.memory_space<vmem>>
      %dma_start3A_445 = arith.constant 0 : i32
      %dma_start3A_446 = arith.constant 0 : i32
      %dma_start3A_447 = tpu.memref_slice %arg2[%dma_start3A_445, %dma_start3A_446] : memref<20000x64xf32, #tpu.memory_space<hbm>> -> memref<20000x64xf32, #tpu.memory_space<hbm>>
      %dma_start3A_448 = tpu.memref_slice %arg9[%dma_start3A_437] : memref<4x!tpu.dma_semaphore, #tpu.memory_space<semaphore_mem>> -> memref<1x!tpu.dma_semaphore, #tpu.memory_space<semaphore_mem>>
      %dma_start3A_449 = tpu.memref_squeeze %dma_start3A_448 : memref<1x!tpu.dma_semaphore, #tpu.memory_space<semaphore_mem>> -> memref<!tpu.dma_semaphore, #tpu.memory_space<semaphore_mem>>
      tpu.enqueue_indirect_dma source(%dma_start3A_447 : memref<20000x64xf32, #tpu.memory_space<hbm>>) target(%dma_start3A_441 : memref<125x64xf32, #tpu.memory_space<vmem>>) offsets(%dma_start3A_444 : memref<125xi32, #tpu.memory_space<vmem>>) semaphore(%dma_start3A_449 : memref<!tpu.dma_semaphore, #tpu.memory_space<semaphore_mem>>)
      %dma_wait3A_450 = arith.constant 0 : i32
      %dma_wait3A_451 = arith.constant 0 : i32
      %dma_wait3A_452 = arith.constant 0 : i32
      %dma_wait3A_453 = arith.constant 0 : i32
      %dma_wait3A_454 = tpu.memref_slice %arg8[%dma_wait3A_450, %dma_wait3A_452, %dma_wait3A_453] : memref<4x125x64xf32, #tpu.memory_space<vmem>> -> memref<1x125x64xf32, #tpu.memory_space<vmem>>
      %dma_wait3A_455 = tpu.memref_squeeze %dma_wait3A_454 : memref<1x125x64xf32, #tpu.memory_space<vmem>> -> memref<125x64xf32, #tpu.memory_space<vmem>>
      %dma_wait3A_456 = arith.constant 0 : i32
      %dma_wait3A_457 = tpu.memref_slice %arg6[%add3A_420, %dma_wait3A_456] : memref<160x125xi32, #tpu.memory_space<vmem>> -> memref<1x125xi32, #tpu.memory_space<vmem>>
      %dma_wait3A_458 = tpu.memref_squeeze %dma_wait3A_457 : memref<1x125xi32, #tpu.memory_space<vmem>> -> memref<125xi32, #tpu.memory_space<vmem>>
      %dma_wait3A_459 = arith.constant 0 : i32
      %dma_wait3A_460 = arith.constant 0 : i32
      %dma_wait3A_461 = tpu.memref_slice %arg2[%dma_wait3A_459, %dma_wait3A_460] : memref<20000x64xf32, #tpu.memory_space<hbm>> -> memref<20000x64xf32, #tpu.memory_space<hbm>>
      %dma_wait3A_462 = tpu.memref_slice %arg9[%dma_wait3A_451] : memref<4x!tpu.dma_semaphore, #tpu.memory_space<semaphore_mem>> -> memref<1x!tpu.dma_semaphore, #tpu.memory_space<semaphore_mem>>
      %dma_wait3A_463 = tpu.memref_squeeze %dma_wait3A_462 : memref<1x!tpu.dma_semaphore, #tpu.memory_space<semaphore_mem>> -> memref<!tpu.dma_semaphore, #tpu.memory_space<semaphore_mem>>
      tpu.wait_indirect_dma semaphore(%dma_wait3A_463 : memref<!tpu.dma_semaphore, #tpu.memory_space<semaphore_mem>>) src(%dma_wait3A_461 : memref<20000x64xf32, #tpu.memory_space<hbm>>) dst(%dma_wait3A_455 : memref<125x64xf32, #tpu.memory_space<vmem>>)
      %dma_start3A_464 = arith.constant 0 : i32
      %dma_start3A_465 = arith.constant 0 : i32
      %dma_start3A_466 = arith.constant 0 : i32
      %dma_start3A_467 = tpu.memref_slice %arg8[%dma_start3A_464, %dma_start3A_465, %dma_start3A_466] : memref<4x125x64xf32, #tpu.memory_space<vmem>> -> memref<1x125x64xf32, #tpu.memory_space<vmem>>
      %dma_start3A_468 = tpu.memref_squeeze %dma_start3A_467 : memref<1x125x64xf32, #tpu.memory_space<vmem>> -> memref<125x64xf32, #tpu.memory_space<vmem>>
      %dma_start3A_469 = arith.constant 0 : i32
      %dma_start3A_470 = tpu.memref_slice %arg7[%add3A_420, %dma_start3A_469] : memref<160x125xi32, #tpu.memory_space<vmem>> -> memref<1x125xi32, #tpu.memory_space<vmem>>
      %dma_start3A_471 = tpu.memref_squeeze %dma_start3A_470 : memref<1x125xi32, #tpu.memory_space<vmem>> -> memref<125xi32, #tpu.memory_space<vmem>>
      %dma_start3A_472 = arith.constant 0 : i32
      %dma_start3A_473 = arith.constant 0 : i32
      %dma_start3A_474 = tpu.memref_slice %arg12[%dma_start3A_472, %dma_start3A_473] : memref<10112x64xf32, #tpu.memory_space<vmem_shared>> -> memref<10112x64xf32, #tpu.memory_space<vmem_shared>>
      tpu.enqueue_indirect_dma source(%dma_start3A_468 : memref<125x64xf32, #tpu.memory_space<vmem>>) target(%dma_start3A_474 : memref<10112x64xf32, #tpu.memory_space<vmem_shared>>) offsets(%dma_start3A_471 : memref<125xi32, #tpu.memory_space<vmem>>) semaphore(%arg10 : memref<!tpu.dma_semaphore, #tpu.memory_space<semaphore_mem>>) {add = true}
    }
    %scan3A_114 = arith.constant 39 : i32
    %dma_wait3A_115 = arith.constant 0 : i32
    %dma_wait3A_116 = arith.constant 156 : i32
    %dma_wait3A_117 = arith.constant 0 : i32
    %dma_wait3A_118 = arith.constant 0 : i32
    %dma_wait3A_119 = tpu.memref_slice %arg8[%dma_wait3A_115, %dma_wait3A_117, %dma_wait3A_118] : memref<4x125x64xf32, #tpu.memory_space<vmem>> -> memref<1x125x64xf32, #tpu.memory_space<vmem>>
    %dma_wait3A_120 = tpu.memref_squeeze %dma_wait3A_119 : memref<1x125x64xf32, #tpu.memory_space<vmem>> -> memref<125x64xf32, #tpu.memory_space<vmem>>
    %dma_wait3A_121 = arith.constant 0 : i32
    %dma_wait3A_122 = tpu.memref_slice %arg7[%dma_wait3A_116, %dma_wait3A_121] : memref<160x125xi32, #tpu.memory_space<vmem>> -> memref<1x125xi32, #tpu.memory_space<vmem>>
    %dma_wait3A_123 = tpu.memref_squeeze %dma_wait3A_122 : memref<1x125xi32, #tpu.memory_space<vmem>> -> memref<125xi32, #tpu.memory_space<vmem>>
    %dma_wait3A_124 = arith.constant 0 : i32
    %dma_wait3A_125 = arith.constant 0 : i32
    %dma_wait3A_126 = tpu.memref_slice %arg12[%dma_wait3A_124, %dma_wait3A_125] : memref<10112x64xf32, #tpu.memory_space<vmem_shared>> -> memref<10112x64xf32, #tpu.memory_space<vmem_shared>>
    tpu.wait_indirect_dma semaphore(%arg10 : memref<!tpu.dma_semaphore, #tpu.memory_space<semaphore_mem>>) src(%dma_wait3A_120 : memref<125x64xf32, #tpu.memory_space<vmem>>) dst(%dma_wait3A_126 : memref<10112x64xf32, #tpu.memory_space<vmem_shared>>)
    %dma_wait3A_127 = arith.constant 157 : i32
    %dma_wait3A_128 = arith.constant 1 : i32
    %dma_wait3A_129 = arith.constant 1 : i32
    %dma_wait3A_130 = arith.constant 0 : i32
    %dma_wait3A_131 = arith.constant 0 : i32
    %dma_wait3A_132 = tpu.memref_slice %arg8[%dma_wait3A_128, %dma_wait3A_130, %dma_wait3A_131] : memref<4x125x64xf32, #tpu.memory_space<vmem>> -> memref<1x125x64xf32, #tpu.memory_space<vmem>>
    %dma_wait3A_133 = tpu.memref_squeeze %dma_wait3A_132 : memref<1x125x64xf32, #tpu.memory_space<vmem>> -> memref<125x64xf32, #tpu.memory_space<vmem>>
    %dma_wait3A_134 = arith.constant 0 : i32
    %dma_wait3A_135 = tpu.memref_slice %arg6[%dma_wait3A_127, %dma_wait3A_134] : memref<160x125xi32, #tpu.memory_space<vmem>> -> memref<1x125xi32, #tpu.memory_space<vmem>>
    %dma_wait3A_136 = tpu.memref_squeeze %dma_wait3A_135 : memref<1x125xi32, #tpu.memory_space<vmem>> -> memref<125xi32, #tpu.memory_space<vmem>>
    %dma_wait3A_137 = arith.constant 0 : i32
    %dma_wait3A_138 = arith.constant 0 : i32
    %dma_wait3A_139 = tpu.memref_slice %arg2[%dma_wait3A_137, %dma_wait3A_138] : memref<20000x64xf32, #tpu.memory_space<hbm>> -> memref<20000x64xf32, #tpu.memory_space<hbm>>
    %dma_wait3A_140 = tpu.memref_slice %arg9[%dma_wait3A_129] : memref<4x!tpu.dma_semaphore, #tpu.memory_space<semaphore_mem>> -> memref<1x!tpu.dma_semaphore, #tpu.memory_space<semaphore_mem>>
    %dma_wait3A_141 = tpu.memref_squeeze %dma_wait3A_140 : memref<1x!tpu.dma_semaphore, #tpu.memory_space<semaphore_mem>> -> memref<!tpu.dma_semaphore, #tpu.memory_space<semaphore_mem>>
    tpu.wait_indirect_dma semaphore(%dma_wait3A_141 : memref<!tpu.dma_semaphore, #tpu.memory_space<semaphore_mem>>) src(%dma_wait3A_139 : memref<20000x64xf32, #tpu.memory_space<hbm>>) dst(%dma_wait3A_133 : memref<125x64xf32, #tpu.memory_space<vmem>>)
    %dma_start3A_142 = arith.constant 1 : i32
    %dma_start3A_143 = arith.constant 157 : i32
    %dma_start3A_144 = arith.constant 0 : i32
    %dma_start3A_145 = arith.constant 0 : i32
    %dma_start3A_146 = tpu.memref_slice %arg8[%dma_start3A_142, %dma_start3A_144, %dma_start3A_145] : memref<4x125x64xf32, #tpu.memory_space<vmem>> -> memref<1x125x64xf32, #tpu.memory_space<vmem>>
    %dma_start3A_147 = tpu.memref_squeeze %dma_start3A_146 : memref<1x125x64xf32, #tpu.memory_space<vmem>> -> memref<125x64xf32, #tpu.memory_space<vmem>>
    %dma_start3A_148 = arith.constant 0 : i32
    %dma_start3A_149 = tpu.memref_slice %arg7[%dma_start3A_143, %dma_start3A_148] : memref<160x125xi32, #tpu.memory_space<vmem>> -> memref<1x125xi32, #tpu.memory_space<vmem>>
    %dma_start3A_150 = tpu.memref_squeeze %dma_start3A_149 : memref<1x125xi32, #tpu.memory_space<vmem>> -> memref<125xi32, #tpu.memory_space<vmem>>
    %dma_start3A_151 = arith.constant 0 : i32
    %dma_start3A_152 = arith.constant 0 : i32
    %dma_start3A_153 = tpu.memref_slice %arg12[%dma_start3A_151, %dma_start3A_152] : memref<10112x64xf32, #tpu.memory_space<vmem_shared>> -> memref<10112x64xf32, #tpu.memory_space<vmem_shared>>
    tpu.enqueue_indirect_dma source(%dma_start3A_147 : memref<125x64xf32, #tpu.memory_space<vmem>>) target(%dma_start3A_153 : memref<10112x64xf32, #tpu.memory_space<vmem_shared>>) offsets(%dma_start3A_150 : memref<125xi32, #tpu.memory_space<vmem>>) semaphore(%arg10 : memref<!tpu.dma_semaphore, #tpu.memory_space<semaphore_mem>>) {add = true}
    %dma_wait3A_154 = arith.constant 1 : i32
    %dma_wait3A_155 = arith.constant 157 : i32
    %dma_wait3A_156 = arith.constant 0 : i32
    %dma_wait3A_157 = arith.constant 0 : i32
    %dma_wait3A_158 = tpu.memref_slice %arg8[%dma_wait3A_154, %dma_wait3A_156, %dma_wait3A_157] : memref<4x125x64xf32, #tpu.memory_space<vmem>> -> memref<1x125x64xf32, #tpu.memory_space<vmem>>
    %dma_wait3A_159 = tpu.memref_squeeze %dma_wait3A_158 : memref<1x125x64xf32, #tpu.memory_space<vmem>> -> memref<125x64xf32, #tpu.memory_space<vmem>>
    %dma_wait3A_160 = arith.constant 0 : i32
    %dma_wait3A_161 = tpu.memref_slice %arg7[%dma_wait3A_155, %dma_wait3A_160] : memref<160x125xi32, #tpu.memory_space<vmem>> -> memref<1x125xi32, #tpu.memory_space<vmem>>
    %dma_wait3A_162 = tpu.memref_squeeze %dma_wait3A_161 : memref<1x125xi32, #tpu.memory_space<vmem>> -> memref<125xi32, #tpu.memory_space<vmem>>
    %dma_wait3A_163 = arith.constant 0 : i32
    %dma_wait3A_164 = arith.constant 0 : i32
    %dma_wait3A_165 = tpu.memref_slice %arg12[%dma_wait3A_163, %dma_wait3A_164] : memref<10112x64xf32, #tpu.memory_space<vmem_shared>> -> memref<10112x64xf32, #tpu.memory_space<vmem_shared>>
    tpu.wait_indirect_dma semaphore(%arg10 : memref<!tpu.dma_semaphore, #tpu.memory_space<semaphore_mem>>) src(%dma_wait3A_159 : memref<125x64xf32, #tpu.memory_space<vmem>>) dst(%dma_wait3A_165 : memref<10112x64xf32, #tpu.memory_space<vmem_shared>>)
    %dma_wait3A_166 = arith.constant 158 : i32
    %dma_wait3A_167 = arith.constant 2 : i32
    %dma_wait3A_168 = arith.constant 2 : i32
    %dma_wait3A_169 = arith.constant 0 : i32
    %dma_wait3A_170 = arith.constant 0 : i32
    %dma_wait3A_171 = tpu.memref_slice %arg8[%dma_wait3A_167, %dma_wait3A_169, %dma_wait3A_170] : memref<4x125x64xf32, #tpu.memory_space<vmem>> -> memref<1x125x64xf32, #tpu.memory_space<vmem>>
    %dma_wait3A_172 = tpu.memref_squeeze %dma_wait3A_171 : memref<1x125x64xf32, #tpu.memory_space<vmem>> -> memref<125x64xf32, #tpu.memory_space<vmem>>
    %dma_wait3A_173 = arith.constant 0 : i32
    %dma_wait3A_174 = tpu.memref_slice %arg6[%dma_wait3A_166, %dma_wait3A_173] : memref<160x125xi32, #tpu.memory_space<vmem>> -> memref<1x125xi32, #tpu.memory_space<vmem>>
    %dma_wait3A_175 = tpu.memref_squeeze %dma_wait3A_174 : memref<1x125xi32, #tpu.memory_space<vmem>> -> memref<125xi32, #tpu.memory_space<vmem>>
    %dma_wait3A_176 = arith.constant 0 : i32
    %dma_wait3A_177 = arith.constant 0 : i32
    %dma_wait3A_178 = tpu.memref_slice %arg2[%dma_wait3A_176, %dma_wait3A_177] : memref<20000x64xf32, #tpu.memory_space<hbm>> -> memref<20000x64xf32, #tpu.memory_space<hbm>>
    %dma_wait3A_179 = tpu.memref_slice %arg9[%dma_wait3A_168] : memref<4x!tpu.dma_semaphore, #tpu.memory_space<semaphore_mem>> -> memref<1x!tpu.dma_semaphore, #tpu.memory_space<semaphore_mem>>
    %dma_wait3A_180 = tpu.memref_squeeze %dma_wait3A_179 : memref<1x!tpu.dma_semaphore, #tpu.memory_space<semaphore_mem>> -> memref<!tpu.dma_semaphore, #tpu.memory_space<semaphore_mem>>
    tpu.wait_indirect_dma semaphore(%dma_wait3A_180 : memref<!tpu.dma_semaphore, #tpu.memory_space<semaphore_mem>>) src(%dma_wait3A_178 : memref<20000x64xf32, #tpu.memory_space<hbm>>) dst(%dma_wait3A_172 : memref<125x64xf32, #tpu.memory_space<vmem>>)
    %dma_start3A_181 = arith.constant 2 : i32
    %dma_start3A_182 = arith.constant 158 : i32
    %dma_start3A_183 = arith.constant 0 : i32
    %dma_start3A_184 = arith.constant 0 : i32
    %dma_start3A_185 = tpu.memref_slice %arg8[%dma_start3A_181, %dma_start3A_183, %dma_start3A_184] : memref<4x125x64xf32, #tpu.memory_space<vmem>> -> memref<1x125x64xf32, #tpu.memory_space<vmem>>
    %dma_start3A_186 = tpu.memref_squeeze %dma_start3A_185 : memref<1x125x64xf32, #tpu.memory_space<vmem>> -> memref<125x64xf32, #tpu.memory_space<vmem>>
    %dma_start3A_187 = arith.constant 0 : i32
    %dma_start3A_188 = tpu.memref_slice %arg7[%dma_start3A_182, %dma_start3A_187] : memref<160x125xi32, #tpu.memory_space<vmem>> -> memref<1x125xi32, #tpu.memory_space<vmem>>
    %dma_start3A_189 = tpu.memref_squeeze %dma_start3A_188 : memref<1x125xi32, #tpu.memory_space<vmem>> -> memref<125xi32, #tpu.memory_space<vmem>>
    %dma_start3A_190 = arith.constant 0 : i32
    %dma_start3A_191 = arith.constant 0 : i32
    %dma_start3A_192 = tpu.memref_slice %arg12[%dma_start3A_190, %dma_start3A_191] : memref<10112x64xf32, #tpu.memory_space<vmem_shared>> -> memref<10112x64xf32, #tpu.memory_space<vmem_shared>>
    tpu.enqueue_indirect_dma source(%dma_start3A_186 : memref<125x64xf32, #tpu.memory_space<vmem>>) target(%dma_start3A_192 : memref<10112x64xf32, #tpu.memory_space<vmem_shared>>) offsets(%dma_start3A_189 : memref<125xi32, #tpu.memory_space<vmem>>) semaphore(%arg10 : memref<!tpu.dma_semaphore, #tpu.memory_space<semaphore_mem>>) {add = true}
    %dma_wait3A_193 = arith.constant 2 : i32
    %dma_wait3A_194 = arith.constant 158 : i32
    %dma_wait3A_195 = arith.constant 0 : i32
    %dma_wait3A_196 = arith.constant 0 : i32
    %dma_wait3A_197 = tpu.memref_slice %arg8[%dma_wait3A_193, %dma_wait3A_195, %dma_wait3A_196] : memref<4x125x64xf32, #tpu.memory_space<vmem>> -> memref<1x125x64xf32, #tpu.memory_space<vmem>>
    %dma_wait3A_198 = tpu.memref_squeeze %dma_wait3A_197 : memref<1x125x64xf32, #tpu.memory_space<vmem>> -> memref<125x64xf32, #tpu.memory_space<vmem>>
    %dma_wait3A_199 = arith.constant 0 : i32
    %dma_wait3A_200 = tpu.memref_slice %arg7[%dma_wait3A_194, %dma_wait3A_199] : memref<160x125xi32, #tpu.memory_space<vmem>> -> memref<1x125xi32, #tpu.memory_space<vmem>>
    %dma_wait3A_201 = tpu.memref_squeeze %dma_wait3A_200 : memref<1x125xi32, #tpu.memory_space<vmem>> -> memref<125xi32, #tpu.memory_space<vmem>>
    %dma_wait3A_202 = arith.constant 0 : i32
    %dma_wait3A_203 = arith.constant 0 : i32
    %dma_wait3A_204 = tpu.memref_slice %arg12[%dma_wait3A_202, %dma_wait3A_203] : memref<10112x64xf32, #tpu.memory_space<vmem_shared>> -> memref<10112x64xf32, #tpu.memory_space<vmem_shared>>
    tpu.wait_indirect_dma semaphore(%arg10 : memref<!tpu.dma_semaphore, #tpu.memory_space<semaphore_mem>>) src(%dma_wait3A_198 : memref<125x64xf32, #tpu.memory_space<vmem>>) dst(%dma_wait3A_204 : memref<10112x64xf32, #tpu.memory_space<vmem_shared>>)
    %dma_wait3A_205 = arith.constant 159 : i32
    %dma_wait3A_206 = arith.constant 3 : i32
    %dma_wait3A_207 = arith.constant 3 : i32
    %dma_wait3A_208 = arith.constant 0 : i32
    %dma_wait3A_209 = arith.constant 0 : i32
    %dma_wait3A_210 = tpu.memref_slice %arg8[%dma_wait3A_206, %dma_wait3A_208, %dma_wait3A_209] : memref<4x125x64xf32, #tpu.memory_space<vmem>> -> memref<1x125x64xf32, #tpu.memory_space<vmem>>
    %dma_wait3A_211 = tpu.memref_squeeze %dma_wait3A_210 : memref<1x125x64xf32, #tpu.memory_space<vmem>> -> memref<125x64xf32, #tpu.memory_space<vmem>>
    %dma_wait3A_212 = arith.constant 0 : i32
    %dma_wait3A_213 = tpu.memref_slice %arg6[%dma_wait3A_205, %dma_wait3A_212] : memref<160x125xi32, #tpu.memory_space<vmem>> -> memref<1x125xi32, #tpu.memory_space<vmem>>
    %dma_wait3A_214 = tpu.memref_squeeze %dma_wait3A_213 : memref<1x125xi32, #tpu.memory_space<vmem>> -> memref<125xi32, #tpu.memory_space<vmem>>
    %dma_wait3A_215 = arith.constant 0 : i32
    %dma_wait3A_216 = arith.constant 0 : i32
    %dma_wait3A_217 = tpu.memref_slice %arg2[%dma_wait3A_215, %dma_wait3A_216] : memref<20000x64xf32, #tpu.memory_space<hbm>> -> memref<20000x64xf32, #tpu.memory_space<hbm>>
    %dma_wait3A_218 = tpu.memref_slice %arg9[%dma_wait3A_207] : memref<4x!tpu.dma_semaphore, #tpu.memory_space<semaphore_mem>> -> memref<1x!tpu.dma_semaphore, #tpu.memory_space<semaphore_mem>>
    %dma_wait3A_219 = tpu.memref_squeeze %dma_wait3A_218 : memref<1x!tpu.dma_semaphore, #tpu.memory_space<semaphore_mem>> -> memref<!tpu.dma_semaphore, #tpu.memory_space<semaphore_mem>>
    tpu.wait_indirect_dma semaphore(%dma_wait3A_219 : memref<!tpu.dma_semaphore, #tpu.memory_space<semaphore_mem>>) src(%dma_wait3A_217 : memref<20000x64xf32, #tpu.memory_space<hbm>>) dst(%dma_wait3A_211 : memref<125x64xf32, #tpu.memory_space<vmem>>)
    %dma_start3A_220 = arith.constant 3 : i32
    %dma_start3A_221 = arith.constant 159 : i32
    %dma_start3A_222 = arith.constant 0 : i32
    %dma_start3A_223 = arith.constant 0 : i32
    %dma_start3A_224 = tpu.memref_slice %arg8[%dma_start3A_220, %dma_start3A_222, %dma_start3A_223] : memref<4x125x64xf32, #tpu.memory_space<vmem>> -> memref<1x125x64xf32, #tpu.memory_space<vmem>>
    %dma_start3A_225 = tpu.memref_squeeze %dma_start3A_224 : memref<1x125x64xf32, #tpu.memory_space<vmem>> -> memref<125x64xf32, #tpu.memory_space<vmem>>
    %dma_start3A_226 = arith.constant 0 : i32
    %dma_start3A_227 = tpu.memref_slice %arg7[%dma_start3A_221, %dma_start3A_226] : memref<160x125xi32, #tpu.memory_space<vmem>> -> memref<1x125xi32, #tpu.memory_space<vmem>>
    %dma_start3A_228 = tpu.memref_squeeze %dma_start3A_227 : memref<1x125xi32, #tpu.memory_space<vmem>> -> memref<125xi32, #tpu.memory_space<vmem>>
    %dma_start3A_229 = arith.constant 0 : i32
    %dma_start3A_230 = arith.constant 0 : i32
    %dma_start3A_231 = tpu.memref_slice %arg12[%dma_start3A_229, %dma_start3A_230] : memref<10112x64xf32, #tpu.memory_space<vmem_shared>> -> memref<10112x64xf32, #tpu.memory_space<vmem_shared>>
    tpu.enqueue_indirect_dma source(%dma_start3A_225 : memref<125x64xf32, #tpu.memory_space<vmem>>) target(%dma_start3A_231 : memref<10112x64xf32, #tpu.memory_space<vmem_shared>>) offsets(%dma_start3A_228 : memref<125xi32, #tpu.memory_space<vmem>>) semaphore(%arg10 : memref<!tpu.dma_semaphore, #tpu.memory_space<semaphore_mem>>) {add = true}
    %dma_wait3A_232 = arith.constant 3 : i32
    %dma_wait3A_233 = arith.constant 159 : i32
    %dma_wait3A_234 = arith.constant 0 : i32
    %dma_wait3A_235 = arith.constant 0 : i32
    %dma_wait3A_236 = tpu.memref_slice %arg8[%dma_wait3A_232, %dma_wait3A_234, %dma_wait3A_235] : memref<4x125x64xf32, #tpu.memory_space<vmem>> -> memref<1x125x64xf32, #tpu.memory_space<vmem>>
    %dma_wait3A_237 = tpu.memref_squeeze %dma_wait3A_236 : memref<1x125x64xf32, #tpu.memory_space<vmem>> -> memref<125x64xf32, #tpu.memory_space<vmem>>
    %dma_wait3A_238 = arith.constant 0 : i32
    %dma_wait3A_239 = tpu.memref_slice %arg7[%dma_wait3A_233, %dma_wait3A_238] : memref<160x125xi32, #tpu.memory_space<vmem>> -> memref<1x125xi32, #tpu.memory_space<vmem>>
    %dma_wait3A_240 = tpu.memref_squeeze %dma_wait3A_239 : memref<1x125xi32, #tpu.memory_space<vmem>> -> memref<125xi32, #tpu.memory_space<vmem>>
    %dma_wait3A_241 = arith.constant 0 : i32
    %dma_wait3A_242 = arith.constant 0 : i32
    %dma_wait3A_243 = tpu.memref_slice %arg12[%dma_wait3A_241, %dma_wait3A_242] : memref<10112x64xf32, #tpu.memory_space<vmem_shared>> -> memref<10112x64xf32, #tpu.memory_space<vmem_shared>>
    tpu.wait_indirect_dma semaphore(%arg10 : memref<!tpu.dma_semaphore, #tpu.memory_space<semaphore_mem>>) src(%dma_wait3A_237 : memref<125x64xf32, #tpu.memory_space<vmem>>) dst(%dma_wait3A_243 : memref<10112x64xf32, #tpu.memory_space<vmem_shared>>)
    %barrier3A_244 = arith.constant 0 : index
    tpu.barrier barrier_id(%barrier3A_244)
    %mul3A_245 = arith.constant 64 : i32
    %mul3A_246 = arith.muli %arg0, %mul3A_245 : i32
    "tpu.region"() ({
      %run_scoped3A = tpu.sem_alloc : memref<!tpu.dma_semaphore, #tpu.memory_space<semaphore_mem>>
      %dma_start3A_247 = tpu.memref_slice %arg5[%mul3A_51, %mul3A_246] : memref<10112x128xf32, #tpu.memory_space<hbm>> -> memref<632x64xf32, #tpu.memory_space<hbm>>
      %dma_start3A_248 = arith.constant 0 : i32
      %dma_start3A_249 = tpu.memref_slice %arg12[%mul3A_51, %dma_start3A_248] : memref<10112x64xf32, #tpu.memory_space<vmem_shared>> -> memref<632x64xf32, #tpu.memory_space<vmem_shared>>
      tpu.enqueue_dma source(%dma_start3A_249 : memref<632x64xf32, #tpu.memory_space<vmem_shared>>) target(%dma_start3A_247 : memref<632x64xf32, #tpu.memory_space<hbm>>) target_semaphore(%run_scoped3A : memref<!tpu.dma_semaphore, #tpu.memory_space<semaphore_mem>>)
      %dma_wait3A_250 = tpu.memref_slice %arg5[%mul3A_51, %mul3A_246] : memref<10112x128xf32, #tpu.memory_space<hbm>> -> memref<632x64xf32, #tpu.memory_space<hbm>>
      %dma_wait3A_251 = arith.constant 0 : i32
      %dma_wait3A_252 = tpu.memref_slice %arg12[%mul3A_51, %dma_wait3A_251] : memref<10112x64xf32, #tpu.memory_space<vmem_shared>> -> memref<632x64xf32, #tpu.memory_space<vmem_shared>>
      tpu.wait_dma2 semaphore(%run_scoped3A : memref<!tpu.dma_semaphore, #tpu.memory_space<semaphore_mem>>) src(%dma_wait3A_252 : memref<632x64xf32, #tpu.memory_space<vmem_shared>>) dst(%dma_wait3A_250 : memref<632x64xf32, #tpu.memory_space<hbm>>)
      tpu.yield
    }) : () -> ()
    return
  }
}

#map = affine_map<(d0, d1) -> (0, 0)>
#map1 = affine_map<(d0, d1) -> (0, 0, 0)>
module attributes {stable_mosaic.version = 14 : i64} {
  func.func @sc_segsum(%arg0: i32, %arg1: i32, %arg2: memref<20000x64xf32, #tpu.memory_space<hbm>>, %arg3: memref<32x160x125xi32, #tpu.memory_space<hbm>>, %arg4: memref<16x160x125xi32, #tpu.memory_space<hbm>>, %arg5: memref<10112x128xf32, #tpu.memory_space<hbm>>, %arg6: memref<160x125xi32, #tpu.memory_space<vmem>>, %arg7: memref<160x125xi32, #tpu.memory_space<vmem>>, %arg8: memref<4x125x64xf32, #tpu.memory_space<vmem>>, %arg9: memref<4x!tpu.dma_semaphore, #tpu.memory_space<semaphore_mem>>, %arg10: memref<!tpu.dma_semaphore, #tpu.memory_space<semaphore_mem>>, %arg11: memref<79x64xf32, #tpu.memory_space<vmem>>, %arg12: memref<10112x64xf32, #tpu.memory_space<vmem_shared>>) attributes {dimension_semantics = [#tpu.dimension_semantics<core_parallel>, #tpu.dimension_semantics<subcore_parallel>], iteration_bounds = array<i64: 2, 16>, scalar_prefetch = 0 : i64, scratch_operands = 7 : i64, tpu.core_type = #tpu.core_type<sc_vector_subcore>, window_params = [{transform_indices = #map}, {transform_indices = #map1}, {transform_indices = #map1}, {transform_indices = #map}]} {
    %mul3A = arith.constant 16 : i32
    %mul3A_0 = arith.muli %arg0, %mul3A : i32
    %add3A = arith.addi %mul3A_0, %arg1 : i32
    "tpu.region"() ({
      %run_scoped3A = tpu.sem_alloc : memref<!tpu.dma_semaphore, #tpu.memory_space<semaphore_mem>>
      %dma_start3A_247 = arith.constant 0 : i32
      %dma_start3A_248 = arith.constant 0 : i32
      %dma_start3A_249 = tpu.memref_slice %arg3[%add3A, %dma_start3A_247, %dma_start3A_248] : memref<32x160x125xi32, #tpu.memory_space<hbm>> -> memref<1x160x125xi32, #tpu.memory_space<hbm>>
      %dma_start3A_250 = tpu.memref_squeeze %dma_start3A_249 : memref<1x160x125xi32, #tpu.memory_space<hbm>> -> memref<160x125xi32, #tpu.memory_space<hbm>>
      %dma_start3A_251 = arith.constant 0 : i32
      %dma_start3A_252 = arith.constant 0 : i32
      %dma_start3A_253 = tpu.memref_slice %arg3[%add3A, %dma_start3A_251, %dma_start3A_252] : memref<32x160x125xi32, #tpu.memory_space<hbm>> -> memref<1x160x125xi32, #tpu.memory_space<hbm>>
      %dma_start3A_254 = tpu.memref_squeeze %dma_start3A_253 : memref<1x160x125xi32, #tpu.memory_space<hbm>> -> memref<160x125xi32, #tpu.memory_space<hbm>>
      tpu.enqueue_dma source(%dma_start3A_254 : memref<160x125xi32, #tpu.memory_space<hbm>>) target(%arg6 : memref<160x125xi32, #tpu.memory_space<vmem>>) target_semaphore(%run_scoped3A : memref<!tpu.dma_semaphore, #tpu.memory_space<semaphore_mem>>)
      %dma_wait3A_255 = arith.constant 0 : i32
      %dma_wait3A_256 = arith.constant 0 : i32
      %dma_wait3A_257 = tpu.memref_slice %arg3[%add3A, %dma_wait3A_255, %dma_wait3A_256] : memref<32x160x125xi32, #tpu.memory_space<hbm>> -> memref<1x160x125xi32, #tpu.memory_space<hbm>>
      %dma_wait3A_258 = tpu.memref_squeeze %dma_wait3A_257 : memref<1x160x125xi32, #tpu.memory_space<hbm>> -> memref<160x125xi32, #tpu.memory_space<hbm>>
      %dma_wait3A_259 = arith.constant 0 : i32
      %dma_wait3A_260 = arith.constant 0 : i32
      %dma_wait3A_261 = tpu.memref_slice %arg3[%add3A, %dma_wait3A_259, %dma_wait3A_260] : memref<32x160x125xi32, #tpu.memory_space<hbm>> -> memref<1x160x125xi32, #tpu.memory_space<hbm>>
      %dma_wait3A_262 = tpu.memref_squeeze %dma_wait3A_261 : memref<1x160x125xi32, #tpu.memory_space<hbm>> -> memref<160x125xi32, #tpu.memory_space<hbm>>
      tpu.wait_dma2 semaphore(%run_scoped3A : memref<!tpu.dma_semaphore, #tpu.memory_space<semaphore_mem>>) src(%dma_wait3A_262 : memref<160x125xi32, #tpu.memory_space<hbm>>) dst(%arg6 : memref<160x125xi32, #tpu.memory_space<vmem>>)
      tpu.yield
    }) : () -> ()
    "tpu.region"() ({
      %run_scoped3A = tpu.sem_alloc : memref<!tpu.dma_semaphore, #tpu.memory_space<semaphore_mem>>
      %dma_start3A_247 = arith.constant 0 : i32
      %dma_start3A_248 = arith.constant 0 : i32
      %dma_start3A_249 = tpu.memref_slice %arg4[%arg1, %dma_start3A_247, %dma_start3A_248] : memref<16x160x125xi32, #tpu.memory_space<hbm>> -> memref<1x160x125xi32, #tpu.memory_space<hbm>>
      %dma_start3A_250 = tpu.memref_squeeze %dma_start3A_249 : memref<1x160x125xi32, #tpu.memory_space<hbm>> -> memref<160x125xi32, #tpu.memory_space<hbm>>
      %dma_start3A_251 = arith.constant 0 : i32
      %dma_start3A_252 = arith.constant 0 : i32
      %dma_start3A_253 = tpu.memref_slice %arg4[%arg1, %dma_start3A_251, %dma_start3A_252] : memref<16x160x125xi32, #tpu.memory_space<hbm>> -> memref<1x160x125xi32, #tpu.memory_space<hbm>>
      %dma_start3A_254 = tpu.memref_squeeze %dma_start3A_253 : memref<1x160x125xi32, #tpu.memory_space<hbm>> -> memref<160x125xi32, #tpu.memory_space<hbm>>
      tpu.enqueue_dma source(%dma_start3A_254 : memref<160x125xi32, #tpu.memory_space<hbm>>) target(%arg7 : memref<160x125xi32, #tpu.memory_space<vmem>>) target_semaphore(%run_scoped3A : memref<!tpu.dma_semaphore, #tpu.memory_space<semaphore_mem>>)
      %dma_wait3A_255 = arith.constant 0 : i32
      %dma_wait3A_256 = arith.constant 0 : i32
      %dma_wait3A_257 = tpu.memref_slice %arg4[%arg1, %dma_wait3A_255, %dma_wait3A_256] : memref<16x160x125xi32, #tpu.memory_space<hbm>> -> memref<1x160x125xi32, #tpu.memory_space<hbm>>
      %dma_wait3A_258 = tpu.memref_squeeze %dma_wait3A_257 : memref<1x160x125xi32, #tpu.memory_space<hbm>> -> memref<160x125xi32, #tpu.memory_space<hbm>>
      %dma_wait3A_259 = arith.constant 0 : i32
      %dma_wait3A_260 = arith.constant 0 : i32
      %dma_wait3A_261 = tpu.memref_slice %arg4[%arg1, %dma_wait3A_259, %dma_wait3A_260] : memref<16x160x125xi32, #tpu.memory_space<hbm>> -> memref<1x160x125xi32, #tpu.memory_space<hbm>>
      %dma_wait3A_262 = tpu.memref_squeeze %dma_wait3A_261 : memref<1x160x125xi32, #tpu.memory_space<hbm>> -> memref<160x125xi32, #tpu.memory_space<hbm>>
      tpu.wait_dma2 semaphore(%run_scoped3A : memref<!tpu.dma_semaphore, #tpu.memory_space<semaphore_mem>>) src(%dma_wait3A_262 : memref<160x125xi32, #tpu.memory_space<hbm>>) dst(%arg7 : memref<160x125xi32, #tpu.memory_space<vmem>>)
      tpu.yield
    }) : () -> ()
    %dma_start3A = arith.constant 0 : i32
    %dma_start3A_1 = arith.constant 0 : i32
    %dma_start3A_2 = arith.constant 0 : i32
    %dma_start3A_3 = arith.constant 0 : i32
    %dma_start3A_4 = arith.constant 0 : i32
    %dma_start3A_5 = tpu.memref_slice %arg8[%dma_start3A_1, %dma_start3A_3, %dma_start3A_4] : memref<4x125x64xf32, #tpu.memory_space<vmem>> -> memref<1x125x64xf32, #tpu.memory_space<vmem>>
    %dma_start3A_6 = tpu.memref_squeeze %dma_start3A_5 : memref<1x125x64xf32, #tpu.memory_space<vmem>> -> memref<125x64xf32, #tpu.memory_space<vmem>>
    %dma_start3A_7 = arith.constant 0 : i32
    %dma_start3A_8 = tpu.memref_slice %arg6[%dma_start3A, %dma_start3A_7] : memref<160x125xi32, #tpu.memory_space<vmem>> -> memref<1x125xi32, #tpu.memory_space<vmem>>
    %dma_start3A_9 = tpu.memref_squeeze %dma_start3A_8 : memref<1x125xi32, #tpu.memory_space<vmem>> -> memref<125xi32, #tpu.memory_space<vmem>>
    %dma_start3A_10 = arith.constant 0 : i32
    %dma_start3A_11 = arith.constant 0 : i32
    %dma_start3A_12 = tpu.memref_slice %arg2[%dma_start3A_10, %dma_start3A_11] : memref<20000x64xf32, #tpu.memory_space<hbm>> -> memref<20000x64xf32, #tpu.memory_space<hbm>>
    %dma_start3A_13 = tpu.memref_slice %arg9[%dma_start3A_2] : memref<4x!tpu.dma_semaphore, #tpu.memory_space<semaphore_mem>> -> memref<1x!tpu.dma_semaphore, #tpu.memory_space<semaphore_mem>>
    %dma_start3A_14 = tpu.memref_squeeze %dma_start3A_13 : memref<1x!tpu.dma_semaphore, #tpu.memory_space<semaphore_mem>> -> memref<!tpu.dma_semaphore, #tpu.memory_space<semaphore_mem>>
    tpu.enqueue_indirect_dma source(%dma_start3A_12 : memref<20000x64xf32, #tpu.memory_space<hbm>>) target(%dma_start3A_6 : memref<125x64xf32, #tpu.memory_space<vmem>>) offsets(%dma_start3A_9 : memref<125xi32, #tpu.memory_space<vmem>>) semaphore(%dma_start3A_14 : memref<!tpu.dma_semaphore, #tpu.memory_space<semaphore_mem>>)
    %dma_start3A_15 = arith.constant 1 : i32
    %dma_start3A_16 = arith.constant 1 : i32
    %dma_start3A_17 = arith.constant 1 : i32
    %dma_start3A_18 = arith.constant 0 : i32
    %dma_start3A_19 = arith.constant 0 : i32
    %dma_start3A_20 = tpu.memref_slice %arg8[%dma_start3A_16, %dma_start3A_18, %dma_start3A_19] : memref<4x125x64xf32, #tpu.memory_space<vmem>> -> memref<1x125x64xf32, #tpu.memory_space<vmem>>
    %dma_start3A_21 = tpu.memref_squeeze %dma_start3A_20 : memref<1x125x64xf32, #tpu.memory_space<vmem>> -> memref<125x64xf32, #tpu.memory_space<vmem>>
    %dma_start3A_22 = arith.constant 0 : i32
    %dma_start3A_23 = tpu.memref_slice %arg6[%dma_start3A_15, %dma_start3A_22] : memref<160x125xi32, #tpu.memory_space<vmem>> -> memref<1x125xi32, #tpu.memory_space<vmem>>
    %dma_start3A_24 = tpu.memref_squeeze %dma_start3A_23 : memref<1x125xi32, #tpu.memory_space<vmem>> -> memref<125xi32, #tpu.memory_space<vmem>>
    %dma_start3A_25 = arith.constant 0 : i32
    %dma_start3A_26 = arith.constant 0 : i32
    %dma_start3A_27 = tpu.memref_slice %arg2[%dma_start3A_25, %dma_start3A_26] : memref<20000x64xf32, #tpu.memory_space<hbm>> -> memref<20000x64xf32, #tpu.memory_space<hbm>>
    %dma_start3A_28 = tpu.memref_slice %arg9[%dma_start3A_17] : memref<4x!tpu.dma_semaphore, #tpu.memory_space<semaphore_mem>> -> memref<1x!tpu.dma_semaphore, #tpu.memory_space<semaphore_mem>>
    %dma_start3A_29 = tpu.memref_squeeze %dma_start3A_28 : memref<1x!tpu.dma_semaphore, #tpu.memory_space<semaphore_mem>> -> memref<!tpu.dma_semaphore, #tpu.memory_space<semaphore_mem>>
    tpu.enqueue_indirect_dma source(%dma_start3A_27 : memref<20000x64xf32, #tpu.memory_space<hbm>>) target(%dma_start3A_21 : memref<125x64xf32, #tpu.memory_space<vmem>>) offsets(%dma_start3A_24 : memref<125xi32, #tpu.memory_space<vmem>>) semaphore(%dma_start3A_29 : memref<!tpu.dma_semaphore, #tpu.memory_space<semaphore_mem>>)
    %dma_start3A_30 = arith.constant 2 : i32
    %dma_start3A_31 = arith.constant 2 : i32
    %dma_start3A_32 = arith.constant 2 : i32
    %dma_start3A_33 = arith.constant 0 : i32
    %dma_start3A_34 = arith.constant 0 : i32
    %dma_start3A_35 = tpu.memref_slice %arg8[%dma_start3A_31, %dma_start3A_33, %dma_start3A_34] : memref<4x125x64xf32, #tpu.memory_space<vmem>> -> memref<1x125x64xf32, #tpu.memory_space<vmem>>
    %dma_start3A_36 = tpu.memref_squeeze %dma_start3A_35 : memref<1x125x64xf32, #tpu.memory_space<vmem>> -> memref<125x64xf32, #tpu.memory_space<vmem>>
    %dma_start3A_37 = arith.constant 0 : i32
    %dma_start3A_38 = tpu.memref_slice %arg6[%dma_start3A_30, %dma_start3A_37] : memref<160x125xi32, #tpu.memory_space<vmem>> -> memref<1x125xi32, #tpu.memory_space<vmem>>
    %dma_start3A_39 = tpu.memref_squeeze %dma_start3A_38 : memref<1x125xi32, #tpu.memory_space<vmem>> -> memref<125xi32, #tpu.memory_space<vmem>>
    %dma_start3A_40 = arith.constant 0 : i32
    %dma_start3A_41 = arith.constant 0 : i32
    %dma_start3A_42 = tpu.memref_slice %arg2[%dma_start3A_40, %dma_start3A_41] : memref<20000x64xf32, #tpu.memory_space<hbm>> -> memref<20000x64xf32, #tpu.memory_space<hbm>>
    %dma_start3A_43 = tpu.memref_slice %arg9[%dma_start3A_32] : memref<4x!tpu.dma_semaphore, #tpu.memory_space<semaphore_mem>> -> memref<1x!tpu.dma_semaphore, #tpu.memory_space<semaphore_mem>>
    %dma_start3A_44 = tpu.memref_squeeze %dma_start3A_43 : memref<1x!tpu.dma_semaphore, #tpu.memory_space<semaphore_mem>> -> memref<!tpu.dma_semaphore, #tpu.memory_space<semaphore_mem>>
    tpu.enqueue_indirect_dma source(%dma_start3A_42 : memref<20000x64xf32, #tpu.memory_space<hbm>>) target(%dma_start3A_36 : memref<125x64xf32, #tpu.memory_space<vmem>>) offsets(%dma_start3A_39 : memref<125xi32, #tpu.memory_space<vmem>>) semaphore(%dma_start3A_44 : memref<!tpu.dma_semaphore, #tpu.memory_space<semaphore_mem>>)
    %scan3A = arith.constant 0 : i32
    %scan3A_45 = arith.constant 0 : i32
    %scan3A_46 = arith.constant 79 : i32
    %scan3A_47 = arith.addi %scan3A_45, %scan3A_46 : i32
    %scan3A_48 = arith.constant 1 : i32
    scf.for %scan3A_247 = %scan3A_45 to %scan3A_47 step %scan3A_48  : i32 {
      %broadcast_in_dim3A = arith.constant 0.000000e+00 : f32
      %broadcast_in_dim3A_248 = vector.broadcast %broadcast_in_dim3A : f32 to vector<16xf32>
      %swap3A = arith.index_cast %scan3A_247 : i32 to index
      %swap3A_249 = arith.constant 0 : index
      %swap3A_250 = tpu.vector_load %arg11[%swap3A, %swap3A_249] {strides = array<i32>} : memref<79x64xf32, #tpu.memory_space<vmem>>, vector<1x16xf32>,
      %swap3A_251 = vector.shape_cast %swap3A_250 : vector<1x16xf32> to vector<16xf32>
      %swap3A_252 = vector.shape_cast %broadcast_in_dim3A_248 : vector<16xf32> to vector<1x16xf32>
      tpu.vector_store %arg11[%swap3A, %swap3A_249], %swap3A_252 {strides = array<i32>} : memref<79x64xf32, #tpu.memory_space<vmem>>, vector<1x16xf32>,
      %broadcast_in_dim3A_253 = arith.constant 0.000000e+00 : f32
      %broadcast_in_dim3A_254 = vector.broadcast %broadcast_in_dim3A_253 : f32 to vector<16xf32>
      %swap3A_255 = arith.index_cast %scan3A_247 : i32 to index
      %swap3A_256 = arith.constant 16 : index
      %swap3A_257 = tpu.vector_load %arg11[%swap3A_255, %swap3A_256] {strides = array<i32>} : memref<79x64xf32, #tpu.memory_space<vmem>>, vector<1x16xf32>,
      %swap3A_258 = vector.shape_cast %swap3A_257 : vector<1x16xf32> to vector<16xf32>
      %swap3A_259 = vector.shape_cast %broadcast_in_dim3A_254 : vector<16xf32> to vector<1x16xf32>
      tpu.vector_store %arg11[%swap3A_255, %swap3A_256], %swap3A_259 {strides = array<i32>} : memref<79x64xf32, #tpu.memory_space<vmem>>, vector<1x16xf32>,
      %broadcast_in_dim3A_260 = arith.constant 0.000000e+00 : f32
      %broadcast_in_dim3A_261 = vector.broadcast %broadcast_in_dim3A_260 : f32 to vector<16xf32>
      %swap3A_262 = arith.index_cast %scan3A_247 : i32 to index
      %swap3A_263 = arith.constant 32 : index
      %swap3A_264 = tpu.vector_load %arg11[%swap3A_262, %swap3A_263] {strides = array<i32>} : memref<79x64xf32, #tpu.memory_space<vmem>>, vector<1x16xf32>,
      %swap3A_265 = vector.shape_cast %swap3A_264 : vector<1x16xf32> to vector<16xf32>
      %swap3A_266 = vector.shape_cast %broadcast_in_dim3A_261 : vector<16xf32> to vector<1x16xf32>
      tpu.vector_store %arg11[%swap3A_262, %swap3A_263], %swap3A_266 {strides = array<i32>} : memref<79x64xf32, #tpu.memory_space<vmem>>, vector<1x16xf32>,
      %broadcast_in_dim3A_267 = arith.constant 0.000000e+00 : f32
      %broadcast_in_dim3A_268 = vector.broadcast %broadcast_in_dim3A_267 : f32 to vector<16xf32>
      %swap3A_269 = arith.index_cast %scan3A_247 : i32 to index
      %swap3A_270 = arith.constant 48 : index
      %swap3A_271 = tpu.vector_load %arg11[%swap3A_269, %swap3A_270] {strides = array<i32>} : memref<79x64xf32, #tpu.memory_space<vmem>>, vector<1x16xf32>,
      %swap3A_272 = vector.shape_cast %swap3A_271 : vector<1x16xf32> to vector<16xf32>
      %swap3A_273 = vector.shape_cast %broadcast_in_dim3A_268 : vector<16xf32> to vector<1x16xf32>
      tpu.vector_store %arg11[%swap3A_269, %swap3A_270], %swap3A_273 {strides = array<i32>} : memref<79x64xf32, #tpu.memory_space<vmem>>, vector<1x16xf32>,
    }
    %scan3A_49 = arith.constant 79 : i32
    %mul3A_50 = arith.constant 632 : i32
    %mul3A_51 = arith.muli %arg1, %mul3A_50 : i32
    %add3A_52 = arith.constant 0 : i32
    %add3A_53 = arith.addi %mul3A_51, %add3A_52 : i32
    "tpu.region"() ({
      %run_scoped3A = tpu.sem_alloc : memref<!tpu.dma_semaphore, #tpu.memory_space<semaphore_mem>>
      %dma_start3A_247 = arith.constant 0 : i32
      %dma_start3A_248 = tpu.memref_slice %arg12[%add3A_53, %dma_start3A_247] : memref<10112x64xf32, #tpu.memory_space<vmem_shared>> -> memref<79x64xf32, #tpu.memory_space<vmem_shared>>
      %dma_start3A_249 = arith.constant 0 : i32
      %dma_start3A_250 = tpu.memref_slice %arg12[%add3A_53, %dma_start3A_249] : memref<10112x64xf32, #tpu.memory_space<vmem_shared>> -> memref<79x64xf32, #tpu.memory_space<vmem_shared>>
      tpu.enqueue_dma source(%arg11 : memref<79x64xf32, #tpu.memory_space<vmem>>) target(%dma_start3A_250 : memref<79x64xf32, #tpu.memory_space<vmem_shared>>) target_semaphore(%run_scoped3A : memref<!tpu.dma_semaphore, #tpu.memory_space<semaphore_mem>>)
      %dma_wait3A_251 = arith.constant 0 : i32
      %dma_wait3A_252 = tpu.memref_slice %arg12[%add3A_53, %dma_wait3A_251] : memref<10112x64xf32, #tpu.memory_space<vmem_shared>> -> memref<79x64xf32, #tpu.memory_space<vmem_shared>>
      %dma_wait3A_253 = arith.constant 0 : i32
      %dma_wait3A_254 = tpu.memref_slice %arg12[%add3A_53, %dma_wait3A_253] : memref<10112x64xf32, #tpu.memory_space<vmem_shared>> -> memref<79x64xf32, #tpu.memory_space<vmem_shared>>
      tpu.wait_dma2 semaphore(%run_scoped3A : memref<!tpu.dma_semaphore, #tpu.memory_space<semaphore_mem>>) src(%arg11 : memref<79x64xf32, #tpu.memory_space<vmem>>) dst(%dma_wait3A_254 : memref<79x64xf32, #tpu.memory_space<vmem_shared>>)
      tpu.yield
    }) : () -> ()
    %add3A_54 = arith.constant 79 : i32
    %add3A_55 = arith.addi %mul3A_51, %add3A_54 : i32
    "tpu.region"() ({
      %run_scoped3A = tpu.sem_alloc : memref<!tpu.dma_semaphore, #tpu.memory_space<semaphore_mem>>
      %dma_start3A_247 = arith.constant 0 : i32
      %dma_start3A_248 = tpu.memref_slice %arg12[%add3A_55, %dma_start3A_247] : memref<10112x64xf32, #tpu.memory_space<vmem_shared>> -> memref<79x64xf32, #tpu.memory_space<vmem_shared>>
      %dma_start3A_249 = arith.constant 0 : i32
      %dma_start3A_250 = tpu.memref_slice %arg12[%add3A_55, %dma_start3A_249] : memref<10112x64xf32, #tpu.memory_space<vmem_shared>> -> memref<79x64xf32, #tpu.memory_space<vmem_shared>>
      tpu.enqueue_dma source(%arg11 : memref<79x64xf32, #tpu.memory_space<vmem>>) target(%dma_start3A_250 : memref<79x64xf32, #tpu.memory_space<vmem_shared>>) target_semaphore(%run_scoped3A : memref<!tpu.dma_semaphore, #tpu.memory_space<semaphore_mem>>)
      %dma_wait3A_251 = arith.constant 0 : i32
      %dma_wait3A_252 = tpu.memref_slice %arg12[%add3A_55, %dma_wait3A_251] : memref<10112x64xf32, #tpu.memory_space<vmem_shared>> -> memref<79x64xf32, #tpu.memory_space<vmem_shared>>
      %dma_wait3A_253 = arith.constant 0 : i32
      %dma_wait3A_254 = tpu.memref_slice %arg12[%add3A_55, %dma_wait3A_253] : memref<10112x64xf32, #tpu.memory_space<vmem_shared>> -> memref<79x64xf32, #tpu.memory_space<vmem_shared>>
      tpu.wait_dma2 semaphore(%run_scoped3A : memref<!tpu.dma_semaphore, #tpu.memory_space<semaphore_mem>>) src(%arg11 : memref<79x64xf32, #tpu.memory_space<vmem>>) dst(%dma_wait3A_254 : memref<79x64xf32, #tpu.memory_space<vmem_shared>>)
      tpu.yield
    }) : () -> ()
    %add3A_56 = arith.constant 158 : i32
    %add3A_57 = arith.addi %mul3A_51, %add3A_56 : i32
    "tpu.region"() ({
      %run_scoped3A = tpu.sem_alloc : memref<!tpu.dma_semaphore, #tpu.memory_space<semaphore_mem>>
      %dma_start3A_247 = arith.constant 0 : i32
      %dma_start3A_248 = tpu.memref_slice %arg12[%add3A_57, %dma_start3A_247] : memref<10112x64xf32, #tpu.memory_space<vmem_shared>> -> memref<79x64xf32, #tpu.memory_space<vmem_shared>>
      %dma_start3A_249 = arith.constant 0 : i32
      %dma_start3A_250 = tpu.memref_slice %arg12[%add3A_57, %dma_start3A_249] : memref<10112x64xf32, #tpu.memory_space<vmem_shared>> -> memref<79x64xf32, #tpu.memory_space<vmem_shared>>
      tpu.enqueue_dma source(%arg11 : memref<79x64xf32, #tpu.memory_space<vmem>>) target(%dma_start3A_250 : memref<79x64xf32, #tpu.memory_space<vmem_shared>>) target_semaphore(%run_scoped3A : memref<!tpu.dma_semaphore, #tpu.memory_space<semaphore_mem>>)
      %dma_wait3A_251 = arith.constant 0 : i32
      %dma_wait3A_252 = tpu.memref_slice %arg12[%add3A_57, %dma_wait3A_251] : memref<10112x64xf32, #tpu.memory_space<vmem_shared>> -> memref<79x64xf32, #tpu.memory_space<vmem_shared>>
      %dma_wait3A_253 = arith.constant 0 : i32
      %dma_wait3A_254 = tpu.memref_slice %arg12[%add3A_57, %dma_wait3A_253] : memref<10112x64xf32, #tpu.memory_space<vmem_shared>> -> memref<79x64xf32, #tpu.memory_space<vmem_shared>>
      tpu.wait_dma2 semaphore(%run_scoped3A : memref<!tpu.dma_semaphore, #tpu.memory_space<semaphore_mem>>) src(%arg11 : memref<79x64xf32, #tpu.memory_space<vmem>>) dst(%dma_wait3A_254 : memref<79x64xf32, #tpu.memory_space<vmem_shared>>)
      tpu.yield
    }) : () -> ()
    %add3A_58 = arith.constant 237 : i32
    %add3A_59 = arith.addi %mul3A_51, %add3A_58 : i32
    "tpu.region"() ({
      %run_scoped3A = tpu.sem_alloc : memref<!tpu.dma_semaphore, #tpu.memory_space<semaphore_mem>>
      %dma_start3A_247 = arith.constant 0 : i32
      %dma_start3A_248 = tpu.memref_slice %arg12[%add3A_59, %dma_start3A_247] : memref<10112x64xf32, #tpu.memory_space<vmem_shared>> -> memref<79x64xf32, #tpu.memory_space<vmem_shared>>
      %dma_start3A_249 = arith.constant 0 : i32
      %dma_start3A_250 = tpu.memref_slice %arg12[%add3A_59, %dma_start3A_249] : memref<10112x64xf32, #tpu.memory_space<vmem_shared>> -> memref<79x64xf32, #tpu.memory_space<vmem_shared>>
      tpu.enqueue_dma source(%arg11 : memref<79x64xf32, #tpu.memory_space<vmem>>) target(%dma_start3A_250 : memref<79x64xf32, #tpu.memory_space<vmem_shared>>) target_semaphore(%run_scoped3A : memref<!tpu.dma_semaphore, #tpu.memory_space<semaphore_mem>>)
      %dma_wait3A_251 = arith.constant 0 : i32
      %dma_wait3A_252 = tpu.memref_slice %arg12[%add3A_59, %dma_wait3A_251] : memref<10112x64xf32, #tpu.memory_space<vmem_shared>> -> memref<79x64xf32, #tpu.memory_space<vmem_shared>>
      %dma_wait3A_253 = arith.constant 0 : i32
      %dma_wait3A_254 = tpu.memref_slice %arg12[%add3A_59, %dma_wait3A_253] : memref<10112x64xf32, #tpu.memory_space<vmem_shared>> -> memref<79x64xf32, #tpu.memory_space<vmem_shared>>
      tpu.wait_dma2 semaphore(%run_scoped3A : memref<!tpu.dma_semaphore, #tpu.memory_space<semaphore_mem>>) src(%arg11 : memref<79x64xf32, #tpu.memory_space<vmem>>) dst(%dma_wait3A_254 : memref<79x64xf32, #tpu.memory_space<vmem_shared>>)
      tpu.yield
    }) : () -> ()
    %add3A_60 = arith.constant 316 : i32
    %add3A_61 = arith.addi %mul3A_51, %add3A_60 : i32
    "tpu.region"() ({
      %run_scoped3A = tpu.sem_alloc : memref<!tpu.dma_semaphore, #tpu.memory_space<semaphore_mem>>
      %dma_start3A_247 = arith.constant 0 : i32
      %dma_start3A_248 = tpu.memref_slice %arg12[%add3A_61, %dma_start3A_247] : memref<10112x64xf32, #tpu.memory_space<vmem_shared>> -> memref<79x64xf32, #tpu.memory_space<vmem_shared>>
      %dma_start3A_249 = arith.constant 0 : i32
      %dma_start3A_250 = tpu.memref_slice %arg12[%add3A_61, %dma_start3A_249] : memref<10112x64xf32, #tpu.memory_space<vmem_shared>> -> memref<79x64xf32, #tpu.memory_space<vmem_shared>>
      tpu.enqueue_dma source(%arg11 : memref<79x64xf32, #tpu.memory_space<vmem>>) target(%dma_start3A_250 : memref<79x64xf32, #tpu.memory_space<vmem_shared>>) target_semaphore(%run_scoped3A : memref<!tpu.dma_semaphore, #tpu.memory_space<semaphore_mem>>)
      %dma_wait3A_251 = arith.constant 0 : i32
      %dma_wait3A_252 = tpu.memref_slice %arg12[%add3A_61, %dma_wait3A_251] : memref<10112x64xf32, #tpu.memory_space<vmem_shared>> -> memref<79x64xf32, #tpu.memory_space<vmem_shared>>
      %dma_wait3A_253 = arith.constant 0 : i32
      %dma_wait3A_254 = tpu.memref_slice %arg12[%add3A_61, %dma_wait3A_253] : memref<10112x64xf32, #tpu.memory_space<vmem_shared>> -> memref<79x64xf32, #tpu.memory_space<vmem_shared>>
      tpu.wait_dma2 semaphore(%run_scoped3A : memref<!tpu.dma_semaphore, #tpu.memory_space<semaphore_mem>>) src(%arg11 : memref<79x64xf32, #tpu.memory_space<vmem>>) dst(%dma_wait3A_254 : memref<79x64xf32, #tpu.memory_space<vmem_shared>>)
      tpu.yield
    }) : () -> ()
    %add3A_62 = arith.constant 395 : i32
    %add3A_63 = arith.addi %mul3A_51, %add3A_62 : i32
    "tpu.region"() ({
      %run_scoped3A = tpu.sem_alloc : memref<!tpu.dma_semaphore, #tpu.memory_space<semaphore_mem>>
      %dma_start3A_247 = arith.constant 0 : i32
      %dma_start3A_248 = tpu.memref_slice %arg12[%add3A_63, %dma_start3A_247] : memref<10112x64xf32, #tpu.memory_space<vmem_shared>> -> memref<79x64xf32, #tpu.memory_space<vmem_shared>>
      %dma_start3A_249 = arith.constant 0 : i32
      %dma_start3A_250 = tpu.memref_slice %arg12[%add3A_63, %dma_start3A_249] : memref<10112x64xf32, #tpu.memory_space<vmem_shared>> -> memref<79x64xf32, #tpu.memory_space<vmem_shared>>
      tpu.enqueue_dma source(%arg11 : memref<79x64xf32, #tpu.memory_space<vmem>>) target(%dma_start3A_250 : memref<79x64xf32, #tpu.memory_space<vmem_shared>>) target_semaphore(%run_scoped3A : memref<!tpu.dma_semaphore, #tpu.memory_space<semaphore_mem>>)
      %dma_wait3A_251 = arith.constant 0 : i32
      %dma_wait3A_252 = tpu.memref_slice %arg12[%add3A_63, %dma_wait3A_251] : memref<10112x64xf32, #tpu.memory_space<vmem_shared>> -> memref<79x64xf32, #tpu.memory_space<vmem_shared>>
      %dma_wait3A_253 = arith.constant 0 : i32
      %dma_wait3A_254 = tpu.memref_slice %arg12[%add3A_63, %dma_wait3A_253] : memref<10112x64xf32, #tpu.memory_space<vmem_shared>> -> memref<79x64xf32, #tpu.memory_space<vmem_shared>>
      tpu.wait_dma2 semaphore(%run_scoped3A : memref<!tpu.dma_semaphore, #tpu.memory_space<semaphore_mem>>) src(%arg11 : memref<79x64xf32, #tpu.memory_space<vmem>>) dst(%dma_wait3A_254 : memref<79x64xf32, #tpu.memory_space<vmem_shared>>)
      tpu.yield
    }) : () -> ()
    %add3A_64 = arith.constant 474 : i32
    %add3A_65 = arith.addi %mul3A_51, %add3A_64 : i32
    "tpu.region"() ({
      %run_scoped3A = tpu.sem_alloc : memref<!tpu.dma_semaphore, #tpu.memory_space<semaphore_mem>>
      %dma_start3A_247 = arith.constant 0 : i32
      %dma_start3A_248 = tpu.memref_slice %arg12[%add3A_65, %dma_start3A_247] : memref<10112x64xf32, #tpu.memory_space<vmem_shared>> -> memref<79x64xf32, #tpu.memory_space<vmem_shared>>
      %dma_start3A_249 = arith.constant 0 : i32
      %dma_start3A_250 = tpu.memref_slice %arg12[%add3A_65, %dma_start3A_249] : memref<10112x64xf32, #tpu.memory_space<vmem_shared>> -> memref<79x64xf32, #tpu.memory_space<vmem_shared>>
      tpu.enqueue_dma source(%arg11 : memref<79x64xf32, #tpu.memory_space<vmem>>) target(%dma_start3A_250 : memref<79x64xf32, #tpu.memory_space<vmem_shared>>) target_semaphore(%run_scoped3A : memref<!tpu.dma_semaphore, #tpu.memory_space<semaphore_mem>>)
      %dma_wait3A_251 = arith.constant 0 : i32
      %dma_wait3A_252 = tpu.memref_slice %arg12[%add3A_65, %dma_wait3A_251] : memref<10112x64xf32, #tpu.memory_space<vmem_shared>> -> memref<79x64xf32, #tpu.memory_space<vmem_shared>>
      %dma_wait3A_253 = arith.constant 0 : i32
      %dma_wait3A_254 = tpu.memref_slice %arg12[%add3A_65, %dma_wait3A_253] : memref<10112x64xf32, #tpu.memory_space<vmem_shared>> -> memref<79x64xf32, #tpu.memory_space<vmem_shared>>
      tpu.wait_dma2 semaphore(%run_scoped3A : memref<!tpu.dma_semaphore, #tpu.memory_space<semaphore_mem>>) src(%arg11 : memref<79x64xf32, #tpu.memory_space<vmem>>) dst(%dma_wait3A_254 : memref<79x64xf32, #tpu.memory_space<vmem_shared>>)
      tpu.yield
    }) : () -> ()
    %add3A_66 = arith.constant 553 : i32
    %add3A_67 = arith.addi %mul3A_51, %add3A_66 : i32
    "tpu.region"() ({
      %run_scoped3A = tpu.sem_alloc : memref<!tpu.dma_semaphore, #tpu.memory_space<semaphore_mem>>
      %dma_start3A_247 = arith.constant 0 : i32
      %dma_start3A_248 = tpu.memref_slice %arg12[%add3A_67, %dma_start3A_247] : memref<10112x64xf32, #tpu.memory_space<vmem_shared>> -> memref<79x64xf32, #tpu.memory_space<vmem_shared>>
      %dma_start3A_249 = arith.constant 0 : i32
      %dma_start3A_250 = tpu.memref_slice %arg12[%add3A_67, %dma_start3A_249] : memref<10112x64xf32, #tpu.memory_space<vmem_shared>> -> memref<79x64xf32, #tpu.memory_space<vmem_shared>>
      tpu.enqueue_dma source(%arg11 : memref<79x64xf32, #tpu.memory_space<vmem>>) target(%dma_start3A_250 : memref<79x64xf32, #tpu.memory_space<vmem_shared>>) target_semaphore(%run_scoped3A : memref<!tpu.dma_semaphore, #tpu.memory_space<semaphore_mem>>)
      %dma_wait3A_251 = arith.constant 0 : i32
      %dma_wait3A_252 = tpu.memref_slice %arg12[%add3A_67, %dma_wait3A_251] : memref<10112x64xf32, #tpu.memory_space<vmem_shared>> -> memref<79x64xf32, #tpu.memory_space<vmem_shared>>
      %dma_wait3A_253 = arith.constant 0 : i32
      %dma_wait3A_254 = tpu.memref_slice %arg12[%add3A_67, %dma_wait3A_253] : memref<10112x64xf32, #tpu.memory_space<vmem_shared>> -> memref<79x64xf32, #tpu.memory_space<vmem_shared>>
      tpu.wait_dma2 semaphore(%run_scoped3A : memref<!tpu.dma_semaphore, #tpu.memory_space<semaphore_mem>>) src(%arg11 : memref<79x64xf32, #tpu.memory_space<vmem>>) dst(%dma_wait3A_254 : memref<79x64xf32, #tpu.memory_space<vmem_shared>>)
      tpu.yield
    }) : () -> ()
    %barrier3A = arith.constant 0 : index
    tpu.barrier barrier_id(%barrier3A)
    %dma_start3A_68 = arith.constant 3 : i32
    %dma_start3A_69 = arith.constant 3 : i32
    %dma_start3A_70 = arith.constant 3 : i32
    %dma_start3A_71 = arith.constant 0 : i32
    %dma_start3A_72 = arith.constant 0 : i32
    %dma_start3A_73 = tpu.memref_slice %arg8[%dma_start3A_69, %dma_start3A_71, %dma_start3A_72] : memref<4x125x64xf32, #tpu.memory_space<vmem>> -> memref<1x125x64xf32, #tpu.memory_space<vmem>>
    %dma_start3A_74 = tpu.memref_squeeze %dma_start3A_73 : memref<1x125x64xf32, #tpu.memory_space<vmem>> -> memref<125x64xf32, #tpu.memory_space<vmem>>
    %dma_start3A_75 = arith.constant 0 : i32
    %dma_start3A_76 = tpu.memref_slice %arg6[%dma_start3A_68, %dma_start3A_75] : memref<160x125xi32, #tpu.memory_space<vmem>> -> memref<1x125xi32, #tpu.memory_space<vmem>>
    %dma_start3A_77 = tpu.memref_squeeze %dma_start3A_76 : memref<1x125xi32, #tpu.memory_space<vmem>> -> memref<125xi32, #tpu.memory_space<vmem>>
    %dma_start3A_78 = arith.constant 0 : i32
    %dma_start3A_79 = arith.constant 0 : i32
    %dma_start3A_80 = tpu.memref_slice %arg2[%dma_start3A_78, %dma_start3A_79] : memref<20000x64xf32, #tpu.memory_space<hbm>> -> memref<20000x64xf32, #tpu.memory_space<hbm>>
    %dma_start3A_81 = tpu.memref_slice %arg9[%dma_start3A_70] : memref<4x!tpu.dma_semaphore, #tpu.memory_space<semaphore_mem>> -> memref<1x!tpu.dma_semaphore, #tpu.memory_space<semaphore_mem>>
    %dma_start3A_82 = tpu.memref_squeeze %dma_start3A_81 : memref<1x!tpu.dma_semaphore, #tpu.memory_space<semaphore_mem>> -> memref<!tpu.dma_semaphore, #tpu.memory_space<semaphore_mem>>
    tpu.enqueue_indirect_dma source(%dma_start3A_80 : memref<20000x64xf32, #tpu.memory_space<hbm>>) target(%dma_start3A_74 : memref<125x64xf32, #tpu.memory_space<vmem>>) offsets(%dma_start3A_77 : memref<125xi32, #tpu.memory_space<vmem>>) semaphore(%dma_start3A_82 : memref<!tpu.dma_semaphore, #tpu.memory_space<semaphore_mem>>)
    %dma_wait3A = arith.constant 0 : i32
    %dma_wait3A_83 = arith.constant 0 : i32
    %dma_wait3A_84 = arith.constant 0 : i32
    %dma_wait3A_85 = arith.constant 0 : i32
    %dma_wait3A_86 = arith.constant 0 : i32
    %dma_wait3A_87 = tpu.memref_slice %arg8[%dma_wait3A_83, %dma_wait3A_85, %dma_wait3A_86] : memref<4x125x64xf32, #tpu.memory_space<vmem>> -> memref<1x125x64xf32, #tpu.memory_space<vmem>>
    %dma_wait3A_88 = tpu.memref_squeeze %dma_wait3A_87 : memref<1x125x64xf32, #tpu.memory_space<vmem>> -> memref<125x64xf32, #tpu.memory_space<vmem>>
    %dma_wait3A_89 = arith.constant 0 : i32
    %dma_wait3A_90 = tpu.memref_slice %arg6[%dma_wait3A, %dma_wait3A_89] : memref<160x125xi32, #tpu.memory_space<vmem>> -> memref<1x125xi32, #tpu.memory_space<vmem>>
    %dma_wait3A_91 = tpu.memref_squeeze %dma_wait3A_90 : memref<1x125xi32, #tpu.memory_space<vmem>> -> memref<125xi32, #tpu.memory_space<vmem>>
    %dma_wait3A_92 = arith.constant 0 : i32
    %dma_wait3A_93 = arith.constant 0 : i32
    %dma_wait3A_94 = tpu.memref_slice %arg2[%dma_wait3A_92, %dma_wait3A_93] : memref<20000x64xf32, #tpu.memory_space<hbm>> -> memref<20000x64xf32, #tpu.memory_space<hbm>>
    %dma_wait3A_95 = tpu.memref_slice %arg9[%dma_wait3A_84] : memref<4x!tpu.dma_semaphore, #tpu.memory_space<semaphore_mem>> -> memref<1x!tpu.dma_semaphore, #tpu.memory_space<semaphore_mem>>
    %dma_wait3A_96 = tpu.memref_squeeze %dma_wait3A_95 : memref<1x!tpu.dma_semaphore, #tpu.memory_space<semaphore_mem>> -> memref<!tpu.dma_semaphore, #tpu.memory_space<semaphore_mem>>
    tpu.wait_indirect_dma semaphore(%dma_wait3A_96 : memref<!tpu.dma_semaphore, #tpu.memory_space<semaphore_mem>>) src(%dma_wait3A_94 : memref<20000x64xf32, #tpu.memory_space<hbm>>) dst(%dma_wait3A_88 : memref<125x64xf32, #tpu.memory_space<vmem>>)
    %dma_start3A_97 = arith.constant 0 : i32
    %dma_start3A_98 = arith.constant 0 : i32
    %dma_start3A_99 = arith.constant 0 : i32
    %dma_start3A_100 = arith.constant 0 : i32
    %dma_start3A_101 = tpu.memref_slice %arg8[%dma_start3A_97, %dma_start3A_99, %dma_start3A_100] : memref<4x125x64xf32, #tpu.memory_space<vmem>> -> memref<1x125x64xf32, #tpu.memory_space<vmem>>
    %dma_start3A_102 = tpu.memref_squeeze %dma_start3A_101 : memref<1x125x64xf32, #tpu.memory_space<vmem>> -> memref<125x64xf32, #tpu.memory_space<vmem>>
    %dma_start3A_103 = arith.constant 0 : i32
    %dma_start3A_104 = tpu.memref_slice %arg7[%dma_start3A_98, %dma_start3A_103] : memref<160x125xi32, #tpu.memory_space<vmem>> -> memref<1x125xi32, #tpu.memory_space<vmem>>
    %dma_start3A_105 = tpu.memref_squeeze %dma_start3A_104 : memref<1x125xi32, #tpu.memory_space<vmem>> -> memref<125xi32, #tpu.memory_space<vmem>>
    %dma_start3A_106 = arith.constant 0 : i32
    %dma_start3A_107 = arith.constant 0 : i32
    %dma_start3A_108 = tpu.memref_slice %arg12[%dma_start3A_106, %dma_start3A_107] : memref<10112x64xf32, #tpu.memory_space<vmem_shared>> -> memref<10112x64xf32, #tpu.memory_space<vmem_shared>>
    tpu.enqueue_indirect_dma source(%dma_start3A_102 : memref<125x64xf32, #tpu.memory_space<vmem>>) target(%dma_start3A_108 : memref<10112x64xf32, #tpu.memory_space<vmem_shared>>) offsets(%dma_start3A_105 : memref<125xi32, #tpu.memory_space<vmem>>) semaphore(%arg10 : memref<!tpu.dma_semaphore, #tpu.memory_space<semaphore_mem>>) {add = true}
    %scan3A_109 = arith.constant 0 : i32
    %scan3A_110 = arith.constant 0 : i32
    %scan3A_111 = arith.constant 39 : i32
    %scan3A_112 = arith.addi %scan3A_110, %scan3A_111 : i32
    %scan3A_113 = arith.constant 1 : i32
    scf.for %scan3A_247 = %scan3A_110 to %scan3A_112 step %scan3A_113  : i32 {
      %mul3A_248 = arith.constant 4 : i32
      %mul3A_249 = arith.muli %scan3A_247, %mul3A_248 : i32
      %add3A_250 = arith.constant 1 : i32
      %add3A_251 = arith.addi %add3A_250, %mul3A_249 : i32
      %add3A_252 = arith.constant 0 : i32
      %add3A_253 = arith.addi %add3A_251, %add3A_252 : i32
      %sub3A = arith.constant 1 : i32
      %sub3A_254 = arith.subi %add3A_253, %sub3A : i32
      %dma_wait3A_255 = arith.constant 0 : i32
      %dma_wait3A_256 = arith.constant 0 : i32
      %dma_wait3A_257 = arith.constant 0 : i32
      %dma_wait3A_258 = tpu.memref_slice %arg8[%dma_wait3A_255, %dma_wait3A_256, %dma_wait3A_257] : memref<4x125x64xf32, #tpu.memory_space<vmem>> -> memref<1x125x64xf32, #tpu.memory_space<vmem>>
      %dma_wait3A_259 = tpu.memref_squeeze %dma_wait3A_258 : memref<1x125x64xf32, #tpu.memory_space<vmem>> -> memref<125x64xf32, #tpu.memory_space<vmem>>
      %dma_wait3A_260 = arith.constant 0 : i32
      %dma_wait3A_261 = tpu.memref_slice %arg7[%sub3A_254, %dma_wait3A_260] : memref<160x125xi32, #tpu.memory_space<vmem>> -> memref<1x125xi32, #tpu.memory_space<vmem>>
      %dma_wait3A_262 = tpu.memref_squeeze %dma_wait3A_261 : memref<1x125xi32, #tpu.memory_space<vmem>> -> memref<125xi32, #tpu.memory_space<vmem>>
      %dma_wait3A_263 = arith.constant 0 : i32
      %dma_wait3A_264 = arith.constant 0 : i32
      %dma_wait3A_265 = tpu.memref_slice %arg12[%dma_wait3A_263, %dma_wait3A_264] : memref<10112x64xf32, #tpu.memory_space<vmem_shared>> -> memref<10112x64xf32, #tpu.memory_space<vmem_shared>>
      tpu.wait_indirect_dma semaphore(%arg10 : memref<!tpu.dma_semaphore, #tpu.memory_space<semaphore_mem>>) src(%dma_wait3A_259 : memref<125x64xf32, #tpu.memory_space<vmem>>) dst(%dma_wait3A_265 : memref<10112x64xf32, #tpu.memory_space<vmem_shared>>)
      %add3A_266 = arith.constant 3 : i32
      %add3A_267 = arith.addi %add3A_253, %add3A_266 : i32
      %dma_start3A_268 = arith.constant 0 : i32
      %dma_start3A_269 = arith.constant 0 : i32
      %dma_start3A_270 = arith.constant 0 : i32
      %dma_start3A_271 = arith.constant 0 : i32
      %dma_start3A_272 = tpu.memref_slice %arg8[%dma_start3A_268, %dma_start3A_270, %dma_start3A_271] : memref<4x125x64xf32, #tpu.memory_space<vmem>> -> memref<1x125x64xf32, #tpu.memory_space<vmem>>
      %dma_start3A_273 = tpu.memref_squeeze %dma_start3A_272 : memref<1x125x64xf32, #tpu.memory_space<vmem>> -> memref<125x64xf32, #tpu.memory_space<vmem>>
      %dma_start3A_274 = arith.constant 0 : i32
      %dma_start3A_275 = tpu.memref_slice %arg6[%add3A_267, %dma_start3A_274] : memref<160x125xi32, #tpu.memory_space<vmem>> -> memref<1x125xi32, #tpu.memory_space<vmem>>
      %dma_start3A_276 = tpu.memref_squeeze %dma_start3A_275 : memref<1x125xi32, #tpu.memory_space<vmem>> -> memref<125xi32, #tpu.memory_space<vmem>>
      %dma_start3A_277 = arith.constant 0 : i32
      %dma_start3A_278 = arith.constant 0 : i32
      %dma_start3A_279 = tpu.memref_slice %arg2[%dma_start3A_277, %dma_start3A_278] : memref<20000x64xf32, #tpu.memory_space<hbm>> -> memref<20000x64xf32, #tpu.memory_space<hbm>>
      %dma_start3A_280 = tpu.memref_slice %arg9[%dma_start3A_269] : memref<4x!tpu.dma_semaphore, #tpu.memory_space<semaphore_mem>> -> memref<1x!tpu.dma_semaphore, #tpu.memory_space<semaphore_mem>>
      %dma_start3A_281 = tpu.memref_squeeze %dma_start3A_280 : memref<1x!tpu.dma_semaphore, #tpu.memory_space<semaphore_mem>> -> memref<!tpu.dma_semaphore, #tpu.memory_space<semaphore_mem>>
      tpu.enqueue_indirect_dma source(%dma_start3A_279 : memref<20000x64xf32, #tpu.memory_space<hbm>>) target(%dma_start3A_273 : memref<125x64xf32, #tpu.memory_space<vmem>>) offsets(%dma_start3A_276 : memref<125xi32, #tpu.memory_space<vmem>>) semaphore(%dma_start3A_281 : memref<!tpu.dma_semaphore, #tpu.memory_space<semaphore_mem>>)
      %dma_wait3A_282 = arith.constant 1 : i32
      %dma_wait3A_283 = arith.constant 1 : i32
      %dma_wait3A_284 = arith.constant 0 : i32
      %dma_wait3A_285 = arith.constant 0 : i32
      %dma_wait3A_286 = tpu.memref_slice %arg8[%dma_wait3A_282, %dma_wait3A_284, %dma_wait3A_285] : memref<4x125x64xf32, #tpu.memory_space<vmem>> -> memref<1x125x64xf32, #tpu.memory_space<vmem>>
      %dma_wait3A_287 = tpu.memref_squeeze %dma_wait3A_286 : memref<1x125x64xf32, #tpu.memory_space<vmem>> -> memref<125x64xf32, #tpu.memory_space<vmem>>
      %dma_wait3A_288 = arith.constant 0 : i32
      %dma_wait3A_289 = tpu.memref_slice %arg6[%add3A_253, %dma_wait3A_288] : memref<160x125xi32, #tpu.memory_space<vmem>> -> memref<1x125xi32, #tpu.memory_space<vmem>>
      %dma_wait3A_290 = tpu.memref_squeeze %dma_wait3A_289 : memref<1x125xi32, #tpu.memory_space<vmem>> -> memref<125xi32, #tpu.memory_space<vmem>>
      %dma_wait3A_291 = arith.constant 0 : i32
      %dma_wait3A_292 = arith.constant 0 : i32
      %dma_wait3A_293 = tpu.memref_slice %arg2[%dma_wait3A_291, %dma_wait3A_292] : memref<20000x64xf32, #tpu.memory_space<hbm>> -> memref<20000x64xf32, #tpu.memory_space<hbm>>
      %dma_wait3A_294 = tpu.memref_slice %arg9[%dma_wait3A_283] : memref<4x!tpu.dma_semaphore, #tpu.memory_space<semaphore_mem>> -> memref<1x!tpu.dma_semaphore, #tpu.memory_space<semaphore_mem>>
      %dma_wait3A_295 = tpu.memref_squeeze %dma_wait3A_294 : memref<1x!tpu.dma_semaphore, #tpu.memory_space<semaphore_mem>> -> memref<!tpu.dma_semaphore, #tpu.memory_space<semaphore_mem>>
      tpu.wait_indirect_dma semaphore(%dma_wait3A_295 : memref<!tpu.dma_semaphore, #tpu.memory_space<semaphore_mem>>) src(%dma_wait3A_293 : memref<20000x64xf32, #tpu.memory_space<hbm>>) dst(%dma_wait3A_287 : memref<125x64xf32, #tpu.memory_space<vmem>>)
      %dma_start3A_296 = arith.constant 1 : i32
      %dma_start3A_297 = arith.constant 0 : i32
      %dma_start3A_298 = arith.constant 0 : i32
      %dma_start3A_299 = tpu.memref_slice %arg8[%dma_start3A_296, %dma_start3A_297, %dma_start3A_298] : memref<4x125x64xf32, #tpu.memory_space<vmem>> -> memref<1x125x64xf32, #tpu.memory_space<vmem>>
      %dma_start3A_300 = tpu.memref_squeeze %dma_start3A_299 : memref<1x125x64xf32, #tpu.memory_space<vmem>> -> memref<125x64xf32, #tpu.memory_space<vmem>>
      %dma_start3A_301 = arith.constant 0 : i32
      %dma_start3A_302 = tpu.memref_slice %arg7[%add3A_253, %dma_start3A_301] : memref<160x125xi32, #tpu.memory_space<vmem>> -> memref<1x125xi32, #tpu.memory_space<vmem>>
      %dma_start3A_303 = tpu.memref_squeeze %dma_start3A_302 : memref<1x125xi32, #tpu.memory_space<vmem>> -> memref<125xi32, #tpu.memory_space<vmem>>
      %dma_start3A_304 = arith.constant 0 : i32
      %dma_start3A_305 = arith.constant 0 : i32
      %dma_start3A_306 = tpu.memref_slice %arg12[%dma_start3A_304, %dma_start3A_305] : memref<10112x64xf32, #tpu.memory_space<vmem_shared>> -> memref<10112x64xf32, #tpu.memory_space<vmem_shared>>
      tpu.enqueue_indirect_dma source(%dma_start3A_300 : memref<125x64xf32, #tpu.memory_space<vmem>>) target(%dma_start3A_306 : memref<10112x64xf32, #tpu.memory_space<vmem_shared>>) offsets(%dma_start3A_303 : memref<125xi32, #tpu.memory_space<vmem>>) semaphore(%arg10 : memref<!tpu.dma_semaphore, #tpu.memory_space<semaphore_mem>>) {add = true}
      %add3A_307 = arith.constant 1 : i32
      %add3A_308 = arith.addi %add3A_251, %add3A_307 : i32
      %sub3A_309 = arith.constant 1 : i32
      %sub3A_310 = arith.subi %add3A_308, %sub3A_309 : i32
      %dma_wait3A_311 = arith.constant 1 : i32
      %dma_wait3A_312 = arith.constant 0 : i32
      %dma_wait3A_313 = arith.constant 0 : i32
      %dma_wait3A_314 = tpu.memref_slice %arg8[%dma_wait3A_311, %dma_wait3A_312, %dma_wait3A_313] : memref<4x125x64xf32, #tpu.memory_space<vmem>> -> memref<1x125x64xf32, #tpu.memory_space<vmem>>
      %dma_wait3A_315 = tpu.memref_squeeze %dma_wait3A_314 : memref<1x125x64xf32, #tpu.memory_space<vmem>> -> memref<125x64xf32, #tpu.memory_space<vmem>>
      %dma_wait3A_316 = arith.constant 0 : i32
      %dma_wait3A_317 = tpu.memref_slice %arg7[%sub3A_310, %dma_wait3A_316] : memref<160x125xi32, #tpu.memory_space<vmem>> -> memref<1x125xi32, #tpu.memory_space<vmem>>
      %dma_wait3A_318 = tpu.memref_squeeze %dma_wait3A_317 : memref<1x125xi32, #tpu.memory_space<vmem>> -> memref<125xi32, #tpu.memory_space<vmem>>
      %dma_wait3A_319 = arith.constant 0 : i32
      %dma_wait3A_320 = arith.constant 0 : i32
      %dma_wait3A_321 = tpu.memref_slice %arg12[%dma_wait3A_319, %dma_wait3A_320] : memref<10112x64xf32, #tpu.memory_space<vmem_shared>> -> memref<10112x64xf32, #tpu.memory_space<vmem_shared>>
      tpu.wait_indirect_dma semaphore(%arg10 : memref<!tpu.dma_semaphore, #tpu.memory_space<semaphore_mem>>) src(%dma_wait3A_315 : memref<125x64xf32, #tpu.memory_space<vmem>>) dst(%dma_wait3A_321 : memref<10112x64xf32, #tpu.memory_space<vmem_shared>>)
      %add3A_322 = arith.constant 3 : i32
      %add3A_323 = arith.addi %add3A_308, %add3A_322 : i32
      %dma_start3A_324 = arith.constant 1 : i32
      %dma_start3A_325 = arith.constant 1 : i32
      %dma_start3A_326 = arith.constant 0 : i32
      %dma_start3A_327 = arith.constant 0 : i32
      %dma_start3A_328 = tpu.memref_slice %arg8[%dma_start3A_324, %dma_start3A_326, %dma_start3A_327] : memref<4x125x64xf32, #tpu.memory_space<vmem>> -> memref<1x125x64xf32, #tpu.memory_space<vmem>>
      %dma_start3A_329 = tpu.memref_squeeze %dma_start3A_328 : memref<1x125x64xf32, #tpu.memory_space<vmem>> -> memref<125x64xf32, #tpu.memory_space<vmem>>
      %dma_start3A_330 = arith.constant 0 : i32
      %dma_start3A_331 = tpu.memref_slice %arg6[%add3A_323, %dma_start3A_330] : memref<160x125xi32, #tpu.memory_space<vmem>> -> memref<1x125xi32, #tpu.memory_space<vmem>>
      %dma_start3A_332 = tpu.memref_squeeze %dma_start3A_331 : memref<1x125xi32, #tpu.memory_space<vmem>> -> memref<125xi32, #tpu.memory_space<vmem>>
      %dma_start3A_333 = arith.constant 0 : i32
      %dma_start3A_334 = arith.constant 0 : i32
      %dma_start3A_335 = tpu.memref_slice %arg2[%dma_start3A_333, %dma_start3A_334] : memref<20000x64xf32, #tpu.memory_space<hbm>> -> memref<20000x64xf32, #tpu.memory_space<hbm>>
      %dma_start3A_336 = tpu.memref_slice %arg9[%dma_start3A_325] : memref<4x!tpu.dma_semaphore, #tpu.memory_space<semaphore_mem>> -> memref<1x!tpu.dma_semaphore, #tpu.memory_space<semaphore_mem>>
      %dma_start3A_337 = tpu.memref_squeeze %dma_start3A_336 : memref<1x!tpu.dma_semaphore, #tpu.memory_space<semaphore_mem>> -> memref<!tpu.dma_semaphore, #tpu.memory_space<semaphore_mem>>
      tpu.enqueue_indirect_dma source(%dma_start3A_335 : memref<20000x64xf32, #tpu.memory_space<hbm>>) target(%dma_start3A_329 : memref<125x64xf32, #tpu.memory_space<vmem>>) offsets(%dma_start3A_332 : memref<125xi32, #tpu.memory_space<vmem>>) semaphore(%dma_start3A_337 : memref<!tpu.dma_semaphore, #tpu.memory_space<semaphore_mem>>)
      %dma_wait3A_338 = arith.constant 2 : i32
      %dma_wait3A_339 = arith.constant 2 : i32
      %dma_wait3A_340 = arith.constant 0 : i32
      %dma_wait3A_341 = arith.constant 0 : i32
      %dma_wait3A_342 = tpu.memref_slice %arg8[%dma_wait3A_338, %dma_wait3A_340, %dma_wait3A_341] : memref<4x125x64xf32, #tpu.memory_space<vmem>> -> memref<1x125x64xf32, #tpu.memory_space<vmem>>
      %dma_wait3A_343 = tpu.memref_squeeze %dma_wait3A_342 : memref<1x125x64xf32, #tpu.memory_space<vmem>> -> memref<125x64xf32, #tpu.memory_space<vmem>>
      %dma_wait3A_344 = arith.constant 0 : i32
      %dma_wait3A_345 = tpu.memref_slice %arg6[%add3A_308, %dma_wait3A_344] : memref<160x125xi32, #tpu.memory_space<vmem>> -> memref<1x125xi32, #tpu.memory_space<vmem>>
      %dma_wait3A_346 = tpu.memref_squeeze %dma_wait3A_345 : memref<1x125xi32, #tpu.memory_space<vmem>> -> memref<125xi32, #tpu.memory_space<vmem>>
      %dma_wait3A_347 = arith.constant 0 : i32
      %dma_wait3A_348 = arith.constant 0 : i32
      %dma_wait3A_349 = tpu.memref_slice %arg2[%dma_wait3A_347, %dma_wait3A_348] : memref<20000x64xf32, #tpu.memory_space<hbm>> -> memref<20000x64xf32, #tpu.memory_space<hbm>>
      %dma_wait3A_350 = tpu.memref_slice %arg9[%dma_wait3A_339] : memref<4x!tpu.dma_semaphore, #tpu.memory_space<semaphore_mem>> -> memref<1x!tpu.dma_semaphore, #tpu.memory_space<semaphore_mem>>
      %dma_wait3A_351 = tpu.memref_squeeze %dma_wait3A_350 : memref<1x!tpu.dma_semaphore, #tpu.memory_space<semaphore_mem>> -> memref<!tpu.dma_semaphore, #tpu.memory_space<semaphore_mem>>
      tpu.wait_indirect_dma semaphore(%dma_wait3A_351 : memref<!tpu.dma_semaphore, #tpu.memory_space<semaphore_mem>>) src(%dma_wait3A_349 : memref<20000x64xf32, #tpu.memory_space<hbm>>) dst(%dma_wait3A_343 : memref<125x64xf32, #tpu.memory_space<vmem>>)
      %dma_start3A_352 = arith.constant 2 : i32
      %dma_start3A_353 = arith.constant 0 : i32
      %dma_start3A_354 = arith.constant 0 : i32
      %dma_start3A_355 = tpu.memref_slice %arg8[%dma_start3A_352, %dma_start3A_353, %dma_start3A_354] : memref<4x125x64xf32, #tpu.memory_space<vmem>> -> memref<1x125x64xf32, #tpu.memory_space<vmem>>
      %dma_start3A_356 = tpu.memref_squeeze %dma_start3A_355 : memref<1x125x64xf32, #tpu.memory_space<vmem>> -> memref<125x64xf32, #tpu.memory_space<vmem>>
      %dma_start3A_357 = arith.constant 0 : i32
      %dma_start3A_358 = tpu.memref_slice %arg7[%add3A_308, %dma_start3A_357] : memref<160x125xi32, #tpu.memory_space<vmem>> -> memref<1x125xi32, #tpu.memory_space<vmem>>
      %dma_start3A_359 = tpu.memref_squeeze %dma_start3A_358 : memref<1x125xi32, #tpu.memory_space<vmem>> -> memref<125xi32, #tpu.memory_space<vmem>>
      %dma_start3A_360 = arith.constant 0 : i32
      %dma_start3A_361 = arith.constant 0 : i32
      %dma_start3A_362 = tpu.memref_slice %arg12[%dma_start3A_360, %dma_start3A_361] : memref<10112x64xf32, #tpu.memory_space<vmem_shared>> -> memref<10112x64xf32, #tpu.memory_space<vmem_shared>>
      tpu.enqueue_indirect_dma source(%dma_start3A_356 : memref<125x64xf32, #tpu.memory_space<vmem>>) target(%dma_start3A_362 : memref<10112x64xf32, #tpu.memory_space<vmem_shared>>) offsets(%dma_start3A_359 : memref<125xi32, #tpu.memory_space<vmem>>) semaphore(%arg10 : memref<!tpu.dma_semaphore, #tpu.memory_space<semaphore_mem>>) {add = true}
      %add3A_363 = arith.constant 2 : i32
      %add3A_364 = arith.addi %add3A_251, %add3A_363 : i32
      %sub3A_365 = arith.constant 1 : i32
      %sub3A_366 = arith.subi %add3A_364, %sub3A_365 : i32
      %dma_wait3A_367 = arith.constant 2 : i32
      %dma_wait3A_368 = arith.constant 0 : i32
      %dma_wait3A_369 = arith.constant 0 : i32
      %dma_wait3A_370 = tpu.memref_slice %arg8[%dma_wait3A_367, %dma_wait3A_368, %dma_wait3A_369] : memref<4x125x64xf32, #tpu.memory_space<vmem>> -> memref<1x125x64xf32, #tpu.memory_space<vmem>>
      %dma_wait3A_371 = tpu.memref_squeeze %dma_wait3A_370 : memref<1x125x64xf32, #tpu.memory_space<vmem>> -> memref<125x64xf32, #tpu.memory_space<vmem>>
      %dma_wait3A_372 = arith.constant 0 : i32
      %dma_wait3A_373 = tpu.memref_slice %arg7[%sub3A_366, %dma_wait3A_372] : memref<160x125xi32, #tpu.memory_space<vmem>> -> memref<1x125xi32, #tpu.memory_space<vmem>>
      %dma_wait3A_374 = tpu.memref_squeeze %dma_wait3A_373 : memref<1x125xi32, #tpu.memory_space<vmem>> -> memref<125xi32, #tpu.memory_space<vmem>>
      %dma_wait3A_375 = arith.constant 0 : i32
      %dma_wait3A_376 = arith.constant 0 : i32
      %dma_wait3A_377 = tpu.memref_slice %arg12[%dma_wait3A_375, %dma_wait3A_376] : memref<10112x64xf32, #tpu.memory_space<vmem_shared>> -> memref<10112x64xf32, #tpu.memory_space<vmem_shared>>
      tpu.wait_indirect_dma semaphore(%arg10 : memref<!tpu.dma_semaphore, #tpu.memory_space<semaphore_mem>>) src(%dma_wait3A_371 : memref<125x64xf32, #tpu.memory_space<vmem>>) dst(%dma_wait3A_377 : memref<10112x64xf32, #tpu.memory_space<vmem_shared>>)
      %add3A_378 = arith.constant 3 : i32
      %add3A_379 = arith.addi %add3A_364, %add3A_378 : i32
      %dma_start3A_380 = arith.constant 2 : i32
      %dma_start3A_381 = arith.constant 2 : i32
      %dma_start3A_382 = arith.constant 0 : i32
      %dma_start3A_383 = arith.constant 0 : i32
      %dma_start3A_384 = tpu.memref_slice %arg8[%dma_start3A_380, %dma_start3A_382, %dma_start3A_383] : memref<4x125x64xf32, #tpu.memory_space<vmem>> -> memref<1x125x64xf32, #tpu.memory_space<vmem>>
      %dma_start3A_385 = tpu.memref_squeeze %dma_start3A_384 : memref<1x125x64xf32, #tpu.memory_space<vmem>> -> memref<125x64xf32, #tpu.memory_space<vmem>>
      %dma_start3A_386 = arith.constant 0 : i32
      %dma_start3A_387 = tpu.memref_slice %arg6[%add3A_379, %dma_start3A_386] : memref<160x125xi32, #tpu.memory_space<vmem>> -> memref<1x125xi32, #tpu.memory_space<vmem>>
      %dma_start3A_388 = tpu.memref_squeeze %dma_start3A_387 : memref<1x125xi32, #tpu.memory_space<vmem>> -> memref<125xi32, #tpu.memory_space<vmem>>
      %dma_start3A_389 = arith.constant 0 : i32
      %dma_start3A_390 = arith.constant 0 : i32
      %dma_start3A_391 = tpu.memref_slice %arg2[%dma_start3A_389, %dma_start3A_390] : memref<20000x64xf32, #tpu.memory_space<hbm>> -> memref<20000x64xf32, #tpu.memory_space<hbm>>
      %dma_start3A_392 = tpu.memref_slice %arg9[%dma_start3A_381] : memref<4x!tpu.dma_semaphore, #tpu.memory_space<semaphore_mem>> -> memref<1x!tpu.dma_semaphore, #tpu.memory_space<semaphore_mem>>
      %dma_start3A_393 = tpu.memref_squeeze %dma_start3A_392 : memref<1x!tpu.dma_semaphore, #tpu.memory_space<semaphore_mem>> -> memref<!tpu.dma_semaphore, #tpu.memory_space<semaphore_mem>>
      tpu.enqueue_indirect_dma source(%dma_start3A_391 : memref<20000x64xf32, #tpu.memory_space<hbm>>) target(%dma_start3A_385 : memref<125x64xf32, #tpu.memory_space<vmem>>) offsets(%dma_start3A_388 : memref<125xi32, #tpu.memory_space<vmem>>) semaphore(%dma_start3A_393 : memref<!tpu.dma_semaphore, #tpu.memory_space<semaphore_mem>>)
      %dma_wait3A_394 = arith.constant 3 : i32
      %dma_wait3A_395 = arith.constant 3 : i32
      %dma_wait3A_396 = arith.constant 0 : i32
      %dma_wait3A_397 = arith.constant 0 : i32
      %dma_wait3A_398 = tpu.memref_slice %arg8[%dma_wait3A_394, %dma_wait3A_396, %dma_wait3A_397] : memref<4x125x64xf32, #tpu.memory_space<vmem>> -> memref<1x125x64xf32, #tpu.memory_space<vmem>>
      %dma_wait3A_399 = tpu.memref_squeeze %dma_wait3A_398 : memref<1x125x64xf32, #tpu.memory_space<vmem>> -> memref<125x64xf32, #tpu.memory_space<vmem>>
      %dma_wait3A_400 = arith.constant 0 : i32
      %dma_wait3A_401 = tpu.memref_slice %arg6[%add3A_364, %dma_wait3A_400] : memref<160x125xi32, #tpu.memory_space<vmem>> -> memref<1x125xi32, #tpu.memory_space<vmem>>
      %dma_wait3A_402 = tpu.memref_squeeze %dma_wait3A_401 : memref<1x125xi32, #tpu.memory_space<vmem>> -> memref<125xi32, #tpu.memory_space<vmem>>
      %dma_wait3A_403 = arith.constant 0 : i32
      %dma_wait3A_404 = arith.constant 0 : i32
      %dma_wait3A_405 = tpu.memref_slice %arg2[%dma_wait3A_403, %dma_wait3A_404] : memref<20000x64xf32, #tpu.memory_space<hbm>> -> memref<20000x64xf32, #tpu.memory_space<hbm>>
      %dma_wait3A_406 = tpu.memref_slice %arg9[%dma_wait3A_395] : memref<4x!tpu.dma_semaphore, #tpu.memory_space<semaphore_mem>> -> memref<1x!tpu.dma_semaphore, #tpu.memory_space<semaphore_mem>>
      %dma_wait3A_407 = tpu.memref_squeeze %dma_wait3A_406 : memref<1x!tpu.dma_semaphore, #tpu.memory_space<semaphore_mem>> -> memref<!tpu.dma_semaphore, #tpu.memory_space<semaphore_mem>>
      tpu.wait_indirect_dma semaphore(%dma_wait3A_407 : memref<!tpu.dma_semaphore, #tpu.memory_space<semaphore_mem>>) src(%dma_wait3A_405 : memref<20000x64xf32, #tpu.memory_space<hbm>>) dst(%dma_wait3A_399 : memref<125x64xf32, #tpu.memory_space<vmem>>)
      %dma_start3A_408 = arith.constant 3 : i32
      %dma_start3A_409 = arith.constant 0 : i32
      %dma_start3A_410 = arith.constant 0 : i32
      %dma_start3A_411 = tpu.memref_slice %arg8[%dma_start3A_408, %dma_start3A_409, %dma_start3A_410] : memref<4x125x64xf32, #tpu.memory_space<vmem>> -> memref<1x125x64xf32, #tpu.memory_space<vmem>>
      %dma_start3A_412 = tpu.memref_squeeze %dma_start3A_411 : memref<1x125x64xf32, #tpu.memory_space<vmem>> -> memref<125x64xf32, #tpu.memory_space<vmem>>
      %dma_start3A_413 = arith.constant 0 : i32
      %dma_start3A_414 = tpu.memref_slice %arg7[%add3A_364, %dma_start3A_413] : memref<160x125xi32, #tpu.memory_space<vmem>> -> memref<1x125xi32, #tpu.memory_space<vmem>>
      %dma_start3A_415 = tpu.memref_squeeze %dma_start3A_414 : memref<1x125xi32, #tpu.memory_space<vmem>> -> memref<125xi32, #tpu.memory_space<vmem>>
      %dma_start3A_416 = arith.constant 0 : i32
      %dma_start3A_417 = arith.constant 0 : i32
      %dma_start3A_418 = tpu.memref_slice %arg12[%dma_start3A_416, %dma_start3A_417] : memref<10112x64xf32, #tpu.memory_space<vmem_shared>> -> memref<10112x64xf32, #tpu.memory_space<vmem_shared>>
      tpu.enqueue_indirect_dma source(%dma_start3A_412 : memref<125x64xf32, #tpu.memory_space<vmem>>) target(%dma_start3A_418 : memref<10112x64xf32, #tpu.memory_space<vmem_shared>>) offsets(%dma_start3A_415 : memref<125xi32, #tpu.memory_space<vmem>>) semaphore(%arg10 : memref<!tpu.dma_semaphore, #tpu.memory_space<semaphore_mem>>) {add = true}
      %add3A_419 = arith.constant 3 : i32
      %add3A_420 = arith.addi %add3A_251, %add3A_419 : i32
      %sub3A_421 = arith.constant 1 : i32
      %sub3A_422 = arith.subi %add3A_420, %sub3A_421 : i32
      %dma_wait3A_423 = arith.constant 3 : i32
      %dma_wait3A_424 = arith.constant 0 : i32
      %dma_wait3A_425 = arith.constant 0 : i32
      %dma_wait3A_426 = tpu.memref_slice %arg8[%dma_wait3A_423, %dma_wait3A_424, %dma_wait3A_425] : memref<4x125x64xf32, #tpu.memory_space<vmem>> -> memref<1x125x64xf32, #tpu.memory_space<vmem>>
      %dma_wait3A_427 = tpu.memref_squeeze %dma_wait3A_426 : memref<1x125x64xf32, #tpu.memory_space<vmem>> -> memref<125x64xf32, #tpu.memory_space<vmem>>
      %dma_wait3A_428 = arith.constant 0 : i32
      %dma_wait3A_429 = tpu.memref_slice %arg7[%sub3A_422, %dma_wait3A_428] : memref<160x125xi32, #tpu.memory_space<vmem>> -> memref<1x125xi32, #tpu.memory_space<vmem>>
      %dma_wait3A_430 = tpu.memref_squeeze %dma_wait3A_429 : memref<1x125xi32, #tpu.memory_space<vmem>> -> memref<125xi32, #tpu.memory_space<vmem>>
      %dma_wait3A_431 = arith.constant 0 : i32
      %dma_wait3A_432 = arith.constant 0 : i32
      %dma_wait3A_433 = tpu.memref_slice %arg12[%dma_wait3A_431, %dma_wait3A_432] : memref<10112x64xf32, #tpu.memory_space<vmem_shared>> -> memref<10112x64xf32, #tpu.memory_space<vmem_shared>>
      tpu.wait_indirect_dma semaphore(%arg10 : memref<!tpu.dma_semaphore, #tpu.memory_space<semaphore_mem>>) src(%dma_wait3A_427 : memref<125x64xf32, #tpu.memory_space<vmem>>) dst(%dma_wait3A_433 : memref<10112x64xf32, #tpu.memory_space<vmem_shared>>)
      %add3A_434 = arith.constant 3 : i32
      %add3A_435 = arith.addi %add3A_420, %add3A_434 : i32
      %dma_start3A_436 = arith.constant 3 : i32
      %dma_start3A_437 = arith.constant 3 : i32
      %dma_start3A_438 = arith.constant 0 : i32
      %dma_start3A_439 = arith.constant 0 : i32
      %dma_start3A_440 = tpu.memref_slice %arg8[%dma_start3A_436, %dma_start3A_438, %dma_start3A_439] : memref<4x125x64xf32, #tpu.memory_space<vmem>> -> memref<1x125x64xf32, #tpu.memory_space<vmem>>
      %dma_start3A_441 = tpu.memref_squeeze %dma_start3A_440 : memref<1x125x64xf32, #tpu.memory_space<vmem>> -> memref<125x64xf32, #tpu.memory_space<vmem>>
      %dma_start3A_442 = arith.constant 0 : i32
      %dma_start3A_443 = tpu.memref_slice %arg6[%add3A_435, %dma_start3A_442] : memref<160x125xi32, #tpu.memory_space<vmem>> -> memref<1x125xi32, #tpu.memory_space<vmem>>
      %dma_start3A_444 = tpu.memref_squeeze %dma_start3A_443 : memref<1x125xi32, #tpu.memory_space<vmem>> -> memref<125xi32, #tpu.memory_space<vmem>>
      %dma_start3A_445 = arith.constant 0 : i32
      %dma_start3A_446 = arith.constant 0 : i32
      %dma_start3A_447 = tpu.memref_slice %arg2[%dma_start3A_445, %dma_start3A_446] : memref<20000x64xf32, #tpu.memory_space<hbm>> -> memref<20000x64xf32, #tpu.memory_space<hbm>>
      %dma_start3A_448 = tpu.memref_slice %arg9[%dma_start3A_437] : memref<4x!tpu.dma_semaphore, #tpu.memory_space<semaphore_mem>> -> memref<1x!tpu.dma_semaphore, #tpu.memory_space<semaphore_mem>>
      %dma_start3A_449 = tpu.memref_squeeze %dma_start3A_448 : memref<1x!tpu.dma_semaphore, #tpu.memory_space<semaphore_mem>> -> memref<!tpu.dma_semaphore, #tpu.memory_space<semaphore_mem>>
      tpu.enqueue_indirect_dma source(%dma_start3A_447 : memref<20000x64xf32, #tpu.memory_space<hbm>>) target(%dma_start3A_441 : memref<125x64xf32, #tpu.memory_space<vmem>>) offsets(%dma_start3A_444 : memref<125xi32, #tpu.memory_space<vmem>>) semaphore(%dma_start3A_449 : memref<!tpu.dma_semaphore, #tpu.memory_space<semaphore_mem>>)
      %dma_wait3A_450 = arith.constant 0 : i32
      %dma_wait3A_451 = arith.constant 0 : i32
      %dma_wait3A_452 = arith.constant 0 : i32
      %dma_wait3A_453 = arith.constant 0 : i32
      %dma_wait3A_454 = tpu.memref_slice %arg8[%dma_wait3A_450, %dma_wait3A_452, %dma_wait3A_453] : memref<4x125x64xf32, #tpu.memory_space<vmem>> -> memref<1x125x64xf32, #tpu.memory_space<vmem>>
      %dma_wait3A_455 = tpu.memref_squeeze %dma_wait3A_454 : memref<1x125x64xf32, #tpu.memory_space<vmem>> -> memref<125x64xf32, #tpu.memory_space<vmem>>
      %dma_wait3A_456 = arith.constant 0 : i32
      %dma_wait3A_457 = tpu.memref_slice %arg6[%add3A_420, %dma_wait3A_456] : memref<160x125xi32, #tpu.memory_space<vmem>> -> memref<1x125xi32, #tpu.memory_space<vmem>>
      %dma_wait3A_458 = tpu.memref_squeeze %dma_wait3A_457 : memref<1x125xi32, #tpu.memory_space<vmem>> -> memref<125xi32, #tpu.memory_space<vmem>>
      %dma_wait3A_459 = arith.constant 0 : i32
      %dma_wait3A_460 = arith.constant 0 : i32
      %dma_wait3A_461 = tpu.memref_slice %arg2[%dma_wait3A_459, %dma_wait3A_460] : memref<20000x64xf32, #tpu.memory_space<hbm>> -> memref<20000x64xf32, #tpu.memory_space<hbm>>
      %dma_wait3A_462 = tpu.memref_slice %arg9[%dma_wait3A_451] : memref<4x!tpu.dma_semaphore, #tpu.memory_space<semaphore_mem>> -> memref<1x!tpu.dma_semaphore, #tpu.memory_space<semaphore_mem>>
      %dma_wait3A_463 = tpu.memref_squeeze %dma_wait3A_462 : memref<1x!tpu.dma_semaphore, #tpu.memory_space<semaphore_mem>> -> memref<!tpu.dma_semaphore, #tpu.memory_space<semaphore_mem>>
      tpu.wait_indirect_dma semaphore(%dma_wait3A_463 : memref<!tpu.dma_semaphore, #tpu.memory_space<semaphore_mem>>) src(%dma_wait3A_461 : memref<20000x64xf32, #tpu.memory_space<hbm>>) dst(%dma_wait3A_455 : memref<125x64xf32, #tpu.memory_space<vmem>>)
      %dma_start3A_464 = arith.constant 0 : i32
      %dma_start3A_465 = arith.constant 0 : i32
      %dma_start3A_466 = arith.constant 0 : i32
      %dma_start3A_467 = tpu.memref_slice %arg8[%dma_start3A_464, %dma_start3A_465, %dma_start3A_466] : memref<4x125x64xf32, #tpu.memory_space<vmem>> -> memref<1x125x64xf32, #tpu.memory_space<vmem>>
      %dma_start3A_468 = tpu.memref_squeeze %dma_start3A_467 : memref<1x125x64xf32, #tpu.memory_space<vmem>> -> memref<125x64xf32, #tpu.memory_space<vmem>>
      %dma_start3A_469 = arith.constant 0 : i32
      %dma_start3A_470 = tpu.memref_slice %arg7[%add3A_420, %dma_start3A_469] : memref<160x125xi32, #tpu.memory_space<vmem>> -> memref<1x125xi32, #tpu.memory_space<vmem>>
      %dma_start3A_471 = tpu.memref_squeeze %dma_start3A_470 : memref<1x125xi32, #tpu.memory_space<vmem>> -> memref<125xi32, #tpu.memory_space<vmem>>
      %dma_start3A_472 = arith.constant 0 : i32
      %dma_start3A_473 = arith.constant 0 : i32
      %dma_start3A_474 = tpu.memref_slice %arg12[%dma_start3A_472, %dma_start3A_473] : memref<10112x64xf32, #tpu.memory_space<vmem_shared>> -> memref<10112x64xf32, #tpu.memory_space<vmem_shared>>
      tpu.enqueue_indirect_dma source(%dma_start3A_468 : memref<125x64xf32, #tpu.memory_space<vmem>>) target(%dma_start3A_474 : memref<10112x64xf32, #tpu.memory_space<vmem_shared>>) offsets(%dma_start3A_471 : memref<125xi32, #tpu.memory_space<vmem>>) semaphore(%arg10 : memref<!tpu.dma_semaphore, #tpu.memory_space<semaphore_mem>>) {add = true}
    }
    %scan3A_114 = arith.constant 39 : i32
    %dma_wait3A_115 = arith.constant 0 : i32
    %dma_wait3A_116 = arith.constant 156 : i32
    %dma_wait3A_117 = arith.constant 0 : i32
    %dma_wait3A_118 = arith.constant 0 : i32
    %dma_wait3A_119 = tpu.memref_slice %arg8[%dma_wait3A_115, %dma_wait3A_117, %dma_wait3A_118] : memref<4x125x64xf32, #tpu.memory_space<vmem>> -> memref<1x125x64xf32, #tpu.memory_space<vmem>>
    %dma_wait3A_120 = tpu.memref_squeeze %dma_wait3A_119 : memref<1x125x64xf32, #tpu.memory_space<vmem>> -> memref<125x64xf32, #tpu.memory_space<vmem>>
    %dma_wait3A_121 = arith.constant 0 : i32
    %dma_wait3A_122 = tpu.memref_slice %arg7[%dma_wait3A_116, %dma_wait3A_121] : memref<160x125xi32, #tpu.memory_space<vmem>> -> memref<1x125xi32, #tpu.memory_space<vmem>>
    %dma_wait3A_123 = tpu.memref_squeeze %dma_wait3A_122 : memref<1x125xi32, #tpu.memory_space<vmem>> -> memref<125xi32, #tpu.memory_space<vmem>>
    %dma_wait3A_124 = arith.constant 0 : i32
    %dma_wait3A_125 = arith.constant 0 : i32
    %dma_wait3A_126 = tpu.memref_slice %arg12[%dma_wait3A_124, %dma_wait3A_125] : memref<10112x64xf32, #tpu.memory_space<vmem_shared>> -> memref<10112x64xf32, #tpu.memory_space<vmem_shared>>
    tpu.wait_indirect_dma semaphore(%arg10 : memref<!tpu.dma_semaphore, #tpu.memory_space<semaphore_mem>>) src(%dma_wait3A_120 : memref<125x64xf32, #tpu.memory_space<vmem>>) dst(%dma_wait3A_126 : memref<10112x64xf32, #tpu.memory_space<vmem_shared>>)
    %dma_wait3A_127 = arith.constant 157 : i32
    %dma_wait3A_128 = arith.constant 1 : i32
    %dma_wait3A_129 = arith.constant 1 : i32
    %dma_wait3A_130 = arith.constant 0 : i32
    %dma_wait3A_131 = arith.constant 0 : i32
    %dma_wait3A_132 = tpu.memref_slice %arg8[%dma_wait3A_128, %dma_wait3A_130, %dma_wait3A_131] : memref<4x125x64xf32, #tpu.memory_space<vmem>> -> memref<1x125x64xf32, #tpu.memory_space<vmem>>
    %dma_wait3A_133 = tpu.memref_squeeze %dma_wait3A_132 : memref<1x125x64xf32, #tpu.memory_space<vmem>> -> memref<125x64xf32, #tpu.memory_space<vmem>>
    %dma_wait3A_134 = arith.constant 0 : i32
    %dma_wait3A_135 = tpu.memref_slice %arg6[%dma_wait3A_127, %dma_wait3A_134] : memref<160x125xi32, #tpu.memory_space<vmem>> -> memref<1x125xi32, #tpu.memory_space<vmem>>
    %dma_wait3A_136 = tpu.memref_squeeze %dma_wait3A_135 : memref<1x125xi32, #tpu.memory_space<vmem>> -> memref<125xi32, #tpu.memory_space<vmem>>
    %dma_wait3A_137 = arith.constant 0 : i32
    %dma_wait3A_138 = arith.constant 0 : i32
    %dma_wait3A_139 = tpu.memref_slice %arg2[%dma_wait3A_137, %dma_wait3A_138] : memref<20000x64xf32, #tpu.memory_space<hbm>> -> memref<20000x64xf32, #tpu.memory_space<hbm>>
    %dma_wait3A_140 = tpu.memref_slice %arg9[%dma_wait3A_129] : memref<4x!tpu.dma_semaphore, #tpu.memory_space<semaphore_mem>> -> memref<1x!tpu.dma_semaphore, #tpu.memory_space<semaphore_mem>>
    %dma_wait3A_141 = tpu.memref_squeeze %dma_wait3A_140 : memref<1x!tpu.dma_semaphore, #tpu.memory_space<semaphore_mem>> -> memref<!tpu.dma_semaphore, #tpu.memory_space<semaphore_mem>>
    tpu.wait_indirect_dma semaphore(%dma_wait3A_141 : memref<!tpu.dma_semaphore, #tpu.memory_space<semaphore_mem>>) src(%dma_wait3A_139 : memref<20000x64xf32, #tpu.memory_space<hbm>>) dst(%dma_wait3A_133 : memref<125x64xf32, #tpu.memory_space<vmem>>)
    %dma_start3A_142 = arith.constant 1 : i32
    %dma_start3A_143 = arith.constant 157 : i32
    %dma_start3A_144 = arith.constant 0 : i32
    %dma_start3A_145 = arith.constant 0 : i32
    %dma_start3A_146 = tpu.memref_slice %arg8[%dma_start3A_142, %dma_start3A_144, %dma_start3A_145] : memref<4x125x64xf32, #tpu.memory_space<vmem>> -> memref<1x125x64xf32, #tpu.memory_space<vmem>>
    %dma_start3A_147 = tpu.memref_squeeze %dma_start3A_146 : memref<1x125x64xf32, #tpu.memory_space<vmem>> -> memref<125x64xf32, #tpu.memory_space<vmem>>
    %dma_start3A_148 = arith.constant 0 : i32
    %dma_start3A_149 = tpu.memref_slice %arg7[%dma_start3A_143, %dma_start3A_148] : memref<160x125xi32, #tpu.memory_space<vmem>> -> memref<1x125xi32, #tpu.memory_space<vmem>>
    %dma_start3A_150 = tpu.memref_squeeze %dma_start3A_149 : memref<1x125xi32, #tpu.memory_space<vmem>> -> memref<125xi32, #tpu.memory_space<vmem>>
    %dma_start3A_151 = arith.constant 0 : i32
    %dma_start3A_152 = arith.constant 0 : i32
    %dma_start3A_153 = tpu.memref_slice %arg12[%dma_start3A_151, %dma_start3A_152] : memref<10112x64xf32, #tpu.memory_space<vmem_shared>> -> memref<10112x64xf32, #tpu.memory_space<vmem_shared>>
    tpu.enqueue_indirect_dma source(%dma_start3A_147 : memref<125x64xf32, #tpu.memory_space<vmem>>) target(%dma_start3A_153 : memref<10112x64xf32, #tpu.memory_space<vmem_shared>>) offsets(%dma_start3A_150 : memref<125xi32, #tpu.memory_space<vmem>>) semaphore(%arg10 : memref<!tpu.dma_semaphore, #tpu.memory_space<semaphore_mem>>) {add = true}
    %dma_wait3A_154 = arith.constant 1 : i32
    %dma_wait3A_155 = arith.constant 157 : i32
    %dma_wait3A_156 = arith.constant 0 : i32
    %dma_wait3A_157 = arith.constant 0 : i32
    %dma_wait3A_158 = tpu.memref_slice %arg8[%dma_wait3A_154, %dma_wait3A_156, %dma_wait3A_157] : memref<4x125x64xf32, #tpu.memory_space<vmem>> -> memref<1x125x64xf32, #tpu.memory_space<vmem>>
    %dma_wait3A_159 = tpu.memref_squeeze %dma_wait3A_158 : memref<1x125x64xf32, #tpu.memory_space<vmem>> -> memref<125x64xf32, #tpu.memory_space<vmem>>
    %dma_wait3A_160 = arith.constant 0 : i32
    %dma_wait3A_161 = tpu.memref_slice %arg7[%dma_wait3A_155, %dma_wait3A_160] : memref<160x125xi32, #tpu.memory_space<vmem>> -> memref<1x125xi32, #tpu.memory_space<vmem>>
    %dma_wait3A_162 = tpu.memref_squeeze %dma_wait3A_161 : memref<1x125xi32, #tpu.memory_space<vmem>> -> memref<125xi32, #tpu.memory_space<vmem>>
    %dma_wait3A_163 = arith.constant 0 : i32
    %dma_wait3A_164 = arith.constant 0 : i32
    %dma_wait3A_165 = tpu.memref_slice %arg12[%dma_wait3A_163, %dma_wait3A_164] : memref<10112x64xf32, #tpu.memory_space<vmem_shared>> -> memref<10112x64xf32, #tpu.memory_space<vmem_shared>>
    tpu.wait_indirect_dma semaphore(%arg10 : memref<!tpu.dma_semaphore, #tpu.memory_space<semaphore_mem>>) src(%dma_wait3A_159 : memref<125x64xf32, #tpu.memory_space<vmem>>) dst(%dma_wait3A_165 : memref<10112x64xf32, #tpu.memory_space<vmem_shared>>)
    %dma_wait3A_166 = arith.constant 158 : i32
    %dma_wait3A_167 = arith.constant 2 : i32
    %dma_wait3A_168 = arith.constant 2 : i32
    %dma_wait3A_169 = arith.constant 0 : i32
    %dma_wait3A_170 = arith.constant 0 : i32
    %dma_wait3A_171 = tpu.memref_slice %arg8[%dma_wait3A_167, %dma_wait3A_169, %dma_wait3A_170] : memref<4x125x64xf32, #tpu.memory_space<vmem>> -> memref<1x125x64xf32, #tpu.memory_space<vmem>>
    %dma_wait3A_172 = tpu.memref_squeeze %dma_wait3A_171 : memref<1x125x64xf32, #tpu.memory_space<vmem>> -> memref<125x64xf32, #tpu.memory_space<vmem>>
    %dma_wait3A_173 = arith.constant 0 : i32
    %dma_wait3A_174 = tpu.memref_slice %arg6[%dma_wait3A_166, %dma_wait3A_173] : memref<160x125xi32, #tpu.memory_space<vmem>> -> memref<1x125xi32, #tpu.memory_space<vmem>>
    %dma_wait3A_175 = tpu.memref_squeeze %dma_wait3A_174 : memref<1x125xi32, #tpu.memory_space<vmem>> -> memref<125xi32, #tpu.memory_space<vmem>>
    %dma_wait3A_176 = arith.constant 0 : i32
    %dma_wait3A_177 = arith.constant 0 : i32
    %dma_wait3A_178 = tpu.memref_slice %arg2[%dma_wait3A_176, %dma_wait3A_177] : memref<20000x64xf32, #tpu.memory_space<hbm>> -> memref<20000x64xf32, #tpu.memory_space<hbm>>
    %dma_wait3A_179 = tpu.memref_slice %arg9[%dma_wait3A_168] : memref<4x!tpu.dma_semaphore, #tpu.memory_space<semaphore_mem>> -> memref<1x!tpu.dma_semaphore, #tpu.memory_space<semaphore_mem>>
    %dma_wait3A_180 = tpu.memref_squeeze %dma_wait3A_179 : memref<1x!tpu.dma_semaphore, #tpu.memory_space<semaphore_mem>> -> memref<!tpu.dma_semaphore, #tpu.memory_space<semaphore_mem>>
    tpu.wait_indirect_dma semaphore(%dma_wait3A_180 : memref<!tpu.dma_semaphore, #tpu.memory_space<semaphore_mem>>) src(%dma_wait3A_178 : memref<20000x64xf32, #tpu.memory_space<hbm>>) dst(%dma_wait3A_172 : memref<125x64xf32, #tpu.memory_space<vmem>>)
    %dma_start3A_181 = arith.constant 2 : i32
    %dma_start3A_182 = arith.constant 158 : i32
    %dma_start3A_183 = arith.constant 0 : i32
    %dma_start3A_184 = arith.constant 0 : i32
    %dma_start3A_185 = tpu.memref_slice %arg8[%dma_start3A_181, %dma_start3A_183, %dma_start3A_184] : memref<4x125x64xf32, #tpu.memory_space<vmem>> -> memref<1x125x64xf32, #tpu.memory_space<vmem>>
    %dma_start3A_186 = tpu.memref_squeeze %dma_start3A_185 : memref<1x125x64xf32, #tpu.memory_space<vmem>> -> memref<125x64xf32, #tpu.memory_space<vmem>>
    %dma_start3A_187 = arith.constant 0 : i32
    %dma_start3A_188 = tpu.memref_slice %arg7[%dma_start3A_182, %dma_start3A_187] : memref<160x125xi32, #tpu.memory_space<vmem>> -> memref<1x125xi32, #tpu.memory_space<vmem>>
    %dma_start3A_189 = tpu.memref_squeeze %dma_start3A_188 : memref<1x125xi32, #tpu.memory_space<vmem>> -> memref<125xi32, #tpu.memory_space<vmem>>
    %dma_start3A_190 = arith.constant 0 : i32
    %dma_start3A_191 = arith.constant 0 : i32
    %dma_start3A_192 = tpu.memref_slice %arg12[%dma_start3A_190, %dma_start3A_191] : memref<10112x64xf32, #tpu.memory_space<vmem_shared>> -> memref<10112x64xf32, #tpu.memory_space<vmem_shared>>
    tpu.enqueue_indirect_dma source(%dma_start3A_186 : memref<125x64xf32, #tpu.memory_space<vmem>>) target(%dma_start3A_192 : memref<10112x64xf32, #tpu.memory_space<vmem_shared>>) offsets(%dma_start3A_189 : memref<125xi32, #tpu.memory_space<vmem>>) semaphore(%arg10 : memref<!tpu.dma_semaphore, #tpu.memory_space<semaphore_mem>>) {add = true}
    %dma_wait3A_193 = arith.constant 2 : i32
    %dma_wait3A_194 = arith.constant 158 : i32
    %dma_wait3A_195 = arith.constant 0 : i32
    %dma_wait3A_196 = arith.constant 0 : i32
    %dma_wait3A_197 = tpu.memref_slice %arg8[%dma_wait3A_193, %dma_wait3A_195, %dma_wait3A_196] : memref<4x125x64xf32, #tpu.memory_space<vmem>> -> memref<1x125x64xf32, #tpu.memory_space<vmem>>
    %dma_wait3A_198 = tpu.memref_squeeze %dma_wait3A_197 : memref<1x125x64xf32, #tpu.memory_space<vmem>> -> memref<125x64xf32, #tpu.memory_space<vmem>>
    %dma_wait3A_199 = arith.constant 0 : i32
    %dma_wait3A_200 = tpu.memref_slice %arg7[%dma_wait3A_194, %dma_wait3A_199] : memref<160x125xi32, #tpu.memory_space<vmem>> -> memref<1x125xi32, #tpu.memory_space<vmem>>
    %dma_wait3A_201 = tpu.memref_squeeze %dma_wait3A_200 : memref<1x125xi32, #tpu.memory_space<vmem>> -> memref<125xi32, #tpu.memory_space<vmem>>
    %dma_wait3A_202 = arith.constant 0 : i32
    %dma_wait3A_203 = arith.constant 0 : i32
    %dma_wait3A_204 = tpu.memref_slice %arg12[%dma_wait3A_202, %dma_wait3A_203] : memref<10112x64xf32, #tpu.memory_space<vmem_shared>> -> memref<10112x64xf32, #tpu.memory_space<vmem_shared>>
    tpu.wait_indirect_dma semaphore(%arg10 : memref<!tpu.dma_semaphore, #tpu.memory_space<semaphore_mem>>) src(%dma_wait3A_198 : memref<125x64xf32, #tpu.memory_space<vmem>>) dst(%dma_wait3A_204 : memref<10112x64xf32, #tpu.memory_space<vmem_shared>>)
    %dma_wait3A_205 = arith.constant 159 : i32
    %dma_wait3A_206 = arith.constant 3 : i32
    %dma_wait3A_207 = arith.constant 3 : i32
    %dma_wait3A_208 = arith.constant 0 : i32
    %dma_wait3A_209 = arith.constant 0 : i32
    %dma_wait3A_210 = tpu.memref_slice %arg8[%dma_wait3A_206, %dma_wait3A_208, %dma_wait3A_209] : memref<4x125x64xf32, #tpu.memory_space<vmem>> -> memref<1x125x64xf32, #tpu.memory_space<vmem>>
    %dma_wait3A_211 = tpu.memref_squeeze %dma_wait3A_210 : memref<1x125x64xf32, #tpu.memory_space<vmem>> -> memref<125x64xf32, #tpu.memory_space<vmem>>
    %dma_wait3A_212 = arith.constant 0 : i32
    %dma_wait3A_213 = tpu.memref_slice %arg6[%dma_wait3A_205, %dma_wait3A_212] : memref<160x125xi32, #tpu.memory_space<vmem>> -> memref<1x125xi32, #tpu.memory_space<vmem>>
    %dma_wait3A_214 = tpu.memref_squeeze %dma_wait3A_213 : memref<1x125xi32, #tpu.memory_space<vmem>> -> memref<125xi32, #tpu.memory_space<vmem>>
    %dma_wait3A_215 = arith.constant 0 : i32
    %dma_wait3A_216 = arith.constant 0 : i32
    %dma_wait3A_217 = tpu.memref_slice %arg2[%dma_wait3A_215, %dma_wait3A_216] : memref<20000x64xf32, #tpu.memory_space<hbm>> -> memref<20000x64xf32, #tpu.memory_space<hbm>>
    %dma_wait3A_218 = tpu.memref_slice %arg9[%dma_wait3A_207] : memref<4x!tpu.dma_semaphore, #tpu.memory_space<semaphore_mem>> -> memref<1x!tpu.dma_semaphore, #tpu.memory_space<semaphore_mem>>
    %dma_wait3A_219 = tpu.memref_squeeze %dma_wait3A_218 : memref<1x!tpu.dma_semaphore, #tpu.memory_space<semaphore_mem>> -> memref<!tpu.dma_semaphore, #tpu.memory_space<semaphore_mem>>
    tpu.wait_indirect_dma semaphore(%dma_wait3A_219 : memref<!tpu.dma_semaphore, #tpu.memory_space<semaphore_mem>>) src(%dma_wait3A_217 : memref<20000x64xf32, #tpu.memory_space<hbm>>) dst(%dma_wait3A_211 : memref<125x64xf32, #tpu.memory_space<vmem>>)
    %dma_start3A_220 = arith.constant 3 : i32
    %dma_start3A_221 = arith.constant 159 : i32
    %dma_start3A_222 = arith.constant 0 : i32
    %dma_start3A_223 = arith.constant 0 : i32
    %dma_start3A_224 = tpu.memref_slice %arg8[%dma_start3A_220, %dma_start3A_222, %dma_start3A_223] : memref<4x125x64xf32, #tpu.memory_space<vmem>> -> memref<1x125x64xf32, #tpu.memory_space<vmem>>
    %dma_start3A_225 = tpu.memref_squeeze %dma_start3A_224 : memref<1x125x64xf32, #tpu.memory_space<vmem>> -> memref<125x64xf32, #tpu.memory_space<vmem>>
    %dma_start3A_226 = arith.constant 0 : i32
    %dma_start3A_227 = tpu.memref_slice %arg7[%dma_start3A_221, %dma_start3A_226] : memref<160x125xi32, #tpu.memory_space<vmem>> -> memref<1x125xi32, #tpu.memory_space<vmem>>
    %dma_start3A_228 = tpu.memref_squeeze %dma_start3A_227 : memref<1x125xi32, #tpu.memory_space<vmem>> -> memref<125xi32, #tpu.memory_space<vmem>>
    %dma_start3A_229 = arith.constant 0 : i32
    %dma_start3A_230 = arith.constant 0 : i32
    %dma_start3A_231 = tpu.memref_slice %arg12[%dma_start3A_229, %dma_start3A_230] : memref<10112x64xf32, #tpu.memory_space<vmem_shared>> -> memref<10112x64xf32, #tpu.memory_space<vmem_shared>>
    tpu.enqueue_indirect_dma source(%dma_start3A_225 : memref<125x64xf32, #tpu.memory_space<vmem>>) target(%dma_start3A_231 : memref<10112x64xf32, #tpu.memory_space<vmem_shared>>) offsets(%dma_start3A_228 : memref<125xi32, #tpu.memory_space<vmem>>) semaphore(%arg10 : memref<!tpu.dma_semaphore, #tpu.memory_space<semaphore_mem>>) {add = true}
    %dma_wait3A_232 = arith.constant 3 : i32
    %dma_wait3A_233 = arith.constant 159 : i32
    %dma_wait3A_234 = arith.constant 0 : i32
    %dma_wait3A_235 = arith.constant 0 : i32
    %dma_wait3A_236 = tpu.memref_slice %arg8[%dma_wait3A_232, %dma_wait3A_234, %dma_wait3A_235] : memref<4x125x64xf32, #tpu.memory_space<vmem>> -> memref<1x125x64xf32, #tpu.memory_space<vmem>>
    %dma_wait3A_237 = tpu.memref_squeeze %dma_wait3A_236 : memref<1x125x64xf32, #tpu.memory_space<vmem>> -> memref<125x64xf32, #tpu.memory_space<vmem>>
    %dma_wait3A_238 = arith.constant 0 : i32
    %dma_wait3A_239 = tpu.memref_slice %arg7[%dma_wait3A_233, %dma_wait3A_238] : memref<160x125xi32, #tpu.memory_space<vmem>> -> memref<1x125xi32, #tpu.memory_space<vmem>>
    %dma_wait3A_240 = tpu.memref_squeeze %dma_wait3A_239 : memref<1x125xi32, #tpu.memory_space<vmem>> -> memref<125xi32, #tpu.memory_space<vmem>>
    %dma_wait3A_241 = arith.constant 0 : i32
    %dma_wait3A_242 = arith.constant 0 : i32
    %dma_wait3A_243 = tpu.memref_slice %arg12[%dma_wait3A_241, %dma_wait3A_242] : memref<10112x64xf32, #tpu.memory_space<vmem_shared>> -> memref<10112x64xf32, #tpu.memory_space<vmem_shared>>
    tpu.wait_indirect_dma semaphore(%arg10 : memref<!tpu.dma_semaphore, #tpu.memory_space<semaphore_mem>>) src(%dma_wait3A_237 : memref<125x64xf32, #tpu.memory_space<vmem>>) dst(%dma_wait3A_243 : memref<10112x64xf32, #tpu.memory_space<vmem_shared>>)
    %barrier3A_244 = arith.constant 0 : index
    tpu.barrier barrier_id(%barrier3A_244)
    %mul3A_245 = arith.constant 64 : i32
    %mul3A_246 = arith.muli %arg0, %mul3A_245 : i32
    "tpu.region"() ({
      %run_scoped3A = tpu.sem_alloc : memref<!tpu.dma_semaphore, #tpu.memory_space<semaphore_mem>>
      %dma_start3A_247 = tpu.memref_slice %arg5[%mul3A_51, %mul3A_246] : memref<10112x128xf32, #tpu.memory_space<hbm>> -> memref<632x64xf32, #tpu.memory_space<hbm>>
      %dma_start3A_248 = arith.constant 0 : i32
      %dma_start3A_249 = tpu.memref_slice %arg12[%mul3A_51, %dma_start3A_248] : memref<10112x64xf32, #tpu.memory_space<vmem_shared>> -> memref<632x64xf32, #tpu.memory_space<vmem_shared>>
      tpu.enqueue_dma source(%dma_start3A_249 : memref<632x64xf32, #tpu.memory_space<vmem_shared>>) target(%dma_start3A_247 : memref<632x64xf32, #tpu.memory_space<hbm>>) target_semaphore(%run_scoped3A : memref<!tpu.dma_semaphore, #tpu.memory_space<semaphore_mem>>)
      %dma_wait3A_250 = tpu.memref_slice %arg5[%mul3A_51, %mul3A_246] : memref<10112x128xf32, #tpu.memory_space<hbm>> -> memref<632x64xf32, #tpu.memory_space<hbm>>
      %dma_wait3A_251 = arith.constant 0 : i32
      %dma_wait3A_252 = tpu.memref_slice %arg12[%mul3A_51, %dma_wait3A_251] : memref<10112x64xf32, #tpu.memory_space<vmem_shared>> -> memref<632x64xf32, #tpu.memory_space<vmem_shared>>
      tpu.wait_dma2 semaphore(%run_scoped3A : memref<!tpu.dma_semaphore, #tpu.memory_space<semaphore_mem>>) src(%dma_wait3A_252 : memref<632x64xf32, #tpu.memory_space<vmem_shared>>) dst(%dma_wait3A_250 : memref<632x64xf32, #tpu.memory_space<hbm>>)
      tpu.yield
    }) : () -> ()
    return
  }
}

#map = affine_map<(d0, d1) -> (0, 0)>
#map1 = affine_map<(d0, d1) -> (0, 0, 0)>
module attributes {stable_mosaic.version = 14 : i64} {
  func.func @sc_segsum(%arg0: i32, %arg1: i32, %arg2: memref<20000x64xf32, #tpu.memory_space<hbm>>, %arg3: memref<32x160x125xi32, #tpu.memory_space<hbm>>, %arg4: memref<16x160x125xi32, #tpu.memory_space<hbm>>, %arg5: memref<10112x128xf32, #tpu.memory_space<hbm>>, %arg6: memref<160x125xi32, #tpu.memory_space<vmem>>, %arg7: memref<160x125xi32, #tpu.memory_space<vmem>>, %arg8: memref<4x125x64xf32, #tpu.memory_space<vmem>>, %arg9: memref<4x!tpu.dma_semaphore, #tpu.memory_space<semaphore_mem>>, %arg10: memref<!tpu.dma_semaphore, #tpu.memory_space<semaphore_mem>>, %arg11: memref<79x64xf32, #tpu.memory_space<vmem>>, %arg12: memref<10112x64xf32, #tpu.memory_space<vmem_shared>>) attributes {dimension_semantics = [#tpu.dimension_semantics<core_parallel>, #tpu.dimension_semantics<subcore_parallel>], iteration_bounds = array<i64: 2, 16>, scalar_prefetch = 0 : i64, scratch_operands = 7 : i64, tpu.core_type = #tpu.core_type<sc_vector_subcore>, window_params = [{transform_indices = #map}, {transform_indices = #map1}, {transform_indices = #map1}, {transform_indices = #map}]} {
    %mul3A = arith.constant 16 : i32
    %mul3A_0 = arith.muli %arg0, %mul3A : i32
    %add3A = arith.addi %mul3A_0, %arg1 : i32
    "tpu.region"() ({
      %run_scoped3A = tpu.sem_alloc : memref<!tpu.dma_semaphore, #tpu.memory_space<semaphore_mem>>
      %dma_start3A_247 = arith.constant 0 : i32
      %dma_start3A_248 = arith.constant 0 : i32
      %dma_start3A_249 = tpu.memref_slice %arg3[%add3A, %dma_start3A_247, %dma_start3A_248] : memref<32x160x125xi32, #tpu.memory_space<hbm>> -> memref<1x160x125xi32, #tpu.memory_space<hbm>>
      %dma_start3A_250 = tpu.memref_squeeze %dma_start3A_249 : memref<1x160x125xi32, #tpu.memory_space<hbm>> -> memref<160x125xi32, #tpu.memory_space<hbm>>
      %dma_start3A_251 = arith.constant 0 : i32
      %dma_start3A_252 = arith.constant 0 : i32
      %dma_start3A_253 = tpu.memref_slice %arg3[%add3A, %dma_start3A_251, %dma_start3A_252] : memref<32x160x125xi32, #tpu.memory_space<hbm>> -> memref<1x160x125xi32, #tpu.memory_space<hbm>>
      %dma_start3A_254 = tpu.memref_squeeze %dma_start3A_253 : memref<1x160x125xi32, #tpu.memory_space<hbm>> -> memref<160x125xi32, #tpu.memory_space<hbm>>
      tpu.enqueue_dma source(%dma_start3A_254 : memref<160x125xi32, #tpu.memory_space<hbm>>) target(%arg6 : memref<160x125xi32, #tpu.memory_space<vmem>>) target_semaphore(%run_scoped3A : memref<!tpu.dma_semaphore, #tpu.memory_space<semaphore_mem>>)
      %dma_wait3A_255 = arith.constant 0 : i32
      %dma_wait3A_256 = arith.constant 0 : i32
      %dma_wait3A_257 = tpu.memref_slice %arg3[%add3A, %dma_wait3A_255, %dma_wait3A_256] : memref<32x160x125xi32, #tpu.memory_space<hbm>> -> memref<1x160x125xi32, #tpu.memory_space<hbm>>
      %dma_wait3A_258 = tpu.memref_squeeze %dma_wait3A_257 : memref<1x160x125xi32, #tpu.memory_space<hbm>> -> memref<160x125xi32, #tpu.memory_space<hbm>>
      %dma_wait3A_259 = arith.constant 0 : i32
      %dma_wait3A_260 = arith.constant 0 : i32
      %dma_wait3A_261 = tpu.memref_slice %arg3[%add3A, %dma_wait3A_259, %dma_wait3A_260] : memref<32x160x125xi32, #tpu.memory_space<hbm>> -> memref<1x160x125xi32, #tpu.memory_space<hbm>>
      %dma_wait3A_262 = tpu.memref_squeeze %dma_wait3A_261 : memref<1x160x125xi32, #tpu.memory_space<hbm>> -> memref<160x125xi32, #tpu.memory_space<hbm>>
      tpu.wait_dma2 semaphore(%run_scoped3A : memref<!tpu.dma_semaphore, #tpu.memory_space<semaphore_mem>>) src(%dma_wait3A_262 : memref<160x125xi32, #tpu.memory_space<hbm>>) dst(%arg6 : memref<160x125xi32, #tpu.memory_space<vmem>>)
      tpu.yield
    }) : () -> ()
    "tpu.region"() ({
      %run_scoped3A = tpu.sem_alloc : memref<!tpu.dma_semaphore, #tpu.memory_space<semaphore_mem>>
      %dma_start3A_247 = arith.constant 0 : i32
      %dma_start3A_248 = arith.constant 0 : i32
      %dma_start3A_249 = tpu.memref_slice %arg4[%arg1, %dma_start3A_247, %dma_start3A_248] : memref<16x160x125xi32, #tpu.memory_space<hbm>> -> memref<1x160x125xi32, #tpu.memory_space<hbm>>
      %dma_start3A_250 = tpu.memref_squeeze %dma_start3A_249 : memref<1x160x125xi32, #tpu.memory_space<hbm>> -> memref<160x125xi32, #tpu.memory_space<hbm>>
      %dma_start3A_251 = arith.constant 0 : i32
      %dma_start3A_252 = arith.constant 0 : i32
      %dma_start3A_253 = tpu.memref_slice %arg4[%arg1, %dma_start3A_251, %dma_start3A_252] : memref<16x160x125xi32, #tpu.memory_space<hbm>> -> memref<1x160x125xi32, #tpu.memory_space<hbm>>
      %dma_start3A_254 = tpu.memref_squeeze %dma_start3A_253 : memref<1x160x125xi32, #tpu.memory_space<hbm>> -> memref<160x125xi32, #tpu.memory_space<hbm>>
      tpu.enqueue_dma source(%dma_start3A_254 : memref<160x125xi32, #tpu.memory_space<hbm>>) target(%arg7 : memref<160x125xi32, #tpu.memory_space<vmem>>) target_semaphore(%run_scoped3A : memref<!tpu.dma_semaphore, #tpu.memory_space<semaphore_mem>>)
      %dma_wait3A_255 = arith.constant 0 : i32
      %dma_wait3A_256 = arith.constant 0 : i32
      %dma_wait3A_257 = tpu.memref_slice %arg4[%arg1, %dma_wait3A_255, %dma_wait3A_256] : memref<16x160x125xi32, #tpu.memory_space<hbm>> -> memref<1x160x125xi32, #tpu.memory_space<hbm>>
      %dma_wait3A_258 = tpu.memref_squeeze %dma_wait3A_257 : memref<1x160x125xi32, #tpu.memory_space<hbm>> -> memref<160x125xi32, #tpu.memory_space<hbm>>
      %dma_wait3A_259 = arith.constant 0 : i32
      %dma_wait3A_260 = arith.constant 0 : i32
      %dma_wait3A_261 = tpu.memref_slice %arg4[%arg1, %dma_wait3A_259, %dma_wait3A_260] : memref<16x160x125xi32, #tpu.memory_space<hbm>> -> memref<1x160x125xi32, #tpu.memory_space<hbm>>
      %dma_wait3A_262 = tpu.memref_squeeze %dma_wait3A_261 : memref<1x160x125xi32, #tpu.memory_space<hbm>> -> memref<160x125xi32, #tpu.memory_space<hbm>>
      tpu.wait_dma2 semaphore(%run_scoped3A : memref<!tpu.dma_semaphore, #tpu.memory_space<semaphore_mem>>) src(%dma_wait3A_262 : memref<160x125xi32, #tpu.memory_space<hbm>>) dst(%arg7 : memref<160x125xi32, #tpu.memory_space<vmem>>)
      tpu.yield
    }) : () -> ()
    %dma_start3A = arith.constant 0 : i32
    %dma_start3A_1 = arith.constant 0 : i32
    %dma_start3A_2 = arith.constant 0 : i32
    %dma_start3A_3 = arith.constant 0 : i32
    %dma_start3A_4 = arith.constant 0 : i32
    %dma_start3A_5 = tpu.memref_slice %arg8[%dma_start3A_1, %dma_start3A_3, %dma_start3A_4] : memref<4x125x64xf32, #tpu.memory_space<vmem>> -> memref<1x125x64xf32, #tpu.memory_space<vmem>>
    %dma_start3A_6 = tpu.memref_squeeze %dma_start3A_5 : memref<1x125x64xf32, #tpu.memory_space<vmem>> -> memref<125x64xf32, #tpu.memory_space<vmem>>
    %dma_start3A_7 = arith.constant 0 : i32
    %dma_start3A_8 = tpu.memref_slice %arg6[%dma_start3A, %dma_start3A_7] : memref<160x125xi32, #tpu.memory_space<vmem>> -> memref<1x125xi32, #tpu.memory_space<vmem>>
    %dma_start3A_9 = tpu.memref_squeeze %dma_start3A_8 : memref<1x125xi32, #tpu.memory_space<vmem>> -> memref<125xi32, #tpu.memory_space<vmem>>
    %dma_start3A_10 = arith.constant 0 : i32
    %dma_start3A_11 = arith.constant 0 : i32
    %dma_start3A_12 = tpu.memref_slice %arg2[%dma_start3A_10, %dma_start3A_11] : memref<20000x64xf32, #tpu.memory_space<hbm>> -> memref<20000x64xf32, #tpu.memory_space<hbm>>
    %dma_start3A_13 = tpu.memref_slice %arg9[%dma_start3A_2] : memref<4x!tpu.dma_semaphore, #tpu.memory_space<semaphore_mem>> -> memref<1x!tpu.dma_semaphore, #tpu.memory_space<semaphore_mem>>
    %dma_start3A_14 = tpu.memref_squeeze %dma_start3A_13 : memref<1x!tpu.dma_semaphore, #tpu.memory_space<semaphore_mem>> -> memref<!tpu.dma_semaphore, #tpu.memory_space<semaphore_mem>>
    tpu.enqueue_indirect_dma source(%dma_start3A_12 : memref<20000x64xf32, #tpu.memory_space<hbm>>) target(%dma_start3A_6 : memref<125x64xf32, #tpu.memory_space<vmem>>) offsets(%dma_start3A_9 : memref<125xi32, #tpu.memory_space<vmem>>) semaphore(%dma_start3A_14 : memref<!tpu.dma_semaphore, #tpu.memory_space<semaphore_mem>>)
    %dma_start3A_15 = arith.constant 1 : i32
    %dma_start3A_16 = arith.constant 1 : i32
    %dma_start3A_17 = arith.constant 1 : i32
    %dma_start3A_18 = arith.constant 0 : i32
    %dma_start3A_19 = arith.constant 0 : i32
    %dma_start3A_20 = tpu.memref_slice %arg8[%dma_start3A_16, %dma_start3A_18, %dma_start3A_19] : memref<4x125x64xf32, #tpu.memory_space<vmem>> -> memref<1x125x64xf32, #tpu.memory_space<vmem>>
    %dma_start3A_21 = tpu.memref_squeeze %dma_start3A_20 : memref<1x125x64xf32, #tpu.memory_space<vmem>> -> memref<125x64xf32, #tpu.memory_space<vmem>>
    %dma_start3A_22 = arith.constant 0 : i32
    %dma_start3A_23 = tpu.memref_slice %arg6[%dma_start3A_15, %dma_start3A_22] : memref<160x125xi32, #tpu.memory_space<vmem>> -> memref<1x125xi32, #tpu.memory_space<vmem>>
    %dma_start3A_24 = tpu.memref_squeeze %dma_start3A_23 : memref<1x125xi32, #tpu.memory_space<vmem>> -> memref<125xi32, #tpu.memory_space<vmem>>
    %dma_start3A_25 = arith.constant 0 : i32
    %dma_start3A_26 = arith.constant 0 : i32
    %dma_start3A_27 = tpu.memref_slice %arg2[%dma_start3A_25, %dma_start3A_26] : memref<20000x64xf32, #tpu.memory_space<hbm>> -> memref<20000x64xf32, #tpu.memory_space<hbm>>
    %dma_start3A_28 = tpu.memref_slice %arg9[%dma_start3A_17] : memref<4x!tpu.dma_semaphore, #tpu.memory_space<semaphore_mem>> -> memref<1x!tpu.dma_semaphore, #tpu.memory_space<semaphore_mem>>
    %dma_start3A_29 = tpu.memref_squeeze %dma_start3A_28 : memref<1x!tpu.dma_semaphore, #tpu.memory_space<semaphore_mem>> -> memref<!tpu.dma_semaphore, #tpu.memory_space<semaphore_mem>>
    tpu.enqueue_indirect_dma source(%dma_start3A_27 : memref<20000x64xf32, #tpu.memory_space<hbm>>) target(%dma_start3A_21 : memref<125x64xf32, #tpu.memory_space<vmem>>) offsets(%dma_start3A_24 : memref<125xi32, #tpu.memory_space<vmem>>) semaphore(%dma_start3A_29 : memref<!tpu.dma_semaphore, #tpu.memory_space<semaphore_mem>>)
    %dma_start3A_30 = arith.constant 2 : i32
    %dma_start3A_31 = arith.constant 2 : i32
    %dma_start3A_32 = arith.constant 2 : i32
    %dma_start3A_33 = arith.constant 0 : i32
    %dma_start3A_34 = arith.constant 0 : i32
    %dma_start3A_35 = tpu.memref_slice %arg8[%dma_start3A_31, %dma_start3A_33, %dma_start3A_34] : memref<4x125x64xf32, #tpu.memory_space<vmem>> -> memref<1x125x64xf32, #tpu.memory_space<vmem>>
    %dma_start3A_36 = tpu.memref_squeeze %dma_start3A_35 : memref<1x125x64xf32, #tpu.memory_space<vmem>> -> memref<125x64xf32, #tpu.memory_space<vmem>>
    %dma_start3A_37 = arith.constant 0 : i32
    %dma_start3A_38 = tpu.memref_slice %arg6[%dma_start3A_30, %dma_start3A_37] : memref<160x125xi32, #tpu.memory_space<vmem>> -> memref<1x125xi32, #tpu.memory_space<vmem>>
    %dma_start3A_39 = tpu.memref_squeeze %dma_start3A_38 : memref<1x125xi32, #tpu.memory_space<vmem>> -> memref<125xi32, #tpu.memory_space<vmem>>
    %dma_start3A_40 = arith.constant 0 : i32
    %dma_start3A_41 = arith.constant 0 : i32
    %dma_start3A_42 = tpu.memref_slice %arg2[%dma_start3A_40, %dma_start3A_41] : memref<20000x64xf32, #tpu.memory_space<hbm>> -> memref<20000x64xf32, #tpu.memory_space<hbm>>
    %dma_start3A_43 = tpu.memref_slice %arg9[%dma_start3A_32] : memref<4x!tpu.dma_semaphore, #tpu.memory_space<semaphore_mem>> -> memref<1x!tpu.dma_semaphore, #tpu.memory_space<semaphore_mem>>
    %dma_start3A_44 = tpu.memref_squeeze %dma_start3A_43 : memref<1x!tpu.dma_semaphore, #tpu.memory_space<semaphore_mem>> -> memref<!tpu.dma_semaphore, #tpu.memory_space<semaphore_mem>>
    tpu.enqueue_indirect_dma source(%dma_start3A_42 : memref<20000x64xf32, #tpu.memory_space<hbm>>) target(%dma_start3A_36 : memref<125x64xf32, #tpu.memory_space<vmem>>) offsets(%dma_start3A_39 : memref<125xi32, #tpu.memory_space<vmem>>) semaphore(%dma_start3A_44 : memref<!tpu.dma_semaphore, #tpu.memory_space<semaphore_mem>>)
    %scan3A = arith.constant 0 : i32
    %scan3A_45 = arith.constant 0 : i32
    %scan3A_46 = arith.constant 79 : i32
    %scan3A_47 = arith.addi %scan3A_45, %scan3A_46 : i32
    %scan3A_48 = arith.constant 1 : i32
    scf.for %scan3A_247 = %scan3A_45 to %scan3A_47 step %scan3A_48  : i32 {
      %broadcast_in_dim3A = arith.constant 0.000000e+00 : f32
      %broadcast_in_dim3A_248 = vector.broadcast %broadcast_in_dim3A : f32 to vector<16xf32>
      %swap3A = arith.index_cast %scan3A_247 : i32 to index
      %swap3A_249 = arith.constant 0 : index
      %swap3A_250 = tpu.vector_load %arg11[%swap3A, %swap3A_249] {strides = array<i32>} : memref<79x64xf32, #tpu.memory_space<vmem>>, vector<1x16xf32>,
      %swap3A_251 = vector.shape_cast %swap3A_250 : vector<1x16xf32> to vector<16xf32>
      %swap3A_252 = vector.shape_cast %broadcast_in_dim3A_248 : vector<16xf32> to vector<1x16xf32>
      tpu.vector_store %arg11[%swap3A, %swap3A_249], %swap3A_252 {strides = array<i32>} : memref<79x64xf32, #tpu.memory_space<vmem>>, vector<1x16xf32>,
      %broadcast_in_dim3A_253 = arith.constant 0.000000e+00 : f32
      %broadcast_in_dim3A_254 = vector.broadcast %broadcast_in_dim3A_253 : f32 to vector<16xf32>
      %swap3A_255 = arith.index_cast %scan3A_247 : i32 to index
      %swap3A_256 = arith.constant 16 : index
      %swap3A_257 = tpu.vector_load %arg11[%swap3A_255, %swap3A_256] {strides = array<i32>} : memref<79x64xf32, #tpu.memory_space<vmem>>, vector<1x16xf32>,
      %swap3A_258 = vector.shape_cast %swap3A_257 : vector<1x16xf32> to vector<16xf32>
      %swap3A_259 = vector.shape_cast %broadcast_in_dim3A_254 : vector<16xf32> to vector<1x16xf32>
      tpu.vector_store %arg11[%swap3A_255, %swap3A_256], %swap3A_259 {strides = array<i32>} : memref<79x64xf32, #tpu.memory_space<vmem>>, vector<1x16xf32>,
      %broadcast_in_dim3A_260 = arith.constant 0.000000e+00 : f32
      %broadcast_in_dim3A_261 = vector.broadcast %broadcast_in_dim3A_260 : f32 to vector<16xf32>
      %swap3A_262 = arith.index_cast %scan3A_247 : i32 to index
      %swap3A_263 = arith.constant 32 : index
      %swap3A_264 = tpu.vector_load %arg11[%swap3A_262, %swap3A_263] {strides = array<i32>} : memref<79x64xf32, #tpu.memory_space<vmem>>, vector<1x16xf32>,
      %swap3A_265 = vector.shape_cast %swap3A_264 : vector<1x16xf32> to vector<16xf32>
      %swap3A_266 = vector.shape_cast %broadcast_in_dim3A_261 : vector<16xf32> to vector<1x16xf32>
      tpu.vector_store %arg11[%swap3A_262, %swap3A_263], %swap3A_266 {strides = array<i32>} : memref<79x64xf32, #tpu.memory_space<vmem>>, vector<1x16xf32>,
      %broadcast_in_dim3A_267 = arith.constant 0.000000e+00 : f32
      %broadcast_in_dim3A_268 = vector.broadcast %broadcast_in_dim3A_267 : f32 to vector<16xf32>
      %swap3A_269 = arith.index_cast %scan3A_247 : i32 to index
      %swap3A_270 = arith.constant 48 : index
      %swap3A_271 = tpu.vector_load %arg11[%swap3A_269, %swap3A_270] {strides = array<i32>} : memref<79x64xf32, #tpu.memory_space<vmem>>, vector<1x16xf32>,
      %swap3A_272 = vector.shape_cast %swap3A_271 : vector<1x16xf32> to vector<16xf32>
      %swap3A_273 = vector.shape_cast %broadcast_in_dim3A_268 : vector<16xf32> to vector<1x16xf32>
      tpu.vector_store %arg11[%swap3A_269, %swap3A_270], %swap3A_273 {strides = array<i32>} : memref<79x64xf32, #tpu.memory_space<vmem>>, vector<1x16xf32>,
    }
    %scan3A_49 = arith.constant 79 : i32
    %mul3A_50 = arith.constant 632 : i32
    %mul3A_51 = arith.muli %arg1, %mul3A_50 : i32
    %add3A_52 = arith.constant 0 : i32
    %add3A_53 = arith.addi %mul3A_51, %add3A_52 : i32
    "tpu.region"() ({
      %run_scoped3A = tpu.sem_alloc : memref<!tpu.dma_semaphore, #tpu.memory_space<semaphore_mem>>
      %dma_start3A_247 = arith.constant 0 : i32
      %dma_start3A_248 = tpu.memref_slice %arg12[%add3A_53, %dma_start3A_247] : memref<10112x64xf32, #tpu.memory_space<vmem_shared>> -> memref<79x64xf32, #tpu.memory_space<vmem_shared>>
      %dma_start3A_249 = arith.constant 0 : i32
      %dma_start3A_250 = tpu.memref_slice %arg12[%add3A_53, %dma_start3A_249] : memref<10112x64xf32, #tpu.memory_space<vmem_shared>> -> memref<79x64xf32, #tpu.memory_space<vmem_shared>>
      tpu.enqueue_dma source(%arg11 : memref<79x64xf32, #tpu.memory_space<vmem>>) target(%dma_start3A_250 : memref<79x64xf32, #tpu.memory_space<vmem_shared>>) target_semaphore(%run_scoped3A : memref<!tpu.dma_semaphore, #tpu.memory_space<semaphore_mem>>)
      %dma_wait3A_251 = arith.constant 0 : i32
      %dma_wait3A_252 = tpu.memref_slice %arg12[%add3A_53, %dma_wait3A_251] : memref<10112x64xf32, #tpu.memory_space<vmem_shared>> -> memref<79x64xf32, #tpu.memory_space<vmem_shared>>
      %dma_wait3A_253 = arith.constant 0 : i32
      %dma_wait3A_254 = tpu.memref_slice %arg12[%add3A_53, %dma_wait3A_253] : memref<10112x64xf32, #tpu.memory_space<vmem_shared>> -> memref<79x64xf32, #tpu.memory_space<vmem_shared>>
      tpu.wait_dma2 semaphore(%run_scoped3A : memref<!tpu.dma_semaphore, #tpu.memory_space<semaphore_mem>>) src(%arg11 : memref<79x64xf32, #tpu.memory_space<vmem>>) dst(%dma_wait3A_254 : memref<79x64xf32, #tpu.memory_space<vmem_shared>>)
      tpu.yield
    }) : () -> ()
    %add3A_54 = arith.constant 79 : i32
    %add3A_55 = arith.addi %mul3A_51, %add3A_54 : i32
    "tpu.region"() ({
      %run_scoped3A = tpu.sem_alloc : memref<!tpu.dma_semaphore, #tpu.memory_space<semaphore_mem>>
      %dma_start3A_247 = arith.constant 0 : i32
      %dma_start3A_248 = tpu.memref_slice %arg12[%add3A_55, %dma_start3A_247] : memref<10112x64xf32, #tpu.memory_space<vmem_shared>> -> memref<79x64xf32, #tpu.memory_space<vmem_shared>>
      %dma_start3A_249 = arith.constant 0 : i32
      %dma_start3A_250 = tpu.memref_slice %arg12[%add3A_55, %dma_start3A_249] : memref<10112x64xf32, #tpu.memory_space<vmem_shared>> -> memref<79x64xf32, #tpu.memory_space<vmem_shared>>
      tpu.enqueue_dma source(%arg11 : memref<79x64xf32, #tpu.memory_space<vmem>>) target(%dma_start3A_250 : memref<79x64xf32, #tpu.memory_space<vmem_shared>>) target_semaphore(%run_scoped3A : memref<!tpu.dma_semaphore, #tpu.memory_space<semaphore_mem>>)
      %dma_wait3A_251 = arith.constant 0 : i32
      %dma_wait3A_252 = tpu.memref_slice %arg12[%add3A_55, %dma_wait3A_251] : memref<10112x64xf32, #tpu.memory_space<vmem_shared>> -> memref<79x64xf32, #tpu.memory_space<vmem_shared>>
      %dma_wait3A_253 = arith.constant 0 : i32
      %dma_wait3A_254 = tpu.memref_slice %arg12[%add3A_55, %dma_wait3A_253] : memref<10112x64xf32, #tpu.memory_space<vmem_shared>> -> memref<79x64xf32, #tpu.memory_space<vmem_shared>>
      tpu.wait_dma2 semaphore(%run_scoped3A : memref<!tpu.dma_semaphore, #tpu.memory_space<semaphore_mem>>) src(%arg11 : memref<79x64xf32, #tpu.memory_space<vmem>>) dst(%dma_wait3A_254 : memref<79x64xf32, #tpu.memory_space<vmem_shared>>)
      tpu.yield
    }) : () -> ()
    %add3A_56 = arith.constant 158 : i32
    %add3A_57 = arith.addi %mul3A_51, %add3A_56 : i32
    "tpu.region"() ({
      %run_scoped3A = tpu.sem_alloc : memref<!tpu.dma_semaphore, #tpu.memory_space<semaphore_mem>>
      %dma_start3A_247 = arith.constant 0 : i32
      %dma_start3A_248 = tpu.memref_slice %arg12[%add3A_57, %dma_start3A_247] : memref<10112x64xf32, #tpu.memory_space<vmem_shared>> -> memref<79x64xf32, #tpu.memory_space<vmem_shared>>
      %dma_start3A_249 = arith.constant 0 : i32
      %dma_start3A_250 = tpu.memref_slice %arg12[%add3A_57, %dma_start3A_249] : memref<10112x64xf32, #tpu.memory_space<vmem_shared>> -> memref<79x64xf32, #tpu.memory_space<vmem_shared>>
      tpu.enqueue_dma source(%arg11 : memref<79x64xf32, #tpu.memory_space<vmem>>) target(%dma_start3A_250 : memref<79x64xf32, #tpu.memory_space<vmem_shared>>) target_semaphore(%run_scoped3A : memref<!tpu.dma_semaphore, #tpu.memory_space<semaphore_mem>>)
      %dma_wait3A_251 = arith.constant 0 : i32
      %dma_wait3A_252 = tpu.memref_slice %arg12[%add3A_57, %dma_wait3A_251] : memref<10112x64xf32, #tpu.memory_space<vmem_shared>> -> memref<79x64xf32, #tpu.memory_space<vmem_shared>>
      %dma_wait3A_253 = arith.constant 0 : i32
      %dma_wait3A_254 = tpu.memref_slice %arg12[%add3A_57, %dma_wait3A_253] : memref<10112x64xf32, #tpu.memory_space<vmem_shared>> -> memref<79x64xf32, #tpu.memory_space<vmem_shared>>
      tpu.wait_dma2 semaphore(%run_scoped3A : memref<!tpu.dma_semaphore, #tpu.memory_space<semaphore_mem>>) src(%arg11 : memref<79x64xf32, #tpu.memory_space<vmem>>) dst(%dma_wait3A_254 : memref<79x64xf32, #tpu.memory_space<vmem_shared>>)
      tpu.yield
    }) : () -> ()
    %add3A_58 = arith.constant 237 : i32
    %add3A_59 = arith.addi %mul3A_51, %add3A_58 : i32
    "tpu.region"() ({
      %run_scoped3A = tpu.sem_alloc : memref<!tpu.dma_semaphore, #tpu.memory_space<semaphore_mem>>
      %dma_start3A_247 = arith.constant 0 : i32
      %dma_start3A_248 = tpu.memref_slice %arg12[%add3A_59, %dma_start3A_247] : memref<10112x64xf32, #tpu.memory_space<vmem_shared>> -> memref<79x64xf32, #tpu.memory_space<vmem_shared>>
      %dma_start3A_249 = arith.constant 0 : i32
      %dma_start3A_250 = tpu.memref_slice %arg12[%add3A_59, %dma_start3A_249] : memref<10112x64xf32, #tpu.memory_space<vmem_shared>> -> memref<79x64xf32, #tpu.memory_space<vmem_shared>>
      tpu.enqueue_dma source(%arg11 : memref<79x64xf32, #tpu.memory_space<vmem>>) target(%dma_start3A_250 : memref<79x64xf32, #tpu.memory_space<vmem_shared>>) target_semaphore(%run_scoped3A : memref<!tpu.dma_semaphore, #tpu.memory_space<semaphore_mem>>)
      %dma_wait3A_251 = arith.constant 0 : i32
      %dma_wait3A_252 = tpu.memref_slice %arg12[%add3A_59, %dma_wait3A_251] : memref<10112x64xf32, #tpu.memory_space<vmem_shared>> -> memref<79x64xf32, #tpu.memory_space<vmem_shared>>
      %dma_wait3A_253 = arith.constant 0 : i32
      %dma_wait3A_254 = tpu.memref_slice %arg12[%add3A_59, %dma_wait3A_253] : memref<10112x64xf32, #tpu.memory_space<vmem_shared>> -> memref<79x64xf32, #tpu.memory_space<vmem_shared>>
      tpu.wait_dma2 semaphore(%run_scoped3A : memref<!tpu.dma_semaphore, #tpu.memory_space<semaphore_mem>>) src(%arg11 : memref<79x64xf32, #tpu.memory_space<vmem>>) dst(%dma_wait3A_254 : memref<79x64xf32, #tpu.memory_space<vmem_shared>>)
      tpu.yield
    }) : () -> ()
    %add3A_60 = arith.constant 316 : i32
    %add3A_61 = arith.addi %mul3A_51, %add3A_60 : i32
    "tpu.region"() ({
      %run_scoped3A = tpu.sem_alloc : memref<!tpu.dma_semaphore, #tpu.memory_space<semaphore_mem>>
      %dma_start3A_247 = arith.constant 0 : i32
      %dma_start3A_248 = tpu.memref_slice %arg12[%add3A_61, %dma_start3A_247] : memref<10112x64xf32, #tpu.memory_space<vmem_shared>> -> memref<79x64xf32, #tpu.memory_space<vmem_shared>>
      %dma_start3A_249 = arith.constant 0 : i32
      %dma_start3A_250 = tpu.memref_slice %arg12[%add3A_61, %dma_start3A_249] : memref<10112x64xf32, #tpu.memory_space<vmem_shared>> -> memref<79x64xf32, #tpu.memory_space<vmem_shared>>
      tpu.enqueue_dma source(%arg11 : memref<79x64xf32, #tpu.memory_space<vmem>>) target(%dma_start3A_250 : memref<79x64xf32, #tpu.memory_space<vmem_shared>>) target_semaphore(%run_scoped3A : memref<!tpu.dma_semaphore, #tpu.memory_space<semaphore_mem>>)
      %dma_wait3A_251 = arith.constant 0 : i32
      %dma_wait3A_252 = tpu.memref_slice %arg12[%add3A_61, %dma_wait3A_251] : memref<10112x64xf32, #tpu.memory_space<vmem_shared>> -> memref<79x64xf32, #tpu.memory_space<vmem_shared>>
      %dma_wait3A_253 = arith.constant 0 : i32
      %dma_wait3A_254 = tpu.memref_slice %arg12[%add3A_61, %dma_wait3A_253] : memref<10112x64xf32, #tpu.memory_space<vmem_shared>> -> memref<79x64xf32, #tpu.memory_space<vmem_shared>>
      tpu.wait_dma2 semaphore(%run_scoped3A : memref<!tpu.dma_semaphore, #tpu.memory_space<semaphore_mem>>) src(%arg11 : memref<79x64xf32, #tpu.memory_space<vmem>>) dst(%dma_wait3A_254 : memref<79x64xf32, #tpu.memory_space<vmem_shared>>)
      tpu.yield
    }) : () -> ()
    %add3A_62 = arith.constant 395 : i32
    %add3A_63 = arith.addi %mul3A_51, %add3A_62 : i32
    "tpu.region"() ({
      %run_scoped3A = tpu.sem_alloc : memref<!tpu.dma_semaphore, #tpu.memory_space<semaphore_mem>>
      %dma_start3A_247 = arith.constant 0 : i32
      %dma_start3A_248 = tpu.memref_slice %arg12[%add3A_63, %dma_start3A_247] : memref<10112x64xf32, #tpu.memory_space<vmem_shared>> -> memref<79x64xf32, #tpu.memory_space<vmem_shared>>
      %dma_start3A_249 = arith.constant 0 : i32
      %dma_start3A_250 = tpu.memref_slice %arg12[%add3A_63, %dma_start3A_249] : memref<10112x64xf32, #tpu.memory_space<vmem_shared>> -> memref<79x64xf32, #tpu.memory_space<vmem_shared>>
      tpu.enqueue_dma source(%arg11 : memref<79x64xf32, #tpu.memory_space<vmem>>) target(%dma_start3A_250 : memref<79x64xf32, #tpu.memory_space<vmem_shared>>) target_semaphore(%run_scoped3A : memref<!tpu.dma_semaphore, #tpu.memory_space<semaphore_mem>>)
      %dma_wait3A_251 = arith.constant 0 : i32
      %dma_wait3A_252 = tpu.memref_slice %arg12[%add3A_63, %dma_wait3A_251] : memref<10112x64xf32, #tpu.memory_space<vmem_shared>> -> memref<79x64xf32, #tpu.memory_space<vmem_shared>>
      %dma_wait3A_253 = arith.constant 0 : i32
      %dma_wait3A_254 = tpu.memref_slice %arg12[%add3A_63, %dma_wait3A_253] : memref<10112x64xf32, #tpu.memory_space<vmem_shared>> -> memref<79x64xf32, #tpu.memory_space<vmem_shared>>
      tpu.wait_dma2 semaphore(%run_scoped3A : memref<!tpu.dma_semaphore, #tpu.memory_space<semaphore_mem>>) src(%arg11 : memref<79x64xf32, #tpu.memory_space<vmem>>) dst(%dma_wait3A_254 : memref<79x64xf32, #tpu.memory_space<vmem_shared>>)
      tpu.yield
    }) : () -> ()
    %add3A_64 = arith.constant 474 : i32
    %add3A_65 = arith.addi %mul3A_51, %add3A_64 : i32
    "tpu.region"() ({
      %run_scoped3A = tpu.sem_alloc : memref<!tpu.dma_semaphore, #tpu.memory_space<semaphore_mem>>
      %dma_start3A_247 = arith.constant 0 : i32
      %dma_start3A_248 = tpu.memref_slice %arg12[%add3A_65, %dma_start3A_247] : memref<10112x64xf32, #tpu.memory_space<vmem_shared>> -> memref<79x64xf32, #tpu.memory_space<vmem_shared>>
      %dma_start3A_249 = arith.constant 0 : i32
      %dma_start3A_250 = tpu.memref_slice %arg12[%add3A_65, %dma_start3A_249] : memref<10112x64xf32, #tpu.memory_space<vmem_shared>> -> memref<79x64xf32, #tpu.memory_space<vmem_shared>>
      tpu.enqueue_dma source(%arg11 : memref<79x64xf32, #tpu.memory_space<vmem>>) target(%dma_start3A_250 : memref<79x64xf32, #tpu.memory_space<vmem_shared>>) target_semaphore(%run_scoped3A : memref<!tpu.dma_semaphore, #tpu.memory_space<semaphore_mem>>)
      %dma_wait3A_251 = arith.constant 0 : i32
      %dma_wait3A_252 = tpu.memref_slice %arg12[%add3A_65, %dma_wait3A_251] : memref<10112x64xf32, #tpu.memory_space<vmem_shared>> -> memref<79x64xf32, #tpu.memory_space<vmem_shared>>
      %dma_wait3A_253 = arith.constant 0 : i32
      %dma_wait3A_254 = tpu.memref_slice %arg12[%add3A_65, %dma_wait3A_253] : memref<10112x64xf32, #tpu.memory_space<vmem_shared>> -> memref<79x64xf32, #tpu.memory_space<vmem_shared>>
      tpu.wait_dma2 semaphore(%run_scoped3A : memref<!tpu.dma_semaphore, #tpu.memory_space<semaphore_mem>>) src(%arg11 : memref<79x64xf32, #tpu.memory_space<vmem>>) dst(%dma_wait3A_254 : memref<79x64xf32, #tpu.memory_space<vmem_shared>>)
      tpu.yield
    }) : () -> ()
    %add3A_66 = arith.constant 553 : i32
    %add3A_67 = arith.addi %mul3A_51, %add3A_66 : i32
    "tpu.region"() ({
      %run_scoped3A = tpu.sem_alloc : memref<!tpu.dma_semaphore, #tpu.memory_space<semaphore_mem>>
      %dma_start3A_247 = arith.constant 0 : i32
      %dma_start3A_248 = tpu.memref_slice %arg12[%add3A_67, %dma_start3A_247] : memref<10112x64xf32, #tpu.memory_space<vmem_shared>> -> memref<79x64xf32, #tpu.memory_space<vmem_shared>>
      %dma_start3A_249 = arith.constant 0 : i32
      %dma_start3A_250 = tpu.memref_slice %arg12[%add3A_67, %dma_start3A_249] : memref<10112x64xf32, #tpu.memory_space<vmem_shared>> -> memref<79x64xf32, #tpu.memory_space<vmem_shared>>
      tpu.enqueue_dma source(%arg11 : memref<79x64xf32, #tpu.memory_space<vmem>>) target(%dma_start3A_250 : memref<79x64xf32, #tpu.memory_space<vmem_shared>>) target_semaphore(%run_scoped3A : memref<!tpu.dma_semaphore, #tpu.memory_space<semaphore_mem>>)
      %dma_wait3A_251 = arith.constant 0 : i32
      %dma_wait3A_252 = tpu.memref_slice %arg12[%add3A_67, %dma_wait3A_251] : memref<10112x64xf32, #tpu.memory_space<vmem_shared>> -> memref<79x64xf32, #tpu.memory_space<vmem_shared>>
      %dma_wait3A_253 = arith.constant 0 : i32
      %dma_wait3A_254 = tpu.memref_slice %arg12[%add3A_67, %dma_wait3A_253] : memref<10112x64xf32, #tpu.memory_space<vmem_shared>> -> memref<79x64xf32, #tpu.memory_space<vmem_shared>>
      tpu.wait_dma2 semaphore(%run_scoped3A : memref<!tpu.dma_semaphore, #tpu.memory_space<semaphore_mem>>) src(%arg11 : memref<79x64xf32, #tpu.memory_space<vmem>>) dst(%dma_wait3A_254 : memref<79x64xf32, #tpu.memory_space<vmem_shared>>)
      tpu.yield
    }) : () -> ()
    %barrier3A = arith.constant 0 : index
    tpu.barrier barrier_id(%barrier3A)
    %dma_start3A_68 = arith.constant 3 : i32
    %dma_start3A_69 = arith.constant 3 : i32
    %dma_start3A_70 = arith.constant 3 : i32
    %dma_start3A_71 = arith.constant 0 : i32
    %dma_start3A_72 = arith.constant 0 : i32
    %dma_start3A_73 = tpu.memref_slice %arg8[%dma_start3A_69, %dma_start3A_71, %dma_start3A_72] : memref<4x125x64xf32, #tpu.memory_space<vmem>> -> memref<1x125x64xf32, #tpu.memory_space<vmem>>
    %dma_start3A_74 = tpu.memref_squeeze %dma_start3A_73 : memref<1x125x64xf32, #tpu.memory_space<vmem>> -> memref<125x64xf32, #tpu.memory_space<vmem>>
    %dma_start3A_75 = arith.constant 0 : i32
    %dma_start3A_76 = tpu.memref_slice %arg6[%dma_start3A_68, %dma_start3A_75] : memref<160x125xi32, #tpu.memory_space<vmem>> -> memref<1x125xi32, #tpu.memory_space<vmem>>
    %dma_start3A_77 = tpu.memref_squeeze %dma_start3A_76 : memref<1x125xi32, #tpu.memory_space<vmem>> -> memref<125xi32, #tpu.memory_space<vmem>>
    %dma_start3A_78 = arith.constant 0 : i32
    %dma_start3A_79 = arith.constant 0 : i32
    %dma_start3A_80 = tpu.memref_slice %arg2[%dma_start3A_78, %dma_start3A_79] : memref<20000x64xf32, #tpu.memory_space<hbm>> -> memref<20000x64xf32, #tpu.memory_space<hbm>>
    %dma_start3A_81 = tpu.memref_slice %arg9[%dma_start3A_70] : memref<4x!tpu.dma_semaphore, #tpu.memory_space<semaphore_mem>> -> memref<1x!tpu.dma_semaphore, #tpu.memory_space<semaphore_mem>>
    %dma_start3A_82 = tpu.memref_squeeze %dma_start3A_81 : memref<1x!tpu.dma_semaphore, #tpu.memory_space<semaphore_mem>> -> memref<!tpu.dma_semaphore, #tpu.memory_space<semaphore_mem>>
    tpu.enqueue_indirect_dma source(%dma_start3A_80 : memref<20000x64xf32, #tpu.memory_space<hbm>>) target(%dma_start3A_74 : memref<125x64xf32, #tpu.memory_space<vmem>>) offsets(%dma_start3A_77 : memref<125xi32, #tpu.memory_space<vmem>>) semaphore(%dma_start3A_82 : memref<!tpu.dma_semaphore, #tpu.memory_space<semaphore_mem>>)
    %dma_wait3A = arith.constant 0 : i32
    %dma_wait3A_83 = arith.constant 0 : i32
    %dma_wait3A_84 = arith.constant 0 : i32
    %dma_wait3A_85 = arith.constant 0 : i32
    %dma_wait3A_86 = arith.constant 0 : i32
    %dma_wait3A_87 = tpu.memref_slice %arg8[%dma_wait3A_83, %dma_wait3A_85, %dma_wait3A_86] : memref<4x125x64xf32, #tpu.memory_space<vmem>> -> memref<1x125x64xf32, #tpu.memory_space<vmem>>
    %dma_wait3A_88 = tpu.memref_squeeze %dma_wait3A_87 : memref<1x125x64xf32, #tpu.memory_space<vmem>> -> memref<125x64xf32, #tpu.memory_space<vmem>>
    %dma_wait3A_89 = arith.constant 0 : i32
    %dma_wait3A_90 = tpu.memref_slice %arg6[%dma_wait3A, %dma_wait3A_89] : memref<160x125xi32, #tpu.memory_space<vmem>> -> memref<1x125xi32, #tpu.memory_space<vmem>>
    %dma_wait3A_91 = tpu.memref_squeeze %dma_wait3A_90 : memref<1x125xi32, #tpu.memory_space<vmem>> -> memref<125xi32, #tpu.memory_space<vmem>>
    %dma_wait3A_92 = arith.constant 0 : i32
    %dma_wait3A_93 = arith.constant 0 : i32
    %dma_wait3A_94 = tpu.memref_slice %arg2[%dma_wait3A_92, %dma_wait3A_93] : memref<20000x64xf32, #tpu.memory_space<hbm>> -> memref<20000x64xf32, #tpu.memory_space<hbm>>
    %dma_wait3A_95 = tpu.memref_slice %arg9[%dma_wait3A_84] : memref<4x!tpu.dma_semaphore, #tpu.memory_space<semaphore_mem>> -> memref<1x!tpu.dma_semaphore, #tpu.memory_space<semaphore_mem>>
    %dma_wait3A_96 = tpu.memref_squeeze %dma_wait3A_95 : memref<1x!tpu.dma_semaphore, #tpu.memory_space<semaphore_mem>> -> memref<!tpu.dma_semaphore, #tpu.memory_space<semaphore_mem>>
    tpu.wait_indirect_dma semaphore(%dma_wait3A_96 : memref<!tpu.dma_semaphore, #tpu.memory_space<semaphore_mem>>) src(%dma_wait3A_94 : memref<20000x64xf32, #tpu.memory_space<hbm>>) dst(%dma_wait3A_88 : memref<125x64xf32, #tpu.memory_space<vmem>>)
    %dma_start3A_97 = arith.constant 0 : i32
    %dma_start3A_98 = arith.constant 0 : i32
    %dma_start3A_99 = arith.constant 0 : i32
    %dma_start3A_100 = arith.constant 0 : i32
    %dma_start3A_101 = tpu.memref_slice %arg8[%dma_start3A_97, %dma_start3A_99, %dma_start3A_100] : memref<4x125x64xf32, #tpu.memory_space<vmem>> -> memref<1x125x64xf32, #tpu.memory_space<vmem>>
    %dma_start3A_102 = tpu.memref_squeeze %dma_start3A_101 : memref<1x125x64xf32, #tpu.memory_space<vmem>> -> memref<125x64xf32, #tpu.memory_space<vmem>>
    %dma_start3A_103 = arith.constant 0 : i32
    %dma_start3A_104 = tpu.memref_slice %arg7[%dma_start3A_98, %dma_start3A_103] : memref<160x125xi32, #tpu.memory_space<vmem>> -> memref<1x125xi32, #tpu.memory_space<vmem>>
    %dma_start3A_105 = tpu.memref_squeeze %dma_start3A_104 : memref<1x125xi32, #tpu.memory_space<vmem>> -> memref<125xi32, #tpu.memory_space<vmem>>
    %dma_start3A_106 = arith.constant 0 : i32
    %dma_start3A_107 = arith.constant 0 : i32
    %dma_start3A_108 = tpu.memref_slice %arg12[%dma_start3A_106, %dma_start3A_107] : memref<10112x64xf32, #tpu.memory_space<vmem_shared>> -> memref<10112x64xf32, #tpu.memory_space<vmem_shared>>
    tpu.enqueue_indirect_dma source(%dma_start3A_102 : memref<125x64xf32, #tpu.memory_space<vmem>>) target(%dma_start3A_108 : memref<10112x64xf32, #tpu.memory_space<vmem_shared>>) offsets(%dma_start3A_105 : memref<125xi32, #tpu.memory_space<vmem>>) semaphore(%arg10 : memref<!tpu.dma_semaphore, #tpu.memory_space<semaphore_mem>>) {add = true}
    %scan3A_109 = arith.constant 0 : i32
    %scan3A_110 = arith.constant 0 : i32
    %scan3A_111 = arith.constant 39 : i32
    %scan3A_112 = arith.addi %scan3A_110, %scan3A_111 : i32
    %scan3A_113 = arith.constant 1 : i32
    scf.for %scan3A_247 = %scan3A_110 to %scan3A_112 step %scan3A_113  : i32 {
      %mul3A_248 = arith.constant 4 : i32
      %mul3A_249 = arith.muli %scan3A_247, %mul3A_248 : i32
      %add3A_250 = arith.constant 1 : i32
      %add3A_251 = arith.addi %add3A_250, %mul3A_249 : i32
      %add3A_252 = arith.constant 0 : i32
      %add3A_253 = arith.addi %add3A_251, %add3A_252 : i32
      %sub3A = arith.constant 1 : i32
      %sub3A_254 = arith.subi %add3A_253, %sub3A : i32
      %dma_wait3A_255 = arith.constant 0 : i32
      %dma_wait3A_256 = arith.constant 0 : i32
      %dma_wait3A_257 = arith.constant 0 : i32
      %dma_wait3A_258 = tpu.memref_slice %arg8[%dma_wait3A_255, %dma_wait3A_256, %dma_wait3A_257] : memref<4x125x64xf32, #tpu.memory_space<vmem>> -> memref<1x125x64xf32, #tpu.memory_space<vmem>>
      %dma_wait3A_259 = tpu.memref_squeeze %dma_wait3A_258 : memref<1x125x64xf32, #tpu.memory_space<vmem>> -> memref<125x64xf32, #tpu.memory_space<vmem>>
      %dma_wait3A_260 = arith.constant 0 : i32
      %dma_wait3A_261 = tpu.memref_slice %arg7[%sub3A_254, %dma_wait3A_260] : memref<160x125xi32, #tpu.memory_space<vmem>> -> memref<1x125xi32, #tpu.memory_space<vmem>>
      %dma_wait3A_262 = tpu.memref_squeeze %dma_wait3A_261 : memref<1x125xi32, #tpu.memory_space<vmem>> -> memref<125xi32, #tpu.memory_space<vmem>>
      %dma_wait3A_263 = arith.constant 0 : i32
      %dma_wait3A_264 = arith.constant 0 : i32
      %dma_wait3A_265 = tpu.memref_slice %arg12[%dma_wait3A_263, %dma_wait3A_264] : memref<10112x64xf32, #tpu.memory_space<vmem_shared>> -> memref<10112x64xf32, #tpu.memory_space<vmem_shared>>
      tpu.wait_indirect_dma semaphore(%arg10 : memref<!tpu.dma_semaphore, #tpu.memory_space<semaphore_mem>>) src(%dma_wait3A_259 : memref<125x64xf32, #tpu.memory_space<vmem>>) dst(%dma_wait3A_265 : memref<10112x64xf32, #tpu.memory_space<vmem_shared>>)
      %add3A_266 = arith.constant 3 : i32
      %add3A_267 = arith.addi %add3A_253, %add3A_266 : i32
      %dma_start3A_268 = arith.constant 0 : i32
      %dma_start3A_269 = arith.constant 0 : i32
      %dma_start3A_270 = arith.constant 0 : i32
      %dma_start3A_271 = arith.constant 0 : i32
      %dma_start3A_272 = tpu.memref_slice %arg8[%dma_start3A_268, %dma_start3A_270, %dma_start3A_271] : memref<4x125x64xf32, #tpu.memory_space<vmem>> -> memref<1x125x64xf32, #tpu.memory_space<vmem>>
      %dma_start3A_273 = tpu.memref_squeeze %dma_start3A_272 : memref<1x125x64xf32, #tpu.memory_space<vmem>> -> memref<125x64xf32, #tpu.memory_space<vmem>>
      %dma_start3A_274 = arith.constant 0 : i32
      %dma_start3A_275 = tpu.memref_slice %arg6[%add3A_267, %dma_start3A_274] : memref<160x125xi32, #tpu.memory_space<vmem>> -> memref<1x125xi32, #tpu.memory_space<vmem>>
      %dma_start3A_276 = tpu.memref_squeeze %dma_start3A_275 : memref<1x125xi32, #tpu.memory_space<vmem>> -> memref<125xi32, #tpu.memory_space<vmem>>
      %dma_start3A_277 = arith.constant 0 : i32
      %dma_start3A_278 = arith.constant 0 : i32
      %dma_start3A_279 = tpu.memref_slice %arg2[%dma_start3A_277, %dma_start3A_278] : memref<20000x64xf32, #tpu.memory_space<hbm>> -> memref<20000x64xf32, #tpu.memory_space<hbm>>
      %dma_start3A_280 = tpu.memref_slice %arg9[%dma_start3A_269] : memref<4x!tpu.dma_semaphore, #tpu.memory_space<semaphore_mem>> -> memref<1x!tpu.dma_semaphore, #tpu.memory_space<semaphore_mem>>
      %dma_start3A_281 = tpu.memref_squeeze %dma_start3A_280 : memref<1x!tpu.dma_semaphore, #tpu.memory_space<semaphore_mem>> -> memref<!tpu.dma_semaphore, #tpu.memory_space<semaphore_mem>>
      tpu.enqueue_indirect_dma source(%dma_start3A_279 : memref<20000x64xf32, #tpu.memory_space<hbm>>) target(%dma_start3A_273 : memref<125x64xf32, #tpu.memory_space<vmem>>) offsets(%dma_start3A_276 : memref<125xi32, #tpu.memory_space<vmem>>) semaphore(%dma_start3A_281 : memref<!tpu.dma_semaphore, #tpu.memory_space<semaphore_mem>>)
      %dma_wait3A_282 = arith.constant 1 : i32
      %dma_wait3A_283 = arith.constant 1 : i32
      %dma_wait3A_284 = arith.constant 0 : i32
      %dma_wait3A_285 = arith.constant 0 : i32
      %dma_wait3A_286 = tpu.memref_slice %arg8[%dma_wait3A_282, %dma_wait3A_284, %dma_wait3A_285] : memref<4x125x64xf32, #tpu.memory_space<vmem>> -> memref<1x125x64xf32, #tpu.memory_space<vmem>>
      %dma_wait3A_287 = tpu.memref_squeeze %dma_wait3A_286 : memref<1x125x64xf32, #tpu.memory_space<vmem>> -> memref<125x64xf32, #tpu.memory_space<vmem>>
      %dma_wait3A_288 = arith.constant 0 : i32
      %dma_wait3A_289 = tpu.memref_slice %arg6[%add3A_253, %dma_wait3A_288] : memref<160x125xi32, #tpu.memory_space<vmem>> -> memref<1x125xi32, #tpu.memory_space<vmem>>
      %dma_wait3A_290 = tpu.memref_squeeze %dma_wait3A_289 : memref<1x125xi32, #tpu.memory_space<vmem>> -> memref<125xi32, #tpu.memory_space<vmem>>
      %dma_wait3A_291 = arith.constant 0 : i32
      %dma_wait3A_292 = arith.constant 0 : i32
      %dma_wait3A_293 = tpu.memref_slice %arg2[%dma_wait3A_291, %dma_wait3A_292] : memref<20000x64xf32, #tpu.memory_space<hbm>> -> memref<20000x64xf32, #tpu.memory_space<hbm>>
      %dma_wait3A_294 = tpu.memref_slice %arg9[%dma_wait3A_283] : memref<4x!tpu.dma_semaphore, #tpu.memory_space<semaphore_mem>> -> memref<1x!tpu.dma_semaphore, #tpu.memory_space<semaphore_mem>>
      %dma_wait3A_295 = tpu.memref_squeeze %dma_wait3A_294 : memref<1x!tpu.dma_semaphore, #tpu.memory_space<semaphore_mem>> -> memref<!tpu.dma_semaphore, #tpu.memory_space<semaphore_mem>>
      tpu.wait_indirect_dma semaphore(%dma_wait3A_295 : memref<!tpu.dma_semaphore, #tpu.memory_space<semaphore_mem>>) src(%dma_wait3A_293 : memref<20000x64xf32, #tpu.memory_space<hbm>>) dst(%dma_wait3A_287 : memref<125x64xf32, #tpu.memory_space<vmem>>)
      %dma_start3A_296 = arith.constant 1 : i32
      %dma_start3A_297 = arith.constant 0 : i32
      %dma_start3A_298 = arith.constant 0 : i32
      %dma_start3A_299 = tpu.memref_slice %arg8[%dma_start3A_296, %dma_start3A_297, %dma_start3A_298] : memref<4x125x64xf32, #tpu.memory_space<vmem>> -> memref<1x125x64xf32, #tpu.memory_space<vmem>>
      %dma_start3A_300 = tpu.memref_squeeze %dma_start3A_299 : memref<1x125x64xf32, #tpu.memory_space<vmem>> -> memref<125x64xf32, #tpu.memory_space<vmem>>
      %dma_start3A_301 = arith.constant 0 : i32
      %dma_start3A_302 = tpu.memref_slice %arg7[%add3A_253, %dma_start3A_301] : memref<160x125xi32, #tpu.memory_space<vmem>> -> memref<1x125xi32, #tpu.memory_space<vmem>>
      %dma_start3A_303 = tpu.memref_squeeze %dma_start3A_302 : memref<1x125xi32, #tpu.memory_space<vmem>> -> memref<125xi32, #tpu.memory_space<vmem>>
      %dma_start3A_304 = arith.constant 0 : i32
      %dma_start3A_305 = arith.constant 0 : i32
      %dma_start3A_306 = tpu.memref_slice %arg12[%dma_start3A_304, %dma_start3A_305] : memref<10112x64xf32, #tpu.memory_space<vmem_shared>> -> memref<10112x64xf32, #tpu.memory_space<vmem_shared>>
      tpu.enqueue_indirect_dma source(%dma_start3A_300 : memref<125x64xf32, #tpu.memory_space<vmem>>) target(%dma_start3A_306 : memref<10112x64xf32, #tpu.memory_space<vmem_shared>>) offsets(%dma_start3A_303 : memref<125xi32, #tpu.memory_space<vmem>>) semaphore(%arg10 : memref<!tpu.dma_semaphore, #tpu.memory_space<semaphore_mem>>) {add = true}
      %add3A_307 = arith.constant 1 : i32
      %add3A_308 = arith.addi %add3A_251, %add3A_307 : i32
      %sub3A_309 = arith.constant 1 : i32
      %sub3A_310 = arith.subi %add3A_308, %sub3A_309 : i32
      %dma_wait3A_311 = arith.constant 1 : i32
      %dma_wait3A_312 = arith.constant 0 : i32
      %dma_wait3A_313 = arith.constant 0 : i32
      %dma_wait3A_314 = tpu.memref_slice %arg8[%dma_wait3A_311, %dma_wait3A_312, %dma_wait3A_313] : memref<4x125x64xf32, #tpu.memory_space<vmem>> -> memref<1x125x64xf32, #tpu.memory_space<vmem>>
      %dma_wait3A_315 = tpu.memref_squeeze %dma_wait3A_314 : memref<1x125x64xf32, #tpu.memory_space<vmem>> -> memref<125x64xf32, #tpu.memory_space<vmem>>
      %dma_wait3A_316 = arith.constant 0 : i32
      %dma_wait3A_317 = tpu.memref_slice %arg7[%sub3A_310, %dma_wait3A_316] : memref<160x125xi32, #tpu.memory_space<vmem>> -> memref<1x125xi32, #tpu.memory_space<vmem>>
      %dma_wait3A_318 = tpu.memref_squeeze %dma_wait3A_317 : memref<1x125xi32, #tpu.memory_space<vmem>> -> memref<125xi32, #tpu.memory_space<vmem>>
      %dma_wait3A_319 = arith.constant 0 : i32
      %dma_wait3A_320 = arith.constant 0 : i32
      %dma_wait3A_321 = tpu.memref_slice %arg12[%dma_wait3A_319, %dma_wait3A_320] : memref<10112x64xf32, #tpu.memory_space<vmem_shared>> -> memref<10112x64xf32, #tpu.memory_space<vmem_shared>>
      tpu.wait_indirect_dma semaphore(%arg10 : memref<!tpu.dma_semaphore, #tpu.memory_space<semaphore_mem>>) src(%dma_wait3A_315 : memref<125x64xf32, #tpu.memory_space<vmem>>) dst(%dma_wait3A_321 : memref<10112x64xf32, #tpu.memory_space<vmem_shared>>)
      %add3A_322 = arith.constant 3 : i32
      %add3A_323 = arith.addi %add3A_308, %add3A_322 : i32
      %dma_start3A_324 = arith.constant 1 : i32
      %dma_start3A_325 = arith.constant 1 : i32
      %dma_start3A_326 = arith.constant 0 : i32
      %dma_start3A_327 = arith.constant 0 : i32
      %dma_start3A_328 = tpu.memref_slice %arg8[%dma_start3A_324, %dma_start3A_326, %dma_start3A_327] : memref<4x125x64xf32, #tpu.memory_space<vmem>> -> memref<1x125x64xf32, #tpu.memory_space<vmem>>
      %dma_start3A_329 = tpu.memref_squeeze %dma_start3A_328 : memref<1x125x64xf32, #tpu.memory_space<vmem>> -> memref<125x64xf32, #tpu.memory_space<vmem>>
      %dma_start3A_330 = arith.constant 0 : i32
      %dma_start3A_331 = tpu.memref_slice %arg6[%add3A_323, %dma_start3A_330] : memref<160x125xi32, #tpu.memory_space<vmem>> -> memref<1x125xi32, #tpu.memory_space<vmem>>
      %dma_start3A_332 = tpu.memref_squeeze %dma_start3A_331 : memref<1x125xi32, #tpu.memory_space<vmem>> -> memref<125xi32, #tpu.memory_space<vmem>>
      %dma_start3A_333 = arith.constant 0 : i32
      %dma_start3A_334 = arith.constant 0 : i32
      %dma_start3A_335 = tpu.memref_slice %arg2[%dma_start3A_333, %dma_start3A_334] : memref<20000x64xf32, #tpu.memory_space<hbm>> -> memref<20000x64xf32, #tpu.memory_space<hbm>>
      %dma_start3A_336 = tpu.memref_slice %arg9[%dma_start3A_325] : memref<4x!tpu.dma_semaphore, #tpu.memory_space<semaphore_mem>> -> memref<1x!tpu.dma_semaphore, #tpu.memory_space<semaphore_mem>>
      %dma_start3A_337 = tpu.memref_squeeze %dma_start3A_336 : memref<1x!tpu.dma_semaphore, #tpu.memory_space<semaphore_mem>> -> memref<!tpu.dma_semaphore, #tpu.memory_space<semaphore_mem>>
      tpu.enqueue_indirect_dma source(%dma_start3A_335 : memref<20000x64xf32, #tpu.memory_space<hbm>>) target(%dma_start3A_329 : memref<125x64xf32, #tpu.memory_space<vmem>>) offsets(%dma_start3A_332 : memref<125xi32, #tpu.memory_space<vmem>>) semaphore(%dma_start3A_337 : memref<!tpu.dma_semaphore, #tpu.memory_space<semaphore_mem>>)
      %dma_wait3A_338 = arith.constant 2 : i32
      %dma_wait3A_339 = arith.constant 2 : i32
      %dma_wait3A_340 = arith.constant 0 : i32
      %dma_wait3A_341 = arith.constant 0 : i32
      %dma_wait3A_342 = tpu.memref_slice %arg8[%dma_wait3A_338, %dma_wait3A_340, %dma_wait3A_341] : memref<4x125x64xf32, #tpu.memory_space<vmem>> -> memref<1x125x64xf32, #tpu.memory_space<vmem>>
      %dma_wait3A_343 = tpu.memref_squeeze %dma_wait3A_342 : memref<1x125x64xf32, #tpu.memory_space<vmem>> -> memref<125x64xf32, #tpu.memory_space<vmem>>
      %dma_wait3A_344 = arith.constant 0 : i32
      %dma_wait3A_345 = tpu.memref_slice %arg6[%add3A_308, %dma_wait3A_344] : memref<160x125xi32, #tpu.memory_space<vmem>> -> memref<1x125xi32, #tpu.memory_space<vmem>>
      %dma_wait3A_346 = tpu.memref_squeeze %dma_wait3A_345 : memref<1x125xi32, #tpu.memory_space<vmem>> -> memref<125xi32, #tpu.memory_space<vmem>>
      %dma_wait3A_347 = arith.constant 0 : i32
      %dma_wait3A_348 = arith.constant 0 : i32
      %dma_wait3A_349 = tpu.memref_slice %arg2[%dma_wait3A_347, %dma_wait3A_348] : memref<20000x64xf32, #tpu.memory_space<hbm>> -> memref<20000x64xf32, #tpu.memory_space<hbm>>
      %dma_wait3A_350 = tpu.memref_slice %arg9[%dma_wait3A_339] : memref<4x!tpu.dma_semaphore, #tpu.memory_space<semaphore_mem>> -> memref<1x!tpu.dma_semaphore, #tpu.memory_space<semaphore_mem>>
      %dma_wait3A_351 = tpu.memref_squeeze %dma_wait3A_350 : memref<1x!tpu.dma_semaphore, #tpu.memory_space<semaphore_mem>> -> memref<!tpu.dma_semaphore, #tpu.memory_space<semaphore_mem>>
      tpu.wait_indirect_dma semaphore(%dma_wait3A_351 : memref<!tpu.dma_semaphore, #tpu.memory_space<semaphore_mem>>) src(%dma_wait3A_349 : memref<20000x64xf32, #tpu.memory_space<hbm>>) dst(%dma_wait3A_343 : memref<125x64xf32, #tpu.memory_space<vmem>>)
      %dma_start3A_352 = arith.constant 2 : i32
      %dma_start3A_353 = arith.constant 0 : i32
      %dma_start3A_354 = arith.constant 0 : i32
      %dma_start3A_355 = tpu.memref_slice %arg8[%dma_start3A_352, %dma_start3A_353, %dma_start3A_354] : memref<4x125x64xf32, #tpu.memory_space<vmem>> -> memref<1x125x64xf32, #tpu.memory_space<vmem>>
      %dma_start3A_356 = tpu.memref_squeeze %dma_start3A_355 : memref<1x125x64xf32, #tpu.memory_space<vmem>> -> memref<125x64xf32, #tpu.memory_space<vmem>>
      %dma_start3A_357 = arith.constant 0 : i32
      %dma_start3A_358 = tpu.memref_slice %arg7[%add3A_308, %dma_start3A_357] : memref<160x125xi32, #tpu.memory_space<vmem>> -> memref<1x125xi32, #tpu.memory_space<vmem>>
      %dma_start3A_359 = tpu.memref_squeeze %dma_start3A_358 : memref<1x125xi32, #tpu.memory_space<vmem>> -> memref<125xi32, #tpu.memory_space<vmem>>
      %dma_start3A_360 = arith.constant 0 : i32
      %dma_start3A_361 = arith.constant 0 : i32
      %dma_start3A_362 = tpu.memref_slice %arg12[%dma_start3A_360, %dma_start3A_361] : memref<10112x64xf32, #tpu.memory_space<vmem_shared>> -> memref<10112x64xf32, #tpu.memory_space<vmem_shared>>
      tpu.enqueue_indirect_dma source(%dma_start3A_356 : memref<125x64xf32, #tpu.memory_space<vmem>>) target(%dma_start3A_362 : memref<10112x64xf32, #tpu.memory_space<vmem_shared>>) offsets(%dma_start3A_359 : memref<125xi32, #tpu.memory_space<vmem>>) semaphore(%arg10 : memref<!tpu.dma_semaphore, #tpu.memory_space<semaphore_mem>>) {add = true}
      %add3A_363 = arith.constant 2 : i32
      %add3A_364 = arith.addi %add3A_251, %add3A_363 : i32
      %sub3A_365 = arith.constant 1 : i32
      %sub3A_366 = arith.subi %add3A_364, %sub3A_365 : i32
      %dma_wait3A_367 = arith.constant 2 : i32
      %dma_wait3A_368 = arith.constant 0 : i32
      %dma_wait3A_369 = arith.constant 0 : i32
      %dma_wait3A_370 = tpu.memref_slice %arg8[%dma_wait3A_367, %dma_wait3A_368, %dma_wait3A_369] : memref<4x125x64xf32, #tpu.memory_space<vmem>> -> memref<1x125x64xf32, #tpu.memory_space<vmem>>
      %dma_wait3A_371 = tpu.memref_squeeze %dma_wait3A_370 : memref<1x125x64xf32, #tpu.memory_space<vmem>> -> memref<125x64xf32, #tpu.memory_space<vmem>>
      %dma_wait3A_372 = arith.constant 0 : i32
      %dma_wait3A_373 = tpu.memref_slice %arg7[%sub3A_366, %dma_wait3A_372] : memref<160x125xi32, #tpu.memory_space<vmem>> -> memref<1x125xi32, #tpu.memory_space<vmem>>
      %dma_wait3A_374 = tpu.memref_squeeze %dma_wait3A_373 : memref<1x125xi32, #tpu.memory_space<vmem>> -> memref<125xi32, #tpu.memory_space<vmem>>
      %dma_wait3A_375 = arith.constant 0 : i32
      %dma_wait3A_376 = arith.constant 0 : i32
      %dma_wait3A_377 = tpu.memref_slice %arg12[%dma_wait3A_375, %dma_wait3A_376] : memref<10112x64xf32, #tpu.memory_space<vmem_shared>> -> memref<10112x64xf32, #tpu.memory_space<vmem_shared>>
      tpu.wait_indirect_dma semaphore(%arg10 : memref<!tpu.dma_semaphore, #tpu.memory_space<semaphore_mem>>) src(%dma_wait3A_371 : memref<125x64xf32, #tpu.memory_space<vmem>>) dst(%dma_wait3A_377 : memref<10112x64xf32, #tpu.memory_space<vmem_shared>>)
      %add3A_378 = arith.constant 3 : i32
      %add3A_379 = arith.addi %add3A_364, %add3A_378 : i32
      %dma_start3A_380 = arith.constant 2 : i32
      %dma_start3A_381 = arith.constant 2 : i32
      %dma_start3A_382 = arith.constant 0 : i32
      %dma_start3A_383 = arith.constant 0 : i32
      %dma_start3A_384 = tpu.memref_slice %arg8[%dma_start3A_380, %dma_start3A_382, %dma_start3A_383] : memref<4x125x64xf32, #tpu.memory_space<vmem>> -> memref<1x125x64xf32, #tpu.memory_space<vmem>>
      %dma_start3A_385 = tpu.memref_squeeze %dma_start3A_384 : memref<1x125x64xf32, #tpu.memory_space<vmem>> -> memref<125x64xf32, #tpu.memory_space<vmem>>
      %dma_start3A_386 = arith.constant 0 : i32
      %dma_start3A_387 = tpu.memref_slice %arg6[%add3A_379, %dma_start3A_386] : memref<160x125xi32, #tpu.memory_space<vmem>> -> memref<1x125xi32, #tpu.memory_space<vmem>>
      %dma_start3A_388 = tpu.memref_squeeze %dma_start3A_387 : memref<1x125xi32, #tpu.memory_space<vmem>> -> memref<125xi32, #tpu.memory_space<vmem>>
      %dma_start3A_389 = arith.constant 0 : i32
      %dma_start3A_390 = arith.constant 0 : i32
      %dma_start3A_391 = tpu.memref_slice %arg2[%dma_start3A_389, %dma_start3A_390] : memref<20000x64xf32, #tpu.memory_space<hbm>> -> memref<20000x64xf32, #tpu.memory_space<hbm>>
      %dma_start3A_392 = tpu.memref_slice %arg9[%dma_start3A_381] : memref<4x!tpu.dma_semaphore, #tpu.memory_space<semaphore_mem>> -> memref<1x!tpu.dma_semaphore, #tpu.memory_space<semaphore_mem>>
      %dma_start3A_393 = tpu.memref_squeeze %dma_start3A_392 : memref<1x!tpu.dma_semaphore, #tpu.memory_space<semaphore_mem>> -> memref<!tpu.dma_semaphore, #tpu.memory_space<semaphore_mem>>
      tpu.enqueue_indirect_dma source(%dma_start3A_391 : memref<20000x64xf32, #tpu.memory_space<hbm>>) target(%dma_start3A_385 : memref<125x64xf32, #tpu.memory_space<vmem>>) offsets(%dma_start3A_388 : memref<125xi32, #tpu.memory_space<vmem>>) semaphore(%dma_start3A_393 : memref<!tpu.dma_semaphore, #tpu.memory_space<semaphore_mem>>)
      %dma_wait3A_394 = arith.constant 3 : i32
      %dma_wait3A_395 = arith.constant 3 : i32
      %dma_wait3A_396 = arith.constant 0 : i32
      %dma_wait3A_397 = arith.constant 0 : i32
      %dma_wait3A_398 = tpu.memref_slice %arg8[%dma_wait3A_394, %dma_wait3A_396, %dma_wait3A_397] : memref<4x125x64xf32, #tpu.memory_space<vmem>> -> memref<1x125x64xf32, #tpu.memory_space<vmem>>
      %dma_wait3A_399 = tpu.memref_squeeze %dma_wait3A_398 : memref<1x125x64xf32, #tpu.memory_space<vmem>> -> memref<125x64xf32, #tpu.memory_space<vmem>>
      %dma_wait3A_400 = arith.constant 0 : i32
      %dma_wait3A_401 = tpu.memref_slice %arg6[%add3A_364, %dma_wait3A_400] : memref<160x125xi32, #tpu.memory_space<vmem>> -> memref<1x125xi32, #tpu.memory_space<vmem>>
      %dma_wait3A_402 = tpu.memref_squeeze %dma_wait3A_401 : memref<1x125xi32, #tpu.memory_space<vmem>> -> memref<125xi32, #tpu.memory_space<vmem>>
      %dma_wait3A_403 = arith.constant 0 : i32
      %dma_wait3A_404 = arith.constant 0 : i32
      %dma_wait3A_405 = tpu.memref_slice %arg2[%dma_wait3A_403, %dma_wait3A_404] : memref<20000x64xf32, #tpu.memory_space<hbm>> -> memref<20000x64xf32, #tpu.memory_space<hbm>>
      %dma_wait3A_406 = tpu.memref_slice %arg9[%dma_wait3A_395] : memref<4x!tpu.dma_semaphore, #tpu.memory_space<semaphore_mem>> -> memref<1x!tpu.dma_semaphore, #tpu.memory_space<semaphore_mem>>
      %dma_wait3A_407 = tpu.memref_squeeze %dma_wait3A_406 : memref<1x!tpu.dma_semaphore, #tpu.memory_space<semaphore_mem>> -> memref<!tpu.dma_semaphore, #tpu.memory_space<semaphore_mem>>
      tpu.wait_indirect_dma semaphore(%dma_wait3A_407 : memref<!tpu.dma_semaphore, #tpu.memory_space<semaphore_mem>>) src(%dma_wait3A_405 : memref<20000x64xf32, #tpu.memory_space<hbm>>) dst(%dma_wait3A_399 : memref<125x64xf32, #tpu.memory_space<vmem>>)
      %dma_start3A_408 = arith.constant 3 : i32
      %dma_start3A_409 = arith.constant 0 : i32
      %dma_start3A_410 = arith.constant 0 : i32
      %dma_start3A_411 = tpu.memref_slice %arg8[%dma_start3A_408, %dma_start3A_409, %dma_start3A_410] : memref<4x125x64xf32, #tpu.memory_space<vmem>> -> memref<1x125x64xf32, #tpu.memory_space<vmem>>
      %dma_start3A_412 = tpu.memref_squeeze %dma_start3A_411 : memref<1x125x64xf32, #tpu.memory_space<vmem>> -> memref<125x64xf32, #tpu.memory_space<vmem>>
      %dma_start3A_413 = arith.constant 0 : i32
      %dma_start3A_414 = tpu.memref_slice %arg7[%add3A_364, %dma_start3A_413] : memref<160x125xi32, #tpu.memory_space<vmem>> -> memref<1x125xi32, #tpu.memory_space<vmem>>
      %dma_start3A_415 = tpu.memref_squeeze %dma_start3A_414 : memref<1x125xi32, #tpu.memory_space<vmem>> -> memref<125xi32, #tpu.memory_space<vmem>>
      %dma_start3A_416 = arith.constant 0 : i32
      %dma_start3A_417 = arith.constant 0 : i32
      %dma_start3A_418 = tpu.memref_slice %arg12[%dma_start3A_416, %dma_start3A_417] : memref<10112x64xf32, #tpu.memory_space<vmem_shared>> -> memref<10112x64xf32, #tpu.memory_space<vmem_shared>>
      tpu.enqueue_indirect_dma source(%dma_start3A_412 : memref<125x64xf32, #tpu.memory_space<vmem>>) target(%dma_start3A_418 : memref<10112x64xf32, #tpu.memory_space<vmem_shared>>) offsets(%dma_start3A_415 : memref<125xi32, #tpu.memory_space<vmem>>) semaphore(%arg10 : memref<!tpu.dma_semaphore, #tpu.memory_space<semaphore_mem>>) {add = true}
      %add3A_419 = arith.constant 3 : i32
      %add3A_420 = arith.addi %add3A_251, %add3A_419 : i32
      %sub3A_421 = arith.constant 1 : i32
      %sub3A_422 = arith.subi %add3A_420, %sub3A_421 : i32
      %dma_wait3A_423 = arith.constant 3 : i32
      %dma_wait3A_424 = arith.constant 0 : i32
      %dma_wait3A_425 = arith.constant 0 : i32
      %dma_wait3A_426 = tpu.memref_slice %arg8[%dma_wait3A_423, %dma_wait3A_424, %dma_wait3A_425] : memref<4x125x64xf32, #tpu.memory_space<vmem>> -> memref<1x125x64xf32, #tpu.memory_space<vmem>>
      %dma_wait3A_427 = tpu.memref_squeeze %dma_wait3A_426 : memref<1x125x64xf32, #tpu.memory_space<vmem>> -> memref<125x64xf32, #tpu.memory_space<vmem>>
      %dma_wait3A_428 = arith.constant 0 : i32
      %dma_wait3A_429 = tpu.memref_slice %arg7[%sub3A_422, %dma_wait3A_428] : memref<160x125xi32, #tpu.memory_space<vmem>> -> memref<1x125xi32, #tpu.memory_space<vmem>>
      %dma_wait3A_430 = tpu.memref_squeeze %dma_wait3A_429 : memref<1x125xi32, #tpu.memory_space<vmem>> -> memref<125xi32, #tpu.memory_space<vmem>>
      %dma_wait3A_431 = arith.constant 0 : i32
      %dma_wait3A_432 = arith.constant 0 : i32
      %dma_wait3A_433 = tpu.memref_slice %arg12[%dma_wait3A_431, %dma_wait3A_432] : memref<10112x64xf32, #tpu.memory_space<vmem_shared>> -> memref<10112x64xf32, #tpu.memory_space<vmem_shared>>
      tpu.wait_indirect_dma semaphore(%arg10 : memref<!tpu.dma_semaphore, #tpu.memory_space<semaphore_mem>>) src(%dma_wait3A_427 : memref<125x64xf32, #tpu.memory_space<vmem>>) dst(%dma_wait3A_433 : memref<10112x64xf32, #tpu.memory_space<vmem_shared>>)
      %add3A_434 = arith.constant 3 : i32
      %add3A_435 = arith.addi %add3A_420, %add3A_434 : i32
      %dma_start3A_436 = arith.constant 3 : i32
      %dma_start3A_437 = arith.constant 3 : i32
      %dma_start3A_438 = arith.constant 0 : i32
      %dma_start3A_439 = arith.constant 0 : i32
      %dma_start3A_440 = tpu.memref_slice %arg8[%dma_start3A_436, %dma_start3A_438, %dma_start3A_439] : memref<4x125x64xf32, #tpu.memory_space<vmem>> -> memref<1x125x64xf32, #tpu.memory_space<vmem>>
      %dma_start3A_441 = tpu.memref_squeeze %dma_start3A_440 : memref<1x125x64xf32, #tpu.memory_space<vmem>> -> memref<125x64xf32, #tpu.memory_space<vmem>>
      %dma_start3A_442 = arith.constant 0 : i32
      %dma_start3A_443 = tpu.memref_slice %arg6[%add3A_435, %dma_start3A_442] : memref<160x125xi32, #tpu.memory_space<vmem>> -> memref<1x125xi32, #tpu.memory_space<vmem>>
      %dma_start3A_444 = tpu.memref_squeeze %dma_start3A_443 : memref<1x125xi32, #tpu.memory_space<vmem>> -> memref<125xi32, #tpu.memory_space<vmem>>
      %dma_start3A_445 = arith.constant 0 : i32
      %dma_start3A_446 = arith.constant 0 : i32
      %dma_start3A_447 = tpu.memref_slice %arg2[%dma_start3A_445, %dma_start3A_446] : memref<20000x64xf32, #tpu.memory_space<hbm>> -> memref<20000x64xf32, #tpu.memory_space<hbm>>
      %dma_start3A_448 = tpu.memref_slice %arg9[%dma_start3A_437] : memref<4x!tpu.dma_semaphore, #tpu.memory_space<semaphore_mem>> -> memref<1x!tpu.dma_semaphore, #tpu.memory_space<semaphore_mem>>
      %dma_start3A_449 = tpu.memref_squeeze %dma_start3A_448 : memref<1x!tpu.dma_semaphore, #tpu.memory_space<semaphore_mem>> -> memref<!tpu.dma_semaphore, #tpu.memory_space<semaphore_mem>>
      tpu.enqueue_indirect_dma source(%dma_start3A_447 : memref<20000x64xf32, #tpu.memory_space<hbm>>) target(%dma_start3A_441 : memref<125x64xf32, #tpu.memory_space<vmem>>) offsets(%dma_start3A_444 : memref<125xi32, #tpu.memory_space<vmem>>) semaphore(%dma_start3A_449 : memref<!tpu.dma_semaphore, #tpu.memory_space<semaphore_mem>>)
      %dma_wait3A_450 = arith.constant 0 : i32
      %dma_wait3A_451 = arith.constant 0 : i32
      %dma_wait3A_452 = arith.constant 0 : i32
      %dma_wait3A_453 = arith.constant 0 : i32
      %dma_wait3A_454 = tpu.memref_slice %arg8[%dma_wait3A_450, %dma_wait3A_452, %dma_wait3A_453] : memref<4x125x64xf32, #tpu.memory_space<vmem>> -> memref<1x125x64xf32, #tpu.memory_space<vmem>>
      %dma_wait3A_455 = tpu.memref_squeeze %dma_wait3A_454 : memref<1x125x64xf32, #tpu.memory_space<vmem>> -> memref<125x64xf32, #tpu.memory_space<vmem>>
      %dma_wait3A_456 = arith.constant 0 : i32
      %dma_wait3A_457 = tpu.memref_slice %arg6[%add3A_420, %dma_wait3A_456] : memref<160x125xi32, #tpu.memory_space<vmem>> -> memref<1x125xi32, #tpu.memory_space<vmem>>
      %dma_wait3A_458 = tpu.memref_squeeze %dma_wait3A_457 : memref<1x125xi32, #tpu.memory_space<vmem>> -> memref<125xi32, #tpu.memory_space<vmem>>
      %dma_wait3A_459 = arith.constant 0 : i32
      %dma_wait3A_460 = arith.constant 0 : i32
      %dma_wait3A_461 = tpu.memref_slice %arg2[%dma_wait3A_459, %dma_wait3A_460] : memref<20000x64xf32, #tpu.memory_space<hbm>> -> memref<20000x64xf32, #tpu.memory_space<hbm>>
      %dma_wait3A_462 = tpu.memref_slice %arg9[%dma_wait3A_451] : memref<4x!tpu.dma_semaphore, #tpu.memory_space<semaphore_mem>> -> memref<1x!tpu.dma_semaphore, #tpu.memory_space<semaphore_mem>>
      %dma_wait3A_463 = tpu.memref_squeeze %dma_wait3A_462 : memref<1x!tpu.dma_semaphore, #tpu.memory_space<semaphore_mem>> -> memref<!tpu.dma_semaphore, #tpu.memory_space<semaphore_mem>>
      tpu.wait_indirect_dma semaphore(%dma_wait3A_463 : memref<!tpu.dma_semaphore, #tpu.memory_space<semaphore_mem>>) src(%dma_wait3A_461 : memref<20000x64xf32, #tpu.memory_space<hbm>>) dst(%dma_wait3A_455 : memref<125x64xf32, #tpu.memory_space<vmem>>)
      %dma_start3A_464 = arith.constant 0 : i32
      %dma_start3A_465 = arith.constant 0 : i32
      %dma_start3A_466 = arith.constant 0 : i32
      %dma_start3A_467 = tpu.memref_slice %arg8[%dma_start3A_464, %dma_start3A_465, %dma_start3A_466] : memref<4x125x64xf32, #tpu.memory_space<vmem>> -> memref<1x125x64xf32, #tpu.memory_space<vmem>>
      %dma_start3A_468 = tpu.memref_squeeze %dma_start3A_467 : memref<1x125x64xf32, #tpu.memory_space<vmem>> -> memref<125x64xf32, #tpu.memory_space<vmem>>
      %dma_start3A_469 = arith.constant 0 : i32
      %dma_start3A_470 = tpu.memref_slice %arg7[%add3A_420, %dma_start3A_469] : memref<160x125xi32, #tpu.memory_space<vmem>> -> memref<1x125xi32, #tpu.memory_space<vmem>>
      %dma_start3A_471 = tpu.memref_squeeze %dma_start3A_470 : memref<1x125xi32, #tpu.memory_space<vmem>> -> memref<125xi32, #tpu.memory_space<vmem>>
      %dma_start3A_472 = arith.constant 0 : i32
      %dma_start3A_473 = arith.constant 0 : i32
      %dma_start3A_474 = tpu.memref_slice %arg12[%dma_start3A_472, %dma_start3A_473] : memref<10112x64xf32, #tpu.memory_space<vmem_shared>> -> memref<10112x64xf32, #tpu.memory_space<vmem_shared>>
      tpu.enqueue_indirect_dma source(%dma_start3A_468 : memref<125x64xf32, #tpu.memory_space<vmem>>) target(%dma_start3A_474 : memref<10112x64xf32, #tpu.memory_space<vmem_shared>>) offsets(%dma_start3A_471 : memref<125xi32, #tpu.memory_space<vmem>>) semaphore(%arg10 : memref<!tpu.dma_semaphore, #tpu.memory_space<semaphore_mem>>) {add = true}
    }
    %scan3A_114 = arith.constant 39 : i32
    %dma_wait3A_115 = arith.constant 0 : i32
    %dma_wait3A_116 = arith.constant 156 : i32
    %dma_wait3A_117 = arith.constant 0 : i32
    %dma_wait3A_118 = arith.constant 0 : i32
    %dma_wait3A_119 = tpu.memref_slice %arg8[%dma_wait3A_115, %dma_wait3A_117, %dma_wait3A_118] : memref<4x125x64xf32, #tpu.memory_space<vmem>> -> memref<1x125x64xf32, #tpu.memory_space<vmem>>
    %dma_wait3A_120 = tpu.memref_squeeze %dma_wait3A_119 : memref<1x125x64xf32, #tpu.memory_space<vmem>> -> memref<125x64xf32, #tpu.memory_space<vmem>>
    %dma_wait3A_121 = arith.constant 0 : i32
    %dma_wait3A_122 = tpu.memref_slice %arg7[%dma_wait3A_116, %dma_wait3A_121] : memref<160x125xi32, #tpu.memory_space<vmem>> -> memref<1x125xi32, #tpu.memory_space<vmem>>
    %dma_wait3A_123 = tpu.memref_squeeze %dma_wait3A_122 : memref<1x125xi32, #tpu.memory_space<vmem>> -> memref<125xi32, #tpu.memory_space<vmem>>
    %dma_wait3A_124 = arith.constant 0 : i32
    %dma_wait3A_125 = arith.constant 0 : i32
    %dma_wait3A_126 = tpu.memref_slice %arg12[%dma_wait3A_124, %dma_wait3A_125] : memref<10112x64xf32, #tpu.memory_space<vmem_shared>> -> memref<10112x64xf32, #tpu.memory_space<vmem_shared>>
    tpu.wait_indirect_dma semaphore(%arg10 : memref<!tpu.dma_semaphore, #tpu.memory_space<semaphore_mem>>) src(%dma_wait3A_120 : memref<125x64xf32, #tpu.memory_space<vmem>>) dst(%dma_wait3A_126 : memref<10112x64xf32, #tpu.memory_space<vmem_shared>>)
    %dma_wait3A_127 = arith.constant 157 : i32
    %dma_wait3A_128 = arith.constant 1 : i32
    %dma_wait3A_129 = arith.constant 1 : i32
    %dma_wait3A_130 = arith.constant 0 : i32
    %dma_wait3A_131 = arith.constant 0 : i32
    %dma_wait3A_132 = tpu.memref_slice %arg8[%dma_wait3A_128, %dma_wait3A_130, %dma_wait3A_131] : memref<4x125x64xf32, #tpu.memory_space<vmem>> -> memref<1x125x64xf32, #tpu.memory_space<vmem>>
    %dma_wait3A_133 = tpu.memref_squeeze %dma_wait3A_132 : memref<1x125x64xf32, #tpu.memory_space<vmem>> -> memref<125x64xf32, #tpu.memory_space<vmem>>
    %dma_wait3A_134 = arith.constant 0 : i32
    %dma_wait3A_135 = tpu.memref_slice %arg6[%dma_wait3A_127, %dma_wait3A_134] : memref<160x125xi32, #tpu.memory_space<vmem>> -> memref<1x125xi32, #tpu.memory_space<vmem>>
    %dma_wait3A_136 = tpu.memref_squeeze %dma_wait3A_135 : memref<1x125xi32, #tpu.memory_space<vmem>> -> memref<125xi32, #tpu.memory_space<vmem>>
    %dma_wait3A_137 = arith.constant 0 : i32
    %dma_wait3A_138 = arith.constant 0 : i32
    %dma_wait3A_139 = tpu.memref_slice %arg2[%dma_wait3A_137, %dma_wait3A_138] : memref<20000x64xf32, #tpu.memory_space<hbm>> -> memref<20000x64xf32, #tpu.memory_space<hbm>>
    %dma_wait3A_140 = tpu.memref_slice %arg9[%dma_wait3A_129] : memref<4x!tpu.dma_semaphore, #tpu.memory_space<semaphore_mem>> -> memref<1x!tpu.dma_semaphore, #tpu.memory_space<semaphore_mem>>
    %dma_wait3A_141 = tpu.memref_squeeze %dma_wait3A_140 : memref<1x!tpu.dma_semaphore, #tpu.memory_space<semaphore_mem>> -> memref<!tpu.dma_semaphore, #tpu.memory_space<semaphore_mem>>
    tpu.wait_indirect_dma semaphore(%dma_wait3A_141 : memref<!tpu.dma_semaphore, #tpu.memory_space<semaphore_mem>>) src(%dma_wait3A_139 : memref<20000x64xf32, #tpu.memory_space<hbm>>) dst(%dma_wait3A_133 : memref<125x64xf32, #tpu.memory_space<vmem>>)
    %dma_start3A_142 = arith.constant 1 : i32
    %dma_start3A_143 = arith.constant 157 : i32
    %dma_start3A_144 = arith.constant 0 : i32
    %dma_start3A_145 = arith.constant 0 : i32
    %dma_start3A_146 = tpu.memref_slice %arg8[%dma_start3A_142, %dma_start3A_144, %dma_start3A_145] : memref<4x125x64xf32, #tpu.memory_space<vmem>> -> memref<1x125x64xf32, #tpu.memory_space<vmem>>
    %dma_start3A_147 = tpu.memref_squeeze %dma_start3A_146 : memref<1x125x64xf32, #tpu.memory_space<vmem>> -> memref<125x64xf32, #tpu.memory_space<vmem>>
    %dma_start3A_148 = arith.constant 0 : i32
    %dma_start3A_149 = tpu.memref_slice %arg7[%dma_start3A_143, %dma_start3A_148] : memref<160x125xi32, #tpu.memory_space<vmem>> -> memref<1x125xi32, #tpu.memory_space<vmem>>
    %dma_start3A_150 = tpu.memref_squeeze %dma_start3A_149 : memref<1x125xi32, #tpu.memory_space<vmem>> -> memref<125xi32, #tpu.memory_space<vmem>>
    %dma_start3A_151 = arith.constant 0 : i32
    %dma_start3A_152 = arith.constant 0 : i32
    %dma_start3A_153 = tpu.memref_slice %arg12[%dma_start3A_151, %dma_start3A_152] : memref<10112x64xf32, #tpu.memory_space<vmem_shared>> -> memref<10112x64xf32, #tpu.memory_space<vmem_shared>>
    tpu.enqueue_indirect_dma source(%dma_start3A_147 : memref<125x64xf32, #tpu.memory_space<vmem>>) target(%dma_start3A_153 : memref<10112x64xf32, #tpu.memory_space<vmem_shared>>) offsets(%dma_start3A_150 : memref<125xi32, #tpu.memory_space<vmem>>) semaphore(%arg10 : memref<!tpu.dma_semaphore, #tpu.memory_space<semaphore_mem>>) {add = true}
    %dma_wait3A_154 = arith.constant 1 : i32
    %dma_wait3A_155 = arith.constant 157 : i32
    %dma_wait3A_156 = arith.constant 0 : i32
    %dma_wait3A_157 = arith.constant 0 : i32
    %dma_wait3A_158 = tpu.memref_slice %arg8[%dma_wait3A_154, %dma_wait3A_156, %dma_wait3A_157] : memref<4x125x64xf32, #tpu.memory_space<vmem>> -> memref<1x125x64xf32, #tpu.memory_space<vmem>>
    %dma_wait3A_159 = tpu.memref_squeeze %dma_wait3A_158 : memref<1x125x64xf32, #tpu.memory_space<vmem>> -> memref<125x64xf32, #tpu.memory_space<vmem>>
    %dma_wait3A_160 = arith.constant 0 : i32
    %dma_wait3A_161 = tpu.memref_slice %arg7[%dma_wait3A_155, %dma_wait3A_160] : memref<160x125xi32, #tpu.memory_space<vmem>> -> memref<1x125xi32, #tpu.memory_space<vmem>>
    %dma_wait3A_162 = tpu.memref_squeeze %dma_wait3A_161 : memref<1x125xi32, #tpu.memory_space<vmem>> -> memref<125xi32, #tpu.memory_space<vmem>>
    %dma_wait3A_163 = arith.constant 0 : i32
    %dma_wait3A_164 = arith.constant 0 : i32
    %dma_wait3A_165 = tpu.memref_slice %arg12[%dma_wait3A_163, %dma_wait3A_164] : memref<10112x64xf32, #tpu.memory_space<vmem_shared>> -> memref<10112x64xf32, #tpu.memory_space<vmem_shared>>
    tpu.wait_indirect_dma semaphore(%arg10 : memref<!tpu.dma_semaphore, #tpu.memory_space<semaphore_mem>>) src(%dma_wait3A_159 : memref<125x64xf32, #tpu.memory_space<vmem>>) dst(%dma_wait3A_165 : memref<10112x64xf32, #tpu.memory_space<vmem_shared>>)
    %dma_wait3A_166 = arith.constant 158 : i32
    %dma_wait3A_167 = arith.constant 2 : i32
    %dma_wait3A_168 = arith.constant 2 : i32
    %dma_wait3A_169 = arith.constant 0 : i32
    %dma_wait3A_170 = arith.constant 0 : i32
    %dma_wait3A_171 = tpu.memref_slice %arg8[%dma_wait3A_167, %dma_wait3A_169, %dma_wait3A_170] : memref<4x125x64xf32, #tpu.memory_space<vmem>> -> memref<1x125x64xf32, #tpu.memory_space<vmem>>
    %dma_wait3A_172 = tpu.memref_squeeze %dma_wait3A_171 : memref<1x125x64xf32, #tpu.memory_space<vmem>> -> memref<125x64xf32, #tpu.memory_space<vmem>>
    %dma_wait3A_173 = arith.constant 0 : i32
    %dma_wait3A_174 = tpu.memref_slice %arg6[%dma_wait3A_166, %dma_wait3A_173] : memref<160x125xi32, #tpu.memory_space<vmem>> -> memref<1x125xi32, #tpu.memory_space<vmem>>
    %dma_wait3A_175 = tpu.memref_squeeze %dma_wait3A_174 : memref<1x125xi32, #tpu.memory_space<vmem>> -> memref<125xi32, #tpu.memory_space<vmem>>
    %dma_wait3A_176 = arith.constant 0 : i32
    %dma_wait3A_177 = arith.constant 0 : i32
    %dma_wait3A_178 = tpu.memref_slice %arg2[%dma_wait3A_176, %dma_wait3A_177] : memref<20000x64xf32, #tpu.memory_space<hbm>> -> memref<20000x64xf32, #tpu.memory_space<hbm>>
    %dma_wait3A_179 = tpu.memref_slice %arg9[%dma_wait3A_168] : memref<4x!tpu.dma_semaphore, #tpu.memory_space<semaphore_mem>> -> memref<1x!tpu.dma_semaphore, #tpu.memory_space<semaphore_mem>>
    %dma_wait3A_180 = tpu.memref_squeeze %dma_wait3A_179 : memref<1x!tpu.dma_semaphore, #tpu.memory_space<semaphore_mem>> -> memref<!tpu.dma_semaphore, #tpu.memory_space<semaphore_mem>>
    tpu.wait_indirect_dma semaphore(%dma_wait3A_180 : memref<!tpu.dma_semaphore, #tpu.memory_space<semaphore_mem>>) src(%dma_wait3A_178 : memref<20000x64xf32, #tpu.memory_space<hbm>>) dst(%dma_wait3A_172 : memref<125x64xf32, #tpu.memory_space<vmem>>)
    %dma_start3A_181 = arith.constant 2 : i32
    %dma_start3A_182 = arith.constant 158 : i32
    %dma_start3A_183 = arith.constant 0 : i32
    %dma_start3A_184 = arith.constant 0 : i32
    %dma_start3A_185 = tpu.memref_slice %arg8[%dma_start3A_181, %dma_start3A_183, %dma_start3A_184] : memref<4x125x64xf32, #tpu.memory_space<vmem>> -> memref<1x125x64xf32, #tpu.memory_space<vmem>>
    %dma_start3A_186 = tpu.memref_squeeze %dma_start3A_185 : memref<1x125x64xf32, #tpu.memory_space<vmem>> -> memref<125x64xf32, #tpu.memory_space<vmem>>
    %dma_start3A_187 = arith.constant 0 : i32
    %dma_start3A_188 = tpu.memref_slice %arg7[%dma_start3A_182, %dma_start3A_187] : memref<160x125xi32, #tpu.memory_space<vmem>> -> memref<1x125xi32, #tpu.memory_space<vmem>>
    %dma_start3A_189 = tpu.memref_squeeze %dma_start3A_188 : memref<1x125xi32, #tpu.memory_space<vmem>> -> memref<125xi32, #tpu.memory_space<vmem>>
    %dma_start3A_190 = arith.constant 0 : i32
    %dma_start3A_191 = arith.constant 0 : i32
    %dma_start3A_192 = tpu.memref_slice %arg12[%dma_start3A_190, %dma_start3A_191] : memref<10112x64xf32, #tpu.memory_space<vmem_shared>> -> memref<10112x64xf32, #tpu.memory_space<vmem_shared>>
    tpu.enqueue_indirect_dma source(%dma_start3A_186 : memref<125x64xf32, #tpu.memory_space<vmem>>) target(%dma_start3A_192 : memref<10112x64xf32, #tpu.memory_space<vmem_shared>>) offsets(%dma_start3A_189 : memref<125xi32, #tpu.memory_space<vmem>>) semaphore(%arg10 : memref<!tpu.dma_semaphore, #tpu.memory_space<semaphore_mem>>) {add = true}
    %dma_wait3A_193 = arith.constant 2 : i32
    %dma_wait3A_194 = arith.constant 158 : i32
    %dma_wait3A_195 = arith.constant 0 : i32
    %dma_wait3A_196 = arith.constant 0 : i32
    %dma_wait3A_197 = tpu.memref_slice %arg8[%dma_wait3A_193, %dma_wait3A_195, %dma_wait3A_196] : memref<4x125x64xf32, #tpu.memory_space<vmem>> -> memref<1x125x64xf32, #tpu.memory_space<vmem>>
    %dma_wait3A_198 = tpu.memref_squeeze %dma_wait3A_197 : memref<1x125x64xf32, #tpu.memory_space<vmem>> -> memref<125x64xf32, #tpu.memory_space<vmem>>
    %dma_wait3A_199 = arith.constant 0 : i32
    %dma_wait3A_200 = tpu.memref_slice %arg7[%dma_wait3A_194, %dma_wait3A_199] : memref<160x125xi32, #tpu.memory_space<vmem>> -> memref<1x125xi32, #tpu.memory_space<vmem>>
    %dma_wait3A_201 = tpu.memref_squeeze %dma_wait3A_200 : memref<1x125xi32, #tpu.memory_space<vmem>> -> memref<125xi32, #tpu.memory_space<vmem>>
    %dma_wait3A_202 = arith.constant 0 : i32
    %dma_wait3A_203 = arith.constant 0 : i32
    %dma_wait3A_204 = tpu.memref_slice %arg12[%dma_wait3A_202, %dma_wait3A_203] : memref<10112x64xf32, #tpu.memory_space<vmem_shared>> -> memref<10112x64xf32, #tpu.memory_space<vmem_shared>>
    tpu.wait_indirect_dma semaphore(%arg10 : memref<!tpu.dma_semaphore, #tpu.memory_space<semaphore_mem>>) src(%dma_wait3A_198 : memref<125x64xf32, #tpu.memory_space<vmem>>) dst(%dma_wait3A_204 : memref<10112x64xf32, #tpu.memory_space<vmem_shared>>)
    %dma_wait3A_205 = arith.constant 159 : i32
    %dma_wait3A_206 = arith.constant 3 : i32
    %dma_wait3A_207 = arith.constant 3 : i32
    %dma_wait3A_208 = arith.constant 0 : i32
    %dma_wait3A_209 = arith.constant 0 : i32
    %dma_wait3A_210 = tpu.memref_slice %arg8[%dma_wait3A_206, %dma_wait3A_208, %dma_wait3A_209] : memref<4x125x64xf32, #tpu.memory_space<vmem>> -> memref<1x125x64xf32, #tpu.memory_space<vmem>>
    %dma_wait3A_211 = tpu.memref_squeeze %dma_wait3A_210 : memref<1x125x64xf32, #tpu.memory_space<vmem>> -> memref<125x64xf32, #tpu.memory_space<vmem>>
    %dma_wait3A_212 = arith.constant 0 : i32
    %dma_wait3A_213 = tpu.memref_slice %arg6[%dma_wait3A_205, %dma_wait3A_212] : memref<160x125xi32, #tpu.memory_space<vmem>> -> memref<1x125xi32, #tpu.memory_space<vmem>>
    %dma_wait3A_214 = tpu.memref_squeeze %dma_wait3A_213 : memref<1x125xi32, #tpu.memory_space<vmem>> -> memref<125xi32, #tpu.memory_space<vmem>>
    %dma_wait3A_215 = arith.constant 0 : i32
    %dma_wait3A_216 = arith.constant 0 : i32
    %dma_wait3A_217 = tpu.memref_slice %arg2[%dma_wait3A_215, %dma_wait3A_216] : memref<20000x64xf32, #tpu.memory_space<hbm>> -> memref<20000x64xf32, #tpu.memory_space<hbm>>
    %dma_wait3A_218 = tpu.memref_slice %arg9[%dma_wait3A_207] : memref<4x!tpu.dma_semaphore, #tpu.memory_space<semaphore_mem>> -> memref<1x!tpu.dma_semaphore, #tpu.memory_space<semaphore_mem>>
    %dma_wait3A_219 = tpu.memref_squeeze %dma_wait3A_218 : memref<1x!tpu.dma_semaphore, #tpu.memory_space<semaphore_mem>> -> memref<!tpu.dma_semaphore, #tpu.memory_space<semaphore_mem>>
    tpu.wait_indirect_dma semaphore(%dma_wait3A_219 : memref<!tpu.dma_semaphore, #tpu.memory_space<semaphore_mem>>) src(%dma_wait3A_217 : memref<20000x64xf32, #tpu.memory_space<hbm>>) dst(%dma_wait3A_211 : memref<125x64xf32, #tpu.memory_space<vmem>>)
    %dma_start3A_220 = arith.constant 3 : i32
    %dma_start3A_221 = arith.constant 159 : i32
    %dma_start3A_222 = arith.constant 0 : i32
    %dma_start3A_223 = arith.constant 0 : i32
    %dma_start3A_224 = tpu.memref_slice %arg8[%dma_start3A_220, %dma_start3A_222, %dma_start3A_223] : memref<4x125x64xf32, #tpu.memory_space<vmem>> -> memref<1x125x64xf32, #tpu.memory_space<vmem>>
    %dma_start3A_225 = tpu.memref_squeeze %dma_start3A_224 : memref<1x125x64xf32, #tpu.memory_space<vmem>> -> memref<125x64xf32, #tpu.memory_space<vmem>>
    %dma_start3A_226 = arith.constant 0 : i32
    %dma_start3A_227 = tpu.memref_slice %arg7[%dma_start3A_221, %dma_start3A_226] : memref<160x125xi32, #tpu.memory_space<vmem>> -> memref<1x125xi32, #tpu.memory_space<vmem>>
    %dma_start3A_228 = tpu.memref_squeeze %dma_start3A_227 : memref<1x125xi32, #tpu.memory_space<vmem>> -> memref<125xi32, #tpu.memory_space<vmem>>
    %dma_start3A_229 = arith.constant 0 : i32
    %dma_start3A_230 = arith.constant 0 : i32
    %dma_start3A_231 = tpu.memref_slice %arg12[%dma_start3A_229, %dma_start3A_230] : memref<10112x64xf32, #tpu.memory_space<vmem_shared>> -> memref<10112x64xf32, #tpu.memory_space<vmem_shared>>
    tpu.enqueue_indirect_dma source(%dma_start3A_225 : memref<125x64xf32, #tpu.memory_space<vmem>>) target(%dma_start3A_231 : memref<10112x64xf32, #tpu.memory_space<vmem_shared>>) offsets(%dma_start3A_228 : memref<125xi32, #tpu.memory_space<vmem>>) semaphore(%arg10 : memref<!tpu.dma_semaphore, #tpu.memory_space<semaphore_mem>>) {add = true}
    %dma_wait3A_232 = arith.constant 3 : i32
    %dma_wait3A_233 = arith.constant 159 : i32
    %dma_wait3A_234 = arith.constant 0 : i32
    %dma_wait3A_235 = arith.constant 0 : i32
    %dma_wait3A_236 = tpu.memref_slice %arg8[%dma_wait3A_232, %dma_wait3A_234, %dma_wait3A_235] : memref<4x125x64xf32, #tpu.memory_space<vmem>> -> memref<1x125x64xf32, #tpu.memory_space<vmem>>
    %dma_wait3A_237 = tpu.memref_squeeze %dma_wait3A_236 : memref<1x125x64xf32, #tpu.memory_space<vmem>> -> memref<125x64xf32, #tpu.memory_space<vmem>>
    %dma_wait3A_238 = arith.constant 0 : i32
    %dma_wait3A_239 = tpu.memref_slice %arg7[%dma_wait3A_233, %dma_wait3A_238] : memref<160x125xi32, #tpu.memory_space<vmem>> -> memref<1x125xi32, #tpu.memory_space<vmem>>
    %dma_wait3A_240 = tpu.memref_squeeze %dma_wait3A_239 : memref<1x125xi32, #tpu.memory_space<vmem>> -> memref<125xi32, #tpu.memory_space<vmem>>
    %dma_wait3A_241 = arith.constant 0 : i32
    %dma_wait3A_242 = arith.constant 0 : i32
    %dma_wait3A_243 = tpu.memref_slice %arg12[%dma_wait3A_241, %dma_wait3A_242] : memref<10112x64xf32, #tpu.memory_space<vmem_shared>> -> memref<10112x64xf32, #tpu.memory_space<vmem_shared>>
    tpu.wait_indirect_dma semaphore(%arg10 : memref<!tpu.dma_semaphore, #tpu.memory_space<semaphore_mem>>) src(%dma_wait3A_237 : memref<125x64xf32, #tpu.memory_space<vmem>>) dst(%dma_wait3A_243 : memref<10112x64xf32, #tpu.memory_space<vmem_shared>>)
    %barrier3A_244 = arith.constant 0 : index
    tpu.barrier barrier_id(%barrier3A_244)
    %mul3A_245 = arith.constant 64 : i32
    %mul3A_246 = arith.muli %arg0, %mul3A_245 : i32
    "tpu.region"() ({
      %run_scoped3A = tpu.sem_alloc : memref<!tpu.dma_semaphore, #tpu.memory_space<semaphore_mem>>
      %dma_start3A_247 = tpu.memref_slice %arg5[%mul3A_51, %mul3A_246] : memref<10112x128xf32, #tpu.memory_space<hbm>> -> memref<632x64xf32, #tpu.memory_space<hbm>>
      %dma_start3A_248 = arith.constant 0 : i32
      %dma_start3A_249 = tpu.memref_slice %arg12[%mul3A_51, %dma_start3A_248] : memref<10112x64xf32, #tpu.memory_space<vmem_shared>> -> memref<632x64xf32, #tpu.memory_space<vmem_shared>>
      tpu.enqueue_dma source(%dma_start3A_249 : memref<632x64xf32, #tpu.memory_space<vmem_shared>>) target(%dma_start3A_247 : memref<632x64xf32, #tpu.memory_space<hbm>>) target_semaphore(%run_scoped3A : memref<!tpu.dma_semaphore, #tpu.memory_space<semaphore_mem>>)
      %dma_wait3A_250 = tpu.memref_slice %arg5[%mul3A_51, %mul3A_246] : memref<10112x128xf32, #tpu.memory_space<hbm>> -> memref<632x64xf32, #tpu.memory_space<hbm>>
      %dma_wait3A_251 = arith.constant 0 : i32
      %dma_wait3A_252 = tpu.memref_slice %arg12[%mul3A_51, %dma_wait3A_251] : memref<10112x64xf32, #tpu.memory_space<vmem_shared>> -> memref<632x64xf32, #tpu.memory_space<vmem_shared>>
      tpu.wait_dma2 semaphore(%run_scoped3A : memref<!tpu.dma_semaphore, #tpu.memory_space<semaphore_mem>>) src(%dma_wait3A_252 : memref<632x64xf32, #tpu.memory_space<vmem_shared>>) dst(%dma_wait3A_250 : memref<632x64xf32, #tpu.memory_space<hbm>>)
      tpu.yield
    }) : () -> ()
    return
  }
}

module attributes {stable_mosaic.version = 14 : i64} {
  func.func @_a_body(%arg0: i32, %arg1: memref<5000x128xf32, #tpu.memory_space<vmem>>, %arg2: memref<5000x128xf32, #tpu.memory_space<vmem>>, %arg3: memref<128x128xf32, #tpu.memory_space<vmem>>, %arg4: memref<5000x128xf32, #tpu.memory_space<vmem>>, %arg5: memref<5000x128xf32, #tpu.memory_space<vmem>>) attributes {dimension_semantics = [#tpu.dimension_semantics<arbitrary>], iteration_bounds = array<i64: 2>, scalar_prefetch = 0 : i64, scratch_operands = 0 : i64, tpu.core_type = #tpu.core_type<tc>, window_params = [{transform_indices = @transform_0, window_bounds = array<i64: 5000, 128>}, {transform_indices = @transform_1, window_bounds = array<i64: 5000, 128>}, {pipeline_mode = #tpu.pipeline_mode<synchronous>, transform_indices = @transform_2, window_bounds = array<i64: 128, 128>}, {transform_indices = @transform_3, window_bounds = array<i64: 5000, 128>}, {transform_indices = @transform_4, window_bounds = array<i64: 5000, 128>}]} {
    %get3A = arith.constant 0 : index
    %get3A_0 = arith.constant 0 : index
    %get3A_1 = vector.load %arg1[%get3A, %get3A_0] : memref<5000x128xf32, #tpu.memory_space<vmem>>, vector<5000x128xf32>
    %slice3A = vector.extract_strided_slice %get3A_1 {offsets = [0, 0], sizes = [5000, 1], strides = [1, 1]} : vector<5000x128xf32> to vector<5000x1xf32>
    %slice3A_2 = vector.extract_strided_slice %get3A_1 {offsets = [0, 64], sizes = [5000, 1], strides = [1, 1]} : vector<5000x128xf32> to vector<5000x1xf32>
    %add3A = arith.addf %slice3A, %slice3A_2 : vector<5000x1xf32>
    %add3A_3 = arith.constant 1.000000e+00 : f32
    %add3A_4 = vector.broadcast %add3A_3 : f32 to vector<5000x1xf32>
    %add3A_5 = arith.addf %add3A, %add3A_4 : vector<5000x1xf32>
    %rsqrt3A = math.rsqrt %add3A_5 : vector<5000x1xf32>
    %get3A_6 = arith.constant 0 : index
    %get3A_7 = arith.constant 0 : index
    %get3A_8 = vector.load %arg2[%get3A_6, %get3A_7] : memref<5000x128xf32, #tpu.memory_space<vmem>>, vector<5000x128xf32>
    %get3A_9 = arith.constant 0 : index
    %get3A_10 = arith.constant 0 : index
    %get3A_11 = vector.load %arg3[%get3A_9, %get3A_10] : memref<128x128xf32, #tpu.memory_space<vmem>>, vector<128x128xf32>
    %dot_general3A = arith.constant dense<0.000000e+00> : vector<5000x128xf32>
    %dot_general3A_12 = tpu.matmul %get3A_8, %get3A_11, %dot_general3A {dimension_numbers = #tpu.dot_dimension_numbers<[1], [1], [0], [0], [0, 0, 1, 0], [], []>, transpose_lhs_hint = false} : vector<5000x128xf32>, vector<128x128xf32>, vector<5000x128xf32> -> vector<5000x128xf32>
    %broadcast_in_dim3A = vector.shape_cast %rsqrt3A : vector<5000x1xf32> to vector<5000x1xf32>
    %broadcast_in_dim3A_13 = vector.broadcast %broadcast_in_dim3A : vector<5000x1xf32> to vector<5000x128xf32>
    %swap3A = arith.constant 0 : index
    %swap3A_14 = arith.constant 0 : index
    %swap3A_15 = vector.load %arg4[%swap3A, %swap3A_14] : memref<5000x128xf32, #tpu.memory_space<vmem>>, vector<5000x128xf32>
    tpu.vector_store %arg4[%swap3A, %swap3A_14], %broadcast_in_dim3A_13 {strides = array<i32>} : memref<5000x128xf32, #tpu.memory_space<vmem>>, vector<5000x128xf32>,
    %mul3A = vector.broadcast %rsqrt3A : vector<5000x1xf32> to vector<5000x128xf32>
    %mul3A_16 = arith.mulf %mul3A, %dot_general3A_12 : vector<5000x128xf32>
    %swap3A_17 = arith.constant 0 : index
    %swap3A_18 = arith.constant 0 : index
    %swap3A_19 = vector.load %arg5[%swap3A_17, %swap3A_18] : memref<5000x128xf32, #tpu.memory_space<vmem>>, vector<5000x128xf32>
    tpu.vector_store %arg5[%swap3A_17, %swap3A_18], %mul3A_16 {strides = array<i32>} : memref<5000x128xf32, #tpu.memory_space<vmem>>, vector<5000x128xf32>,
    return
  }
  func.func @transform_0(%arg0: i32) -> (i32, i32) {
    %c0_i32 = arith.constant 0 : i32
    %c0_i32_0 = arith.constant 0 : i32
    return %arg0, %c0_i32 : i32, i32
  }
  func.func @transform_1(%arg0: i32) -> (i32, i32) {
    %c0_i32 = arith.constant 0 : i32
    %c0_i32_0 = arith.constant 0 : i32
    return %arg0, %c0_i32 : i32, i32
  }
  func.func @transform_2(%arg0: i32) -> (i32, i32) {
    %c0_i32 = arith.constant 0 : i32
    %c0_i32_0 = arith.constant 0 : i32
    %c0_i32_1 = arith.constant 0 : i32
    return %c0_i32, %c0_i32_0 : i32, i32
  }
  func.func @transform_3(%arg0: i32) -> (i32, i32) {
    %c0_i32 = arith.constant 0 : i32
    %c0_i32_0 = arith.constant 0 : i32
    return %arg0, %c0_i32 : i32, i32
  }
  func.func @transform_4(%arg0: i32) -> (i32, i32) {
    %c0_i32 = arith.constant 0 : i32
    %c0_i32_0 = arith.constant 0 : i32
    return %arg0, %c0_i32 : i32, i32
  }
}

module attributes {stable_mosaic.version = 14 : i64} {
  func.func @_b_body(%arg0: i32, %arg1: memref<5000x128xf32, #tpu.memory_space<vmem>>, %arg2: memref<5000x128xf32, #tpu.memory_space<vmem>>, %arg3: memref<5000x128xf32, #tpu.memory_space<vmem>>, %arg4: memref<1x128xf32, #tpu.memory_space<vmem>>, %arg5: memref<128x128xf32, #tpu.memory_space<vmem>>, %arg6: memref<5000x128xf32, #tpu.memory_space<vmem>>, %arg7: memref<5000x128xf32, #tpu.memory_space<vmem>>) attributes {dimension_semantics = [#tpu.dimension_semantics<arbitrary>], iteration_bounds = array<i64: 2>, scalar_prefetch = 0 : i64, scratch_operands = 0 : i64, tpu.core_type = #tpu.core_type<tc>, window_params = [{transform_indices = @transform_0, window_bounds = array<i64: 5000, 128>}, {transform_indices = @transform_1, window_bounds = array<i64: 5000, 128>}, {transform_indices = @transform_2, window_bounds = array<i64: 5000, 128>}, {pipeline_mode = #tpu.pipeline_mode<synchronous>, transform_indices = @transform_3, window_bounds = array<i64: 1, 128>}, {pipeline_mode = #tpu.pipeline_mode<synchronous>, transform_indices = @transform_4, window_bounds = array<i64: 128, 128>}, {transform_indices = @transform_5, window_bounds = array<i64: 5000, 128>}, {transform_indices = @transform_6, window_bounds = array<i64: 5000, 128>}]} {
    %get3A = arith.constant 0 : index
    %get3A_0 = arith.constant 0 : index
    %get3A_1 = vector.load %arg3[%get3A, %get3A_0] : memref<5000x128xf32, #tpu.memory_space<vmem>>, vector<5000x128xf32>
    %get3A_2 = arith.constant 0 : index
    %get3A_3 = arith.constant 0 : index
    %get3A_4 = vector.load %arg1[%get3A_2, %get3A_3] : memref<5000x128xf32, #tpu.memory_space<vmem>>, vector<5000x128xf32>
    %get3A_5 = arith.constant 0 : index
    %get3A_6 = arith.constant 0 : index
    %get3A_7 = vector.load %arg2[%get3A_5, %get3A_6] : memref<5000x128xf32, #tpu.memory_space<vmem>>, vector<5000x128xf32>
    %add3A = arith.addf %get3A_4, %get3A_7 : vector<5000x128xf32>
    %mul3A = arith.mulf %get3A_1, %add3A : vector<5000x128xf32>
    %get3A_8 = arith.constant 0 : index
    %get3A_9 = arith.constant 0 : index
    %get3A_10 = vector.load %arg4[%get3A_8, %get3A_9] : memref<1x128xf32, #tpu.memory_space<vmem>>, vector<1x128xf32>
    %add3A_11 = vector.broadcast %get3A_10 : vector<1x128xf32> to vector<5000x128xf32>
    %add3A_12 = arith.addf %mul3A, %add3A_11 : vector<5000x128xf32>
    %max3A = arith.constant 0.000000e+00 : f32
    %max3A_13 = vector.broadcast %max3A : f32 to vector<5000x128xf32>
    %max3A_14 = arith.maximumf %add3A_12, %max3A_13 : vector<5000x128xf32>
    %swap3A = arith.constant 0 : index
    %swap3A_15 = arith.constant 0 : index
    %swap3A_16 = vector.load %arg6[%swap3A, %swap3A_15] : memref<5000x128xf32, #tpu.memory_space<vmem>>, vector<5000x128xf32>
    tpu.vector_store %arg6[%swap3A, %swap3A_15], %max3A_14 {strides = array<i32>} : memref<5000x128xf32, #tpu.memory_space<vmem>>, vector<5000x128xf32>,
    %get3A_17 = arith.constant 0 : index
    %get3A_18 = arith.constant 0 : index
    %get3A_19 = vector.load %arg5[%get3A_17, %get3A_18] : memref<128x128xf32, #tpu.memory_space<vmem>>, vector<128x128xf32>
    %dot_general3A = arith.constant dense<0.000000e+00> : vector<5000x128xf32>
    %dot_general3A_20 = tpu.matmul %max3A_14, %get3A_19, %dot_general3A {dimension_numbers = #tpu.dot_dimension_numbers<[1], [1], [0], [0], [0, 0, 1, 0], [], []>, transpose_lhs_hint = false} : vector<5000x128xf32>, vector<128x128xf32>, vector<5000x128xf32> -> vector<5000x128xf32>
    %get3A_21 = arith.constant 0 : index
    %get3A_22 = arith.constant 0 : index
    %get3A_23 = vector.load %arg3[%get3A_21, %get3A_22] : memref<5000x128xf32, #tpu.memory_space<vmem>>, vector<5000x128xf32>
    %mul3A_24 = arith.mulf %get3A_23, %dot_general3A_20 : vector<5000x128xf32>
    %swap3A_25 = arith.constant 0 : index
    %swap3A_26 = arith.constant 0 : index
    %swap3A_27 = vector.load %arg7[%swap3A_25, %swap3A_26] : memref<5000x128xf32, #tpu.memory_space<vmem>>, vector<5000x128xf32>
    tpu.vector_store %arg7[%swap3A_25, %swap3A_26], %mul3A_24 {strides = array<i32>} : memref<5000x128xf32, #tpu.memory_space<vmem>>, vector<5000x128xf32>,
    return
  }
  func.func @transform_0(%arg0: i32) -> (i32, i32) {
    %c0_i32 = arith.constant 0 : i32
    %c0_i32_0 = arith.constant 0 : i32
    return %arg0, %c0_i32 : i32, i32
  }
  func.func @transform_1(%arg0: i32) -> (i32, i32) {
    %c0_i32 = arith.constant 0 : i32
    %c0_i32_0 = arith.constant 0 : i32
    return %arg0, %c0_i32 : i32, i32
  }
  func.func @transform_2(%arg0: i32) -> (i32, i32) {
    %c0_i32 = arith.constant 0 : i32
    %c0_i32_0 = arith.constant 0 : i32
    return %arg0, %c0_i32 : i32, i32
  }
  func.func @transform_3(%arg0: i32) -> (i32, i32) {
    %c0_i32 = arith.constant 0 : i32
    %c0_i32_0 = arith.constant 0 : i32
    %c0_i32_1 = arith.constant 0 : i32
    return %c0_i32, %c0_i32_0 : i32, i32
  }
  func.func @transform_4(%arg0: i32) -> (i32, i32) {
    %c0_i32 = arith.constant 0 : i32
    %c0_i32_0 = arith.constant 0 : i32
    %c0_i32_1 = arith.constant 0 : i32
    return %c0_i32, %c0_i32_0 : i32, i32
  }
  func.func @transform_5(%arg0: i32) -> (i32, i32) {
    %c0_i32 = arith.constant 0 : i32
    %c0_i32_0 = arith.constant 0 : i32
    return %arg0, %c0_i32 : i32, i32
  }
  func.func @transform_6(%arg0: i32) -> (i32, i32) {
    %c0_i32 = arith.constant 0 : i32
    %c0_i32_0 = arith.constant 0 : i32
    return %arg0, %c0_i32 : i32, i32
  }
}

module attributes {stable_mosaic.version = 14 : i64} {
  func.func @_c_body(%arg0: i32, %arg1: memref<5000x128xf32, #tpu.memory_space<vmem>>, %arg2: memref<5000x128xf32, #tpu.memory_space<vmem>>, %arg3: memref<5000x128xf32, #tpu.memory_space<vmem>>, %arg4: memref<1x128xf32, #tpu.memory_space<vmem>>, %arg5: memref<5000x128xf32, #tpu.memory_space<vmem>>, %arg6: memref<128x128xf32, #tpu.memory_space<vmem>>, %arg7: memref<5000x128xf32, #tpu.memory_space<vmem>>) attributes {dimension_semantics = [#tpu.dimension_semantics<arbitrary>], iteration_bounds = array<i64: 2>, scalar_prefetch = 0 : i64, scratch_operands = 0 : i64, tpu.core_type = #tpu.core_type<tc>, window_params = [{transform_indices = @transform_0, window_bounds = array<i64: 5000, 128>}, {transform_indices = @transform_1, window_bounds = array<i64: 5000, 128>}, {transform_indices = @transform_2, window_bounds = array<i64: 5000, 128>}, {pipeline_mode = #tpu.pipeline_mode<synchronous>, transform_indices = @transform_3, window_bounds = array<i64: 1, 128>}, {transform_indices = @transform_4, window_bounds = array<i64: 5000, 128>}, {pipeline_mode = #tpu.pipeline_mode<synchronous>, transform_indices = @transform_5, window_bounds = array<i64: 128, 128>}, {transform_indices = @transform_6, window_bounds = array<i64: 5000, 128>}]} {
    %get3A = arith.constant 0 : index
    %get3A_0 = arith.constant 0 : index
    %get3A_1 = vector.load %arg3[%get3A, %get3A_0] : memref<5000x128xf32, #tpu.memory_space<vmem>>, vector<5000x128xf32>
    %get3A_2 = arith.constant 0 : index
    %get3A_3 = arith.constant 0 : index
    %get3A_4 = vector.load %arg1[%get3A_2, %get3A_3] : memref<5000x128xf32, #tpu.memory_space<vmem>>, vector<5000x128xf32>
    %get3A_5 = arith.constant 0 : index
    %get3A_6 = arith.constant 0 : index
    %get3A_7 = vector.load %arg2[%get3A_5, %get3A_6] : memref<5000x128xf32, #tpu.memory_space<vmem>>, vector<5000x128xf32>
    %add3A = arith.addf %get3A_4, %get3A_7 : vector<5000x128xf32>
    %mul3A = arith.mulf %get3A_1, %add3A : vector<5000x128xf32>
    %get3A_8 = arith.constant 0 : index
    %get3A_9 = arith.constant 0 : index
    %get3A_10 = vector.load %arg4[%get3A_8, %get3A_9] : memref<1x128xf32, #tpu.memory_space<vmem>>, vector<1x128xf32>
    %add3A_11 = vector.broadcast %get3A_10 : vector<1x128xf32> to vector<5000x128xf32>
    %add3A_12 = arith.addf %mul3A, %add3A_11 : vector<5000x128xf32>
    %max3A = arith.constant 0.000000e+00 : f32
    %max3A_13 = vector.broadcast %max3A : f32 to vector<5000x128xf32>
    %max3A_14 = arith.maximumf %add3A_12, %max3A_13 : vector<5000x128xf32>
    %get3A_15 = arith.constant 0 : index
    %get3A_16 = arith.constant 0 : index
    %get3A_17 = vector.load %arg5[%get3A_15, %get3A_16] : memref<5000x128xf32, #tpu.memory_space<vmem>>, vector<5000x128xf32>
    %add3A_18 = arith.addf %max3A_14, %get3A_17 : vector<5000x128xf32>
    %get3A_19 = arith.constant 0 : index
    %get3A_20 = arith.constant 0 : index
    %get3A_21 = vector.load %arg6[%get3A_19, %get3A_20] : memref<128x128xf32, #tpu.memory_space<vmem>>, vector<128x128xf32>
    %dot_general3A = arith.constant dense<0.000000e+00> : vector<5000x128xf32>
    %dot_general3A_22 = tpu.matmul %add3A_18, %get3A_21, %dot_general3A {dimension_numbers = #tpu.dot_dimension_numbers<[1], [1], [0], [0], [0, 0, 1, 0], [], []>, transpose_lhs_hint = false} : vector<5000x128xf32>, vector<128x128xf32>, vector<5000x128xf32> -> vector<5000x128xf32>
    %get3A_23 = arith.constant 0 : index
    %get3A_24 = arith.constant 0 : index
    %get3A_25 = vector.load %arg3[%get3A_23, %get3A_24] : memref<5000x128xf32, #tpu.memory_space<vmem>>, vector<5000x128xf32>
    %mul3A_26 = arith.mulf %get3A_25, %dot_general3A_22 : vector<5000x128xf32>
    %swap3A = arith.constant 0 : index
    %swap3A_27 = arith.constant 0 : index
    %swap3A_28 = vector.load %arg7[%swap3A, %swap3A_27] : memref<5000x128xf32, #tpu.memory_space<vmem>>, vector<5000x128xf32>
    tpu.vector_store %arg7[%swap3A, %swap3A_27], %mul3A_26 {strides = array<i32>} : memref<5000x128xf32, #tpu.memory_space<vmem>>, vector<5000x128xf32>,
    return
  }
  func.func @transform_0(%arg0: i32) -> (i32, i32) {
    %c0_i32 = arith.constant 0 : i32
    %c0_i32_0 = arith.constant 0 : i32
    return %arg0, %c0_i32 : i32, i32
  }
  func.func @transform_1(%arg0: i32) -> (i32, i32) {
    %c0_i32 = arith.constant 0 : i32
    %c0_i32_0 = arith.constant 0 : i32
    return %arg0, %c0_i32 : i32, i32
  }
  func.func @transform_2(%arg0: i32) -> (i32, i32) {
    %c0_i32 = arith.constant 0 : i32
    %c0_i32_0 = arith.constant 0 : i32
    return %arg0, %c0_i32 : i32, i32
  }
  func.func @transform_3(%arg0: i32) -> (i32, i32) {
    %c0_i32 = arith.constant 0 : i32
    %c0_i32_0 = arith.constant 0 : i32
    %c0_i32_1 = arith.constant 0 : i32
    return %c0_i32, %c0_i32_0 : i32, i32
  }
  func.func @transform_4(%arg0: i32) -> (i32, i32) {
    %c0_i32 = arith.constant 0 : i32
    %c0_i32_0 = arith.constant 0 : i32
    return %arg0, %c0_i32 : i32, i32
  }
  func.func @transform_5(%arg0: i32) -> (i32, i32) {
    %c0_i32 = arith.constant 0 : i32
    %c0_i32_0 = arith.constant 0 : i32
    %c0_i32_1 = arith.constant 0 : i32
    return %c0_i32, %c0_i32_0 : i32, i32
  }
  func.func @transform_6(%arg0: i32) -> (i32, i32) {
    %c0_i32 = arith.constant 0 : i32
    %c0_i32_0 = arith.constant 0 : i32
    return %arg0, %c0_i32 : i32, i32
  }
}

module attributes {stable_mosaic.version = 14 : i64} {
  func.func @_d_body(%arg0: i32, %arg1: memref<5000x128xf32, #tpu.memory_space<vmem>>, %arg2: memref<5000x128xf32, #tpu.memory_space<vmem>>, %arg3: memref<5000x128xf32, #tpu.memory_space<vmem>>, %arg4: memref<1x128xf32, #tpu.memory_space<vmem>>, %arg5: memref<40x128xf32, #tpu.memory_space<vmem>>, %arg6: memref<1x40xf32, #tpu.memory_space<vmem>>, %arg7: memref<5000x40xf32, #tpu.memory_space<vmem>>) attributes {dimension_semantics = [#tpu.dimension_semantics<arbitrary>], iteration_bounds = array<i64: 2>, scalar_prefetch = 0 : i64, scratch_operands = 0 : i64, tpu.core_type = #tpu.core_type<tc>, window_params = [{transform_indices = @transform_0, window_bounds = array<i64: 5000, 128>}, {transform_indices = @transform_1, window_bounds = array<i64: 5000, 128>}, {transform_indices = @transform_2, window_bounds = array<i64: 5000, 128>}, {pipeline_mode = #tpu.pipeline_mode<synchronous>, transform_indices = @transform_3, window_bounds = array<i64: 1, 128>}, {pipeline_mode = #tpu.pipeline_mode<synchronous>, transform_indices = @transform_4, window_bounds = array<i64: 40, 128>}, {pipeline_mode = #tpu.pipeline_mode<synchronous>, transform_indices = @transform_5, window_bounds = array<i64: 1, 40>}, {transform_indices = @transform_6, window_bounds = array<i64: 5000, 40>}]} {
    %get3A = arith.constant 0 : index
    %get3A_0 = arith.constant 0 : index
    %get3A_1 = vector.load %arg3[%get3A, %get3A_0] : memref<5000x128xf32, #tpu.memory_space<vmem>>, vector<5000x128xf32>
    %get3A_2 = arith.constant 0 : index
    %get3A_3 = arith.constant 0 : index
    %get3A_4 = vector.load %arg1[%get3A_2, %get3A_3] : memref<5000x128xf32, #tpu.memory_space<vmem>>, vector<5000x128xf32>
    %get3A_5 = arith.constant 0 : index
    %get3A_6 = arith.constant 0 : index
    %get3A_7 = vector.load %arg2[%get3A_5, %get3A_6] : memref<5000x128xf32, #tpu.memory_space<vmem>>, vector<5000x128xf32>
    %add3A = arith.addf %get3A_4, %get3A_7 : vector<5000x128xf32>
    %mul3A = arith.mulf %get3A_1, %add3A : vector<5000x128xf32>
    %get3A_8 = arith.constant 0 : index
    %get3A_9 = arith.constant 0 : index
    %get3A_10 = vector.load %arg4[%get3A_8, %get3A_9] : memref<1x128xf32, #tpu.memory_space<vmem>>, vector<1x128xf32>
    %add3A_11 = vector.broadcast %get3A_10 : vector<1x128xf32> to vector<5000x128xf32>
    %add3A_12 = arith.addf %mul3A, %add3A_11 : vector<5000x128xf32>
    %get3A_13 = arith.constant 0 : index
    %get3A_14 = arith.constant 0 : index
    %get3A_15 = vector.load %arg5[%get3A_13, %get3A_14] : memref<40x128xf32, #tpu.memory_space<vmem>>, vector<40x128xf32>
    %dot_general3A = arith.constant dense<0.000000e+00> : vector<5000x40xf32>
    %dot_general3A_16 = tpu.matmul %add3A_12, %get3A_15, %dot_general3A {dimension_numbers = #tpu.dot_dimension_numbers<[1], [1], [0], [0], [0, 0, 1, 0], [], []>, transpose_lhs_hint = false} : vector<5000x128xf32>, vector<40x128xf32>, vector<5000x40xf32> -> vector<5000x40xf32>
    %get3A_17 = arith.constant 0 : index
    %get3A_18 = arith.constant 0 : index
    %get3A_19 = vector.load %arg6[%get3A_17, %get3A_18] : memref<1x40xf32, #tpu.memory_space<vmem>>, vector<1x40xf32>
    %add3A_20 = vector.broadcast %get3A_19 : vector<1x40xf32> to vector<5000x40xf32>
    %add3A_21 = arith.addf %dot_general3A_16, %add3A_20 : vector<5000x40xf32>
    %swap3A = arith.constant 0 : index
    %swap3A_22 = arith.constant 0 : index
    %swap3A_23 = vector.load %arg7[%swap3A, %swap3A_22] : memref<5000x40xf32, #tpu.memory_space<vmem>>, vector<5000x40xf32>
    tpu.vector_store %arg7[%swap3A, %swap3A_22], %add3A_21 {strides = array<i32>} : memref<5000x40xf32, #tpu.memory_space<vmem>>, vector<5000x40xf32>,
    return
  }
  func.func @transform_0(%arg0: i32) -> (i32, i32) {
    %c0_i32 = arith.constant 0 : i32
    %c0_i32_0 = arith.constant 0 : i32
    return %arg0, %c0_i32 : i32, i32
  }
  func.func @transform_1(%arg0: i32) -> (i32, i32) {
    %c0_i32 = arith.constant 0 : i32
    %c0_i32_0 = arith.constant 0 : i32
    return %arg0, %c0_i32 : i32, i32
  }
  func.func @transform_2(%arg0: i32) -> (i32, i32) {
    %c0_i32 = arith.constant 0 : i32
    %c0_i32_0 = arith.constant 0 : i32
    return %arg0, %c0_i32 : i32, i32
  }
  func.func @transform_3(%arg0: i32) -> (i32, i32) {
    %c0_i32 = arith.constant 0 : i32
    %c0_i32_0 = arith.constant 0 : i32
    %c0_i32_1 = arith.constant 0 : i32
    return %c0_i32, %c0_i32_0 : i32, i32
  }
  func.func @transform_4(%arg0: i32) -> (i32, i32) {
    %c0_i32 = arith.constant 0 : i32
    %c0_i32_0 = arith.constant 0 : i32
    %c0_i32_1 = arith.constant 0 : i32
    return %c0_i32, %c0_i32_0 : i32, i32
  }
  func.func @transform_5(%arg0: i32) -> (i32, i32) {
    %c0_i32 = arith.constant 0 : i32
    %c0_i32_0 = arith.constant 0 : i32
    %c0_i32_1 = arith.constant 0 : i32
    return %c0_i32, %c0_i32_0 : i32, i32
  }
  func.func @transform_6(%arg0: i32) -> (i32, i32) {
    %c0_i32 = arith.constant 0 : i32
    %c0_i32_0 = arith.constant 0 : i32
    return %arg0, %c0_i32 : i32, i32
  }
}

</mosaic_0001>

<sc_bundles>
// kernel: sc_degree.3.cloned.1.call-start
scs
__scs_entry_jumppad:
0x0: {  	(pc) =	sbr.rel $0x88, $3  }
0x1: {  	(tag) =	ssettag $0x0;
	lr =	simm.s32 $0x1  }
0x2: {  	[smem:$0x3F97] =	sst lr;
	_ =	strace $0xD0000000  }
0x3: {  	_ = 	snop  }
0x4: {  	_ = 	snop  }
0x5: {  	_ = 	snop  }
0x6: {  	_ = 	snop  }
0x7: {  	_ = 	snop  }
__scs_overlays_trampoline_lowered:
0x8: {  	[smem:$0x3FA6] =	sst s0  }
0x9: {  	[smem:$0x3FA7] =	sst s1  }
0xa: {  	[smem:$0x3FA8] =	sst s2  }
0xb: {  	[smem:$0x3FA9] =	sst s3  }
0xc: {  	[smem:$0x3FAA] =	sst s4  }
0xd: {  	[smem:$0x3FAB] =	sst s5  }
0xe: {  	[smem:$0x3FAC] =	sst s6  }
0xf: {  	[smem:$0x3FAD] =	sst s7  }
0x10: {  	[smem:$0x3FAE] =	sst s8  }
0x11: {  	[smem:$0x3FAF] =	sst s9;
	s0 =	simm.s32 @!p0 $0x0  }
0x12: {  	s1 =	sld [smem:$0x3F95];
	s0 =	simm.s32 @p0 $0x1  }
0x13: {  	[smem:$0x3FB0] =	sst s0;
	s0 =	simm.s32 @!p1 $0x0  }
0x14: {  	s2 =	sld [smem:$0x3F94];
	s0 =	simm.s32 @p1 $0x1  }
0x15: {  	[smem:$0x3FB1] =	sst s0;
	s0 =	simm.s32 @!p2 $0x0  }
0x16: {  	s3 =	sld [smem:$0x3FDB];
	s0 =	simm.s32 @p2 $0x1  }
0x17: {  	s4 =	simm.s32 $0x1BF5;
	[smem:$0x3FB3] =	sst s0  }
0x18: {  	s0 =	sld [smem:$0x3F96];
	_ =	swait.ge [sflag:s4], $0x0  }
0x19: {  	s7 =	sld [smem:$0x3F97]  }
0x1a: {  	s8 =	sadd.s32 $0xFFFFE003, lr  }
0x1b: {  	s9 =	sadd.s32 $0xFFFFFEF7, lr;
	s5 =	simm.s32 $0xFFFFFFFF;
	p2 =	slt.u32 s8, $0xFFFFF086  }
0x1c: {  	p1 =	slt.u32 s9, $0xF7A;
	s5 =	simm.s32 @!p2 $0x0  }
0x1d: {  	s5 =	simm.s32 @p1 $0x1;
	p0 =	seq.s32 s7, s2  }
0x1e: {  	s7 =	smul.u32 @!p0 $0xF7A, s2;
	p2 =	seq.s32 @!p0 s5, $0x0  }
0x1f: {  	s9 =	smul.u32 $0xF7A, s1;
	s8 =	simm.s32 @!p0 $0x1BF5;
	p2 =	por !p2, p0  }
0x20: {  	[sflag:s8] =	ssyncset.s32 @!p0 $0xFFFFF086;
	s6 =	sadd.s32 @!p0 s3, s7;
	s7 =	simm.s32 @!p0 $0x108  }
0x21: {  	s3 =	sadd.s32 s3, s9;
	s6 =	sadd.s32 @!p0 $0x88, s6;
	s7 =	simm.s32 @p2 $0x1082  }
0x22: {  	[simem:s7], [sflag:s8] =	dma.local @!p0 [hbm:s6], $0xF7A  }
0x23: {  	s9 =	sor.u32 $0xD0000000, s2;
	s6 =	simm.s32 $0x108;
	_ =	swait.ge @!p0 [sflag:s8], $0x0  }
0x24: {  	s3 =	sadd.s32 $0x88, s3;
	s6 =	simm.s32 @!p1 $0x1082;
	[sflag:s4] =	ssyncset.s32 $0xFFFFF086  }
0x25: {  	[simem:s6], [sflag:s4] =	dma.local [hbm:s3], $0xF7A  }
0x26: {  	[smem:$0x3F97] =	sst s1;
	(tag) =	ssettag s2;
	_ =	strace s9  }
0x27: {  	s1 =	sld [smem:$0x3FA7]  }
0x28: {  	s2 =	sld [smem:$0x3FA8]  }
0x29: {  	s4 =	sld [smem:$0x3FAA]  }
0x2a: {  	p0 =	seq.s32 s5, $0x0;
	s5 =	sld [smem:$0x3FAB]  }
0x2b: {  	s6 =	sld [smem:$0x3FAC]  }
0x2c: {  	s7 =	sld [smem:$0x3FAD]  }
0x2d: {  	s3 =	simm.s32 $0x108;
	s8 =	sld [smem:$0x3FAE]  }
0x2e: {  	s3 =	simm.s32 @!p0 $0x1082;
	s9 =	sld [smem:$0x3FAF]  }
0x2f: {  	lr =	sadd.s32 s0, s3;
	s0 =	sld [smem:$0x3FA6]  }
0x30: {  	s3 =	sld [smem:$0x3FA9]  }
0x31: {  	[smem:$0x3FB2] =	sst s10  }
0x32: {  	s10 =	sld [smem:$0x3FB0];
	_ =	sdelay $0x3  }
0x33: {  	p0 =	seq.s32 s10, $0x1;
	s10 =	sld [smem:$0x3FB2];
	_ =	sdelay $0x3  }
0x34: {  	[smem:$0x3FB2] =	sst s10  }
0x35: {  	s10 =	sld [smem:$0x3FB1];
	_ =	sdelay $0x3  }
0x36: {  	p1 =	seq.s32 s10, $0x1;
	s10 =	sld [smem:$0x3FB2];
	_ =	sdelay $0x3  }
0x37: {  	[smem:$0x3FB2] =	sst s10  }
0x38: {  	s10 =	sld [smem:$0x3FB3]  }
0x39: {  	_ = 	snop;
	(pc) =	sbr.ind lr, $3  }
0x3a: {  	_ = 	snop  }
0x3b: {  	_ = 	snop  }
0x3c: {  	p2 =	seq.s32 s10, $0x1;
	s10 =	sld [smem:$0x3FB2]  }
0x3d: {  	_ =	shalt  }
0x3e: {  	_ =	shalt  }
0x3f: {  	_ =	shalt  }
0x40: {  	_ =	shalt  }
0x41: {  	_ =	shalt  }
0x42: {  	_ =	shalt  }
0x43: {  	_ =	shalt  }
0x44: {  	_ =	shalt  }
0x45: {  	_ =	shalt  }
0x46: {  	_ =	shalt  }
0x47: {  	_ =	shalt  }
0x48: {  	_ =	shalt  }
0x49: {  	_ =	shalt  }
0x4a: {  	_ =	shalt  }
0x4b: {  	_ =	shalt  }
0x4c: {  	_ =	shalt  }
0x4d: {  	_ =	shalt  }
0x4e: {  	_ =	shalt  }
0x4f: {  	_ =	shalt  }
0x50: {  	_ =	shalt  }
0x51: {  	_ =	shalt  }
0x52: {  	_ =	shalt  }
0x53: {  	_ =	shalt  }
0x54: {  	_ =	shalt  }
0x55: {  	_ =	shalt  }
0x56: {  	_ =	shalt  }
0x57: {  	_ =	shalt  }
0x58: {  	_ =	shalt  }
0x59: {  	_ =	shalt  }
0x5a: {  	_ =	shalt  }
0x5b: {  	_ =	shalt  }
0x5c: {  	_ =	shalt  }
0x5d: {  	_ =	shalt  }
0x5e: {  	_ =	shalt  }
0x5f: {  	_ =	shalt  }
0x60: {  	_ =	shalt  }
0x61: {  	_ =	shalt  }
0x62: {  	_ =	shalt  }
0x63: {  	_ =	shalt  }
0x64: {  	_ =	shalt  }
0x65: {  	_ =	shalt  }
0x66: {  	_ =	shalt  }
0x67: {  	_ =	shalt  }
0x68: {  	_ =	shalt  }
0x69: {  	_ =	shalt  }
0x6a: {  	_ =	shalt  }
0x6b: {  	_ =	shalt  }
0x6c: {  	_ =	shalt  }
0x6d: {  	_ =	shalt  }
0x6e: {  	_ =	shalt  }
0x6f: {  	_ =	shalt  }
0x70: {  	_ =	shalt  }
0x71: {  	_ =	shalt  }
0x72: {  	_ =	shalt  }
0x73: {  	_ =	shalt  }
0x74: {  	_ =	shalt  }
0x75: {  	_ =	shalt  }
0x76: {  	_ =	shalt  }
0x77: {  	_ =	shalt  }
0x78: {  	_ =	shalt  }
0x79: {  	_ =	shalt  }
0x7a: {  	_ =	shalt  }
0x7b: {  	_ =	shalt  }
0x7c: {  	_ =	shalt  }
0x7d: {  	_ =	shalt  }
0x7e: {  	_ =	shalt  }
0x7f: {  	_ =	shalt  }
0x80: {  	_ =	shalt  }
0x81: {  	_ =	shalt  }
0x82: {  	_ =	shalt  }
0x83: {  	_ =	shalt  }
0x84: {  	_ =	shalt  }
0x85: {  	_ =	shalt  }
0x86: {  	_ =	shalt  }
0x87: {  	_ =	shalt  }
.Lfunc_end0:
.L_simem_size_0:
called_computation_lowered:
.L_overlay_start_0:
0x88: {  	s2 =	sld [smem:$0x3FD9]  }
0x89: {  	s3 =	sld [smem:$0x3FFE];
	_ =	sdelay $0x1  }
0x8a: {  	s1 =	srdreg.scid  }
0x8b: {  	s0 =	sand.u32 $0x1, s1  }
0x8c: {  	s17 =	sshll.u32 s0, $0xA;
	s2 =	sadd.s32 s3, s2  }
0x8d: {  	s2 =	sadd.s32 s2, s17  }
0x8e: {  	[smem:$0x3FBE] =	sst s2  }
0x8f: {  	_ = 	snop  }
0x90: {  	s2 =	sld [smem:$0x3FD0];
	(tm) =	ssettm $0x1  }
0x91: {  	s18 =	sld [smem:$0x3FFB];
	_ =	sdelay $0x3  }
0x92: {  	_ =	strace s18  }
0x93: {  	s3 =	sld [smem:$0x3FFC];
	_ =	sdelay $0x3  }
0x94: {  	_ =	strace s3  }
0x95: {  	s3 =	sld [smem:$0x3FFD];
	_ =	sdelay $0x3  }
0x96: {  	_ =	strace s3  }
0x97: {  	_ =	strace $0x8FFFFFFF  }
0x98: {  	s19 =	sld [smem:$0x3FDB];
	_ =	sdelay $0x1  }
0x99: {  	s4 =	simm.s32 $_scs_section_size  }
0x9a: {  	s5 =	simm.s32 $_size__tile_overlayer_lowered;
	s6 =	simm.s32 $_tile_overlayer_lowered  }
0x9b: {  	s22 =	simm.s32 $0x1BFF;
	s21 =	sshll.u32 s6, $0x1;
	s3 =	sadd.s32 s4, s19  }
0x9c: {  	s7 =	simm.s32 $0x0;
	s20 =	sshll.u32 s5, $0x1;
	s5 =	sadd.s32 s21, s3  }
0x9d: {  	[timem:s7], [sflag:s22] =	dma.local [hbm:s5], s20  }
0x9e: {  	_ =	swait.ge [sflag:s22], s20  }
0x9f: {  	s4 =	ssub.s32 $0x0, s20;
	[sflag:s22] =	ssyncset.done $0x0  }
0xa0: {  	[sflag:s22] =	ssyncadd.s32 s4;
	_ =	sdelay $0x1  }
0xa1: {  	s23 =	simm.s32 $0x1B8B  }
0xa2: {  	_ =	swait.ge [sflag:s23], $0x1  }
0xa3: {  	[sflag:s23] =	ssyncset.done $0x0  }
0xa4: {  	s25 =	simm.s32 $0x1B8E;
	s24 =	sld [smem:$0x3FFE];
	[sflag:s23] =	ssyncadd.s32 $0xFFFFFFFF  }
0xa5: {  	s26 =	simm.s32 $execute0_lowered;
	[smem:$0x3FD2] =	sst s25  }
0xa6: {  	s5 =	sshll.u32 s26, $0x1;
	_ =	strace $0x80000046;
	[dreg:$0x1] =	wrdreg $0xFFFFFFFF  }
0xa7: {  	s28 =	simm.s32 $_size_execute0_lowered;
	s3 =	sadd.s32 s3, s5;
	[dreg:$0x0] =	wrdreg $0x0  }
0xa8: {  	s5 =	sshll.u32 s28, $0x1;
	[dreg:$0x2] =	wrdreg s3  }
0xa9: {  	[dreg:$0x3] =	wrdreg s5  }
0xaa: {  	[dreg:$0x4] =	wrdreg $0xC0  }
0xab: {  	_ =	task [dreg:s7], $0x5FFFF  }
0xac: {  	[dreg:$0x1] =	wrdreg $0xFFFFFFFF  }
0xad: {  	[dreg:$0x0] =	wrdreg $0x60  }
0xae: {  	[dreg:$0x2] =	wrdreg s2  }
0xaf: {  	[dreg:$0x3] =	wrdreg s24  }
0xb0: {  	[dreg:$0x4] =	wrdreg $0x34C00  }
0xb1: {  	[dreg:$0x5] =	wrdreg $0x9  }
0xb2: {  	_ =	task.clear_ibuf [dreg:s7], $0x6FFFF;
	_ =	strace $0x90000046  }
0xb3: {  	s29 =	simm.s32 $0x9;
	_ =	strace $0x80000048  }
0xb4: {  	_ =	swait.ge [sflag:s29], $0x1  }
0xb5: {  	[sflag:s29] =	ssyncadd.s32 $0xFFFFFFFF  }
0xb6: {  	_ =	strace $0x90000048  }
0xb7: {  	_ =	sfence  }
0xb8: {  	s30 =	sld [smem:$0x0];
	_ =	sdelay $0x2  }
0xb9: {  	s31 =	sshll.u32 s1, $0xD;
	s1 =	sshrl.u32 s1, $0x2  }
0xba: {  	s3 =	sand.u32 $0x4000, s31;
	s1 =	sadd.s32 s1, s30  }
0xbb: {  	s0 =	sor.u32 s3, s0;
	s1 =	sshll.u32 s1, $0x11  }
0xbc: {  	s0 =	sor.u32 s1, s0  }
0xbd: {  	s0 =	sadd.s32 $0x8F2B, s0  }
0xbe: {  	[sflag:s0] =	ssyncadd.remote.s32 $0x1  }
0xbf: {  	_ =	sfence.sel $0xFFFF  }
0xc0: {  	[dreg:$0x0] =	wrdreg $0xFFFFFFFF;
	(pc) =	sbr.abs _section_cstart, $3  }
0xc1: {  	[dreg:$0x1] =	wrdreg $0xFFFFFFFF  }
0xc2: {  	_ =	task.clear_ibuf [dreg:s7], $0x2FFFF;
	_ =	strace $0x9FFFFFFF  }
0xc3: {  	(tm) =	ssettm $0x7FFFFFFF  }
tec
execute0_lowered:
.L_overlay_start_1:
0x0: {  	(tag) =	ssettag $0x1  }
0x1: {  	s5 =	rddreg [dreg:$0x0]  }
0x2: {  	s4 =	rddreg [dreg:$0x1]  }
0x3: {  	s2 =	rddreg [dreg:$0x2]  }
0x4: {  	s0 =	rddreg [dreg:$0x3];
	s6 =	srdreg.scid  }
0x5: {  	s1 =	stileid.u32;
	s3 =	simm.s32 $0x0;
	s15 =	simm.s32 $0x2  }
0x6: {  	s16 =	simm.s32 $0x2FD0;
	s17 =	simm.s32 $0x7D;
	s18 =	simm.s32 $0x2800  }
0x7: {  	s19 =	simm.s32 $0x1;
	s22 =	simm.s32 $0x10;
	s23 =	simm.s32 $0x0  }
0x8: {  	s6 =	sand.u32 $0x1, s6;
	s7 =	smul.u32 $0x13C00, s1;
	[smem:$0x7FF] =	sst s3  }
0x9: {  	s9 =	smul.u32 $0x9E00, s1;
	s20 =	sshll.u32 s1, $0x6;
	s8 =	sshll.u32 s6, $0x6  }
0xa: {  	s30 =	sshll.u32 s6, $0x4;
	_ =	strace $0x80000047;
	s6 =	ssub.s32 $0x2, s6  }
0xb: {  	s20 =	sor.u32 $0x1C02, s20;
	s7 =	sor.u32 s8, s7;
	s8 =	sor.u32 s1, s30  }
0xc: {  	s31 =	sshrl.u32 s6, $0x1;
	s7 =	sshrl.u32 s7, $0x3;
	s8 =	smul.u32 $0x500, s8  }
0xd: {  	s9 =	sshrl.u32 s9, $0x2;
	s14 =	ssub.s32 s6, s31;
	s13 =	sadd.s32 s7, s4  }
0xe: {  	s4 =	sadd.s32 s9, s2;
	s14 =	smax.u32 s14, $0x1;
	s5 =	sadd.s32 s5, s8  }
0xf: {  	s6 =	sadd.s32 $0x4F0, s4;
	s7 =	sadd.s32 $0x9E0, s4;
	s8 =	sadd.s32 $0xED0, s4  }
0x10: {  	s9 =	sadd.s32 $0x13C0, s4;
	s10 =	sadd.s32 $0x18B0, s4;
	s11 =	sadd.s32 $0x1DA0, s4  }
0x11: {  	v0 =	vimm.f32 $1.000000000e+00;
	v1 =	vimm.f32 $0.0e+00;
	s12 =	sadd.s32 $0x2290, s4;
	s13 =	sadd.s32 $0x4600, s13;
	s21 =	sshrl.u32 s4, $0x3  }
.LBB2_1:
0x12: {  	[tilespmem:s3], [sflag:$0x2] =	stream.linear.gather [hbm4b:s5+s3], $0x2800, $0x38;
	[tilespmem:$0x5C40] =	vst v63  }
0x13: {  	_ =	swait.ge [sflag:s15], $0x2800  }
0x14: {  	[sflag:s15] =	ssyncset.done $0x0  }
0x15: {  	s24 =	simm.s32 $0x0;
	[sflag:s15] =	ssyncadd.s32 $0xFFFFD800  }
.LBB2_2:
0x16: {  	p0 =	sne.s32 s24, $0x1F00  }
.Ltmp0:
0x17: {  	_ = 	snop;
	(pc) =	sbr.rel @p0 .LBB2_2-.Ltmp0, $3  }
0x18: {  	_ =	sdelay $0x1  }
0x19: {  	s25 =	sshra.s32 s24, $0x2  }
0x1a: {  	s24 =	sadd.s32 $0x40, s24;
	[tilespmem:s25+$0x2800] =	vst v0  }
0x1b: {  	s24 =	simm.s32 $0x40;
	s25 =	simm.s32 $0x0  }
.LBB2_4:
0x1c: {  	p0 =	sne.s32 s24, $0x1380;
	[tilespmem:s25+$0x2FD0] =	vst v1;
	s25 =	smov.u32 s24;
	s24 =	sadd.s32 $0x40, s24  }
.Ltmp1:
0x1d: {  	(pc) =	sbr.rel @p0 .LBB2_4-.Ltmp1, $2  }
0x1e: {  	_ =	sdelay $0x2  }
0x1f: {  	s25 =	sshra.s32 s25, $0x2  }
0x20: {  	[tilespmem:s25+$0x2FD0] =	vst v1  }
0x21: {  	[spmem:s4] =	stream.linear.scatter [tilespmem:s16], [sflag:$0x2], $0x4F0, $0x38;
	[tilespmem:$0x5C40] =	vst v63  }
0x22: {  	_ =	swait.ge [sflag:s15], $0x4F0  }
0x23: {  	[sflag:s15] =	ssyncset.done $0x0  }
0x24: {  	[sflag:s15] =	ssyncadd.s32 $0xFFFFFB10  }
0x25: {  	[spmem:s6] =	stream.linear.scatter [tilespmem:s16], [sflag:$0x2], $0x4F0, $0x38;
	[tilespmem:$0x5C40] =	vst v63  }
0x26: {  	_ =	swait.ge [sflag:s15], $0x4F0  }
0x27: {  	[sflag:s15] =	ssyncset.done $0x0  }
0x28: {  	[sflag:s15] =	ssyncadd.s32 $0xFFFFFB10  }
0x29: {  	[spmem:s7] =	stream.linear.scatter [tilespmem:s16], [sflag:$0x2], $0x4F0, $0x38;
	[tilespmem:$0x5C40] =	vst v63  }
0x2a: {  	_ =	swait.ge [sflag:s15], $0x4F0  }
0x2b: {  	[sflag:s15] =	ssyncset.done $0x0  }
0x2c: {  	[sflag:s15] =	ssyncadd.s32 $0xFFFFFB10  }
0x2d: {  	[spmem:s8] =	stream.linear.scatter [tilespmem:s16], [sflag:$0x2], $0x4F0, $0x38;
	[tilespmem:$0x5C40] =	vst v63  }
0x2e: {  	_ =	swait.ge [sflag:s15], $0x4F0  }
0x2f: {  	[sflag:s15] =	ssyncset.done $0x0  }
0x30: {  	[sflag:s15] =	ssyncadd.s32 $0xFFFFFB10  }
0x31: {  	[spmem:s9] =	stream.linear.scatter [tilespmem:s16], [sflag:$0x2], $0x4F0, $0x38;
	[tilespmem:$0x5C40] =	vst v63  }
0x32: {  	_ =	swait.ge [sflag:s15], $0x4F0  }
0x33: {  	[sflag:s15] =	ssyncset.done $0x0  }
0x34: {  	[sflag:s15] =	ssyncadd.s32 $0xFFFFFB10  }
0x35: {  	[spmem:s10] =	stream.linear.scatter [tilespmem:s16], [sflag:$0x2], $0x4F0, $0x38;
	[tilespmem:$0x5C40] =	vst v63  }
0x36: {  	_ =	swait.ge [sflag:s15], $0x4F0  }
0x37: {  	[sflag:s15] =	ssyncset.done $0x0  }
0x38: {  	[sflag:s15] =	ssyncadd.s32 $0xFFFFFB10  }
0x39: {  	[spmem:s11] =	stream.linear.scatter [tilespmem:s16], [sflag:$0x2], $0x4F0, $0x38;
	[tilespmem:$0x5C40] =	vst v63  }
0x3a: {  	_ =	swait.ge [sflag:s15], $0x4F0  }
0x3b: {  	[sflag:s15] =	ssyncset.done $0x0  }
0x3c: {  	[sflag:s15] =	ssyncadd.s32 $0xFFFFFB10  }
0x3d: {  	[spmem:s12] =	stream.linear.scatter [tilespmem:s16], [sflag:$0x2], $0x4F0, $0x38;
	[tilespmem:$0x5C40] =	vst v63  }
0x3e: {  	_ =	swait.ge [sflag:s15], $0x4F0  }
0x3f: {  	[sflag:s15] =	ssyncset.done $0x0  }
0x40: {  	[sflag:s15] =	ssyncadd.s32 $0xFFFFFB10  }
0x41: {  	s24 =	simm.s32 $0x0;
	[bflag:$0x0] =	sbarrier.arrive $0xFFFF  }
.LBB2_6:
0x42: {  	p0 =	sne.s32 s24, $0x9E00  }
.Ltmp2:
0x43: {  	_ = 	snop;
	(pc) =	sbr.rel @p0 .LBB2_6-.Ltmp2, $3  }
0x44: {  	_ =	sdelay $0x1  }
0x45: {  	s25 =	sshra.s32 s24, $0x2;
	s24 =	sadd.s32 $0x200, s24  }
0x46: {  	[spmem:s2] =	stream.indirect.scatter.add.f32 [tilespmem:s18], [sflag:$0x1], $0x10, s25, s17, $0xb8;
	[tilespmem:$0x5C40] =	vst v63  }
0x47: {  	_ =	swait.ge [sflag:s19], $0x7D0  }
0x48: {  	s24 =	simm.s32 $0x4F;
	[sflag:s19] =	ssyncset.done $0x0  }
.LBB2_8:
0x49: {  	p0 =	sne.s32 s24, $0x1;
	s24 =	sadd.s32 $0xFFFFFFFF, s24;
	[sflag:s19] =	ssyncadd.s32 $0xFFFFF830  }
.Ltmp3:
0x4a: {  	(pc) =	sbr.rel @p0 .LBB2_8-.Ltmp3, $3  }
0x4b: {  	_ =	sdelay $0x1  }
0x4c: {  	_ =	swait.ge [sflag:s19], $0x7D0  }
0x4d: {  	[sflag:s19] =	ssyncset.done $0x0  }
0x4e: {  	s23 =	sadd.s32 $0x1, s23  }
0x4f: {  	[sflag:s19] =	ssyncadd.s32 $0xFFFFF830;
	p0 =	sne.s32 s23, s14  }
.Ltmp4:
0x50: {  	[bflag:$0x0] =	sbarrier.arrive $0xFFFF;
	(pc) =	sbr.rel @p0 .LBB2_1-.Ltmp4, $4  }
0x51: {  	[hbm:s13@s22], [sflag:s20] =	dma.strided [spmem:s21@s15], $0x4F0, s19, $0x2   }
0x52: {  	_ =	swait.ge [sflag:s15], $0x4F0  }
0x53: {  	[sflag:s15] =	ssyncset.done $0x0  }
0x54: {  	[sflag:s15] =	ssyncadd.s32 $0xFFFFFB10  }
0x55: {  	_ =	sfence.sel $0x180000  }
0x56: {  	[bflag:$0x0] =	sbarrier.arrive $0xFFFF  }
0x57: {  	p0 =	sne.s32 s1, $0x0;
	_ =	strace $0x90000047  }
0x58: {  	s0 =	sadd.s32 @!p0 $0x100000, s0;
	[bflag:$0x2] =	sbarrier.arrive $0xFFFF  }
0x59: {  	[sflag:s0] =	ssyncadd.tile.s32 @!p0 $0x1;
	_ =	shalt  }
.Lfunc_end2:
_tile_overlayer_lowered:
.L_overlay_start_2:
0x5a: {  	(tag) =	ssettag $0x2  }
0x5b: {  	s0 =	rddreg [dreg:$0x0];
	s2 =	stileid.u32  }
0x5c: {  	s1 =	rddreg [dreg:$0x1];
	p0 =	sne.s32 s2, $0x0  }
0x5d: {  	s3 =	rddreg [dreg:$0x2];
	[bflag:$0x3] =	sbarrier.arrive $0xFFFF;
	s2 =	simm.s32 @!p0 $0x1C02  }
0x5e: {  	[timem:s3], [sflag:s2] =	dma.local @!p0 [hbm:s0], s1  }
0x5f: {  	s0 =	simm.s32 @!p0 $0x2  }
0x60: {  	_ =	swait.ge @!p0 [sflag:s0], s1  }
0x61: {  	s1 =	ssub.s32 @!p0 $0x0, s1;
	[sflag:s0] =	ssyncset.done @!p0 $0x0  }
0x62: {  	[sflag:s0] =	ssyncadd.s32 @!p0 s1  }
0x63: {  	[bflag:$0x3] =	sbarrier.arrive $0xFFFF  }
0x64: {  	_ =	shalt  }

// kernel: sc_segsum.11.cloned.1.call-start
scs
__scs_entry_jumppad:
0x0: {  	(pc) =	sbr.rel $0x88, $3  }
0x1: {  	(tag) =	ssettag $0x0;
	lr =	simm.s32 $0x1  }
0x2: {  	[smem:$0x3F97] =	sst lr;
	_ =	strace $0xD0000000  }
0x3: {  	_ = 	snop  }
0x4: {  	_ = 	snop  }
0x5: {  	_ = 	snop  }
0x6: {  	_ = 	snop  }
0x7: {  	_ = 	snop  }
__scs_overlays_trampoline_lowered:
0x8: {  	[smem:$0x3FA6] =	sst s0  }
0x9: {  	[smem:$0x3FA7] =	sst s1  }
0xa: {  	[smem:$0x3FA8] =	sst s2  }
0xb: {  	[smem:$0x3FA9] =	sst s3  }
0xc: {  	[smem:$0x3FAA] =	sst s4  }
0xd: {  	[smem:$0x3FAB] =	sst s5  }
0xe: {  	[smem:$0x3FAC] =	sst s6  }
0xf: {  	[smem:$0x3FAD] =	sst s7  }
0x10: {  	[smem:$0x3FAE] =	sst s8  }
0x11: {  	[smem:$0x3FAF] =	sst s9;
	s0 =	simm.s32 @!p0 $0x0  }
0x12: {  	s1 =	sld [smem:$0x3F95];
	s0 =	simm.s32 @p0 $0x1  }
0x13: {  	[smem:$0x3FB0] =	sst s0;
	s0 =	simm.s32 @!p1 $0x0  }
0x14: {  	s2 =	sld [smem:$0x3F94];
	s0 =	simm.s32 @p1 $0x1  }
0x15: {  	[smem:$0x3FB1] =	sst s0;
	s0 =	simm.s32 @!p2 $0x0  }
0x16: {  	s3 =	sld [smem:$0x3FDB];
	s0 =	simm.s32 @p2 $0x1  }
0x17: {  	s4 =	simm.s32 $0x1BF5;
	[smem:$0x3FB3] =	sst s0  }
0x18: {  	s0 =	sld [smem:$0x3F96];
	_ =	swait.ge [sflag:s4], $0x0  }
0x19: {  	s7 =	sld [smem:$0x3F97]  }
0x1a: {  	s8 =	sadd.s32 $0xFFFFE003, lr  }
0x1b: {  	s9 =	sadd.s32 $0xFFFFFEF7, lr;
	s5 =	simm.s32 $0xFFFFFFFF;
	p2 =	slt.u32 s8, $0xFFFFF086  }
0x1c: {  	p1 =	slt.u32 s9, $0xF7A;
	s5 =	simm.s32 @!p2 $0x0  }
0x1d: {  	s5 =	simm.s32 @p1 $0x1;
	p0 =	seq.s32 s7, s2  }
0x1e: {  	s7 =	smul.u32 @!p0 $0xF7A, s2;
	p2 =	seq.s32 @!p0 s5, $0x0  }
0x1f: {  	s9 =	smul.u32 $0xF7A, s1;
	s8 =	simm.s32 @!p0 $0x1BF5;
	p2 =	por !p2, p0  }
0x20: {  	[sflag:s8] =	ssyncset.s32 @!p0 $0xFFFFF086;
	s6 =	sadd.s32 @!p0 s3, s7;
	s7 =	simm.s32 @!p0 $0x108  }
0x21: {  	s3 =	sadd.s32 s3, s9;
	s6 =	sadd.s32 @!p0 $0x88, s6;
	s7 =	simm.s32 @p2 $0x1082  }
0x22: {  	[simem:s7], [sflag:s8] =	dma.local @!p0 [hbm:s6], $0xF7A  }
0x23: {  	s9 =	sor.u32 $0xD0000000, s2;
	s6 =	simm.s32 $0x108;
	_ =	swait.ge @!p0 [sflag:s8], $0x0  }
0x24: {  	s3 =	sadd.s32 $0x88, s3;
	s6 =	simm.s32 @!p1 $0x1082;
	[sflag:s4] =	ssyncset.s32 $0xFFFFF086  }
0x25: {  	[simem:s6], [sflag:s4] =	dma.local [hbm:s3], $0xF7A  }
0x26: {  	[smem:$0x3F97] =	sst s1;
	(tag) =	ssettag s2;
	_ =	strace s9  }
0x27: {  	s1 =	sld [smem:$0x3FA7]  }
0x28: {  	s2 =	sld [smem:$0x3FA8]  }
0x29: {  	s4 =	sld [smem:$0x3FAA]  }
0x2a: {  	p0 =	seq.s32 s5, $0x0;
	s5 =	sld [smem:$0x3FAB]  }
0x2b: {  	s6 =	sld [smem:$0x3FAC]  }
0x2c: {  	s7 =	sld [smem:$0x3FAD]  }
0x2d: {  	s3 =	simm.s32 $0x108;
	s8 =	sld [smem:$0x3FAE]  }
0x2e: {  	s3 =	simm.s32 @!p0 $0x1082;
	s9 =	sld [smem:$0x3FAF]  }
0x2f: {  	lr =	sadd.s32 s0, s3;
	s0 =	sld [smem:$0x3FA6]  }
0x30: {  	s3 =	sld [smem:$0x3FA9]  }
0x31: {  	[smem:$0x3FB2] =	sst s10  }
0x32: {  	s10 =	sld [smem:$0x3FB0];
	_ =	sdelay $0x3  }
0x33: {  	p0 =	seq.s32 s10, $0x1;
	s10 =	sld [smem:$0x3FB2];
	_ =	sdelay $0x3  }
0x34: {  	[smem:$0x3FB2] =	sst s10  }
0x35: {  	s10 =	sld [smem:$0x3FB1];
	_ =	sdelay $0x3  }
0x36: {  	p1 =	seq.s32 s10, $0x1;
	s10 =	sld [smem:$0x3FB2];
	_ =	sdelay $0x3  }
0x37: {  	[smem:$0x3FB2] =	sst s10  }
0x38: {  	s10 =	sld [smem:$0x3FB3]  }
0x39: {  	_ = 	snop;
	(pc) =	sbr.ind lr, $3  }
0x3a: {  	_ = 	snop  }
0x3b: {  	_ = 	snop  }
0x3c: {  	p2 =	seq.s32 s10, $0x1;
	s10 =	sld [smem:$0x3FB2]  }
0x3d: {  	_ =	shalt  }
0x3e: {  	_ =	shalt  }
0x3f: {  	_ =	shalt  }
0x40: {  	_ =	shalt  }
0x41: {  	_ =	shalt  }
0x42: {  	_ =	shalt  }
0x43: {  	_ =	shalt  }
0x44: {  	_ =	shalt  }
0x45: {  	_ =	shalt  }
0x46: {  	_ =	shalt  }
0x47: {  	_ =	shalt  }
0x48: {  	_ =	shalt  }
0x49: {  	_ =	shalt  }
0x4a: {  	_ =	shalt  }
0x4b: {  	_ =	shalt  }
0x4c: {  	_ =	shalt  }
0x4d: {  	_ =	shalt  }
0x4e: {  	_ =	shalt  }
0x4f: {  	_ =	shalt  }
0x50: {  	_ =	shalt  }
0x51: {  	_ =	shalt  }
0x52: {  	_ =	shalt  }
0x53: {  	_ =	shalt  }
0x54: {  	_ =	shalt  }
0x55: {  	_ =	shalt  }
0x56: {  	_ =	shalt  }
0x57: {  	_ =	shalt  }
0x58: {  	_ =	shalt  }
0x59: {  	_ =	shalt  }
0x5a: {  	_ =	shalt  }
0x5b: {  	_ =	shalt  }
0x5c: {  	_ =	shalt  }
0x5d: {  	_ =	shalt  }
0x5e: {  	_ =	shalt  }
0x5f: {  	_ =	shalt  }
0x60: {  	_ =	shalt  }
0x61: {  	_ =	shalt  }
0x62: {  	_ =	shalt  }
0x63: {  	_ =	shalt  }
0x64: {  	_ =	shalt  }
0x65: {  	_ =	shalt  }
0x66: {  	_ =	shalt  }
0x67: {  	_ =	shalt  }
0x68: {  	_ =	shalt  }
0x69: {  	_ =	shalt  }
0x6a: {  	_ =	shalt  }
0x6b: {  	_ =	shalt  }
0x6c: {  	_ =	shalt  }
0x6d: {  	_ =	shalt  }
0x6e: {  	_ =	shalt  }
0x6f: {  	_ =	shalt  }
0x70: {  	_ =	shalt  }
0x71: {  	_ =	shalt  }
0x72: {  	_ =	shalt  }
0x73: {  	_ =	shalt  }
0x74: {  	_ =	shalt  }
0x75: {  	_ =	shalt  }
0x76: {  	_ =	shalt  }
0x77: {  	_ =	shalt  }
0x78: {  	_ =	shalt  }
0x79: {  	_ =	shalt  }
0x7a: {  	_ =	shalt  }
0x7b: {  	_ =	shalt  }
0x7c: {  	_ =	shalt  }
0x7d: {  	_ =	shalt  }
0x7e: {  	_ =	shalt  }
0x7f: {  	_ =	shalt  }
0x80: {  	_ =	shalt  }
0x81: {  	_ =	shalt  }
0x82: {  	_ =	shalt  }
0x83: {  	_ =	shalt  }
0x84: {  	_ =	shalt  }
0x85: {  	_ =	shalt  }
0x86: {  	_ =	shalt  }
0x87: {  	_ =	shalt  }
.Lfunc_end0:
.L_simem_size_0:
called_computation.3_lowered:
.L_overlay_start_0:
0x88: {  	s2 =	sld [smem:$0x3FD9]  }
0x89: {  	s3 =	sld [smem:$0x3FFE];
	_ =	sdelay $0x1  }
0x8a: {  	s1 =	srdreg.scid  }
0x8b: {  	s0 =	sand.u32 $0x1, s1  }
0x8c: {  	s16 =	sshll.u32 s0, $0xA;
	s2 =	sadd.s32 s3, s2  }
0x8d: {  	s2 =	sadd.s32 s2, s16  }
0x8e: {  	[smem:$0x3FBE] =	sst s2  }
0x8f: {  	_ = 	snop  }
0x90: {  	(tm) =	ssettm $0x1  }
0x91: {  	s17 =	sld [smem:$0x3FFB];
	_ =	sdelay $0x3  }
0x92: {  	_ =	strace s17  }
0x93: {  	s2 =	sld [smem:$0x3FFC];
	_ =	sdelay $0x3  }
0x94: {  	_ =	strace s2  }
0x95: {  	s2 =	sld [smem:$0x3FFD];
	_ =	sdelay $0x3  }
0x96: {  	_ =	strace s2  }
0x97: {  	_ =	strace $0x8FFFFFFF  }
0x98: {  	s18 =	sld [smem:$0x3FDB];
	_ =	sdelay $0x1  }
0x99: {  	s19 =	simm.s32 $_scs_section_size  }
0x9a: {  	s4 =	simm.s32 $_size__tile_overlayer_lowered;
	s5 =	simm.s32 $_tile_overlayer_lowered  }
0x9b: {  	s22 =	simm.s32 $0x1BFF;
	s21 =	sshll.u32 s5, $0x1;
	s2 =	sadd.s32 s19, s18  }
0x9c: {  	s6 =	simm.s32 $0x0;
	s20 =	sshll.u32 s4, $0x1;
	s4 =	sadd.s32 s21, s2  }
0x9d: {  	[timem:s6], [sflag:s22] =	dma.local [hbm:s4], s20  }
0x9e: {  	_ =	swait.ge [sflag:s22], s20  }
0x9f: {  	s3 =	ssub.s32 $0x0, s20;
	[sflag:s22] =	ssyncset.done $0x0  }
0xa0: {  	[sflag:s22] =	ssyncadd.s32 s3;
	_ =	sdelay $0x1  }
0xa1: {  	s23 =	simm.s32 $0x1B8B  }
0xa2: {  	_ =	swait.ge [sflag:s23], $0x1  }
0xa3: {  	[sflag:s23] =	ssyncset.done $0x0  }
0xa4: {  	s25 =	simm.s32 $0x1B8E;
	s24 =	sld [smem:$0x3FFE];
	[sflag:s23] =	ssyncadd.s32 $0xFFFFFFFF  }
0xa5: {  	s26 =	simm.s32 $execute0_lowered;
	[smem:$0x3FD2] =	sst s25  }
0xa6: {  	s4 =	sshll.u32 s26, $0x1;
	_ =	strace $0x8000004F;
	[dreg:$0x1] =	wrdreg $0xFFFFFFFF  }
0xa7: {  	s28 =	simm.s32 $_size_execute0_lowered;
	s2 =	sadd.s32 s2, s4;
	[dreg:$0x0] =	wrdreg $0x0  }
0xa8: {  	s4 =	sshll.u32 s28, $0x1;
	[dreg:$0x2] =	wrdreg s2  }
0xa9: {  	[dreg:$0x3] =	wrdreg s4  }
0xaa: {  	[dreg:$0x4] =	wrdreg $0xC0  }
0xab: {  	_ =	task [dreg:s6], $0x5FFFF  }
0xac: {  	[dreg:$0x1] =	wrdreg $0xFFFFFFFF  }
0xad: {  	[dreg:$0x0] =	wrdreg $0x60  }
0xae: {  	[dreg:$0x2] =	wrdreg s24  }
0xaf: {  	[dreg:$0x3] =	wrdreg $0x130C00  }
0xb0: {  	[dreg:$0x4] =	wrdreg $0x9  }
0xb1: {  	_ =	task.clear_ibuf [dreg:s6], $0x5FFFF;
	_ =	strace $0x9000004F  }
0xb2: {  	s29 =	simm.s32 $0x9;
	_ =	strace $0x80000051  }
0xb3: {  	_ =	swait.ge [sflag:s29], $0x1  }
0xb4: {  	[sflag:s29] =	ssyncadd.s32 $0xFFFFFFFF  }
0xb5: {  	_ =	strace $0x90000051  }
0xb6: {  	_ =	sfence  }
0xb7: {  	s30 =	sld [smem:$0x0];
	_ =	sdelay $0x2  }
0xb8: {  	s31 =	sshll.u32 s1, $0xD;
	s1 =	sshrl.u32 s1, $0x2  }
0xb9: {  	s3 =	sand.u32 $0x4000, s31;
	s1 =	sadd.s32 s1, s30  }
0xba: {  	s0 =	sor.u32 s3, s0;
	s1 =	sshll.u32 s1, $0x11  }
0xbb: {  	s0 =	sor.u32 s1, s0  }
0xbc: {  	s0 =	sadd.s32 $0x8F2B, s0  }
0xbd: {  	[sflag:s0] =	ssyncadd.remote.s32 $0x1  }
0xbe: {  	_ =	sfence.sel $0xFFFF  }
0xbf: {  	[dreg:$0x0] =	wrdreg $0xFFFFFFFF;
	(pc) =	sbr.abs _section_cstart, $3  }
0xc0: {  	[dreg:$0x1] =	wrdreg $0xFFFFFFFF  }
0xc1: {  	_ =	task.clear_ibuf [dreg:s6], $0x2FFFF;
	_ =	strace $0x9FFFFFFF  }
0xc2: {  	(tm) =	ssettm $0x7FFFFFFF  }
0xc3: {  	_ =	shalt  }
tec
execute0_lowered:
.L_overlay_start_1:
0x0: {  	(tag) =	ssettag $0x1  }
0x1: {  	s0 =	srdreg.scid  }
0x2: {  	s1 =	rddreg [dreg:$0x0];
	s9 =	stileid.u32  }
0x3: {  	s2 =	rddreg [dreg:$0x1];
	s17 =	simm.s32 $0x6;
	s18 =	simm.s32 $0x5000  }
0x4: {  	s19 =	simm.s32 $0x7D;
	s20 =	simm.s32 $0xA000;
	s28 =	simm.s32 $0xFDC0  }
0x5: {  	s29 =	simm.s32 $0x1;
	s30 =	simm.s32 $0x5;
	s6 =	smul.u32 $0xA00, s9  }
0x6: {  	s31 =	simm.s32 $0x2;
	s0 =	sand.u32 $0x1, s0;
	s7 =	smul.u32 $0x13C00, s9  }
0x7: {  	s3 =	sshll.u32 s0, $0x4;
	s22 =	sshll.u32 s0, $0x6;
	s0 =	ssub.s32 $0x2, s0  }
0x8: {  	s4 =	sor.u32 s9, s3;
	s3 =	simm.s32 $0x0;
	s9 =	smul.u32 $0x27800, s9  }
0x9: {  	s10 =	sadd.s32 s6, s1;
	s23 =	sshrl.u32 s0, $0x1;
	s5 =	smul.u32 $0xA00, s4  }
0xa: {  	[smem:$0x7FF] =	sst s3;
	s4 =	sadd.s32 $0x4600, s1;
	s0 =	ssub.s32 s0, s23  }
0xb: {  	s26 =	sadd.s32 $0x3FE00, s10;
	_ =	strace $0x80000050;
	s24 =	sshrl.u32 s9, $0x2  }
0xc: {  	[dreg:$0x4] =	wrdreg s26;
	s16 =	smax.u32 s0, $0x1;
	s0 =	simm.s32 $0x4  }
0xd: {  	s26 =	simm.s32 $0x0;
	s8 =	sadd.s32 s5, s1;
	s5 =	sor.u32 s22, s7  }
0xe: {  	s22 =	simm.s32 $0xBF40;
	s7 =	simm.s32 $0x8;
	s5 =	sshrl.u32 s5, $0x3  }
0xf: {  	s25 =	sadd.s32 $0x2BE00, s8;
	s1 =	sadd.s32 s5, s1;
	s5 =	sadd.s32 s24, s2  }
0x10: {  	[dreg:$0x3] =	wrdreg s25;
	s24 =	simm.s32 $0xDE80;
	s25 =	simm.s32 $0x11D00  }
0x11: {  	s8 =	sadd.s32 $0x13C0, s5;
	s9 =	sadd.s32 $0x2780, s5;
	s10 =	sadd.s32 $0x3B40, s5  }
0x12: {  	s11 =	sadd.s32 $0x4F00, s5;
	s12 =	sadd.s32 $0x62C0, s5;
	s13 =	sadd.s32 $0x7680, s5  }
0x13: {  	v0 =	vimm.f32 $0.0e+00;
	s14 =	sadd.s32 $0x8A40, s5;
	s15 =	sadd.s32 $0x49E00, s1;
	s1 =	simm.s32 $0x3  }
.LBB2_1:
0x14: {  	s6 =	rddreg [dreg:$0x3]  }
0x15: {  	[tilespmem:s3], [sflag:$0x6] =	stream.linear.gather [hbm4b:s6+s3], $0x5000, $0x38;
	[tilespmem:$0x1CEC0] =	vst v63  }
0x16: {  	_ =	swait.ge [sflag:s17], $0x5000  }
0x17: {  	[sflag:s17] =	ssyncset.done $0x0  }
0x18: {  	s23 =	rddreg [dreg:$0x4];
	[sflag:s17] =	ssyncadd.s32 $0xFFFFB000  }
0x19: {  	[tilespmem:s18], [sflag:$0x6] =	stream.linear.gather [hbm4b:s23+s3], $0x5000, $0x38;
	[tilespmem:$0x1CEC0] =	vst v63  }
0x1a: {  	_ =	swait.ge [sflag:s17], $0x5000  }
0x1b: {  	[sflag:s17] =	ssyncset.done $0x0  }
0x1c: {  	[sflag:s17] =	ssyncadd.s32 $0xFFFFB000  }
0x1d: {  	[tilespmem:s20], [sflag:$0x1] =	stream.indirect.gather [hbm4b:s4+s19], $0x40, s3, s19, $0xb8;
	[tilespmem:$0x1CEC0] =	vst v63  }
0x1e: {  	s21 =	simm.s32 $0x80  }
0x1f: {  	[tilespmem:s22], [sflag:$0x2] =	stream.indirect.gather [hbm4b:s4+s19], $0x40, s21, s19, $0xb8;
	[tilespmem:$0x1CEC0] =	vst v63  }
0x20: {  	s23 =	simm.s32 $0x100  }
0x21: {  	[tilespmem:s24], [sflag:$0x3] =	stream.indirect.gather [hbm4b:s4+s19], $0x40, s23, s19, $0xb8;
	[tilespmem:$0x1CEC0] =	vst v63  }
0x22: {  	s21 =	simm.s32 $0x0;
	s23 =	simm.s32 $0x100  }
.LBB2_2:
0x23: {  	p0 =	sne.s32 s23, $0x4E00;
	[tilespmem:s21+$0x11D30] =	vst v0;
	s6 =	smov.u32 s23;
	s23 =	sadd.s32 $0x100, s23  }
.Ltmp0:
0x24: {  	[tilespmem:s21+$0x11D20] =	vst v0;
	(pc) =	sbr.rel @p0 .LBB2_2-.Ltmp0, $3  }
0x25: {  	[tilespmem:s21+$0x11D00] =	vst v0  }
0x26: {  	[tilespmem:s21+$0x11D10] =	vst v0;
	_ =	sdelay $0x1  }
0x27: {  	s21 =	sshra.s32 s6, $0x2  }
0x28: {  	[tilespmem:s21+$0x11D30] =	vst v0  }
0x29: {  	[tilespmem:s21+$0x11D20] =	vst v0  }
0x2a: {  	[tilespmem:s21+$0x11D00] =	vst v0  }
0x2b: {  	[tilespmem:s21+$0x11D10] =	vst v0  }
0x2c: {  	[spmem:s5] =	stream.linear.scatter [tilespmem:s25], [sflag:$0x6], $0x13C0, $0x38;
	[tilespmem:$0x1CEC0] =	vst v63  }
0x2d: {  	_ =	swait.ge [sflag:s17], $0x13C0  }
0x2e: {  	[sflag:s17] =	ssyncset.done $0x0  }
0x2f: {  	[sflag:s17] =	ssyncadd.s32 $0xFFFFEC40  }
0x30: {  	[spmem:s8] =	stream.linear.scatter [tilespmem:s25], [sflag:$0x6], $0x13C0, $0x38;
	[tilespmem:$0x1CEC0] =	vst v63  }
0x31: {  	_ =	swait.ge [sflag:s17], $0x13C0  }
0x32: {  	[sflag:s17] =	ssyncset.done $0x0  }
0x33: {  	[sflag:s17] =	ssyncadd.s32 $0xFFFFEC40  }
0x34: {  	[spmem:s9] =	stream.linear.scatter [tilespmem:s25], [sflag:$0x6], $0x13C0, $0x38;
	[tilespmem:$0x1CEC0] =	vst v63  }
0x35: {  	_ =	swait.ge [sflag:s17], $0x13C0  }
0x36: {  	[sflag:s17] =	ssyncset.done $0x0  }
0x37: {  	[sflag:s17] =	ssyncadd.s32 $0xFFFFEC40  }
0x38: {  	[spmem:s10] =	stream.linear.scatter [tilespmem:s25], [sflag:$0x6], $0x13C0, $0x38;
	[tilespmem:$0x1CEC0] =	vst v63  }
0x39: {  	_ =	swait.ge [sflag:s17], $0x13C0  }
0x3a: {  	[sflag:s17] =	ssyncset.done $0x0  }
0x3b: {  	[sflag:s17] =	ssyncadd.s32 $0xFFFFEC40  }
0x3c: {  	[spmem:s11] =	stream.linear.scatter [tilespmem:s25], [sflag:$0x6], $0x13C0, $0x38;
	[tilespmem:$0x1CEC0] =	vst v63  }
0x3d: {  	_ =	swait.ge [sflag:s17], $0x13C0  }
0x3e: {  	[sflag:s17] =	ssyncset.done $0x0  }
0x3f: {  	[sflag:s17] =	ssyncadd.s32 $0xFFFFEC40  }
0x40: {  	[spmem:s12] =	stream.linear.scatter [tilespmem:s25], [sflag:$0x6], $0x13C0, $0x38;
	[tilespmem:$0x1CEC0] =	vst v63  }
0x41: {  	_ =	swait.ge [sflag:s17], $0x13C0  }
0x42: {  	[sflag:s17] =	ssyncset.done $0x0  }
0x43: {  	[sflag:s17] =	ssyncadd.s32 $0xFFFFEC40  }
0x44: {  	[spmem:s13] =	stream.linear.scatter [tilespmem:s25], [sflag:$0x6], $0x13C0, $0x38;
	[tilespmem:$0x1CEC0] =	vst v63  }
0x45: {  	_ =	swait.ge [sflag:s17], $0x13C0  }
0x46: {  	[sflag:s17] =	ssyncset.done $0x0  }
0x47: {  	[sflag:s17] =	ssyncadd.s32 $0xFFFFEC40  }
0x48: {  	[spmem:s14] =	stream.linear.scatter [tilespmem:s25], [sflag:$0x6], $0x13C0, $0x38;
	[tilespmem:$0x1CEC0] =	vst v63  }
0x49: {  	_ =	swait.ge [sflag:s17], $0x13C0  }
0x4a: {  	[sflag:s17] =	ssyncset.done $0x0  }
0x4b: {  	[sflag:s17] =	ssyncadd.s32 $0xFFFFEC40  }
0x4c: {  	s6 =	simm.s32 $0x180;
	[bflag:$0x0] =	sbarrier.arrive $0xFFFF  }
0x4d: {  	[tilespmem:s28], [sflag:$0x4] =	stream.indirect.gather [hbm4b:s4+s19], $0x40, s6, s19, $0xb8;
	[tilespmem:$0x1CEC0] =	vst v63  }
0x4e: {  	_ =	swait.ge [sflag:s29], $0x1F40  }
0x4f: {  	[sflag:s29] =	ssyncset.done $0x0  }
0x50: {  	[sflag:s29] =	ssyncadd.s32 $0xFFFFE0C0  }
0x51: {  	[spmem:s2] =	stream.indirect.scatter.add.f32 [tilespmem:s20], [sflag:$0x5], $0x40, s18, s19, $0xb8;
	[tilespmem:$0x1CEC0] =	vst v63  }
0x52: {  	_ =	swait.ge [sflag:s30], $0x1F40  }
0x53: {  	[sflag:s30] =	ssyncset.done $0x0  }
0x54: {  	s23 =	simm.s32 $0x200;
	[sflag:s30] =	ssyncadd.s32 $0xFFFFE0C0  }
0x55: {  	[tilespmem:s20], [sflag:$0x1] =	stream.indirect.gather [hbm4b:s4+s19], $0x40, s23, s19, $0xb8;
	[tilespmem:$0x1CEC0] =	vst v63  }
0x56: {  	_ =	swait.ge [sflag:s31], $0x1F40  }
0x57: {  	[sflag:s31] =	ssyncset.done $0x0  }
0x58: {  	s21 =	simm.s32 $0x5080;
	[sflag:s31] =	ssyncadd.s32 $0xFFFFE0C0  }
0x59: {  	[spmem:s2] =	stream.indirect.scatter.add.f32 [tilespmem:s22], [sflag:$0x5], $0x40, s21, s19, $0xb8;
	[tilespmem:$0x1CEC0] =	vst v63  }
0x5a: {  	_ =	swait.ge [sflag:s30], $0x1F40  }
0x5b: {  	[sflag:s30] =	ssyncset.done $0x0  }
0x5c: {  	s23 =	simm.s32 $0x280;
	[sflag:s30] =	ssyncadd.s32 $0xFFFFE0C0  }
0x5d: {  	[tilespmem:s22], [sflag:$0x2] =	stream.indirect.gather [hbm4b:s4+s19], $0x40, s23, s19, $0xb8;
	[tilespmem:$0x1CEC0] =	vst v63  }
0x5e: {  	_ =	swait.ge [sflag:s1], $0x1F40  }
0x5f: {  	[sflag:s1] =	ssyncset.done $0x0  }
0x60: {  	s21 =	simm.s32 $0x5100;
	[sflag:s1] =	ssyncadd.s32 $0xFFFFE0C0  }
0x61: {  	[spmem:s2] =	stream.indirect.scatter.add.f32 [tilespmem:s24], [sflag:$0x5], $0x40, s21, s19, $0xb8;
	[tilespmem:$0x1CEC0] =	vst v63  }
0x62: {  	_ =	swait.ge [sflag:s30], $0x1F40  }
0x63: {  	[sflag:s30] =	ssyncset.done $0x0  }
0x64: {  	s23 =	simm.s32 $0x300;
	[sflag:s30] =	ssyncadd.s32 $0xFFFFE0C0  }
0x65: {  	[tilespmem:s24], [sflag:$0x3] =	stream.indirect.gather [hbm4b:s4+s19], $0x40, s23, s19, $0xb8;
	[tilespmem:$0x1CEC0] =	vst v63  }
0x66: {  	_ =	swait.ge [sflag:s0], $0x1F40  }
0x67: {  	[sflag:s0] =	ssyncset.done $0x0  }
0x68: {  	s21 =	simm.s32 $0x5180;
	[sflag:s0] =	ssyncadd.s32 $0xFFFFE0C0  }
0x69: {  	[spmem:s2] =	stream.indirect.scatter.add.f32 [tilespmem:s28], [sflag:$0x5], $0x40, s21, s19, $0xb8;
	[tilespmem:$0x1CEC0] =	vst v63  }
0x6a: {  	_ =	swait.ge [sflag:s30], $0x1F40  }
0x6b: {  	[sflag:s30] =	ssyncset.done $0x0  }
0x6c: {  	s23 =	simm.s32 $0x380;
	[sflag:s30] =	ssyncadd.s32 $0xFFFFE0C0  }
0x6d: {  	[tilespmem:s28], [sflag:$0x4] =	stream.indirect.gather [hbm4b:s4+s19], $0x40, s23, s19, $0xb8;
	[tilespmem:$0x1CEC0] =	vst v63  }
0x6e: {  	_ =	swait.ge [sflag:s29], $0x1F40  }
0x6f: {  	[sflag:s29] =	ssyncset.done $0x0  }
0x70: {  	s21 =	simm.s32 $0x800;
	s23 =	simm.s32 $0x5200;
	[sflag:s29] =	ssyncadd.s32 $0xFFFFE0C0  }
.LBB2_4:
0x71: {  	[spmem:s2] =	stream.indirect.scatter.add.f32 [tilespmem:s20], [sflag:$0x5], $0x40, s23, s19, $0xb8;
	[tilespmem:$0x1CEC0] =	vst v63  }
0x72: {  	s6 =	smov.u32 s21  }
0x73: {  	p0 =	sne.s32 s21, $0x13000;
	s21 =	sadd.s32 $0x800, s21;
	_ =	swait.ge [sflag:s30], $0x1F40  }
0x74: {  	s23 =	sshra.s32 s6, $0x2;
	[sflag:s30] =	ssyncset.done $0x0  }
0x75: {  	s6 =	sadd.s32 $0x200, s23;
	[sflag:s30] =	ssyncadd.s32 $0xFFFFE0C0  }
0x76: {  	[tilespmem:s20], [sflag:$0x1] =	stream.indirect.gather [hbm4b:s4+s19], $0x40, s6, s19, $0xb8;
	[tilespmem:$0x1CEC0] =	vst v63  }
0x77: {  	_ =	swait.ge [sflag:s31], $0x1F40  }
0x78: {  	[sflag:s31] =	ssyncset.done $0x0  }
0x79: {  	s6 =	sadd.s32 $0x5080, s23;
	[sflag:s31] =	ssyncadd.s32 $0xFFFFE0C0  }
0x7a: {  	[spmem:s2] =	stream.indirect.scatter.add.f32 [tilespmem:s22], [sflag:$0x5], $0x40, s6, s19, $0xb8;
	[tilespmem:$0x1CEC0] =	vst v63  }
0x7b: {  	_ =	swait.ge [sflag:s30], $0x1F40  }
0x7c: {  	[sflag:s30] =	ssyncset.done $0x0  }
0x7d: {  	s6 =	sadd.s32 $0x280, s23;
	[sflag:s30] =	ssyncadd.s32 $0xFFFFE0C0  }
0x7e: {  	[tilespmem:s22], [sflag:$0x2] =	stream.indirect.gather [hbm4b:s4+s19], $0x40, s6, s19, $0xb8;
	[tilespmem:$0x1CEC0] =	vst v63  }
0x7f: {  	_ =	swait.ge [sflag:s1], $0x1F40  }
0x80: {  	[sflag:s1] =	ssyncset.done $0x0  }
0x81: {  	s6 =	sadd.s32 $0x5100, s23;
	[sflag:s1] =	ssyncadd.s32 $0xFFFFE0C0  }
0x82: {  	[spmem:s2] =	stream.indirect.scatter.add.f32 [tilespmem:s24], [sflag:$0x5], $0x40, s6, s19, $0xb8;
	[tilespmem:$0x1CEC0] =	vst v63  }
0x83: {  	_ =	swait.ge [sflag:s30], $0x1F40  }
0x84: {  	[sflag:s30] =	ssyncset.done $0x0  }
0x85: {  	s6 =	sadd.s32 $0x300, s23;
	[sflag:s30] =	ssyncadd.s32 $0xFFFFE0C0  }
0x86: {  	[tilespmem:s24], [sflag:$0x3] =	stream.indirect.gather [hbm4b:s4+s19], $0x40, s6, s19, $0xb8;
	[tilespmem:$0x1CEC0] =	vst v63  }
0x87: {  	_ =	swait.ge [sflag:s0], $0x1F40  }
0x88: {  	[sflag:s0] =	ssyncset.done $0x0  }
0x89: {  	s6 =	sadd.s32 $0x5180, s23;
	[sflag:s0] =	ssyncadd.s32 $0xFFFFE0C0  }
0x8a: {  	[spmem:s2] =	stream.indirect.scatter.add.f32 [tilespmem:s28], [sflag:$0x5], $0x40, s6, s19, $0xb8;
	[tilespmem:$0x1CEC0] =	vst v63  }
0x8b: {  	_ =	swait.ge [sflag:s30], $0x1F40  }
0x8c: {  	[sflag:s30] =	ssyncset.done $0x0  }
.Ltmp1:
0x8d: {  	s6 =	sadd.s32 $0x380, s23;
	[sflag:s30] =	ssyncadd.s32 $0xFFFFE0C0;
	(pc) =	sbr.rel @p0 .LBB2_4-.Ltmp1, $4  }
0x8e: {  	[tilespmem:s28], [sflag:$0x4] =	stream.indirect.gather [hbm4b:s4+s19], $0x40, s6, s19, $0xb8;
	[tilespmem:$0x1CEC0] =	vst v63  }
0x8f: {  	_ =	swait.ge [sflag:s29], $0x1F40  }
0x90: {  	[sflag:s29] =	ssyncset.done $0x0  }
0x91: {  	s23 =	sadd.s32 $0x5200, s23;
	[sflag:s29] =	ssyncadd.s32 $0xFFFFE0C0  }
0x92: {  	[spmem:s2] =	stream.indirect.scatter.add.f32 [tilespmem:s20], [sflag:$0x5], $0x40, s23, s19, $0xb8;
	[tilespmem:$0x1CEC0] =	vst v63  }
0x93: {  	_ =	swait.ge [sflag:s30], $0x1F40  }
0x94: {  	[sflag:s30] =	ssyncset.done $0x0  }
0x95: {  	[sflag:s30] =	ssyncadd.s32 $0xFFFFE0C0  }
0x96: {  	_ =	swait.ge [sflag:s31], $0x1F40  }
0x97: {  	[sflag:s31] =	ssyncset.done $0x0  }
0x98: {  	s6 =	simm.s32 $0x9E80;
	[sflag:s31] =	ssyncadd.s32 $0xFFFFE0C0  }
0x99: {  	[spmem:s2] =	stream.indirect.scatter.add.f32 [tilespmem:s22], [sflag:$0x5], $0x40, s6, s19, $0xb8;
	[tilespmem:$0x1CEC0] =	vst v63  }
0x9a: {  	_ =	swait.ge [sflag:s30], $0x1F40  }
0x9b: {  	[sflag:s30] =	ssyncset.done $0x0  }
0x9c: {  	[sflag:s30] =	ssyncadd.s32 $0xFFFFE0C0  }
0x9d: {  	_ =	swait.ge [sflag:s1], $0x1F40  }
0x9e: {  	[sflag:s1] =	ssyncset.done $0x0  }
0x9f: {  	s23 =	simm.s32 $0x9F00;
	[sflag:s1] =	ssyncadd.s32 $0xFFFFE0C0  }
0xa0: {  	[spmem:s2] =	stream.indirect.scatter.add.f32 [tilespmem:s24], [sflag:$0x5], $0x40, s23, s19, $0xb8;
	[tilespmem:$0x1CEC0] =	vst v63  }
0xa1: {  	_ =	swait.ge [sflag:s30], $0x1F40  }
0xa2: {  	[sflag:s30] =	ssyncset.done $0x0  }
0xa3: {  	[sflag:s30] =	ssyncadd.s32 $0xFFFFE0C0  }
0xa4: {  	_ =	swait.ge [sflag:s0], $0x1F40  }
0xa5: {  	[sflag:s0] =	ssyncset.done $0x0  }
0xa6: {  	s21 =	simm.s32 $0x9F80;
	[sflag:s0] =	ssyncadd.s32 $0xFFFFE0C0  }
0xa7: {  	[spmem:s2] =	stream.indirect.scatter.add.f32 [tilespmem:s28], [sflag:$0x5], $0x40, s21, s19, $0xb8;
	[tilespmem:$0x1CEC0] =	vst v63  }
0xa8: {  	s26 =	sadd.s32 $0x1, s26;
	s23 =	stileid.u32;
	_ =	swait.ge [sflag:s30], $0x1F40  }
0xa9: {  	p0 =	sne.s32 s26, s16;
	s6 =	sshll.u32 s23, $0x6;
	[sflag:s30] =	ssyncset.done $0x0  }
0xaa: {  	s23 =	simm.s32 $0x10;
	s6 =	sor.u32 $0x1C06, s6;
	[sflag:s30] =	ssyncadd.s32 $0xFFFFE0C0  }
.Ltmp2:
0xab: {  	s21 =	sshrl.u32 s5, $0x3;
	[bflag:$0x0] =	sbarrier.arrive $0xFFFF;
	(pc) =	sbr.rel @p0 .LBB2_1-.Ltmp2, $4  }
0xac: {  	[hbm:s15@s23], [sflag:s6] =	dma.strided [spmem:s21@s7], $0x13C0, s29, $0x8   }
0xad: {  	_ =	swait.ge [sflag:s17], $0x13C0  }
0xae: {  	[sflag:s17] =	ssyncset.done $0x0  }
0xaf: {  	[sflag:s17] =	ssyncadd.s32 $0xFFFFEC40  }
0xb0: {  	_ =	sfence.sel $0x180000  }
0xb1: {  	[bflag:$0x0] =	sbarrier.arrive $0xFFFF  }
0xb2: {  	_ =	strace $0x90000050  }
0xb3: {  	s0 =	stileid.u32;
	[bflag:$0x2] =	sbarrier.arrive $0xFFFF  }
0xb4: {  	p0 =	sne.s32 s0, $0x0;
	s0 =	rddreg [dreg:$0x2]  }
0xb5: {  	s0 =	sadd.s32 @!p0 $0x100000, s0  }
0xb6: {  	[sflag:s0] =	ssyncadd.tile.s32 @!p0 $0x1;
	_ =	shalt  }
.Lfunc_end2:
_tile_overlayer_lowered:
.L_overlay_start_2:
0xb7: {  	(tag) =	ssettag $0x2  }
0xb8: {  	s0 =	rddreg [dreg:$0x0];
	s2 =	stileid.u32  }
0xb9: {  	s1 =	rddreg [dreg:$0x1];
	p0 =	sne.s32 s2, $0x0  }
0xba: {  	s3 =	rddreg [dreg:$0x2];
	[bflag:$0x3] =	sbarrier.arrive $0xFFFF;
	s2 =	simm.s32 @!p0 $0x1C06  }
0xbb: {  	[timem:s3], [sflag:s2] =	dma.local @!p0 [hbm:s0], s1  }
0xbc: {  	s0 =	simm.s32 @!p0 $0x6  }
0xbd: {  	_ =	swait.ge @!p0 [sflag:s0], s1  }
0xbe: {  	s1 =	ssub.s32 @!p0 $0x0, s1;
	[sflag:s0] =	ssyncset.done @!p0 $0x0  }
0xbf: {  	[sflag:s0] =	ssyncadd.s32 @!p0 s1  }
0xc0: {  	[bflag:$0x3] =	sbarrier.arrive $0xFFFF  }
0xc1: {  	_ =	shalt  }

// kernel: sc_segsum.5.cloned.1.call-start
scs
__scs_entry_jumppad:
0x0: {  	(pc) =	sbr.rel $0x88, $3  }
0x1: {  	(tag) =	ssettag $0x0;
	lr =	simm.s32 $0x1  }
0x2: {  	[smem:$0x3F97] =	sst lr;
	_ =	strace $0xD0000000  }
0x3: {  	_ = 	snop  }
0x4: {  	_ = 	snop  }
0x5: {  	_ = 	snop  }
0x6: {  	_ = 	snop  }
0x7: {  	_ = 	snop  }
__scs_overlays_trampoline_lowered:
0x8: {  	[smem:$0x3FA6] =	sst s0  }
0x9: {  	[smem:$0x3FA7] =	sst s1  }
0xa: {  	[smem:$0x3FA8] =	sst s2  }
0xb: {  	[smem:$0x3FA9] =	sst s3  }
0xc: {  	[smem:$0x3FAA] =	sst s4  }
0xd: {  	[smem:$0x3FAB] =	sst s5  }
0xe: {  	[smem:$0x3FAC] =	sst s6  }
0xf: {  	[smem:$0x3FAD] =	sst s7  }
0x10: {  	[smem:$0x3FAE] =	sst s8  }
0x11: {  	[smem:$0x3FAF] =	sst s9;
	s0 =	simm.s32 @!p0 $0x0  }
0x12: {  	s1 =	sld [smem:$0x3F95];
	s0 =	simm.s32 @p0 $0x1  }
0x13: {  	[smem:$0x3FB0] =	sst s0;
	s0 =	simm.s32 @!p1 $0x0  }
0x14: {  	s2 =	sld [smem:$0x3F94];
	s0 =	simm.s32 @p1 $0x1  }
0x15: {  	[smem:$0x3FB1] =	sst s0;
	s0 =	simm.s32 @!p2 $0x0  }
0x16: {  	s3 =	sld [smem:$0x3FDB];
	s0 =	simm.s32 @p2 $0x1  }
0x17: {  	s4 =	simm.s32 $0x1BF5;
	[smem:$0x3FB3] =	sst s0  }
0x18: {  	s0 =	sld [smem:$0x3F96];
	_ =	swait.ge [sflag:s4], $0x0  }
0x19: {  	s7 =	sld [smem:$0x3F97]  }
0x1a: {  	s8 =	sadd.s32 $0xFFFFE003, lr  }
0x1b: {  	s9 =	sadd.s32 $0xFFFFFEF7, lr;
	s5 =	simm.s32 $0xFFFFFFFF;
	p2 =	slt.u32 s8, $0xFFFFF086  }
0x1c: {  	p1 =	slt.u32 s9, $0xF7A;
	s5 =	simm.s32 @!p2 $0x0  }
0x1d: {  	s5 =	simm.s32 @p1 $0x1;
	p0 =	seq.s32 s7, s2  }
0x1e: {  	s7 =	smul.u32 @!p0 $0xF7A, s2;
	p2 =	seq.s32 @!p0 s5, $0x0  }
0x1f: {  	s9 =	smul.u32 $0xF7A, s1;
	s8 =	simm.s32 @!p0 $0x1BF5;
	p2 =	por !p2, p0  }
0x20: {  	[sflag:s8] =	ssyncset.s32 @!p0 $0xFFFFF086;
	s6 =	sadd.s32 @!p0 s3, s7;
	s7 =	simm.s32 @!p0 $0x108  }
0x21: {  	s3 =	sadd.s32 s3, s9;
	s6 =	sadd.s32 @!p0 $0x88, s6;
	s7 =	simm.s32 @p2 $0x1082  }
0x22: {  	[simem:s7], [sflag:s8] =	dma.local @!p0 [hbm:s6], $0xF7A  }
0x23: {  	s9 =	sor.u32 $0xD0000000, s2;
	s6 =	simm.s32 $0x108;
	_ =	swait.ge @!p0 [sflag:s8], $0x0  }
0x24: {  	s3 =	sadd.s32 $0x88, s3;
	s6 =	simm.s32 @!p1 $0x1082;
	[sflag:s4] =	ssyncset.s32 $0xFFFFF086  }
0x25: {  	[simem:s6], [sflag:s4] =	dma.local [hbm:s3], $0xF7A  }
0x26: {  	[smem:$0x3F97] =	sst s1;
	(tag) =	ssettag s2;
	_ =	strace s9  }
0x27: {  	s1 =	sld [smem:$0x3FA7]  }
0x28: {  	s2 =	sld [smem:$0x3FA8]  }
0x29: {  	s4 =	sld [smem:$0x3FAA]  }
0x2a: {  	p0 =	seq.s32 s5, $0x0;
	s5 =	sld [smem:$0x3FAB]  }
0x2b: {  	s6 =	sld [smem:$0x3FAC]  }
0x2c: {  	s7 =	sld [smem:$0x3FAD]  }
0x2d: {  	s3 =	simm.s32 $0x108;
	s8 =	sld [smem:$0x3FAE]  }
0x2e: {  	s3 =	simm.s32 @!p0 $0x1082;
	s9 =	sld [smem:$0x3FAF]  }
0x2f: {  	lr =	sadd.s32 s0, s3;
	s0 =	sld [smem:$0x3FA6]  }
0x30: {  	s3 =	sld [smem:$0x3FA9]  }
0x31: {  	[smem:$0x3FB2] =	sst s10  }
0x32: {  	s10 =	sld [smem:$0x3FB0];
	_ =	sdelay $0x3  }
0x33: {  	p0 =	seq.s32 s10, $0x1;
	s10 =	sld [smem:$0x3FB2];
	_ =	sdelay $0x3  }
0x34: {  	[smem:$0x3FB2] =	sst s10  }
0x35: {  	s10 =	sld [smem:$0x3FB1];
	_ =	sdelay $0x3  }
0x36: {  	p1 =	seq.s32 s10, $0x1;
	s10 =	sld [smem:$0x3FB2];
	_ =	sdelay $0x3  }
0x37: {  	[smem:$0x3FB2] =	sst s10  }
0x38: {  	s10 =	sld [smem:$0x3FB3]  }
0x39: {  	_ = 	snop;
	(pc) =	sbr.ind lr, $3  }
0x3a: {  	_ = 	snop  }
0x3b: {  	_ = 	snop  }
0x3c: {  	p2 =	seq.s32 s10, $0x1;
	s10 =	sld [smem:$0x3FB2]  }
0x3d: {  	_ =	shalt  }
0x3e: {  	_ =	shalt  }
0x3f: {  	_ =	shalt  }
0x40: {  	_ =	shalt  }
0x41: {  	_ =	shalt  }
0x42: {  	_ =	shalt  }
0x43: {  	_ =	shalt  }
0x44: {  	_ =	shalt  }
0x45: {  	_ =	shalt  }
0x46: {  	_ =	shalt  }
0x47: {  	_ =	shalt  }
0x48: {  	_ =	shalt  }
0x49: {  	_ =	shalt  }
0x4a: {  	_ =	shalt  }
0x4b: {  	_ =	shalt  }
0x4c: {  	_ =	shalt  }
0x4d: {  	_ =	shalt  }
0x4e: {  	_ =	shalt  }
0x4f: {  	_ =	shalt  }
0x50: {  	_ =	shalt  }
0x51: {  	_ =	shalt  }
0x52: {  	_ =	shalt  }
0x53: {  	_ =	shalt  }
0x54: {  	_ =	shalt  }
0x55: {  	_ =	shalt  }
0x56: {  	_ =	shalt  }
0x57: {  	_ =	shalt  }
0x58: {  	_ =	shalt  }
0x59: {  	_ =	shalt  }
0x5a: {  	_ =	shalt  }
0x5b: {  	_ =	shalt  }
0x5c: {  	_ =	shalt  }
0x5d: {  	_ =	shalt  }
0x5e: {  	_ =	shalt  }
0x5f: {  	_ =	shalt  }
0x60: {  	_ =	shalt  }
0x61: {  	_ =	shalt  }
0x62: {  	_ =	shalt  }
0x63: {  	_ =	shalt  }
0x64: {  	_ =	shalt  }
0x65: {  	_ =	shalt  }
0x66: {  	_ =	shalt  }
0x67: {  	_ =	shalt  }
0x68: {  	_ =	shalt  }
0x69: {  	_ =	shalt  }
0x6a: {  	_ =	shalt  }
0x6b: {  	_ =	shalt  }
0x6c: {  	_ =	shalt  }
0x6d: {  	_ =	shalt  }
0x6e: {  	_ =	shalt  }
0x6f: {  	_ =	shalt  }
0x70: {  	_ =	shalt  }
0x71: {  	_ =	shalt  }
0x72: {  	_ =	shalt  }
0x73: {  	_ =	shalt  }
0x74: {  	_ =	shalt  }
0x75: {  	_ =	shalt  }
0x76: {  	_ =	shalt  }
0x77: {  	_ =	shalt  }
0x78: {  	_ =	shalt  }
0x79: {  	_ =	shalt  }
0x7a: {  	_ =	shalt  }
0x7b: {  	_ =	shalt  }
0x7c: {  	_ =	shalt  }
0x7d: {  	_ =	shalt  }
0x7e: {  	_ =	shalt  }
0x7f: {  	_ =	shalt  }
0x80: {  	_ =	shalt  }
0x81: {  	_ =	shalt  }
0x82: {  	_ =	shalt  }
0x83: {  	_ =	shalt  }
0x84: {  	_ =	shalt  }
0x85: {  	_ =	shalt  }
0x86: {  	_ =	shalt  }
0x87: {  	_ =	shalt  }
.Lfunc_end0:
.L_simem_size_0:
called_computation.1_lowered:
.L_overlay_start_0:
0x88: {  	s2 =	sld [smem:$0x3FD9]  }
0x89: {  	s3 =	sld [smem:$0x3FFE];
	_ =	sdelay $0x1  }
0x8a: {  	s1 =	srdreg.scid  }
0x8b: {  	s0 =	sand.u32 $0x1, s1  }
0x8c: {  	s16 =	sshll.u32 s0, $0xA;
	s2 =	sadd.s32 s3, s2  }
0x8d: {  	s2 =	sadd.s32 s2, s16  }
0x8e: {  	[smem:$0x3FBE] =	sst s2  }
0x8f: {  	_ = 	snop  }
0x90: {  	(tm) =	ssettm $0x1  }
0x91: {  	s17 =	sld [smem:$0x3FFB];
	_ =	sdelay $0x3  }
0x92: {  	_ =	strace s17  }
0x93: {  	s2 =	sld [smem:$0x3FFC];
	_ =	sdelay $0x3  }
0x94: {  	_ =	strace s2  }
0x95: {  	s2 =	sld [smem:$0x3FFD];
	_ =	sdelay $0x3  }
0x96: {  	_ =	strace s2  }
0x97: {  	_ =	strace $0x8FFFFFFF  }
0x98: {  	s18 =	sld [smem:$0x3FDB];
	_ =	sdelay $0x1  }
0x99: {  	s19 =	simm.s32 $_scs_section_size  }
0x9a: {  	s4 =	simm.s32 $_size__tile_overlayer_lowered;
	s5 =	simm.s32 $_tile_overlayer_lowered  }
0x9b: {  	s22 =	simm.s32 $0x1BFF;
	s21 =	sshll.u32 s5, $0x1;
	s2 =	sadd.s32 s19, s18  }
0x9c: {  	s6 =	simm.s32 $0x0;
	s20 =	sshll.u32 s4, $0x1;
	s4 =	sadd.s32 s21, s2  }
0x9d: {  	[timem:s6], [sflag:s22] =	dma.local [hbm:s4], s20  }
0x9e: {  	_ =	swait.ge [sflag:s22], s20  }
0x9f: {  	s3 =	ssub.s32 $0x0, s20;
	[sflag:s22] =	ssyncset.done $0x0  }
0xa0: {  	[sflag:s22] =	ssyncadd.s32 s3;
	_ =	sdelay $0x1  }
0xa1: {  	s23 =	simm.s32 $0x1B8B  }
0xa2: {  	_ =	swait.ge [sflag:s23], $0x1  }
0xa3: {  	[sflag:s23] =	ssyncset.done $0x0  }
0xa4: {  	s25 =	simm.s32 $0x1B8E;
	s24 =	sld [smem:$0x3FFE];
	[sflag:s23] =	ssyncadd.s32 $0xFFFFFFFF  }
0xa5: {  	s26 =	simm.s32 $execute0_lowered;
	[smem:$0x3FD2] =	sst s25  }
0xa6: {  	s4 =	sshll.u32 s26, $0x1;
	_ =	strace $0x80000049;
	[dreg:$0x1] =	wrdreg $0xFFFFFFFF  }
0xa7: {  	s28 =	simm.s32 $_size_execute0_lowered;
	s2 =	sadd.s32 s2, s4;
	[dreg:$0x0] =	wrdreg $0x0  }
0xa8: {  	s4 =	sshll.u32 s28, $0x1;
	[dreg:$0x2] =	wrdreg s2  }
0xa9: {  	[dreg:$0x3] =	wrdreg s4  }
0xaa: {  	[dreg:$0x4] =	wrdreg $0xC0  }
0xab: {  	_ =	task [dreg:s6], $0x5FFFF  }
0xac: {  	[dreg:$0x1] =	wrdreg $0xFFFFFFFF  }
0xad: {  	[dreg:$0x0] =	wrdreg $0x60  }
0xae: {  	[dreg:$0x2] =	wrdreg s24  }
0xaf: {  	[dreg:$0x3] =	wrdreg $0x130C00  }
0xb0: {  	[dreg:$0x4] =	wrdreg $0x9  }
0xb1: {  	_ =	task.clear_ibuf [dreg:s6], $0x5FFFF;
	_ =	strace $0x90000049  }
0xb2: {  	s29 =	simm.s32 $0x9;
	_ =	strace $0x8000004B  }
0xb3: {  	_ =	swait.ge [sflag:s29], $0x1  }
0xb4: {  	[sflag:s29] =	ssyncadd.s32 $0xFFFFFFFF  }
0xb5: {  	_ =	strace $0x9000004B  }
0xb6: {  	_ =	sfence  }
0xb7: {  	s30 =	sld [smem:$0x0];
	_ =	sdelay $0x2  }
0xb8: {  	s31 =	sshll.u32 s1, $0xD;
	s1 =	sshrl.u32 s1, $0x2  }
0xb9: {  	s3 =	sand.u32 $0x4000, s31;
	s1 =	sadd.s32 s1, s30  }
0xba: {  	s0 =	sor.u32 s3, s0;
	s1 =	sshll.u32 s1, $0x11  }
0xbb: {  	s0 =	sor.u32 s1, s0  }
0xbc: {  	s0 =	sadd.s32 $0x8F2B, s0  }
0xbd: {  	[sflag:s0] =	ssyncadd.remote.s32 $0x1  }
0xbe: {  	_ =	sfence.sel $0xFFFF  }
0xbf: {  	[dreg:$0x0] =	wrdreg $0xFFFFFFFF;
	(pc) =	sbr.abs _section_cstart, $3  }
0xc0: {  	[dreg:$0x1] =	wrdreg $0xFFFFFFFF  }
0xc1: {  	_ =	task.clear_ibuf [dreg:s6], $0x2FFFF;
	_ =	strace $0x9FFFFFFF  }
0xc2: {  	(tm) =	ssettm $0x7FFFFFFF  }
0xc3: {  	_ =	shalt  }
tec
execute0_lowered:
.L_overlay_start_1:
0x0: {  	(tag) =	ssettag $0x1  }
0x1: {  	s0 =	srdreg.scid  }
0x2: {  	s1 =	rddreg [dreg:$0x0];
	s9 =	stileid.u32  }
0x3: {  	s2 =	rddreg [dreg:$0x1];
	s17 =	simm.s32 $0x6;
	s18 =	simm.s32 $0x5000  }
0x4: {  	s19 =	simm.s32 $0x7D;
	s20 =	simm.s32 $0xA000;
	s28 =	simm.s32 $0xFDC0  }
0x5: {  	s29 =	simm.s32 $0x1;
	s30 =	simm.s32 $0x5;
	s6 =	smul.u32 $0xA00, s9  }
0x6: {  	s31 =	simm.s32 $0x2;
	s0 =	sand.u32 $0x1, s0;
	s7 =	smul.u32 $0x13C00, s9  }
0x7: {  	s3 =	sshll.u32 s0, $0x4;
	s22 =	sshll.u32 s0, $0x6;
	s0 =	ssub.s32 $0x2, s0  }
0x8: {  	s4 =	sor.u32 s9, s3;
	s3 =	simm.s32 $0x0;
	s9 =	smul.u32 $0x27800, s9  }
0x9: {  	s10 =	sadd.s32 s6, s1;
	s23 =	sshrl.u32 s0, $0x1;
	s5 =	smul.u32 $0xA00, s4  }
0xa: {  	[smem:$0x7FF] =	sst s3;
	s4 =	sadd.s32 $0x4600, s1;
	s0 =	ssub.s32 s0, s23  }
0xb: {  	s26 =	sadd.s32 $0x3FE00, s10;
	_ =	strace $0x8000004A;
	s24 =	sshrl.u32 s9, $0x2  }
0xc: {  	[dreg:$0x4] =	wrdreg s26;
	s16 =	smax.u32 s0, $0x1;
	s0 =	simm.s32 $0x4  }
0xd: {  	s26 =	simm.s32 $0x0;
	s8 =	sadd.s32 s5, s1;
	s5 =	sor.u32 s22, s7  }
0xe: {  	s22 =	simm.s32 $0xBF40;
	s7 =	simm.s32 $0x8;
	s5 =	sshrl.u32 s5, $0x3  }
0xf: {  	s25 =	sadd.s32 $0x2BE00, s8;
	s1 =	sadd.s32 s5, s1;
	s5 =	sadd.s32 s24, s2  }
0x10: {  	[dreg:$0x3] =	wrdreg s25;
	s24 =	simm.s32 $0xDE80;
	s25 =	simm.s32 $0x11D00  }
0x11: {  	s8 =	sadd.s32 $0x13C0, s5;
	s9 =	sadd.s32 $0x2780, s5;
	s10 =	sadd.s32 $0x3B40, s5  }
0x12: {  	s11 =	sadd.s32 $0x4F00, s5;
	s12 =	sadd.s32 $0x62C0, s5;
	s13 =	sadd.s32 $0x7680, s5  }
0x13: {  	v0 =	vimm.f32 $0.0e+00;
	s14 =	sadd.s32 $0x8A40, s5;
	s15 =	sadd.s32 $0x49E00, s1;
	s1 =	simm.s32 $0x3  }
.LBB2_1:
0x14: {  	s6 =	rddreg [dreg:$0x3]  }
0x15: {  	[tilespmem:s3], [sflag:$0x6] =	stream.linear.gather [hbm4b:s6+s3], $0x5000, $0x38;
	[tilespmem:$0x1CEC0] =	vst v63  }
0x16: {  	_ =	swait.ge [sflag:s17], $0x5000  }
0x17: {  	[sflag:s17] =	ssyncset.done $0x0  }
0x18: {  	s23 =	rddreg [dreg:$0x4];
	[sflag:s17] =	ssyncadd.s32 $0xFFFFB000  }
0x19: {  	[tilespmem:s18], [sflag:$0x6] =	stream.linear.gather [hbm4b:s23+s3], $0x5000, $0x38;
	[tilespmem:$0x1CEC0] =	vst v63  }
0x1a: {  	_ =	swait.ge [sflag:s17], $0x5000  }
0x1b: {  	[sflag:s17] =	ssyncset.done $0x0  }
0x1c: {  	[sflag:s17] =	ssyncadd.s32 $0xFFFFB000  }
0x1d: {  	[tilespmem:s20], [sflag:$0x1] =	stream.indirect.gather [hbm4b:s4+s19], $0x40, s3, s19, $0xb8;
	[tilespmem:$0x1CEC0] =	vst v63  }
0x1e: {  	s21 =	simm.s32 $0x80  }
0x1f: {  	[tilespmem:s22], [sflag:$0x2] =	stream.indirect.gather [hbm4b:s4+s19], $0x40, s21, s19, $0xb8;
	[tilespmem:$0x1CEC0] =	vst v63  }
0x20: {  	s23 =	simm.s32 $0x100  }
0x21: {  	[tilespmem:s24], [sflag:$0x3] =	stream.indirect.gather [hbm4b:s4+s19], $0x40, s23, s19, $0xb8;
	[tilespmem:$0x1CEC0] =	vst v63  }
0x22: {  	s21 =	simm.s32 $0x0;
	s23 =	simm.s32 $0x100  }
.LBB2_2:
0x23: {  	p0 =	sne.s32 s23, $0x4E00;
	[tilespmem:s21+$0x11D30] =	vst v0;
	s6 =	smov.u32 s23;
	s23 =	sadd.s32 $0x100, s23  }
.Ltmp0:
0x24: {  	[tilespmem:s21+$0x11D20] =	vst v0;
	(pc) =	sbr.rel @p0 .LBB2_2-.Ltmp0, $3  }
0x25: {  	[tilespmem:s21+$0x11D00] =	vst v0  }
0x26: {  	[tilespmem:s21+$0x11D10] =	vst v0;
	_ =	sdelay $0x1  }
0x27: {  	s21 =	sshra.s32 s6, $0x2  }
0x28: {  	[tilespmem:s21+$0x11D30] =	vst v0  }
0x29: {  	[tilespmem:s21+$0x11D20] =	vst v0  }
0x2a: {  	[tilespmem:s21+$0x11D00] =	vst v0  }
0x2b: {  	[tilespmem:s21+$0x11D10] =	vst v0  }
0x2c: {  	[spmem:s5] =	stream.linear.scatter [tilespmem:s25], [sflag:$0x6], $0x13C0, $0x38;
	[tilespmem:$0x1CEC0] =	vst v63  }
0x2d: {  	_ =	swait.ge [sflag:s17], $0x13C0  }
0x2e: {  	[sflag:s17] =	ssyncset.done $0x0  }
0x2f: {  	[sflag:s17] =	ssyncadd.s32 $0xFFFFEC40  }
0x30: {  	[spmem:s8] =	stream.linear.scatter [tilespmem:s25], [sflag:$0x6], $0x13C0, $0x38;
	[tilespmem:$0x1CEC0] =	vst v63  }
0x31: {  	_ =	swait.ge [sflag:s17], $0x13C0  }
0x32: {  	[sflag:s17] =	ssyncset.done $0x0  }
0x33: {  	[sflag:s17] =	ssyncadd.s32 $0xFFFFEC40  }
0x34: {  	[spmem:s9] =	stream.linear.scatter [tilespmem:s25], [sflag:$0x6], $0x13C0, $0x38;
	[tilespmem:$0x1CEC0] =	vst v63  }
0x35: {  	_ =	swait.ge [sflag:s17], $0x13C0  }
0x36: {  	[sflag:s17] =	ssyncset.done $0x0  }
0x37: {  	[sflag:s17] =	ssyncadd.s32 $0xFFFFEC40  }
0x38: {  	[spmem:s10] =	stream.linear.scatter [tilespmem:s25], [sflag:$0x6], $0x13C0, $0x38;
	[tilespmem:$0x1CEC0] =	vst v63  }
0x39: {  	_ =	swait.ge [sflag:s17], $0x13C0  }
0x3a: {  	[sflag:s17] =	ssyncset.done $0x0  }
0x3b: {  	[sflag:s17] =	ssyncadd.s32 $0xFFFFEC40  }
0x3c: {  	[spmem:s11] =	stream.linear.scatter [tilespmem:s25], [sflag:$0x6], $0x13C0, $0x38;
	[tilespmem:$0x1CEC0] =	vst v63  }
0x3d: {  	_ =	swait.ge [sflag:s17], $0x13C0  }
0x3e: {  	[sflag:s17] =	ssyncset.done $0x0  }
0x3f: {  	[sflag:s17] =	ssyncadd.s32 $0xFFFFEC40  }
0x40: {  	[spmem:s12] =	stream.linear.scatter [tilespmem:s25], [sflag:$0x6], $0x13C0, $0x38;
	[tilespmem:$0x1CEC0] =	vst v63  }
0x41: {  	_ =	swait.ge [sflag:s17], $0x13C0  }
0x42: {  	[sflag:s17] =	ssyncset.done $0x0  }
0x43: {  	[sflag:s17] =	ssyncadd.s32 $0xFFFFEC40  }
0x44: {  	[spmem:s13] =	stream.linear.scatter [tilespmem:s25], [sflag:$0x6], $0x13C0, $0x38;
	[tilespmem:$0x1CEC0] =	vst v63  }
0x45: {  	_ =	swait.ge [sflag:s17], $0x13C0  }
0x46: {  	[sflag:s17] =	ssyncset.done $0x0  }
0x47: {  	[sflag:s17] =	ssyncadd.s32 $0xFFFFEC40  }
0x48: {  	[spmem:s14] =	stream.linear.scatter [tilespmem:s25], [sflag:$0x6], $0x13C0, $0x38;
	[tilespmem:$0x1CEC0] =	vst v63  }
0x49: {  	_ =	swait.ge [sflag:s17], $0x13C0  }
0x4a: {  	[sflag:s17] =	ssyncset.done $0x0  }
0x4b: {  	[sflag:s17] =	ssyncadd.s32 $0xFFFFEC40  }
0x4c: {  	s6 =	simm.s32 $0x180;
	[bflag:$0x0] =	sbarrier.arrive $0xFFFF  }
0x4d: {  	[tilespmem:s28], [sflag:$0x4] =	stream.indirect.gather [hbm4b:s4+s19], $0x40, s6, s19, $0xb8;
	[tilespmem:$0x1CEC0] =	vst v63  }
0x4e: {  	_ =	swait.ge [sflag:s29], $0x1F40  }
0x4f: {  	[sflag:s29] =	ssyncset.done $0x0  }
0x50: {  	[sflag:s29] =	ssyncadd.s32 $0xFFFFE0C0  }
0x51: {  	[spmem:s2] =	stream.indirect.scatter.add.f32 [tilespmem:s20], [sflag:$0x5], $0x40, s18, s19, $0xb8;
	[tilespmem:$0x1CEC0] =	vst v63  }
0x52: {  	_ =	swait.ge [sflag:s30], $0x1F40  }
0x53: {  	[sflag:s30] =	ssyncset.done $0x0  }
0x54: {  	s23 =	simm.s32 $0x200;
	[sflag:s30] =	ssyncadd.s32 $0xFFFFE0C0  }
0x55: {  	[tilespmem:s20], [sflag:$0x1] =	stream.indirect.gather [hbm4b:s4+s19], $0x40, s23, s19, $0xb8;
	[tilespmem:$0x1CEC0] =	vst v63  }
0x56: {  	_ =	swait.ge [sflag:s31], $0x1F40  }
0x57: {  	[sflag:s31] =	ssyncset.done $0x0  }
0x58: {  	s21 =	simm.s32 $0x5080;
	[sflag:s31] =	ssyncadd.s32 $0xFFFFE0C0  }
0x59: {  	[spmem:s2] =	stream.indirect.scatter.add.f32 [tilespmem:s22], [sflag:$0x5], $0x40, s21, s19, $0xb8;
	[tilespmem:$0x1CEC0] =	vst v63  }
0x5a: {  	_ =	swait.ge [sflag:s30], $0x1F40  }
0x5b: {  	[sflag:s30] =	ssyncset.done $0x0  }
0x5c: {  	s23 =	simm.s32 $0x280;
	[sflag:s30] =	ssyncadd.s32 $0xFFFFE0C0  }
0x5d: {  	[tilespmem:s22], [sflag:$0x2] =	stream.indirect.gather [hbm4b:s4+s19], $0x40, s23, s19, $0xb8;
	[tilespmem:$0x1CEC0] =	vst v63  }
0x5e: {  	_ =	swait.ge [sflag:s1], $0x1F40  }
0x5f: {  	[sflag:s1] =	ssyncset.done $0x0  }
0x60: {  	s21 =	simm.s32 $0x5100;
	[sflag:s1] =	ssyncadd.s32 $0xFFFFE0C0  }
0x61: {  	[spmem:s2] =	stream.indirect.scatter.add.f32 [tilespmem:s24], [sflag:$0x5], $0x40, s21, s19, $0xb8;
	[tilespmem:$0x1CEC0] =	vst v63  }
0x62: {  	_ =	swait.ge [sflag:s30], $0x1F40  }
0x63: {  	[sflag:s30] =	ssyncset.done $0x0  }
0x64: {  	s23 =	simm.s32 $0x300;
	[sflag:s30] =	ssyncadd.s32 $0xFFFFE0C0  }
0x65: {  	[tilespmem:s24], [sflag:$0x3] =	stream.indirect.gather [hbm4b:s4+s19], $0x40, s23, s19, $0xb8;
	[tilespmem:$0x1CEC0] =	vst v63  }
0x66: {  	_ =	swait.ge [sflag:s0], $0x1F40  }
0x67: {  	[sflag:s0] =	ssyncset.done $0x0  }
0x68: {  	s21 =	simm.s32 $0x5180;
	[sflag:s0] =	ssyncadd.s32 $0xFFFFE0C0  }
0x69: {  	[spmem:s2] =	stream.indirect.scatter.add.f32 [tilespmem:s28], [sflag:$0x5], $0x40, s21, s19, $0xb8;
	[tilespmem:$0x1CEC0] =	vst v63  }
0x6a: {  	_ =	swait.ge [sflag:s30], $0x1F40  }
0x6b: {  	[sflag:s30] =	ssyncset.done $0x0  }
0x6c: {  	s23 =	simm.s32 $0x380;
	[sflag:s30] =	ssyncadd.s32 $0xFFFFE0C0  }
0x6d: {  	[tilespmem:s28], [sflag:$0x4] =	stream.indirect.gather [hbm4b:s4+s19], $0x40, s23, s19, $0xb8;
	[tilespmem:$0x1CEC0] =	vst v63  }
0x6e: {  	_ =	swait.ge [sflag:s29], $0x1F40  }
0x6f: {  	[sflag:s29] =	ssyncset.done $0x0  }
0x70: {  	s21 =	simm.s32 $0x800;
	s23 =	simm.s32 $0x5200;
	[sflag:s29] =	ssyncadd.s32 $0xFFFFE0C0  }
.LBB2_4:
0x71: {  	[spmem:s2] =	stream.indirect.scatter.add.f32 [tilespmem:s20], [sflag:$0x5], $0x40, s23, s19, $0xb8;
	[tilespmem:$0x1CEC0] =	vst v63  }
0x72: {  	s6 =	smov.u32 s21  }
0x73: {  	p0 =	sne.s32 s21, $0x13000;
	s21 =	sadd.s32 $0x800, s21;
	_ =	swait.ge [sflag:s30], $0x1F40  }
0x74: {  	s23 =	sshra.s32 s6, $0x2;
	[sflag:s30] =	ssyncset.done $0x0  }
0x75: {  	s6 =	sadd.s32 $0x200, s23;
	[sflag:s30] =	ssyncadd.s32 $0xFFFFE0C0  }
0x76: {  	[tilespmem:s20], [sflag:$0x1] =	stream.indirect.gather [hbm4b:s4+s19], $0x40, s6, s19, $0xb8;
	[tilespmem:$0x1CEC0] =	vst v63  }
0x77: {  	_ =	swait.ge [sflag:s31], $0x1F40  }
0x78: {  	[sflag:s31] =	ssyncset.done $0x0  }
0x79: {  	s6 =	sadd.s32 $0x5080, s23;
	[sflag:s31] =	ssyncadd.s32 $0xFFFFE0C0  }
0x7a: {  	[spmem:s2] =	stream.indirect.scatter.add.f32 [tilespmem:s22], [sflag:$0x5], $0x40, s6, s19, $0xb8;
	[tilespmem:$0x1CEC0] =	vst v63  }
0x7b: {  	_ =	swait.ge [sflag:s30], $0x1F40  }
0x7c: {  	[sflag:s30] =	ssyncset.done $0x0  }
0x7d: {  	s6 =	sadd.s32 $0x280, s23;
	[sflag:s30] =	ssyncadd.s32 $0xFFFFE0C0  }
0x7e: {  	[tilespmem:s22], [sflag:$0x2] =	stream.indirect.gather [hbm4b:s4+s19], $0x40, s6, s19, $0xb8;
	[tilespmem:$0x1CEC0] =	vst v63  }
0x7f: {  	_ =	swait.ge [sflag:s1], $0x1F40  }
0x80: {  	[sflag:s1] =	ssyncset.done $0x0  }
0x81: {  	s6 =	sadd.s32 $0x5100, s23;
	[sflag:s1] =	ssyncadd.s32 $0xFFFFE0C0  }
0x82: {  	[spmem:s2] =	stream.indirect.scatter.add.f32 [tilespmem:s24], [sflag:$0x5], $0x40, s6, s19, $0xb8;
	[tilespmem:$0x1CEC0] =	vst v63  }
0x83: {  	_ =	swait.ge [sflag:s30], $0x1F40  }
0x84: {  	[sflag:s30] =	ssyncset.done $0x0  }
0x85: {  	s6 =	sadd.s32 $0x300, s23;
	[sflag:s30] =	ssyncadd.s32 $0xFFFFE0C0  }
0x86: {  	[tilespmem:s24], [sflag:$0x3] =	stream.indirect.gather [hbm4b:s4+s19], $0x40, s6, s19, $0xb8;
	[tilespmem:$0x1CEC0] =	vst v63  }
0x87: {  	_ =	swait.ge [sflag:s0], $0x1F40  }
0x88: {  	[sflag:s0] =	ssyncset.done $0x0  }
0x89: {  	s6 =	sadd.s32 $0x5180, s23;
	[sflag:s0] =	ssyncadd.s32 $0xFFFFE0C0  }
0x8a: {  	[spmem:s2] =	stream.indirect.scatter.add.f32 [tilespmem:s28], [sflag:$0x5], $0x40, s6, s19, $0xb8;
	[tilespmem:$0x1CEC0] =	vst v63  }
0x8b: {  	_ =	swait.ge [sflag:s30], $0x1F40  }
0x8c: {  	[sflag:s30] =	ssyncset.done $0x0  }
.Ltmp1:
0x8d: {  	s6 =	sadd.s32 $0x380, s23;
	[sflag:s30] =	ssyncadd.s32 $0xFFFFE0C0;
	(pc) =	sbr.rel @p0 .LBB2_4-.Ltmp1, $4  }
0x8e: {  	[tilespmem:s28], [sflag:$0x4] =	stream.indirect.gather [hbm4b:s4+s19], $0x40, s6, s19, $0xb8;
	[tilespmem:$0x1CEC0] =	vst v63  }
0x8f: {  	_ =	swait.ge [sflag:s29], $0x1F40  }
0x90: {  	[sflag:s29] =	ssyncset.done $0x0  }
0x91: {  	s23 =	sadd.s32 $0x5200, s23;
	[sflag:s29] =	ssyncadd.s32 $0xFFFFE0C0  }
0x92: {  	[spmem:s2] =	stream.indirect.scatter.add.f32 [tilespmem:s20], [sflag:$0x5], $0x40, s23, s19, $0xb8;
	[tilespmem:$0x1CEC0] =	vst v63  }
0x93: {  	_ =	swait.ge [sflag:s30], $0x1F40  }
0x94: {  	[sflag:s30] =	ssyncset.done $0x0  }
0x95: {  	[sflag:s30] =	ssyncadd.s32 $0xFFFFE0C0  }
0x96: {  	_ =	swait.ge [sflag:s31], $0x1F40  }
0x97: {  	[sflag:s31] =	ssyncset.done $0x0  }
0x98: {  	s6 =	simm.s32 $0x9E80;
	[sflag:s31] =	ssyncadd.s32 $0xFFFFE0C0  }
0x99: {  	[spmem:s2] =	stream.indirect.scatter.add.f32 [tilespmem:s22], [sflag:$0x5], $0x40, s6, s19, $0xb8;
	[tilespmem:$0x1CEC0] =	vst v63  }
0x9a: {  	_ =	swait.ge [sflag:s30], $0x1F40  }
0x9b: {  	[sflag:s30] =	ssyncset.done $0x0  }
0x9c: {  	[sflag:s30] =	ssyncadd.s32 $0xFFFFE0C0  }
0x9d: {  	_ =	swait.ge [sflag:s1], $0x1F40  }
0x9e: {  	[sflag:s1] =	ssyncset.done $0x0  }
0x9f: {  	s23 =	simm.s32 $0x9F00;
	[sflag:s1] =	ssyncadd.s32 $0xFFFFE0C0  }
0xa0: {  	[spmem:s2] =	stream.indirect.scatter.add.f32 [tilespmem:s24], [sflag:$0x5], $0x40, s23, s19, $0xb8;
	[tilespmem:$0x1CEC0] =	vst v63  }
0xa1: {  	_ =	swait.ge [sflag:s30], $0x1F40  }
0xa2: {  	[sflag:s30] =	ssyncset.done $0x0  }
0xa3: {  	[sflag:s30] =	ssyncadd.s32 $0xFFFFE0C0  }
0xa4: {  	_ =	swait.ge [sflag:s0], $0x1F40  }
0xa5: {  	[sflag:s0] =	ssyncset.done $0x0  }
0xa6: {  	s21 =	simm.s32 $0x9F80;
	[sflag:s0] =	ssyncadd.s32 $0xFFFFE0C0  }
0xa7: {  	[spmem:s2] =	stream.indirect.scatter.add.f32 [tilespmem:s28], [sflag:$0x5], $0x40, s21, s19, $0xb8;
	[tilespmem:$0x1CEC0] =	vst v63  }
0xa8: {  	s26 =	sadd.s32 $0x1, s26;
	s23 =	stileid.u32;
	_ =	swait.ge [sflag:s30], $0x1F40  }
0xa9: {  	p0 =	sne.s32 s26, s16;
	s6 =	sshll.u32 s23, $0x6;
	[sflag:s30] =	ssyncset.done $0x0  }
0xaa: {  	s23 =	simm.s32 $0x10;
	s6 =	sor.u32 $0x1C06, s6;
	[sflag:s30] =	ssyncadd.s32 $0xFFFFE0C0  }
.Ltmp2:
0xab: {  	s21 =	sshrl.u32 s5, $0x3;
	[bflag:$0x0] =	sbarrier.arrive $0xFFFF;
	(pc) =	sbr.rel @p0 .LBB2_1-.Ltmp2, $4  }
0xac: {  	[hbm:s15@s23], [sflag:s6] =	dma.strided [spmem:s21@s7], $0x13C0, s29, $0x8   }
0xad: {  	_ =	swait.ge [sflag:s17], $0x13C0  }
0xae: {  	[sflag:s17] =	ssyncset.done $0x0  }
0xaf: {  	[sflag:s17] =	ssyncadd.s32 $0xFFFFEC40  }
0xb0: {  	_ =	sfence.sel $0x180000  }
0xb1: {  	[bflag:$0x0] =	sbarrier.arrive $0xFFFF  }
0xb2: {  	_ =	strace $0x9000004A  }
0xb3: {  	s0 =	stileid.u32;
	[bflag:$0x2] =	sbarrier.arrive $0xFFFF  }
0xb4: {  	p0 =	sne.s32 s0, $0x0;
	s0 =	rddreg [dreg:$0x2]  }
0xb5: {  	s0 =	sadd.s32 @!p0 $0x100000, s0  }
0xb6: {  	[sflag:s0] =	ssyncadd.tile.s32 @!p0 $0x1;
	_ =	shalt  }
.Lfunc_end2:
_tile_overlayer_lowered:
.L_overlay_start_2:
0xb7: {  	(tag) =	ssettag $0x2  }
0xb8: {  	s0 =	rddreg [dreg:$0x0];
	s2 =	stileid.u32  }
0xb9: {  	s1 =	rddreg [dreg:$0x1];
	p0 =	sne.s32 s2, $0x0  }
0xba: {  	s3 =	rddreg [dreg:$0x2];
	[bflag:$0x3] =	sbarrier.arrive $0xFFFF;
	s2 =	simm.s32 @!p0 $0x1C06  }
0xbb: {  	[timem:s3], [sflag:s2] =	dma.local @!p0 [hbm:s0], s1  }
0xbc: {  	s0 =	simm.s32 @!p0 $0x6  }
0xbd: {  	_ =	swait.ge @!p0 [sflag:s0], s1  }
0xbe: {  	s1 =	ssub.s32 @!p0 $0x0, s1;
	[sflag:s0] =	ssyncset.done @!p0 $0x0  }
0xbf: {  	[sflag:s0] =	ssyncadd.s32 @!p0 s1  }
0xc0: {  	[bflag:$0x3] =	sbarrier.arrive $0xFFFF  }
0xc1: {  	_ =	shalt  }

// kernel: sc_segsum.8.cloned.1.call-start
scs
__scs_entry_jumppad:
0x0: {  	(pc) =	sbr.rel $0x88, $3  }
0x1: {  	(tag) =	ssettag $0x0;
	lr =	simm.s32 $0x1  }
0x2: {  	[smem:$0x3F97] =	sst lr;
	_ =	strace $0xD0000000  }
0x3: {  	_ = 	snop  }
0x4: {  	_ = 	snop  }
0x5: {  	_ = 	snop  }
0x6: {  	_ = 	snop  }
0x7: {  	_ = 	snop  }
__scs_overlays_trampoline_lowered:
0x8: {  	[smem:$0x3FA6] =	sst s0  }
0x9: {  	[smem:$0x3FA7] =	sst s1  }
0xa: {  	[smem:$0x3FA8] =	sst s2  }
0xb: {  	[smem:$0x3FA9] =	sst s3  }
0xc: {  	[smem:$0x3FAA] =	sst s4  }
0xd: {  	[smem:$0x3FAB] =	sst s5  }
0xe: {  	[smem:$0x3FAC] =	sst s6  }
0xf: {  	[smem:$0x3FAD] =	sst s7  }
0x10: {  	[smem:$0x3FAE] =	sst s8  }
0x11: {  	[smem:$0x3FAF] =	sst s9;
	s0 =	simm.s32 @!p0 $0x0  }
0x12: {  	s1 =	sld [smem:$0x3F95];
	s0 =	simm.s32 @p0 $0x1  }
0x13: {  	[smem:$0x3FB0] =	sst s0;
	s0 =	simm.s32 @!p1 $0x0  }
0x14: {  	s2 =	sld [smem:$0x3F94];
	s0 =	simm.s32 @p1 $0x1  }
0x15: {  	[smem:$0x3FB1] =	sst s0;
	s0 =	simm.s32 @!p2 $0x0  }
0x16: {  	s3 =	sld [smem:$0x3FDB];
	s0 =	simm.s32 @p2 $0x1  }
0x17: {  	s4 =	simm.s32 $0x1BF5;
	[smem:$0x3FB3] =	sst s0  }
0x18: {  	s0 =	sld [smem:$0x3F96];
	_ =	swait.ge [sflag:s4], $0x0  }
0x19: {  	s7 =	sld [smem:$0x3F97]  }
0x1a: {  	s8 =	sadd.s32 $0xFFFFE003, lr  }
0x1b: {  	s9 =	sadd.s32 $0xFFFFFEF7, lr;
	s5 =	simm.s32 $0xFFFFFFFF;
	p2 =	slt.u32 s8, $0xFFFFF086  }
0x1c: {  	p1 =	slt.u32 s9, $0xF7A;
	s5 =	simm.s32 @!p2 $0x0  }
0x1d: {  	s5 =	simm.s32 @p1 $0x1;
	p0 =	seq.s32 s7, s2  }
0x1e: {  	s7 =	smul.u32 @!p0 $0xF7A, s2;
	p2 =	seq.s32 @!p0 s5, $0x0  }
0x1f: {  	s9 =	smul.u32 $0xF7A, s1;
	s8 =	simm.s32 @!p0 $0x1BF5;
	p2 =	por !p2, p0  }
0x20: {  	[sflag:s8] =	ssyncset.s32 @!p0 $0xFFFFF086;
	s6 =	sadd.s32 @!p0 s3, s7;
	s7 =	simm.s32 @!p0 $0x108  }
0x21: {  	s3 =	sadd.s32 s3, s9;
	s6 =	sadd.s32 @!p0 $0x88, s6;
	s7 =	simm.s32 @p2 $0x1082  }
0x22: {  	[simem:s7], [sflag:s8] =	dma.local @!p0 [hbm:s6], $0xF7A  }
0x23: {  	s9 =	sor.u32 $0xD0000000, s2;
	s6 =	simm.s32 $0x108;
	_ =	swait.ge @!p0 [sflag:s8], $0x0  }
0x24: {  	s3 =	sadd.s32 $0x88, s3;
	s6 =	simm.s32 @!p1 $0x1082;
	[sflag:s4] =	ssyncset.s32 $0xFFFFF086  }
0x25: {  	[simem:s6], [sflag:s4] =	dma.local [hbm:s3], $0xF7A  }
0x26: {  	[smem:$0x3F97] =	sst s1;
	(tag) =	ssettag s2;
	_ =	strace s9  }
0x27: {  	s1 =	sld [smem:$0x3FA7]  }
0x28: {  	s2 =	sld [smem:$0x3FA8]  }
0x29: {  	s4 =	sld [smem:$0x3FAA]  }
0x2a: {  	p0 =	seq.s32 s5, $0x0;
	s5 =	sld [smem:$0x3FAB]  }
0x2b: {  	s6 =	sld [smem:$0x3FAC]  }
0x2c: {  	s7 =	sld [smem:$0x3FAD]  }
0x2d: {  	s3 =	simm.s32 $0x108;
	s8 =	sld [smem:$0x3FAE]  }
0x2e: {  	s3 =	simm.s32 @!p0 $0x1082;
	s9 =	sld [smem:$0x3FAF]  }
0x2f: {  	lr =	sadd.s32 s0, s3;
	s0 =	sld [smem:$0x3FA6]  }
0x30: {  	s3 =	sld [smem:$0x3FA9]  }
0x31: {  	[smem:$0x3FB2] =	sst s10  }
0x32: {  	s10 =	sld [smem:$0x3FB0];
	_ =	sdelay $0x3  }
0x33: {  	p0 =	seq.s32 s10, $0x1;
	s10 =	sld [smem:$0x3FB2];
	_ =	sdelay $0x3  }
0x34: {  	[smem:$0x3FB2] =	sst s10  }
0x35: {  	s10 =	sld [smem:$0x3FB1];
	_ =	sdelay $0x3  }
0x36: {  	p1 =	seq.s32 s10, $0x1;
	s10 =	sld [smem:$0x3FB2];
	_ =	sdelay $0x3  }
0x37: {  	[smem:$0x3FB2] =	sst s10  }
0x38: {  	s10 =	sld [smem:$0x3FB3]  }
0x39: {  	_ = 	snop;
	(pc) =	sbr.ind lr, $3  }
0x3a: {  	_ = 	snop  }
0x3b: {  	_ = 	snop  }
0x3c: {  	p2 =	seq.s32 s10, $0x1;
	s10 =	sld [smem:$0x3FB2]  }
0x3d: {  	_ =	shalt  }
0x3e: {  	_ =	shalt  }
0x3f: {  	_ =	shalt  }
0x40: {  	_ =	shalt  }
0x41: {  	_ =	shalt  }
0x42: {  	_ =	shalt  }
0x43: {  	_ =	shalt  }
0x44: {  	_ =	shalt  }
0x45: {  	_ =	shalt  }
0x46: {  	_ =	shalt  }
0x47: {  	_ =	shalt  }
0x48: {  	_ =	shalt  }
0x49: {  	_ =	shalt  }
0x4a: {  	_ =	shalt  }
0x4b: {  	_ =	shalt  }
0x4c: {  	_ =	shalt  }
0x4d: {  	_ =	shalt  }
0x4e: {  	_ =	shalt  }
0x4f: {  	_ =	shalt  }
0x50: {  	_ =	shalt  }
0x51: {  	_ =	shalt  }
0x52: {  	_ =	shalt  }
0x53: {  	_ =	shalt  }
0x54: {  	_ =	shalt  }
0x55: {  	_ =	shalt  }
0x56: {  	_ =	shalt  }
0x57: {  	_ =	shalt  }
0x58: {  	_ =	shalt  }
0x59: {  	_ =	shalt  }
0x5a: {  	_ =	shalt  }
0x5b: {  	_ =	shalt  }
0x5c: {  	_ =	shalt  }
0x5d: {  	_ =	shalt  }
0x5e: {  	_ =	shalt  }
0x5f: {  	_ =	shalt  }
0x60: {  	_ =	shalt  }
0x61: {  	_ =	shalt  }
0x62: {  	_ =	shalt  }
0x63: {  	_ =	shalt  }
0x64: {  	_ =	shalt  }
0x65: {  	_ =	shalt  }
0x66: {  	_ =	shalt  }
0x67: {  	_ =	shalt  }
0x68: {  	_ =	shalt  }
0x69: {  	_ =	shalt  }
0x6a: {  	_ =	shalt  }
0x6b: {  	_ =	shalt  }
0x6c: {  	_ =	shalt  }
0x6d: {  	_ =	shalt  }
0x6e: {  	_ =	shalt  }
0x6f: {  	_ =	shalt  }
0x70: {  	_ =	shalt  }
0x71: {  	_ =	shalt  }
0x72: {  	_ =	shalt  }
0x73: {  	_ =	shalt  }
0x74: {  	_ =	shalt  }
0x75: {  	_ =	shalt  }
0x76: {  	_ =	shalt  }
0x77: {  	_ =	shalt  }
0x78: {  	_ =	shalt  }
0x79: {  	_ =	shalt  }
0x7a: {  	_ =	shalt  }
0x7b: {  	_ =	shalt  }
0x7c: {  	_ =	shalt  }
0x7d: {  	_ =	shalt  }
0x7e: {  	_ =	shalt  }
0x7f: {  	_ =	shalt  }
0x80: {  	_ =	shalt  }
0x81: {  	_ =	shalt  }
0x82: {  	_ =	shalt  }
0x83: {  	_ =	shalt  }
0x84: {  	_ =	shalt  }
0x85: {  	_ =	shalt  }
0x86: {  	_ =	shalt  }
0x87: {  	_ =	shalt  }
.Lfunc_end0:
.L_simem_size_0:
called_computation.2_lowered:
.L_overlay_start_0:
0x88: {  	s2 =	sld [smem:$0x3FD9]  }
0x89: {  	s3 =	sld [smem:$0x3FFE];
	_ =	sdelay $0x1  }
0x8a: {  	s1 =	srdreg.scid  }
0x8b: {  	s0 =	sand.u32 $0x1, s1  }
0x8c: {  	s16 =	sshll.u32 s0, $0xA;
	s2 =	sadd.s32 s3, s2  }
0x8d: {  	s2 =	sadd.s32 s2, s16  }
0x8e: {  	[smem:$0x3FBE] =	sst s2  }
0x8f: {  	_ = 	snop  }
0x90: {  	(tm) =	ssettm $0x1  }
0x91: {  	s17 =	sld [smem:$0x3FFB];
	_ =	sdelay $0x3  }
0x92: {  	_ =	strace s17  }
0x93: {  	s2 =	sld [smem:$0x3FFC];
	_ =	sdelay $0x3  }
0x94: {  	_ =	strace s2  }
0x95: {  	s2 =	sld [smem:$0x3FFD];
	_ =	sdelay $0x3  }
0x96: {  	_ =	strace s2  }
0x97: {  	_ =	strace $0x8FFFFFFF  }
0x98: {  	s18 =	sld [smem:$0x3FDB];
	_ =	sdelay $0x1  }
0x99: {  	s19 =	simm.s32 $_scs_section_size  }
0x9a: {  	s4 =	simm.s32 $_size__tile_overlayer_lowered;
	s5 =	simm.s32 $_tile_overlayer_lowered  }
0x9b: {  	s22 =	simm.s32 $0x1BFF;
	s21 =	sshll.u32 s5, $0x1;
	s2 =	sadd.s32 s19, s18  }
0x9c: {  	s6 =	simm.s32 $0x0;
	s20 =	sshll.u32 s4, $0x1;
	s4 =	sadd.s32 s21, s2  }
0x9d: {  	[timem:s6], [sflag:s22] =	dma.local [hbm:s4], s20  }
0x9e: {  	_ =	swait.ge [sflag:s22], s20  }
0x9f: {  	s3 =	ssub.s32 $0x0, s20;
	[sflag:s22] =	ssyncset.done $0x0  }
0xa0: {  	[sflag:s22] =	ssyncadd.s32 s3;
	_ =	sdelay $0x1  }
0xa1: {  	s23 =	simm.s32 $0x1B8B  }
0xa2: {  	_ =	swait.ge [sflag:s23], $0x1  }
0xa3: {  	[sflag:s23] =	ssyncset.done $0x0  }
0xa4: {  	s25 =	simm.s32 $0x1B8E;
	s24 =	sld [smem:$0x3FFE];
	[sflag:s23] =	ssyncadd.s32 $0xFFFFFFFF  }
0xa5: {  	s26 =	simm.s32 $execute0_lowered;
	[smem:$0x3FD2] =	sst s25  }
0xa6: {  	s4 =	sshll.u32 s26, $0x1;
	_ =	strace $0x8000004C;
	[dreg:$0x1] =	wrdreg $0xFFFFFFFF  }
0xa7: {  	s28 =	simm.s32 $_size_execute0_lowered;
	s2 =	sadd.s32 s2, s4;
	[dreg:$0x0] =	wrdreg $0x0  }
0xa8: {  	s4 =	sshll.u32 s28, $0x1;
	[dreg:$0x2] =	wrdreg s2  }
0xa9: {  	[dreg:$0x3] =	wrdreg s4  }
0xaa: {  	[dreg:$0x4] =	wrdreg $0xC0  }
0xab: {  	_ =	task [dreg:s6], $0x5FFFF  }
0xac: {  	[dreg:$0x1] =	wrdreg $0xFFFFFFFF  }
0xad: {  	[dreg:$0x0] =	wrdreg $0x60  }
0xae: {  	[dreg:$0x2] =	wrdreg s24  }
0xaf: {  	[dreg:$0x3] =	wrdreg $0x130C00  }
0xb0: {  	[dreg:$0x4] =	wrdreg $0x9  }
0xb1: {  	_ =	task.clear_ibuf [dreg:s6], $0x5FFFF;
	_ =	strace $0x9000004C  }
0xb2: {  	s29 =	simm.s32 $0x9;
	_ =	strace $0x8000004E  }
0xb3: {  	_ =	swait.ge [sflag:s29], $0x1  }
0xb4: {  	[sflag:s29] =	ssyncadd.s32 $0xFFFFFFFF  }
0xb5: {  	_ =	strace $0x9000004E  }
0xb6: {  	_ =	sfence  }
0xb7: {  	s30 =	sld [smem:$0x0];
	_ =	sdelay $0x2  }
0xb8: {  	s31 =	sshll.u32 s1, $0xD;
	s1 =	sshrl.u32 s1, $0x2  }
0xb9: {  	s3 =	sand.u32 $0x4000, s31;
	s1 =	sadd.s32 s1, s30  }
0xba: {  	s0 =	sor.u32 s3, s0;
	s1 =	sshll.u32 s1, $0x11  }
0xbb: {  	s0 =	sor.u32 s1, s0  }
0xbc: {  	s0 =	sadd.s32 $0x8F2B, s0  }
0xbd: {  	[sflag:s0] =	ssyncadd.remote.s32 $0x1  }
0xbe: {  	_ =	sfence.sel $0xFFFF  }
0xbf: {  	[dreg:$0x0] =	wrdreg $0xFFFFFFFF;
	(pc) =	sbr.abs _section_cstart, $3  }
0xc0: {  	[dreg:$0x1] =	wrdreg $0xFFFFFFFF  }
0xc1: {  	_ =	task.clear_ibuf [dreg:s6], $0x2FFFF;
	_ =	strace $0x9FFFFFFF  }
0xc2: {  	(tm) =	ssettm $0x7FFFFFFF  }
0xc3: {  	_ =	shalt  }
tec
execute0_lowered:
.L_overlay_start_1:
0x0: {  	(tag) =	ssettag $0x1  }
0x1: {  	s0 =	srdreg.scid  }
0x2: {  	s1 =	rddreg [dreg:$0x0];
	s9 =	stileid.u32  }
0x3: {  	s2 =	rddreg [dreg:$0x1];
	s17 =	simm.s32 $0x6;
	s18 =	simm.s32 $0x5000  }
0x4: {  	s19 =	simm.s32 $0x7D;
	s20 =	simm.s32 $0xA000;
	s28 =	simm.s32 $0xFDC0  }
0x5: {  	s29 =	simm.s32 $0x1;
	s30 =	simm.s32 $0x5;
	s6 =	smul.u32 $0xA00, s9  }
0x6: {  	s31 =	simm.s32 $0x2;
	s0 =	sand.u32 $0x1, s0;
	s7 =	smul.u32 $0x13C00, s9  }
0x7: {  	s3 =	sshll.u32 s0, $0x4;
	s22 =	sshll.u32 s0, $0x6;
	s0 =	ssub.s32 $0x2, s0  }
0x8: {  	s4 =	sor.u32 s9, s3;
	s3 =	simm.s32 $0x0;
	s9 =	smul.u32 $0x27800, s9  }
0x9: {  	s10 =	sadd.s32 s6, s1;
	s23 =	sshrl.u32 s0, $0x1;
	s5 =	smul.u32 $0xA00, s4  }
0xa: {  	[smem:$0x7FF] =	sst s3;
	s4 =	sadd.s32 $0x4600, s1;
	s0 =	ssub.s32 s0, s23  }
0xb: {  	s26 =	sadd.s32 $0x3FE00, s10;
	_ =	strace $0x8000004D;
	s24 =	sshrl.u32 s9, $0x2  }
0xc: {  	[dreg:$0x4] =	wrdreg s26;
	s16 =	smax.u32 s0, $0x1;
	s0 =	simm.s32 $0x4  }
0xd: {  	s26 =	simm.s32 $0x0;
	s8 =	sadd.s32 s5, s1;
	s5 =	sor.u32 s22, s7  }
0xe: {  	s22 =	simm.s32 $0xBF40;
	s7 =	simm.s32 $0x8;
	s5 =	sshrl.u32 s5, $0x3  }
0xf: {  	s25 =	sadd.s32 $0x2BE00, s8;
	s1 =	sadd.s32 s5, s1;
	s5 =	sadd.s32 s24, s2  }
0x10: {  	[dreg:$0x3] =	wrdreg s25;
	s24 =	simm.s32 $0xDE80;
	s25 =	simm.s32 $0x11D00  }
0x11: {  	s8 =	sadd.s32 $0x13C0, s5;
	s9 =	sadd.s32 $0x2780, s5;
	s10 =	sadd.s32 $0x3B40, s5  }
0x12: {  	s11 =	sadd.s32 $0x4F00, s5;
	s12 =	sadd.s32 $0x62C0, s5;
	s13 =	sadd.s32 $0x7680, s5  }
0x13: {  	v0 =	vimm.f32 $0.0e+00;
	s14 =	sadd.s32 $0x8A40, s5;
	s15 =	sadd.s32 $0x49E00, s1;
	s1 =	simm.s32 $0x3  }
.LBB2_1:
0x14: {  	s6 =	rddreg [dreg:$0x3]  }
0x15: {  	[tilespmem:s3], [sflag:$0x6] =	stream.linear.gather [hbm4b:s6+s3], $0x5000, $0x38;
	[tilespmem:$0x1CEC0] =	vst v63  }
0x16: {  	_ =	swait.ge [sflag:s17], $0x5000  }
0x17: {  	[sflag:s17] =	ssyncset.done $0x0  }
0x18: {  	s23 =	rddreg [dreg:$0x4];
	[sflag:s17] =	ssyncadd.s32 $0xFFFFB000  }
0x19: {  	[tilespmem:s18], [sflag:$0x6] =	stream.linear.gather [hbm4b:s23+s3], $0x5000, $0x38;
	[tilespmem:$0x1CEC0] =	vst v63  }
0x1a: {  	_ =	swait.ge [sflag:s17], $0x5000  }
0x1b: {  	[sflag:s17] =	ssyncset.done $0x0  }
0x1c: {  	[sflag:s17] =	ssyncadd.s32 $0xFFFFB000  }
0x1d: {  	[tilespmem:s20], [sflag:$0x1] =	stream.indirect.gather [hbm4b:s4+s19], $0x40, s3, s19, $0xb8;
	[tilespmem:$0x1CEC0] =	vst v63  }
0x1e: {  	s21 =	simm.s32 $0x80  }
0x1f: {  	[tilespmem:s22], [sflag:$0x2] =	stream.indirect.gather [hbm4b:s4+s19], $0x40, s21, s19, $0xb8;
	[tilespmem:$0x1CEC0] =	vst v63  }
0x20: {  	s23 =	simm.s32 $0x100  }
0x21: {  	[tilespmem:s24], [sflag:$0x3] =	stream.indirect.gather [hbm4b:s4+s19], $0x40, s23, s19, $0xb8;
	[tilespmem:$0x1CEC0] =	vst v63  }
0x22: {  	s21 =	simm.s32 $0x0;
	s23 =	simm.s32 $0x100  }
.LBB2_2:
0x23: {  	p0 =	sne.s32 s23, $0x4E00;
	[tilespmem:s21+$0x11D30] =	vst v0;
	s6 =	smov.u32 s23;
	s23 =	sadd.s32 $0x100, s23  }
.Ltmp0:
0x24: {  	[tilespmem:s21+$0x11D20] =	vst v0;
	(pc) =	sbr.rel @p0 .LBB2_2-.Ltmp0, $3  }
0x25: {  	[tilespmem:s21+$0x11D00] =	vst v0  }
0x26: {  	[tilespmem:s21+$0x11D10] =	vst v0;
	_ =	sdelay $0x1  }
0x27: {  	s21 =	sshra.s32 s6, $0x2  }
0x28: {  	[tilespmem:s21+$0x11D30] =	vst v0  }
0x29: {  	[tilespmem:s21+$0x11D20] =	vst v0  }
0x2a: {  	[tilespmem:s21+$0x11D00] =	vst v0  }
0x2b: {  	[tilespmem:s21+$0x11D10] =	vst v0  }
0x2c: {  	[spmem:s5] =	stream.linear.scatter [tilespmem:s25], [sflag:$0x6], $0x13C0, $0x38;
	[tilespmem:$0x1CEC0] =	vst v63  }
0x2d: {  	_ =	swait.ge [sflag:s17], $0x13C0  }
0x2e: {  	[sflag:s17] =	ssyncset.done $0x0  }
0x2f: {  	[sflag:s17] =	ssyncadd.s32 $0xFFFFEC40  }
0x30: {  	[spmem:s8] =	stream.linear.scatter [tilespmem:s25], [sflag:$0x6], $0x13C0, $0x38;
	[tilespmem:$0x1CEC0] =	vst v63  }
0x31: {  	_ =	swait.ge [sflag:s17], $0x13C0  }
0x32: {  	[sflag:s17] =	ssyncset.done $0x0  }
0x33: {  	[sflag:s17] =	ssyncadd.s32 $0xFFFFEC40  }
0x34: {  	[spmem:s9] =	stream.linear.scatter [tilespmem:s25], [sflag:$0x6], $0x13C0, $0x38;
	[tilespmem:$0x1CEC0] =	vst v63  }
0x35: {  	_ =	swait.ge [sflag:s17], $0x13C0  }
0x36: {  	[sflag:s17] =	ssyncset.done $0x0  }
0x37: {  	[sflag:s17] =	ssyncadd.s32 $0xFFFFEC40  }
0x38: {  	[spmem:s10] =	stream.linear.scatter [tilespmem:s25], [sflag:$0x6], $0x13C0, $0x38;
	[tilespmem:$0x1CEC0] =	vst v63  }
0x39: {  	_ =	swait.ge [sflag:s17], $0x13C0  }
0x3a: {  	[sflag:s17] =	ssyncset.done $0x0  }
0x3b: {  	[sflag:s17] =	ssyncadd.s32 $0xFFFFEC40  }
0x3c: {  	[spmem:s11] =	stream.linear.scatter [tilespmem:s25], [sflag:$0x6], $0x13C0, $0x38;
	[tilespmem:$0x1CEC0] =	vst v63  }
0x3d: {  	_ =	swait.ge [sflag:s17], $0x13C0  }
0x3e: {  	[sflag:s17] =	ssyncset.done $0x0  }
0x3f: {  	[sflag:s17] =	ssyncadd.s32 $0xFFFFEC40  }
0x40: {  	[spmem:s12] =	stream.linear.scatter [tilespmem:s25], [sflag:$0x6], $0x13C0, $0x38;
	[tilespmem:$0x1CEC0] =	vst v63  }
0x41: {  	_ =	swait.ge [sflag:s17], $0x13C0  }
0x42: {  	[sflag:s17] =	ssyncset.done $0x0  }
0x43: {  	[sflag:s17] =	ssyncadd.s32 $0xFFFFEC40  }
0x44: {  	[spmem:s13] =	stream.linear.scatter [tilespmem:s25], [sflag:$0x6], $0x13C0, $0x38;
	[tilespmem:$0x1CEC0] =	vst v63  }
0x45: {  	_ =	swait.ge [sflag:s17], $0x13C0  }
0x46: {  	[sflag:s17] =	ssyncset.done $0x0  }
0x47: {  	[sflag:s17] =	ssyncadd.s32 $0xFFFFEC40  }
0x48: {  	[spmem:s14] =	stream.linear.scatter [tilespmem:s25], [sflag:$0x6], $0x13C0, $0x38;
	[tilespmem:$0x1CEC0] =	vst v63  }
0x49: {  	_ =	swait.ge [sflag:s17], $0x13C0  }
0x4a: {  	[sflag:s17] =	ssyncset.done $0x0  }
0x4b: {  	[sflag:s17] =	ssyncadd.s32 $0xFFFFEC40  }
0x4c: {  	s6 =	simm.s32 $0x180;
	[bflag:$0x0] =	sbarrier.arrive $0xFFFF  }
0x4d: {  	[tilespmem:s28], [sflag:$0x4] =	stream.indirect.gather [hbm4b:s4+s19], $0x40, s6, s19, $0xb8;
	[tilespmem:$0x1CEC0] =	vst v63  }
0x4e: {  	_ =	swait.ge [sflag:s29], $0x1F40  }
0x4f: {  	[sflag:s29] =	ssyncset.done $0x0  }
0x50: {  	[sflag:s29] =	ssyncadd.s32 $0xFFFFE0C0  }
0x51: {  	[spmem:s2] =	stream.indirect.scatter.add.f32 [tilespmem:s20], [sflag:$0x5], $0x40, s18, s19, $0xb8;
	[tilespmem:$0x1CEC0] =	vst v63  }
0x52: {  	_ =	swait.ge [sflag:s30], $0x1F40  }
0x53: {  	[sflag:s30] =	ssyncset.done $0x0  }
0x54: {  	s23 =	simm.s32 $0x200;
	[sflag:s30] =	ssyncadd.s32 $0xFFFFE0C0  }
0x55: {  	[tilespmem:s20], [sflag:$0x1] =	stream.indirect.gather [hbm4b:s4+s19], $0x40, s23, s19, $0xb8;
	[tilespmem:$0x1CEC0] =	vst v63  }
0x56: {  	_ =	swait.ge [sflag:s31], $0x1F40  }
0x57: {  	[sflag:s31] =	ssyncset.done $0x0  }
0x58: {  	s21 =	simm.s32 $0x5080;
	[sflag:s31] =	ssyncadd.s32 $0xFFFFE0C0  }
0x59: {  	[spmem:s2] =	stream.indirect.scatter.add.f32 [tilespmem:s22], [sflag:$0x5], $0x40, s21, s19, $0xb8;
	[tilespmem:$0x1CEC0] =	vst v63  }
0x5a: {  	_ =	swait.ge [sflag:s30], $0x1F40  }
0x5b: {  	[sflag:s30] =	ssyncset.done $0x0  }
0x5c: {  	s23 =	simm.s32 $0x280;
	[sflag:s30] =	ssyncadd.s32 $0xFFFFE0C0  }
0x5d: {  	[tilespmem:s22], [sflag:$0x2] =	stream.indirect.gather [hbm4b:s4+s19], $0x40, s23, s19, $0xb8;
	[tilespmem:$0x1CEC0] =	vst v63  }
0x5e: {  	_ =	swait.ge [sflag:s1], $0x1F40  }
0x5f: {  	[sflag:s1] =	ssyncset.done $0x0  }
0x60: {  	s21 =	simm.s32 $0x5100;
	[sflag:s1] =	ssyncadd.s32 $0xFFFFE0C0  }
0x61: {  	[spmem:s2] =	stream.indirect.scatter.add.f32 [tilespmem:s24], [sflag:$0x5], $0x40, s21, s19, $0xb8;
	[tilespmem:$0x1CEC0] =	vst v63  }
0x62: {  	_ =	swait.ge [sflag:s30], $0x1F40  }
0x63: {  	[sflag:s30] =	ssyncset.done $0x0  }
0x64: {  	s23 =	simm.s32 $0x300;
	[sflag:s30] =	ssyncadd.s32 $0xFFFFE0C0  }
0x65: {  	[tilespmem:s24], [sflag:$0x3] =	stream.indirect.gather [hbm4b:s4+s19], $0x40, s23, s19, $0xb8;
	[tilespmem:$0x1CEC0] =	vst v63  }
0x66: {  	_ =	swait.ge [sflag:s0], $0x1F40  }
0x67: {  	[sflag:s0] =	ssyncset.done $0x0  }
0x68: {  	s21 =	simm.s32 $0x5180;
	[sflag:s0] =	ssyncadd.s32 $0xFFFFE0C0  }
0x69: {  	[spmem:s2] =	stream.indirect.scatter.add.f32 [tilespmem:s28], [sflag:$0x5], $0x40, s21, s19, $0xb8;
	[tilespmem:$0x1CEC0] =	vst v63  }
0x6a: {  	_ =	swait.ge [sflag:s30], $0x1F40  }
0x6b: {  	[sflag:s30] =	ssyncset.done $0x0  }
0x6c: {  	s23 =	simm.s32 $0x380;
	[sflag:s30] =	ssyncadd.s32 $0xFFFFE0C0  }
0x6d: {  	[tilespmem:s28], [sflag:$0x4] =	stream.indirect.gather [hbm4b:s4+s19], $0x40, s23, s19, $0xb8;
	[tilespmem:$0x1CEC0] =	vst v63  }
0x6e: {  	_ =	swait.ge [sflag:s29], $0x1F40  }
0x6f: {  	[sflag:s29] =	ssyncset.done $0x0  }
0x70: {  	s21 =	simm.s32 $0x800;
	s23 =	simm.s32 $0x5200;
	[sflag:s29] =	ssyncadd.s32 $0xFFFFE0C0  }
.LBB2_4:
0x71: {  	[spmem:s2] =	stream.indirect.scatter.add.f32 [tilespmem:s20], [sflag:$0x5], $0x40, s23, s19, $0xb8;
	[tilespmem:$0x1CEC0] =	vst v63  }
0x72: {  	s6 =	smov.u32 s21  }
0x73: {  	p0 =	sne.s32 s21, $0x13000;
	s21 =	sadd.s32 $0x800, s21;
	_ =	swait.ge [sflag:s30], $0x1F40  }
0x74: {  	s23 =	sshra.s32 s6, $0x2;
	[sflag:s30] =	ssyncset.done $0x0  }
0x75: {  	s6 =	sadd.s32 $0x200, s23;
	[sflag:s30] =	ssyncadd.s32 $0xFFFFE0C0  }
0x76: {  	[tilespmem:s20], [sflag:$0x1] =	stream.indirect.gather [hbm4b:s4+s19], $0x40, s6, s19, $0xb8;
	[tilespmem:$0x1CEC0] =	vst v63  }
0x77: {  	_ =	swait.ge [sflag:s31], $0x1F40  }
0x78: {  	[sflag:s31] =	ssyncset.done $0x0  }
0x79: {  	s6 =	sadd.s32 $0x5080, s23;
	[sflag:s31] =	ssyncadd.s32 $0xFFFFE0C0  }
0x7a: {  	[spmem:s2] =	stream.indirect.scatter.add.f32 [tilespmem:s22], [sflag:$0x5], $0x40, s6, s19, $0xb8;
	[tilespmem:$0x1CEC0] =	vst v63  }
0x7b: {  	_ =	swait.ge [sflag:s30], $0x1F40  }
0x7c: {  	[sflag:s30] =	ssyncset.done $0x0  }
0x7d: {  	s6 =	sadd.s32 $0x280, s23;
	[sflag:s30] =	ssyncadd.s32 $0xFFFFE0C0  }
0x7e: {  	[tilespmem:s22], [sflag:$0x2] =	stream.indirect.gather [hbm4b:s4+s19], $0x40, s6, s19, $0xb8;
	[tilespmem:$0x1CEC0] =	vst v63  }
0x7f: {  	_ =	swait.ge [sflag:s1], $0x1F40  }
0x80: {  	[sflag:s1] =	ssyncset.done $0x0  }
0x81: {  	s6 =	sadd.s32 $0x5100, s23;
	[sflag:s1] =	ssyncadd.s32 $0xFFFFE0C0  }
0x82: {  	[spmem:s2] =	stream.indirect.scatter.add.f32 [tilespmem:s24], [sflag:$0x5], $0x40, s6, s19, $0xb8;
	[tilespmem:$0x1CEC0] =	vst v63  }
0x83: {  	_ =	swait.ge [sflag:s30], $0x1F40  }
0x84: {  	[sflag:s30] =	ssyncset.done $0x0  }
0x85: {  	s6 =	sadd.s32 $0x300, s23;
	[sflag:s30] =	ssyncadd.s32 $0xFFFFE0C0  }
0x86: {  	[tilespmem:s24], [sflag:$0x3] =	stream.indirect.gather [hbm4b:s4+s19], $0x40, s6, s19, $0xb8;
	[tilespmem:$0x1CEC0] =	vst v63  }
0x87: {  	_ =	swait.ge [sflag:s0], $0x1F40  }
0x88: {  	[sflag:s0] =	ssyncset.done $0x0  }
0x89: {  	s6 =	sadd.s32 $0x5180, s23;
	[sflag:s0] =	ssyncadd.s32 $0xFFFFE0C0  }
0x8a: {  	[spmem:s2] =	stream.indirect.scatter.add.f32 [tilespmem:s28], [sflag:$0x5], $0x40, s6, s19, $0xb8;
	[tilespmem:$0x1CEC0] =	vst v63  }
0x8b: {  	_ =	swait.ge [sflag:s30], $0x1F40  }
0x8c: {  	[sflag:s30] =	ssyncset.done $0x0  }
.Ltmp1:
0x8d: {  	s6 =	sadd.s32 $0x380, s23;
	[sflag:s30] =	ssyncadd.s32 $0xFFFFE0C0;
	(pc) =	sbr.rel @p0 .LBB2_4-.Ltmp1, $4  }
0x8e: {  	[tilespmem:s28], [sflag:$0x4] =	stream.indirect.gather [hbm4b:s4+s19], $0x40, s6, s19, $0xb8;
	[tilespmem:$0x1CEC0] =	vst v63  }
0x8f: {  	_ =	swait.ge [sflag:s29], $0x1F40  }
0x90: {  	[sflag:s29] =	ssyncset.done $0x0  }
0x91: {  	s23 =	sadd.s32 $0x5200, s23;
	[sflag:s29] =	ssyncadd.s32 $0xFFFFE0C0  }
0x92: {  	[spmem:s2] =	stream.indirect.scatter.add.f32 [tilespmem:s20], [sflag:$0x5], $0x40, s23, s19, $0xb8;
	[tilespmem:$0x1CEC0] =	vst v63  }
0x93: {  	_ =	swait.ge [sflag:s30], $0x1F40  }
0x94: {  	[sflag:s30] =	ssyncset.done $0x0  }
0x95: {  	[sflag:s30] =	ssyncadd.s32 $0xFFFFE0C0  }
0x96: {  	_ =	swait.ge [sflag:s31], $0x1F40  }
0x97: {  	[sflag:s31] =	ssyncset.done $0x0  }
0x98: {  	s6 =	simm.s32 $0x9E80;
	[sflag:s31] =	ssyncadd.s32 $0xFFFFE0C0  }
0x99: {  	[spmem:s2] =	stream.indirect.scatter.add.f32 [tilespmem:s22], [sflag:$0x5], $0x40, s6, s19, $0xb8;
	[tilespmem:$0x1CEC0] =	vst v63  }
0x9a: {  	_ =	swait.ge [sflag:s30], $0x1F40  }
0x9b: {  	[sflag:s30] =	ssyncset.done $0x0  }
0x9c: {  	[sflag:s30] =	ssyncadd.s32 $0xFFFFE0C0  }
0x9d: {  	_ =	swait.ge [sflag:s1], $0x1F40  }
0x9e: {  	[sflag:s1] =	ssyncset.done $0x0  }
0x9f: {  	s23 =	simm.s32 $0x9F00;
	[sflag:s1] =	ssyncadd.s32 $0xFFFFE0C0  }
0xa0: {  	[spmem:s2] =	stream.indirect.scatter.add.f32 [tilespmem:s24], [sflag:$0x5], $0x40, s23, s19, $0xb8;
	[tilespmem:$0x1CEC0] =	vst v63  }
0xa1: {  	_ =	swait.ge [sflag:s30], $0x1F40  }
0xa2: {  	[sflag:s30] =	ssyncset.done $0x0  }
0xa3: {  	[sflag:s30] =	ssyncadd.s32 $0xFFFFE0C0  }
0xa4: {  	_ =	swait.ge [sflag:s0], $0x1F40  }
0xa5: {  	[sflag:s0] =	ssyncset.done $0x0  }
0xa6: {  	s21 =	simm.s32 $0x9F80;
	[sflag:s0] =	ssyncadd.s32 $0xFFFFE0C0  }
0xa7: {  	[spmem:s2] =	stream.indirect.scatter.add.f32 [tilespmem:s28], [sflag:$0x5], $0x40, s21, s19, $0xb8;
	[tilespmem:$0x1CEC0] =	vst v63  }
0xa8: {  	s26 =	sadd.s32 $0x1, s26;
	s23 =	stileid.u32;
	_ =	swait.ge [sflag:s30], $0x1F40  }
0xa9: {  	p0 =	sne.s32 s26, s16;
	s6 =	sshll.u32 s23, $0x6;
	[sflag:s30] =	ssyncset.done $0x0  }
0xaa: {  	s23 =	simm.s32 $0x10;
	s6 =	sor.u32 $0x1C06, s6;
	[sflag:s30] =	ssyncadd.s32 $0xFFFFE0C0  }
.Ltmp2:
0xab: {  	s21 =	sshrl.u32 s5, $0x3;
	[bflag:$0x0] =	sbarrier.arrive $0xFFFF;
	(pc) =	sbr.rel @p0 .LBB2_1-.Ltmp2, $4  }
0xac: {  	[hbm:s15@s23], [sflag:s6] =	dma.strided [spmem:s21@s7], $0x13C0, s29, $0x8   }
0xad: {  	_ =	swait.ge [sflag:s17], $0x13C0  }
0xae: {  	[sflag:s17] =	ssyncset.done $0x0  }
0xaf: {  	[sflag:s17] =	ssyncadd.s32 $0xFFFFEC40  }
0xb0: {  	_ =	sfence.sel $0x180000  }
0xb1: {  	[bflag:$0x0] =	sbarrier.arrive $0xFFFF  }
0xb2: {  	_ =	strace $0x9000004D  }
0xb3: {  	s0 =	stileid.u32;
	[bflag:$0x2] =	sbarrier.arrive $0xFFFF  }
0xb4: {  	p0 =	sne.s32 s0, $0x0;
	s0 =	rddreg [dreg:$0x2]  }
0xb5: {  	s0 =	sadd.s32 @!p0 $0x100000, s0  }
0xb6: {  	[sflag:s0] =	ssyncadd.tile.s32 @!p0 $0x1;
	_ =	shalt  }
.Lfunc_end2:
_tile_overlayer_lowered:
.L_overlay_start_2:
0xb7: {  	(tag) =	ssettag $0x2  }
0xb8: {  	s0 =	rddreg [dreg:$0x0];
	s2 =	stileid.u32  }
0xb9: {  	s1 =	rddreg [dreg:$0x1];
	p0 =	sne.s32 s2, $0x0  }
0xba: {  	s3 =	rddreg [dreg:$0x2];
	[bflag:$0x3] =	sbarrier.arrive $0xFFFF;
	s2 =	simm.s32 @!p0 $0x1C06  }
0xbb: {  	[timem:s3], [sflag:s2] =	dma.local @!p0 [hbm:s0], s1  }
0xbc: {  	s0 =	simm.s32 @!p0 $0x6  }
0xbd: {  	_ =	swait.ge @!p0 [sflag:s0], s1  }
0xbe: {  	s1 =	ssub.s32 @!p0 $0x0, s1;
	[sflag:s0] =	ssyncset.done @!p0 $0x0  }
0xbf: {  	[sflag:s0] =	ssyncadd.s32 @!p0 s1  }
0xc0: {  	[bflag:$0x3] =	sbarrier.arrive $0xFFFF  }
0xc1: {  	_ =	shalt  }

</sc_bundles>
